<compile_context>
chip_gen: v7x
topology: tpu7x:2x2x1
jax: 0.10.2.dev20260603
libtpu: 0.0.44.dev20260713+nightly
codegen_flags: <defaults>
</compile_context>

<pallas_src>
import dataclasses
import functools

import jax
import jax.numpy as jnp
from jax import lax
from jax.experimental import pallas as pl
from jax.experimental.pallas import tpu as pltpu
from jax.experimental.pallas import tpu_sc as plsc

B, T, N, D = 8, 24, 1024, 3
DM = 256
K = 16
L = 4
BN = B * N
E = BN * K
TD = T * D
VD = (T - 1) * D

_NW = 32
_EPW = E // _NW
_GCH = 128
_RPW = BN // _NW

_mesh = plsc.VectorSubcoreMesh(core_axis_name="c", subcore_axis_name="s")

_sc_params = pltpu.CompilerParams()
if "needs_layout_passes" in pltpu.CompilerParams.__dataclass_fields__:
    _sc_params = dataclasses.replace(_sc_params, needs_layout_passes=False)

_HD = DM // 2


def _pack_bf16_pair(x):
    def rne_hi16(v):
        bu = lax.bitcast_convert_type(v, jnp.uint32)
        r = bu + jnp.uint32(0x7FFF) + ((bu >> 16) & jnp.uint32(1))
        return r & jnp.uint32(0xFFFF0000)

    hi = rne_hi16(x[:, :_HD])
    lo = rne_hi16(x[:, _HD:])
    return lax.bitcast_convert_type(hi | (lo >> 16), jnp.int32)


def _unpack_bf16_pair(p):
    pu = lax.bitcast_convert_type(p, jnp.uint32)
    hi = lax.bitcast_convert_type(pu & jnp.uint32(0xFFFF0000), jnp.float32)
    lo = lax.bitcast_convert_type(pu << 16, jnp.float32)
    return hi, lo


def _prep_body(pos_ref, mp_ref, nw0_ref, nb0_ref, nw1_ref, nb1_ref, ewc_ref,
               wa_ref, wb_ref, eb0_ref,
               h_ref, c_ref, s_ref, t_ref, delta_ref):
    x = pos_ref[...]
    h1 = jnp.maximum(
        jnp.dot(x, nw0_ref[...], preferred_element_type=jnp.float32)
        + nb0_ref[...], 0.0)
    h = (jnp.dot(h1, nw1_ref[...], preferred_element_type=jnp.float32)
         + nb1_ref[...])
    h_ref[...] = h
    c = jnp.dot(mp_ref[...], ewc_ref[...], preferred_element_type=jnp.float32)
    c_ref[...] = c
    s_ref[...] = (jnp.dot(h, wa_ref[...], preferred_element_type=jnp.float32)
                  + c + eb0_ref[...])
    t_ref[...] = _pack_bf16_pair(
        jnp.dot(h, wb_ref[...], preferred_element_type=jnp.float32) - c)
    delta_ref[...] = x[:, D:] - x[:, :TD - D]


def _prep(pos_t, mp_bn, nw0, nb0, nw1, nb1, ewc, wa, wb, eb0):
    rb = 1024
    grid = BN // rb
    return pl.pallas_call(
        _prep_body,
        grid=(grid,),
        in_specs=[
            pl.BlockSpec((rb, TD), lambda i: (i, 0)),
            pl.BlockSpec((rb, D), lambda i: (i, 0)),
            pl.BlockSpec((TD, DM), lambda i: (0, 0)),
            pl.BlockSpec((1, DM), lambda i: (0, 0)),
            pl.BlockSpec((DM, DM), lambda i: (0, 0)),
            pl.BlockSpec((1, DM), lambda i: (0, 0)),
            pl.BlockSpec((D, DM), lambda i: (0, 0)),
            pl.BlockSpec((DM, DM), lambda i: (0, 0)),
            pl.BlockSpec((DM, DM), lambda i: (0, 0)),
            pl.BlockSpec((1, DM), lambda i: (0, 0)),
        ],
        out_specs=[
            pl.BlockSpec((rb, DM), lambda i: (i, 0)),
            pl.BlockSpec((rb, DM), lambda i: (i, 0)),
            pl.BlockSpec((rb, DM), lambda i: (i, 0)),
            pl.BlockSpec((rb, _HD), lambda i: (i, 0)),
            pl.BlockSpec((rb, VD), lambda i: (i, 0)),
        ],
        out_shape=[
            jax.ShapeDtypeStruct((BN, DM), jnp.float32),
            jax.ShapeDtypeStruct((BN, DM), jnp.float32),
            jax.ShapeDtypeStruct((BN, DM), jnp.float32),
            jax.ShapeDtypeStruct((BN, _HD), jnp.int32),
            jax.ShapeDtypeStruct((BN, VD), jnp.float32),
        ],
    )(pos_t, mp_bn, nw0, nb0, nw1, nb1, ewc, wa, wb, eb0)


def _knn_body(mp_ref, mpt_ref, jl_ref, jg_ref):
    b = pl.program_id(0)
    sq = []
    for d in range(D):
        r = mp_ref[0, :, d:d + 1]
        c = mpt_ref[0, d:d + 1, :]
        sq.append((r - c) ** 2)
    dist = (sq[0] + sq[1]) + sq[2]
    iota = lax.broadcasted_iota(jnp.int32, (N, N), 1)
    big_f = jnp.float32(3e38)
    big_i = jnp.int32(1 << 30)
    cur = dist
    js = []
    for _ in range(K):
        m = jnp.min(cur, axis=1, keepdims=True)
        cand = jnp.where(cur == m, iota, big_i)
        j = jnp.min(cand, axis=1, keepdims=True)
        js.append(j)
        cur = jnp.where(iota == j, big_f, cur)
    jl = jnp.concatenate(js, axis=1)
    jl_ref[0] = jl
    jg_ref[0] = jl + b * N


def _knn(mean_pos, mpt):
    return pl.pallas_call(
        _knn_body,
        grid=(B,),
        in_specs=[
            pl.BlockSpec((1, N, D), lambda i: (i, 0, 0)),
            pl.BlockSpec((1, D, N), lambda i: (i, 0, 0)),
        ],
        out_specs=[
            pl.BlockSpec((1, N, K), lambda i: (i, 0, 0)),
            pl.BlockSpec((1, N, K), lambda i: (i, 0, 0)),
        ],
        out_shape=[
            jax.ShapeDtypeStruct((B, N, K), jnp.int32),
            jax.ShapeDtypeStruct((B, N, K), jnp.int32),
        ],
    )(mean_pos, mpt)


@functools.partial(
    pl.kernel,
    mesh=_mesh,
    compiler_params=_sc_params,
    out_type=jax.ShapeDtypeStruct((E, _HD), jnp.int32),
    scratch_types=[
        pltpu.VMEM((_EPW,), jnp.int32),
        pltpu.VMEM((_GCH, _HD), jnp.int32),
        pltpu.VMEM((_GCH, _HD), jnp.int32),
        pltpu.SemaphoreType.DMA,
        pltpu.SemaphoreType.DMA,
    ],
)
def _gather_rows(t_hbm, idx_hbm, out_hbm, idx_v, rows0, rows1, sem0, sem1):
    wid = lax.axis_index("s") * 2 + lax.axis_index("c")
    base = wid * _EPW
    pltpu.sync_copy(idx_hbm.at[pl.ds(base, _EPW)], idx_v)
    nch = _EPW // _GCH

    def gsrc(ci):
        return t_hbm.at[idx_v.at[pl.ds(ci * _GCH, _GCH)]]

    def stage(ci, buf, sem):
        pltpu.make_async_copy(gsrc(ci), buf, sem).wait()
        pltpu.sync_copy(buf, out_hbm.at[pl.ds(base + ci * _GCH, _GCH)])

    pltpu.async_copy(gsrc(0), rows0, sem0)
    pltpu.async_copy(gsrc(1), rows1, sem1)

    def body(i, carry):
        c0 = i * 2
        stage(c0, rows0, sem0)
        pltpu.async_copy(gsrc(c0 + 2), rows0, sem0)
        stage(c0 + 1, rows1, sem1)
        pltpu.async_copy(gsrc(c0 + 3), rows1, sem1)
        return carry

    lax.fori_loop(0, nch // 2 - 1, body, 0)
    stage(nch - 2, rows0, sem0)
    stage(nch - 1, rows1, sem1)


def _edge_mlp_body(s_ref, tg_ref, w1_ref, b1_ref, w2_ref, attn_ref):
    s = s_ref[...]
    nb = s.shape[0]
    thi, tlo = _unpack_bf16_pair(tg_ref[...])
    z1h = jnp.maximum(thi + s[:, None, :_HD], 0.0)
    z1l = jnp.maximum(tlo + s[:, None, _HD:], 0.0)
    z1hf = z1h.reshape(nb * K, _HD).astype(jnp.bfloat16)
    z1lf = z1l.reshape(nb * K, _HD).astype(jnp.bfloat16)
    z2 = jnp.maximum(
        jnp.dot(z1hf, w1_ref[:_HD, :], preferred_element_type=jnp.float32)
        + jnp.dot(z1lf, w1_ref[_HD:, :], preferred_element_type=jnp.float32)
        + b1_ref[...], 0.0)
    z23 = z2.reshape(nb, K, DM)
    logits = jnp.sum(z23 * w2_ref[...], axis=-1)
    m = jnp.max(logits, axis=-1, keepdims=True)
    e = jnp.exp(logits - m)
    attn_ref[...] = e / jnp.sum(e, axis=-1, keepdims=True)


def _edge_mlp(s, tg, w1, b1, w2r):
    nb = 128
    return pl.pallas_call(
        _edge_mlp_body,
        grid=(BN // nb,),
        in_specs=[
            pl.BlockSpec((nb, DM), lambda i: (i, 0)),
            pl.BlockSpec((nb, K, _HD), lambda i: (i, 0, 0)),
            pl.BlockSpec((DM, DM), lambda i: (0, 0)),
            pl.BlockSpec((1, DM), lambda i: (0, 0)),
            pl.BlockSpec((1, 1, DM), lambda i: (0, 0, 0)),
        ],
        out_specs=pl.BlockSpec((nb, K), lambda i: (i, 0)),
        out_shape=jax.ShapeDtypeStruct((BN, K), jnp.float32),
    )(s, tg, w1, b1, w2r)


@functools.partial(
    pl.kernel,
    mesh=_mesh,
    compiler_params=_sc_params,
    out_type=jax.ShapeDtypeStruct((BN, N), jnp.float32),
    scratch_types=[
        pltpu.VMEM((_RPW, K), jnp.float32),
        pltpu.VMEM((_RPW, K), jnp.int32),
        pltpu.VMEM((N,), jnp.float32),
        pltpu.VMEM((N,), jnp.float32),
        pltpu.SemaphoreType.DMA,
        pltpu.SemaphoreType.DMA,
    ],
)
def _build_a(attn_hbm, jloc_hbm, a_hbm, attn_v, idx_v, row0, row1, sem0,
             sem1):
    wid = lax.axis_index("s") * 2 + lax.axis_index("c")
    base = wid * _RPW
    pltpu.sync_copy(attn_hbm.at[pl.ds(base, _RPW)], attn_v)
    pltpu.sync_copy(jloc_hbm.at[pl.ds(base, _RPW)], idx_v)
    zeros = jnp.zeros((16,), jnp.float32)

    def zbody(i, carry):
        row0[pl.ds(i * 16, 16)] = zeros
        row1[pl.ds(i * 16, 16)] = zeros
        return carry

    lax.fori_loop(0, N // 16, zbody, 0)

    def put(r, buf, sem):
        plsc.store_scatter(buf, [idx_v[r]], attn_v[r])
        pltpu.async_copy(buf, a_hbm.at[base + r], sem)

    def clr(r, buf, sem):
        pltpu.make_async_copy(buf, a_hbm.at[base + r], sem).wait()
        plsc.store_scatter(buf, [idx_v[r]], zeros)

    put(0, row0, sem0)
    put(1, row1, sem1)

    def rbody(i, carry):
        r = i * 2
        clr(r - 2, row0, sem0)
        put(r, row0, sem0)
        clr(r - 1, row1, sem1)
        put(r + 1, row1, sem1)
        return carry

    lax.fori_loop(1, _RPW // 2, rbody, 0)
    pltpu.make_async_copy(row0, a_hbm.at[base + _RPW - 2], sem0).wait()
    pltpu.make_async_copy(row1, a_hbm.at[base + _RPW - 1], sem1).wait()


def _update_body(a_ref, hb_ref, hblk_ref, c_ref, wa_ref, wb_ref, b0_ref,
                 w1_ref, b1_ref, ewa_ref, ewb_ref, eb0_ref,
                 h_ref, s_ref, t_ref):
    agg = jnp.dot(a_ref[...], hb_ref[0], preferred_element_type=jnp.float32)
    z = jnp.maximum(
        jnp.dot(hblk_ref[...], wa_ref[...], preferred_element_type=jnp.float32)
        + jnp.dot(agg, wb_ref[...], preferred_element_type=jnp.float32)
        + b0_ref[...], 0.0)
    h = (jnp.dot(z, w1_ref[...], preferred_element_type=jnp.float32)
         + b1_ref[...])
    h_ref[...] = h
    c = c_ref[...]
    s_ref[...] = (jnp.dot(h, ewa_ref[...], preferred_element_type=jnp.float32)
                  + c + eb0_ref[...])
    t_ref[...] = _pack_bf16_pair(
        jnp.dot(h, ewb_ref[...], preferred_element_type=jnp.float32) - c)


def _update(a, h3, h, c, wa, wb, b0, w1, b1, ewa, ewb, eb0):
    rb = 256
    blocks_per_b = N // rb
    wspec = pl.BlockSpec((DM, DM), lambda i: (0, 0))
    bspec = pl.BlockSpec((1, DM), lambda i: (0, 0))
    return pl.pallas_call(
        _update_body,
        grid=(BN // rb,),
        in_specs=[
            pl.BlockSpec((rb, N), lambda i: (i, 0)),
            pl.BlockSpec((1, N, DM), lambda i: (i // blocks_per_b, 0, 0)),
            pl.BlockSpec((rb, DM), lambda i: (i, 0)),
            pl.BlockSpec((rb, DM), lambda i: (i, 0)),
            wspec, wspec, bspec, wspec, bspec, wspec, wspec, bspec,
        ],
        out_specs=[
            pl.BlockSpec((rb, DM), lambda i: (i, 0)),
            pl.BlockSpec((rb, DM), lambda i: (i, 0)),
            pl.BlockSpec((rb, _HD), lambda i: (i, 0)),
        ],
        out_shape=[
            jax.ShapeDtypeStruct((BN, DM), jnp.float32),
            jax.ShapeDtypeStruct((BN, DM), jnp.float32),
            jax.ShapeDtypeStruct((BN, _HD), jnp.int32),
        ],
    )(a, h3, h, c, wa, wb, b0, w1, b1, ewa, ewb, eb0)


def _neumann_body(a_ref, d3_ref, d_ref, out_ref, vbuf, acc):
    lvl = pl.program_id(0)
    i = pl.program_id(1)
    b = i // (N // 256)
    rows = i * 256
    brow = (b % B) * N
    vprev = vbuf[(lvl + 1) % 2, pl.ds(brow, N), :]
    vsrc = jnp.where(lvl == 0, d3_ref[0], vprev)
    vnew = jnp.dot(a_ref[...], vsrc, preferred_element_type=jnp.float32)
    vbuf[lvl % 2, pl.ds(rows, 256), :] = vnew
    prev_acc = jnp.where(lvl == 0, d_ref[...], acc[pl.ds(rows, 256), :])
    acc_new = prev_acc + vnew
    acc[pl.ds(rows, 256), :] = acc_new
    out_ref[...] = acc_new


def _neumann_all(a, delta3, delta):
    rb = 256
    blocks_per_b = N // rb
    return pl.pallas_call(
        _neumann_body,
        grid=(L, BN // rb),
        in_specs=[
            pl.BlockSpec((rb, N), lambda l, i: (i, 0)),
            pl.BlockSpec((1, N, VD), lambda l, i: (i // blocks_per_b, 0, 0)),
            pl.BlockSpec((rb, VD), lambda l, i: (i, 0)),
        ],
        out_specs=pl.BlockSpec((rb, VD), lambda l, i: (i, 0)),
        out_shape=jax.ShapeDtypeStruct((BN, VD), jnp.float32),
        scratch_shapes=[
            pltpu.VMEM((2, BN, VD), jnp.float32),
            pltpu.VMEM((BN, VD), jnp.float32),
        ],
    )(a, delta3, delta)


def kernel(positions, node_w0, node_b0, node_w1, node_b1, edge_w0, edge_b0,
           edge_w1, edge_b1, edge_w2, edge_b2,
           u0_w0, u0_b0, u0_w1, u0_b1, u1_w0, u1_b0, u1_w1, u1_b1):
    pos_t = jnp.transpose(positions, (0, 2, 1, 3)).reshape(BN, TD)
    mean_pos = positions.mean(axis=1)
    mpt = jnp.transpose(mean_pos, (0, 2, 1))
    mp_bn = mean_pos.reshape(BN, D)

    ew0a = edge_w0[:DM]
    ew0b = edge_w0[DM:2 * DM]
    ew0c = edge_w0[2 * DM:]
    eb0 = edge_b0.reshape(1, DM)
    eb1 = edge_b1.reshape(1, DM)
    w2r = edge_w2.reshape(1, 1, DM)

    h, c, s, t, delta = _prep(pos_t, mp_bn, node_w0, node_b0.reshape(1, DM),
                              node_w1, node_b1.reshape(1, DM), ew0c,
                              ew0a, ew0b, eb0)
    jloc, jglob = _knn(mean_pos, mpt)
    jloc_bn = jloc.reshape(BN, K)
    jglob_flat = jglob.reshape(E)

    updates = ((u0_w0, u0_b0, u0_w1, u0_b1), (u1_w0, u1_b0, u1_w1, u1_b1))
    ew1b = edge_w1.astype(jnp.bfloat16)
    a = None
    for r in range(3):
        tg = _gather_rows(t, jglob_flat).reshape(BN, K, _HD)
        attn = _edge_mlp(s, tg, ew1b, eb1, w2r)
        a = _build_a(attn, jloc_bn)
        if r < 2:
            w0, b0, w1, b1 = updates[r]
            h3 = h.reshape(B, N, DM)
            h, s, t = _update(a, h3, h, c, w0[:DM], w0[DM:],
                              b0.reshape(1, DM), w1, b1.reshape(1, DM),
                              ew0a, ew0b, eb0)

    delta3 = delta.reshape(B, N, VD)
    acc = _neumann_all(a, delta3, delta)
    return acc.reshape(B, N, T - 1, D).transpose(0, 2, 1, 3)

# --- scband reference (transcript-rebuilt; emitter-appended) ---
"""Pipeline reference for scband-motion-hierarchy-node-21388937134589 (READ-ONLY COPY).

The authoritative reference and input builder live on the scoring server;
editing this copy changes nothing except your own understanding.
"""

import jax, jax.numpy as jnp
import numpy as np

B, T, N, D = 8, 24, 1024, 3
DM = 256
K = 16
L = 4


def setup_inputs(seed: int = 0):
    key = jax.random.key(seed)
    ks = jax.random.split(key, 12)
    def w(k, shape):
        return jax.random.normal(k, shape, dtype=jnp.float32) * 0.02
    return {
        "positions": jax.random.normal(ks[0], (B, T, N, D), dtype=jnp.float32),
        "node_w0": w(ks[1], (T * D, DM)), "node_b0": jnp.zeros((DM,), jnp.float32),
        "node_w1": w(ks[2], (DM, DM)), "node_b1": jnp.zeros((DM,), jnp.float32),
        "edge_w0": w(ks[3], (2 * DM + D, DM)), "edge_b0": jnp.zeros((DM,), jnp.float32),
        "edge_w1": w(ks[4], (DM, DM)), "edge_b1": jnp.zeros((DM,), jnp.float32),
        "edge_w2": w(ks[5], (DM, 1)), "edge_b2": jnp.zeros((1,), jnp.float32),
        "u0_w0": w(ks[6], (2 * DM, DM)), "u0_b0": jnp.zeros((DM,), jnp.float32),
        "u0_w1": w(ks[7], (DM, DM)), "u0_b1": jnp.zeros((DM,), jnp.float32),
        "u1_w0": w(ks[8], (2 * DM, DM)), "u1_b0": jnp.zeros((DM,), jnp.float32),
        "u1_w1": w(ks[9], (DM, DM)), "u1_b1": jnp.zeros((DM,), jnp.float32),
    }


def _forward(positions, node_w0, node_b0, node_w1, node_b1,
             edge_w0, edge_b0, edge_w1, edge_b1, edge_w2, edge_b2,
             u0_w0, u0_b0, u0_w1, u0_b1, u1_w0, u1_b0, u1_w1, u1_b1):
    # build_knn_graph: mean over time, pairwise sq dist, k nearest (incl. self)
    mean_pos = positions.mean(axis=1)                       # (B, N, D)
    diff = mean_pos[:, :, None, :] - mean_pos[:, None, :, :]
    dist = (diff ** 2).sum(axis=-1)                          # (B, N, N)
    ii = jnp.arange(N)
    dist = dist.at[:, ii, ii].set(0.0)
    neighbor_idx = jax.lax.top_k(-dist, K)[1]                # (B, N, K)
    bidx = jnp.arange(B)[:, None, None]

    # node_mlp on per-node flattened trajectory (LazyLinear in_dim = T*D)
    x = jnp.transpose(positions, (0, 2, 1, 3)).reshape(B, N, T * D)
    h = jnp.maximum(x @ node_w0 + node_b0, 0.0) @ node_w1 + node_b1

    def score(h):
        nb_f = h[bidx, neighbor_idx]                         # (B, N, K, DM)
        nb_p = mean_pos[bidx, neighbor_idx]                  # (B, N, K, D)
        hi = jnp.broadcast_to(h[:, :, None, :], (B, N, K, DM))
        pi = jnp.broadcast_to(mean_pos[:, :, None, :], (B, N, K, D))
        e_in = jnp.concatenate([hi, nb_f, pi - nb_p], axis=-1)
        z = jnp.maximum(e_in @ edge_w0 + edge_b0, 0.0)
        z = jnp.maximum(z @ edge_w1 + edge_b1, 0.0)
        return (z @ edge_w2 + edge_b2)[..., 0], nb_f

    # num_gnn_layers - 1 = 2 message-passing updates (shared edge_mlp)
    for (w0, b0, w1, b1) in ((u0_w0, u0_b0, u0_w1, u0_b1), (u1_w0, u1_b0, u1_w1, u1_b1)):
        logits, nb_f = score(h)
        attn = jax.nn.softmax(logits, axis=-1)
        agg = (attn[..., None] * nb_f).sum(axis=2)
        z = jnp.concatenate([h, agg], axis=-1)
        h = jnp.maximum(z @ w0 + b0, 0.0) @ w1 + b1

    # final edge scores -> dense parent logits -> hierarchy softmax
    logits, _ = score(h)
    neg = jnp.float32(-1e30)
    parent = jnp.full((B, N, N), neg, dtype=jnp.float32)
    parent = parent.at[bidx, ii[None, :, None], neighbor_idx].set(logits)
    # _ensure_self_parent: every row has K finite entries here, rows stay valid
    Hs = jax.nn.softmax(parent, axis=-1)                     # (B, N, N)

    # reconstruct_deltas: truncated Neumann series
    delta = positions[:, 1:] - positions[:, :-1]             # (B, T-1, N, D)
    dh = jnp.zeros_like(delta)
    v = delta
    for lvl in range(L + 1):
        dh = dh + v
        if lvl < L:
            v = jnp.einsum('bij,btjd->btid', Hs, v)
    return dh


def reference(positions, node_w0, node_b0, node_w1, node_b1,
              edge_w0, edge_b0, edge_w1, edge_b1, edge_w2, edge_b2,
              u0_w0, u0_b0, u0_w1, u0_b1, u1_w0, u1_b0, u1_w1, u1_b1):
    return _forward(positions=positions, node_w0=node_w0, node_b0=node_b0,
                    node_w1=node_w1, node_b1=node_b1,
                    edge_w0=edge_w0, edge_b0=edge_b0, edge_w1=edge_w1,
                    edge_b1=edge_b1, edge_w2=edge_w2, edge_b2=edge_b2,
                    u0_w0=u0_w0, u0_b0=u0_b0, u0_w1=u0_w1, u0_b1=u0_b1,
                    u1_w0=u1_w0, u1_b0=u1_b0, u1_w1=u1_w1, u1_b1=u1_b1)

if __name__ == "__main__":
    import jax
    _d = setup_inputs()
    print(jax.jit(kernel)(*tuple(_d.values())))

</pallas_src>

<mosaic_0001>
#map = affine_map<(d0, d1) -> (0, 0)>
module attributes {stable_mosaic.version = 14 : i64} {
  func.func @_build_a(%arg0: i32, %arg1: i32, %arg2: memref<8192x16xf32, #tpu.memory_space<hbm>>, %arg3: memref<8192x16xi32, #tpu.memory_space<hbm>>, %arg4: memref<8192x1024xf32, #tpu.memory_space<hbm>>, %arg5: memref<256x16xf32, #tpu.memory_space<vmem>>, %arg6: memref<256x16xi32, #tpu.memory_space<vmem>>, %arg7: memref<1024xf32, #tpu.memory_space<vmem>>, %arg8: memref<1024xf32, #tpu.memory_space<vmem>>, %arg9: memref<!tpu.dma_semaphore, #tpu.memory_space<semaphore_mem>>, %arg10: memref<!tpu.dma_semaphore, #tpu.memory_space<semaphore_mem>>) attributes {dimension_semantics = [#tpu.dimension_semantics<core_parallel>, #tpu.dimension_semantics<subcore_parallel>], iteration_bounds = array<i64: 2, 16>, scalar_prefetch = 0 : i64, scratch_operands = 6 : i64, tpu.core_type = #tpu.core_type<sc_vector_subcore>, window_params = [{transform_indices = #map}, {transform_indices = #map}, {transform_indices = #map}]} {
    %mul3A = arith.constant 2 : i32
    %mul3A_0 = arith.muli %arg1, %mul3A : i32
    %add3A = arith.addi %mul3A_0, %arg0 : i32
    %mul3A_1 = arith.constant 256 : i32
    %mul3A_2 = arith.muli %add3A, %mul3A_1 : i32
    "tpu.region"() ({
      %run_scoped3A = tpu.sem_alloc : memref<!tpu.dma_semaphore, #tpu.memory_space<semaphore_mem>>
      %dma_start3A_63 = arith.constant 0 : i32
      %dma_start3A_64 = tpu.memref_slice %arg2[%mul3A_2, %dma_start3A_63] : memref<8192x16xf32, #tpu.memory_space<hbm>> -> memref<256x16xf32, #tpu.memory_space<hbm>>
      %dma_start3A_65 = arith.constant 0 : i32
      %dma_start3A_66 = tpu.memref_slice %arg2[%mul3A_2, %dma_start3A_65] : memref<8192x16xf32, #tpu.memory_space<hbm>> -> memref<256x16xf32, #tpu.memory_space<hbm>>
      tpu.enqueue_dma source(%dma_start3A_66 : memref<256x16xf32, #tpu.memory_space<hbm>>) target(%arg5 : memref<256x16xf32, #tpu.memory_space<vmem>>) target_semaphore(%run_scoped3A : memref<!tpu.dma_semaphore, #tpu.memory_space<semaphore_mem>>)
      %dma_wait3A_67 = arith.constant 0 : i32
      %dma_wait3A_68 = tpu.memref_slice %arg2[%mul3A_2, %dma_wait3A_67] : memref<8192x16xf32, #tpu.memory_space<hbm>> -> memref<256x16xf32, #tpu.memory_space<hbm>>
      %dma_wait3A_69 = arith.constant 0 : i32
      %dma_wait3A_70 = tpu.memref_slice %arg2[%mul3A_2, %dma_wait3A_69] : memref<8192x16xf32, #tpu.memory_space<hbm>> -> memref<256x16xf32, #tpu.memory_space<hbm>>
      tpu.wait_dma2 semaphore(%run_scoped3A : memref<!tpu.dma_semaphore, #tpu.memory_space<semaphore_mem>>) src(%dma_wait3A_70 : memref<256x16xf32, #tpu.memory_space<hbm>>) dst(%arg5 : memref<256x16xf32, #tpu.memory_space<vmem>>)
      tpu.yield
    }) : () -> ()
    "tpu.region"() ({
      %run_scoped3A = tpu.sem_alloc : memref<!tpu.dma_semaphore, #tpu.memory_space<semaphore_mem>>
      %dma_start3A_63 = arith.constant 0 : i32
      %dma_start3A_64 = tpu.memref_slice %arg3[%mul3A_2, %dma_start3A_63] : memref<8192x16xi32, #tpu.memory_space<hbm>> -> memref<256x16xi32, #tpu.memory_space<hbm>>
      %dma_start3A_65 = arith.constant 0 : i32
      %dma_start3A_66 = tpu.memref_slice %arg3[%mul3A_2, %dma_start3A_65] : memref<8192x16xi32, #tpu.memory_space<hbm>> -> memref<256x16xi32, #tpu.memory_space<hbm>>
      tpu.enqueue_dma source(%dma_start3A_66 : memref<256x16xi32, #tpu.memory_space<hbm>>) target(%arg6 : memref<256x16xi32, #tpu.memory_space<vmem>>) target_semaphore(%run_scoped3A : memref<!tpu.dma_semaphore, #tpu.memory_space<semaphore_mem>>)
      %dma_wait3A_67 = arith.constant 0 : i32
      %dma_wait3A_68 = tpu.memref_slice %arg3[%mul3A_2, %dma_wait3A_67] : memref<8192x16xi32, #tpu.memory_space<hbm>> -> memref<256x16xi32, #tpu.memory_space<hbm>>
      %dma_wait3A_69 = arith.constant 0 : i32
      %dma_wait3A_70 = tpu.memref_slice %arg3[%mul3A_2, %dma_wait3A_69] : memref<8192x16xi32, #tpu.memory_space<hbm>> -> memref<256x16xi32, #tpu.memory_space<hbm>>
      tpu.wait_dma2 semaphore(%run_scoped3A : memref<!tpu.dma_semaphore, #tpu.memory_space<semaphore_mem>>) src(%dma_wait3A_70 : memref<256x16xi32, #tpu.memory_space<hbm>>) dst(%arg6 : memref<256x16xi32, #tpu.memory_space<vmem>>)
      tpu.yield
    }) : () -> ()
    %broadcast_in_dim3A = arith.constant 0.000000e+00 : f32
    %broadcast_in_dim3A_3 = vector.broadcast %broadcast_in_dim3A : f32 to vector<16xf32>
    %scan3A = arith.constant 0 : i32
    %scan3A_4 = arith.constant 0 : i32
    %scan3A_5 = arith.constant 64 : i32
    %scan3A_6 = arith.addi %scan3A_4, %scan3A_5 : i32
    %scan3A_7 = arith.constant 1 : i32
    scf.for %scan3A_63 = %scan3A_4 to %scan3A_6 step %scan3A_7  : i32 {
      %mul3A_64 = arith.constant 16 : i32
      %mul3A_65 = arith.muli %scan3A_63, %mul3A_64 : i32
      %swap3A = arith.index_cast %mul3A_65 : i32 to index
      %swap3A_66 = tpu.vector_load %arg7[%swap3A] {strides = array<i32>} : memref<1024xf32, #tpu.memory_space<vmem>>, vector<16xf32>,
      tpu.vector_store %arg7[%swap3A], %broadcast_in_dim3A_3 {strides = array<i32>} : memref<1024xf32, #tpu.memory_space<vmem>>, vector<16xf32>,
      %mul3A_67 = arith.constant 16 : i32
      %mul3A_68 = arith.muli %scan3A_63, %mul3A_67 : i32
      %swap3A_69 = arith.index_cast %mul3A_68 : i32 to index
      %swap3A_70 = tpu.vector_load %arg8[%swap3A_69] {strides = array<i32>} : memref<1024xf32, #tpu.memory_space<vmem>>, vector<16xf32>,
      tpu.vector_store %arg8[%swap3A_69], %broadcast_in_dim3A_3 {strides = array<i32>} : memref<1024xf32, #tpu.memory_space<vmem>>, vector<16xf32>,
    }
    %scan3A_8 = arith.constant 64 : i32
    %get3A = arith.constant 0 : i32
    %get3A_9 = arith.index_cast %get3A : i32 to index
    %get3A_10 = arith.constant 0 : index
    %get3A_11 = tpu.vector_load %arg6[%get3A_9, %get3A_10] {strides = array<i32>} : memref<256x16xi32, #tpu.memory_space<vmem>>, vector<16xi32>,
    %get3A_12 = arith.constant 0 : i32
    %get3A_13 = arith.index_cast %get3A_12 : i32 to index
    %get3A_14 = arith.constant 0 : index
    %get3A_15 = tpu.vector_load %arg5[%get3A_13, %get3A_14] {strides = array<i32>} : memref<256x16xf32, #tpu.memory_space<vmem>>, vector<16xf32>,
    tpu.vector_store_idx %arg7[%get3A_11], %get3A_15 : memref<1024xf32, #tpu.memory_space<vmem>>[vector<16xi32>], vector<16xf32>,
    %add3A_16 = arith.constant 0 : i32
    %add3A_17 = arith.addi %mul3A_2, %add3A_16 : i32
    %dma_start3A = arith.constant 0 : i32
    %dma_start3A_18 = tpu.memref_slice %arg4[%add3A_17, %dma_start3A] : memref<8192x1024xf32, #tpu.memory_space<hbm>> -> memref<1x1024xf32, #tpu.memory_space<hbm>>
    %dma_start3A_19 = tpu.memref_squeeze %dma_start3A_18 : memref<1x1024xf32, #tpu.memory_space<hbm>> -> memref<1024xf32, #tpu.memory_space<hbm>>
    %dma_start3A_20 = arith.constant 0 : i32
    %dma_start3A_21 = tpu.memref_slice %arg4[%add3A_17, %dma_start3A_20] : memref<8192x1024xf32, #tpu.memory_space<hbm>> -> memref<1x1024xf32, #tpu.memory_space<hbm>>
    %dma_start3A_22 = tpu.memref_squeeze %dma_start3A_21 : memref<1x1024xf32, #tpu.memory_space<hbm>> -> memref<1024xf32, #tpu.memory_space<hbm>>
    tpu.enqueue_dma source(%arg7 : memref<1024xf32, #tpu.memory_space<vmem>>) target(%dma_start3A_22 : memref<1024xf32, #tpu.memory_space<hbm>>) target_semaphore(%arg9 : memref<!tpu.dma_semaphore, #tpu.memory_space<semaphore_mem>>)
    %get3A_23 = arith.constant 1 : i32
    %get3A_24 = arith.index_cast %get3A_23 : i32 to index
    %get3A_25 = arith.constant 0 : index
    %get3A_26 = tpu.vector_load %arg6[%get3A_24, %get3A_25] {strides = array<i32>} : memref<256x16xi32, #tpu.memory_space<vmem>>, vector<16xi32>,
    %get3A_27 = arith.constant 1 : i32
    %get3A_28 = arith.index_cast %get3A_27 : i32 to index
    %get3A_29 = arith.constant 0 : index
    %get3A_30 = tpu.vector_load %arg5[%get3A_28, %get3A_29] {strides = array<i32>} : memref<256x16xf32, #tpu.memory_space<vmem>>, vector<16xf32>,
    tpu.vector_store_idx %arg8[%get3A_26], %get3A_30 : memref<1024xf32, #tpu.memory_space<vmem>>[vector<16xi32>], vector<16xf32>,
    %add3A_31 = arith.constant 1 : i32
    %add3A_32 = arith.addi %mul3A_2, %add3A_31 : i32
    %dma_start3A_33 = arith.constant 0 : i32
    %dma_start3A_34 = tpu.memref_slice %arg4[%add3A_32, %dma_start3A_33] : memref<8192x1024xf32, #tpu.memory_space<hbm>> -> memref<1x1024xf32, #tpu.memory_space<hbm>>
    %dma_start3A_35 = tpu.memref_squeeze %dma_start3A_34 : memref<1x1024xf32, #tpu.memory_space<hbm>> -> memref<1024xf32, #tpu.memory_space<hbm>>
    %dma_start3A_36 = arith.constant 0 : i32
    %dma_start3A_37 = tpu.memref_slice %arg4[%add3A_32, %dma_start3A_36] : memref<8192x1024xf32, #tpu.memory_space<hbm>> -> memref<1x1024xf32, #tpu.memory_space<hbm>>
    %dma_start3A_38 = tpu.memref_squeeze %dma_start3A_37 : memref<1x1024xf32, #tpu.memory_space<hbm>> -> memref<1024xf32, #tpu.memory_space<hbm>>
    tpu.enqueue_dma source(%arg8 : memref<1024xf32, #tpu.memory_space<vmem>>) target(%dma_start3A_38 : memref<1024xf32, #tpu.memory_space<hbm>>) target_semaphore(%arg10 : memref<!tpu.dma_semaphore, #tpu.memory_space<semaphore_mem>>)
    %scan3A_39 = arith.constant 0 : i32
    %scan3A_40 = arith.constant 1 : i32
    %scan3A_41 = arith.constant 127 : i32
    %scan3A_42 = arith.addi %scan3A_40, %scan3A_41 : i32
    %scan3A_43 = arith.constant 1 : i32
    scf.for %scan3A_63 = %scan3A_40 to %scan3A_42 step %scan3A_43  : i32 {
      %mul3A_64 = arith.constant 2 : i32
      %mul3A_65 = arith.muli %scan3A_63, %mul3A_64 : i32
      %sub3A_66 = arith.constant 2 : i32
      %sub3A_67 = arith.subi %mul3A_65, %sub3A_66 : i32
      %add3A_68 = arith.addi %mul3A_2, %sub3A_67 : i32
      %dma_wait3A_69 = arith.constant 0 : i32
      %dma_wait3A_70 = tpu.memref_slice %arg4[%add3A_68, %dma_wait3A_69] : memref<8192x1024xf32, #tpu.memory_space<hbm>> -> memref<1x1024xf32, #tpu.memory_space<hbm>>
      %dma_wait3A_71 = tpu.memref_squeeze %dma_wait3A_70 : memref<1x1024xf32, #tpu.memory_space<hbm>> -> memref<1024xf32, #tpu.memory_space<hbm>>
      %dma_wait3A_72 = arith.constant 0 : i32
      %dma_wait3A_73 = tpu.memref_slice %arg4[%add3A_68, %dma_wait3A_72] : memref<8192x1024xf32, #tpu.memory_space<hbm>> -> memref<1x1024xf32, #tpu.memory_space<hbm>>
      %dma_wait3A_74 = tpu.memref_squeeze %dma_wait3A_73 : memref<1x1024xf32, #tpu.memory_space<hbm>> -> memref<1024xf32, #tpu.memory_space<hbm>>
      tpu.wait_dma2 semaphore(%arg9 : memref<!tpu.dma_semaphore, #tpu.memory_space<semaphore_mem>>) src(%arg7 : memref<1024xf32, #tpu.memory_space<vmem>>) dst(%dma_wait3A_74 : memref<1024xf32, #tpu.memory_space<hbm>>)
      %get3A_75 = arith.index_cast %sub3A_67 : i32 to index
      %get3A_76 = arith.constant 0 : index
      %get3A_77 = tpu.vector_load %arg6[%get3A_75, %get3A_76] {strides = array<i32>} : memref<256x16xi32, #tpu.memory_space<vmem>>, vector<16xi32>,
      tpu.vector_store_idx %arg7[%get3A_77], %broadcast_in_dim3A_3 : memref<1024xf32, #tpu.memory_space<vmem>>[vector<16xi32>], vector<16xf32>,
      %get3A_78 = arith.index_cast %mul3A_65 : i32 to index
      %get3A_79 = arith.constant 0 : index
      %get3A_80 = tpu.vector_load %arg6[%get3A_78, %get3A_79] {strides = array<i32>} : memref<256x16xi32, #tpu.memory_space<vmem>>, vector<16xi32>,
      %get3A_81 = arith.index_cast %mul3A_65 : i32 to index
      %get3A_82 = arith.constant 0 : index
      %get3A_83 = tpu.vector_load %arg5[%get3A_81, %get3A_82] {strides = array<i32>} : memref<256x16xf32, #tpu.memory_space<vmem>>, vector<16xf32>,
      tpu.vector_store_idx %arg7[%get3A_80], %get3A_83 : memref<1024xf32, #tpu.memory_space<vmem>>[vector<16xi32>], vector<16xf32>,
      %add3A_84 = arith.addi %mul3A_2, %mul3A_65 : i32
      %dma_start3A_85 = arith.constant 0 : i32
      %dma_start3A_86 = tpu.memref_slice %arg4[%add3A_84, %dma_start3A_85] : memref<8192x1024xf32, #tpu.memory_space<hbm>> -> memref<1x1024xf32, #tpu.memory_space<hbm>>
      %dma_start3A_87 = tpu.memref_squeeze %dma_start3A_86 : memref<1x1024xf32, #tpu.memory_space<hbm>> -> memref<1024xf32, #tpu.memory_space<hbm>>
      %dma_start3A_88 = arith.constant 0 : i32
      %dma_start3A_89 = tpu.memref_slice %arg4[%add3A_84, %dma_start3A_88] : memref<8192x1024xf32, #tpu.memory_space<hbm>> -> memref<1x1024xf32, #tpu.memory_space<hbm>>
      %dma_start3A_90 = tpu.memref_squeeze %dma_start3A_89 : memref<1x1024xf32, #tpu.memory_space<hbm>> -> memref<1024xf32, #tpu.memory_space<hbm>>
      tpu.enqueue_dma source(%arg7 : memref<1024xf32, #tpu.memory_space<vmem>>) target(%dma_start3A_90 : memref<1024xf32, #tpu.memory_space<hbm>>) target_semaphore(%arg9 : memref<!tpu.dma_semaphore, #tpu.memory_space<semaphore_mem>>)
      %sub3A_91 = arith.constant 1 : i32
      %sub3A_92 = arith.subi %mul3A_65, %sub3A_91 : i32
      %add3A_93 = arith.addi %mul3A_2, %sub3A_92 : i32
      %dma_wait3A_94 = arith.constant 0 : i32
      %dma_wait3A_95 = tpu.memref_slice %arg4[%add3A_93, %dma_wait3A_94] : memref<8192x1024xf32, #tpu.memory_space<hbm>> -> memref<1x1024xf32, #tpu.memory_space<hbm>>
      %dma_wait3A_96 = tpu.memref_squeeze %dma_wait3A_95 : memref<1x1024xf32, #tpu.memory_space<hbm>> -> memref<1024xf32, #tpu.memory_space<hbm>>
      %dma_wait3A_97 = arith.constant 0 : i32
      %dma_wait3A_98 = tpu.memref_slice %arg4[%add3A_93, %dma_wait3A_97] : memref<8192x1024xf32, #tpu.memory_space<hbm>> -> memref<1x1024xf32, #tpu.memory_space<hbm>>
      %dma_wait3A_99 = tpu.memref_squeeze %dma_wait3A_98 : memref<1x1024xf32, #tpu.memory_space<hbm>> -> memref<1024xf32, #tpu.memory_space<hbm>>
      tpu.wait_dma2 semaphore(%arg10 : memref<!tpu.dma_semaphore, #tpu.memory_space<semaphore_mem>>) src(%arg8 : memref<1024xf32, #tpu.memory_space<vmem>>) dst(%dma_wait3A_99 : memref<1024xf32, #tpu.memory_space<hbm>>)
      %get3A_100 = arith.index_cast %sub3A_92 : i32 to index
      %get3A_101 = arith.constant 0 : index
      %get3A_102 = tpu.vector_load %arg6[%get3A_100, %get3A_101] {strides = array<i32>} : memref<256x16xi32, #tpu.memory_space<vmem>>, vector<16xi32>,
      tpu.vector_store_idx %arg8[%get3A_102], %broadcast_in_dim3A_3 : memref<1024xf32, #tpu.memory_space<vmem>>[vector<16xi32>], vector<16xf32>,
      %add3A_103 = arith.constant 1 : i32
      %add3A_104 = arith.addi %mul3A_65, %add3A_103 : i32
      %get3A_105 = arith.index_cast %add3A_104 : i32 to index
      %get3A_106 = arith.constant 0 : index
      %get3A_107 = tpu.vector_load %arg6[%get3A_105, %get3A_106] {strides = array<i32>} : memref<256x16xi32, #tpu.memory_space<vmem>>, vector<16xi32>,
      %get3A_108 = arith.index_cast %add3A_104 : i32 to index
      %get3A_109 = arith.constant 0 : index
      %get3A_110 = tpu.vector_load %arg5[%get3A_108, %get3A_109] {strides = array<i32>} : memref<256x16xf32, #tpu.memory_space<vmem>>, vector<16xf32>,
      tpu.vector_store_idx %arg8[%get3A_107], %get3A_110 : memref<1024xf32, #tpu.memory_space<vmem>>[vector<16xi32>], vector<16xf32>,
      %add3A_111 = arith.addi %mul3A_2, %add3A_104 : i32
      %dma_start3A_112 = arith.constant 0 : i32
      %dma_start3A_113 = tpu.memref_slice %arg4[%add3A_111, %dma_start3A_112] : memref<8192x1024xf32, #tpu.memory_space<hbm>> -> memref<1x1024xf32, #tpu.memory_space<hbm>>
      %dma_start3A_114 = tpu.memref_squeeze %dma_start3A_113 : memref<1x1024xf32, #tpu.memory_space<hbm>> -> memref<1024xf32, #tpu.memory_space<hbm>>
      %dma_start3A_115 = arith.constant 0 : i32
      %dma_start3A_116 = tpu.memref_slice %arg4[%add3A_111, %dma_start3A_115] : memref<8192x1024xf32, #tpu.memory_space<hbm>> -> memref<1x1024xf32, #tpu.memory_space<hbm>>
      %dma_start3A_117 = tpu.memref_squeeze %dma_start3A_116 : memref<1x1024xf32, #tpu.memory_space<hbm>> -> memref<1024xf32, #tpu.memory_space<hbm>>
      tpu.enqueue_dma source(%arg8 : memref<1024xf32, #tpu.memory_space<vmem>>) target(%dma_start3A_117 : memref<1024xf32, #tpu.memory_space<hbm>>) target_semaphore(%arg10 : memref<!tpu.dma_semaphore, #tpu.memory_space<semaphore_mem>>)
    }
    %scan3A_44 = arith.constant 127 : i32
    %add3A_45 = arith.constant 256 : i32
    %add3A_46 = arith.addi %mul3A_2, %add3A_45 : i32
    %sub3A = arith.constant 2 : i32
    %sub3A_47 = arith.subi %add3A_46, %sub3A : i32
    %dma_wait3A = arith.constant 0 : i32
    %dma_wait3A_48 = tpu.memref_slice %arg4[%sub3A_47, %dma_wait3A] : memref<8192x1024xf32, #tpu.memory_space<hbm>> -> memref<1x1024xf32, #tpu.memory_space<hbm>>
    %dma_wait3A_49 = tpu.memref_squeeze %dma_wait3A_48 : memref<1x1024xf32, #tpu.memory_space<hbm>> -> memref<1024xf32, #tpu.memory_space<hbm>>
    %dma_wait3A_50 = arith.constant 0 : i32
    %dma_wait3A_51 = tpu.memref_slice %arg4[%sub3A_47, %dma_wait3A_50] : memref<8192x1024xf32, #tpu.memory_space<hbm>> -> memref<1x1024xf32, #tpu.memory_space<hbm>>
    %dma_wait3A_52 = tpu.memref_squeeze %dma_wait3A_51 : memref<1x1024xf32, #tpu.memory_space<hbm>> -> memref<1024xf32, #tpu.memory_space<hbm>>
    tpu.wait_dma2 semaphore(%arg9 : memref<!tpu.dma_semaphore, #tpu.memory_space<semaphore_mem>>) src(%arg7 : memref<1024xf32, #tpu.memory_space<vmem>>) dst(%dma_wait3A_52 : memref<1024xf32, #tpu.memory_space<hbm>>)
    %add3A_53 = arith.constant 256 : i32
    %add3A_54 = arith.addi %mul3A_2, %add3A_53 : i32
    %sub3A_55 = arith.constant 1 : i32
    %sub3A_56 = arith.subi %add3A_54, %sub3A_55 : i32
    %dma_wait3A_57 = arith.constant 0 : i32
    %dma_wait3A_58 = tpu.memref_slice %arg4[%sub3A_56, %dma_wait3A_57] : memref<8192x1024xf32, #tpu.memory_space<hbm>> -> memref<1x1024xf32, #tpu.memory_space<hbm>>
    %dma_wait3A_59 = tpu.memref_squeeze %dma_wait3A_58 : memref<1x1024xf32, #tpu.memory_space<hbm>> -> memref<1024xf32, #tpu.memory_space<hbm>>
    %dma_wait3A_60 = arith.constant 0 : i32
    %dma_wait3A_61 = tpu.memref_slice %arg4[%sub3A_56, %dma_wait3A_60] : memref<8192x1024xf32, #tpu.memory_space<hbm>> -> memref<1x1024xf32, #tpu.memory_space<hbm>>
    %dma_wait3A_62 = tpu.memref_squeeze %dma_wait3A_61 : memref<1x1024xf32, #tpu.memory_space<hbm>> -> memref<1024xf32, #tpu.memory_space<hbm>>
    tpu.wait_dma2 semaphore(%arg10 : memref<!tpu.dma_semaphore, #tpu.memory_space<semaphore_mem>>) src(%arg8 : memref<1024xf32, #tpu.memory_space<vmem>>) dst(%dma_wait3A_62 : memref<1024xf32, #tpu.memory_space<hbm>>)
    return
  }
}

#map = affine_map<(d0, d1) -> (0, 0)>
#map1 = affine_map<(d0, d1) -> (0)>
module attributes {stable_mosaic.version = 14 : i64} {
  func.func @_gather_rows(%arg0: i32, %arg1: i32, %arg2: memref<8192x128xi32, #tpu.memory_space<hbm>>, %arg3: memref<131072xi32, #tpu.memory_space<hbm>>, %arg4: memref<131072x128xi32, #tpu.memory_space<hbm>>, %arg5: memref<4096xi32, #tpu.memory_space<vmem>>, %arg6: memref<128x128xi32, #tpu.memory_space<vmem>>, %arg7: memref<128x128xi32, #tpu.memory_space<vmem>>, %arg8: memref<!tpu.dma_semaphore, #tpu.memory_space<semaphore_mem>>, %arg9: memref<!tpu.dma_semaphore, #tpu.memory_space<semaphore_mem>>) attributes {dimension_semantics = [#tpu.dimension_semantics<core_parallel>, #tpu.dimension_semantics<subcore_parallel>], iteration_bounds = array<i64: 2, 16>, scalar_prefetch = 0 : i64, scratch_operands = 5 : i64, tpu.core_type = #tpu.core_type<sc_vector_subcore>, window_params = [{transform_indices = #map}, {transform_indices = #map1}, {transform_indices = #map}]} {
    %mul3A = arith.constant 2 : i32
    %mul3A_0 = arith.muli %arg1, %mul3A : i32
    %add3A = arith.addi %mul3A_0, %arg0 : i32
    %mul3A_1 = arith.constant 4096 : i32
    %mul3A_2 = arith.muli %add3A, %mul3A_1 : i32
    "tpu.region"() ({
      %run_scoped3A = tpu.sem_alloc : memref<!tpu.dma_semaphore, #tpu.memory_space<semaphore_mem>>
      %dma_start3A_30 = tpu.memref_slice %arg3[%mul3A_2] : memref<131072xi32, #tpu.memory_space<hbm>> -> memref<4096xi32, #tpu.memory_space<hbm>>
      %dma_start3A_31 = tpu.memref_slice %arg3[%mul3A_2] : memref<131072xi32, #tpu.memory_space<hbm>> -> memref<4096xi32, #tpu.memory_space<hbm>>
      tpu.enqueue_dma source(%dma_start3A_31 : memref<4096xi32, #tpu.memory_space<hbm>>) target(%arg5 : memref<4096xi32, #tpu.memory_space<vmem>>) target_semaphore(%run_scoped3A : memref<!tpu.dma_semaphore, #tpu.memory_space<semaphore_mem>>)
      %dma_wait3A_32 = tpu.memref_slice %arg3[%mul3A_2] : memref<131072xi32, #tpu.memory_space<hbm>> -> memref<4096xi32, #tpu.memory_space<hbm>>
      %dma_wait3A_33 = tpu.memref_slice %arg3[%mul3A_2] : memref<131072xi32, #tpu.memory_space<hbm>> -> memref<4096xi32, #tpu.memory_space<hbm>>
      tpu.wait_dma2 semaphore(%run_scoped3A : memref<!tpu.dma_semaphore, #tpu.memory_space<semaphore_mem>>) src(%dma_wait3A_33 : memref<4096xi32, #tpu.memory_space<hbm>>) dst(%arg5 : memref<4096xi32, #tpu.memory_space<vmem>>)
      tpu.yield
    }) : () -> ()
    %dma_start3A = arith.constant 0 : i32
    %dma_start3A_3 = tpu.memref_slice %arg5[%dma_start3A] : memref<4096xi32, #tpu.memory_space<vmem>> -> memref<128xi32, #tpu.memory_space<vmem>>
    %dma_start3A_4 = arith.constant 0 : i32
    %dma_start3A_5 = arith.constant 0 : i32
    %dma_start3A_6 = tpu.memref_slice %arg2[%dma_start3A_4, %dma_start3A_5] : memref<8192x128xi32, #tpu.memory_space<hbm>> -> memref<8192x128xi32, #tpu.memory_space<hbm>>
    tpu.enqueue_indirect_dma source(%dma_start3A_6 : memref<8192x128xi32, #tpu.memory_space<hbm>>) target(%arg6 : memref<128x128xi32, #tpu.memory_space<vmem>>) offsets(%dma_start3A_3 : memref<128xi32, #tpu.memory_space<vmem>>) semaphore(%arg8 : memref<!tpu.dma_semaphore, #tpu.memory_space<semaphore_mem>>)
    %dma_start3A_7 = arith.constant 128 : i32
    %dma_start3A_8 = tpu.memref_slice %arg5[%dma_start3A_7] : memref<4096xi32, #tpu.memory_space<vmem>> -> memref<128xi32, #tpu.memory_space<vmem>>
    %dma_start3A_9 = arith.constant 0 : i32
    %dma_start3A_10 = arith.constant 0 : i32
    %dma_start3A_11 = tpu.memref_slice %arg2[%dma_start3A_9, %dma_start3A_10] : memref<8192x128xi32, #tpu.memory_space<hbm>> -> memref<8192x128xi32, #tpu.memory_space<hbm>>
    tpu.enqueue_indirect_dma source(%dma_start3A_11 : memref<8192x128xi32, #tpu.memory_space<hbm>>) target(%arg7 : memref<128x128xi32, #tpu.memory_space<vmem>>) offsets(%dma_start3A_8 : memref<128xi32, #tpu.memory_space<vmem>>) semaphore(%arg9 : memref<!tpu.dma_semaphore, #tpu.memory_space<semaphore_mem>>)
    %scan3A = arith.constant 0 : i32
    %scan3A_12 = arith.constant 0 : i32
    %scan3A_13 = arith.constant 15 : i32
    %scan3A_14 = arith.addi %scan3A_12, %scan3A_13 : i32
    %scan3A_15 = arith.constant 1 : i32
    scf.for %scan3A_30 = %scan3A_12 to %scan3A_14 step %scan3A_15  : i32 {
      %mul3A_31 = arith.constant 2 : i32
      %mul3A_32 = arith.muli %scan3A_30, %mul3A_31 : i32
      %mul3A_33 = arith.constant 128 : i32
      %mul3A_34 = arith.muli %mul3A_32, %mul3A_33 : i32
      %dma_wait3A_35 = tpu.memref_slice %arg5[%mul3A_34] : memref<4096xi32, #tpu.memory_space<vmem>> -> memref<128xi32, #tpu.memory_space<vmem>>
      %dma_wait3A_36 = arith.constant 0 : i32
      %dma_wait3A_37 = arith.constant 0 : i32
      %dma_wait3A_38 = tpu.memref_slice %arg2[%dma_wait3A_36, %dma_wait3A_37] : memref<8192x128xi32, #tpu.memory_space<hbm>> -> memref<8192x128xi32, #tpu.memory_space<hbm>>
      tpu.wait_indirect_dma semaphore(%arg8 : memref<!tpu.dma_semaphore, #tpu.memory_space<semaphore_mem>>) src(%dma_wait3A_38 : memref<8192x128xi32, #tpu.memory_space<hbm>>) dst(%arg6 : memref<128x128xi32, #tpu.memory_space<vmem>>)
      %mul3A_39 = arith.constant 128 : i32
      %mul3A_40 = arith.muli %mul3A_32, %mul3A_39 : i32
      %add3A_41 = arith.addi %mul3A_2, %mul3A_40 : i32
      "tpu.region"() ({
        %run_scoped3A = tpu.sem_alloc : memref<!tpu.dma_semaphore, #tpu.memory_space<semaphore_mem>>
        %dma_start3A_69 = arith.constant 0 : i32
        %dma_start3A_70 = tpu.memref_slice %arg4[%add3A_41, %dma_start3A_69] : memref<131072x128xi32, #tpu.memory_space<hbm>> -> memref<128x128xi32, #tpu.memory_space<hbm>>
        %dma_start3A_71 = arith.constant 0 : i32
        %dma_start3A_72 = tpu.memref_slice %arg4[%add3A_41, %dma_start3A_71] : memref<131072x128xi32, #tpu.memory_space<hbm>> -> memref<128x128xi32, #tpu.memory_space<hbm>>
        tpu.enqueue_dma source(%arg6 : memref<128x128xi32, #tpu.memory_space<vmem>>) target(%dma_start3A_72 : memref<128x128xi32, #tpu.memory_space<hbm>>) target_semaphore(%run_scoped3A : memref<!tpu.dma_semaphore, #tpu.memory_space<semaphore_mem>>)
        %dma_wait3A_73 = arith.constant 0 : i32
        %dma_wait3A_74 = tpu.memref_slice %arg4[%add3A_41, %dma_wait3A_73] : memref<131072x128xi32, #tpu.memory_space<hbm>> -> memref<128x128xi32, #tpu.memory_space<hbm>>
        %dma_wait3A_75 = arith.constant 0 : i32
        %dma_wait3A_76 = tpu.memref_slice %arg4[%add3A_41, %dma_wait3A_75] : memref<131072x128xi32, #tpu.memory_space<hbm>> -> memref<128x128xi32, #tpu.memory_space<hbm>>
        tpu.wait_dma2 semaphore(%run_scoped3A : memref<!tpu.dma_semaphore, #tpu.memory_space<semaphore_mem>>) src(%arg6 : memref<128x128xi32, #tpu.memory_space<vmem>>) dst(%dma_wait3A_76 : memref<128x128xi32, #tpu.memory_space<hbm>>)
        tpu.yield
      }) : () -> ()
      %add3A_42 = arith.constant 2 : i32
      %add3A_43 = arith.addi %mul3A_32, %add3A_42 : i32
      %mul3A_44 = arith.constant 128 : i32
      %mul3A_45 = arith.muli %add3A_43, %mul3A_44 : i32
      %dma_start3A_46 = tpu.memref_slice %arg5[%mul3A_45] : memref<4096xi32, #tpu.memory_space<vmem>> -> memref<128xi32, #tpu.memory_space<vmem>>
      %dma_start3A_47 = arith.constant 0 : i32
      %dma_start3A_48 = arith.constant 0 : i32
      %dma_start3A_49 = tpu.memref_slice %arg2[%dma_start3A_47, %dma_start3A_48] : memref<8192x128xi32, #tpu.memory_space<hbm>> -> memref<8192x128xi32, #tpu.memory_space<hbm>>
      tpu.enqueue_indirect_dma source(%dma_start3A_49 : memref<8192x128xi32, #tpu.memory_space<hbm>>) target(%arg6 : memref<128x128xi32, #tpu.memory_space<vmem>>) offsets(%dma_start3A_46 : memref<128xi32, #tpu.memory_space<vmem>>) semaphore(%arg8 : memref<!tpu.dma_semaphore, #tpu.memory_space<semaphore_mem>>)
      %add3A_50 = arith.constant 1 : i32
      %add3A_51 = arith.addi %mul3A_32, %add3A_50 : i32
      %mul3A_52 = arith.constant 128 : i32
      %mul3A_53 = arith.muli %add3A_51, %mul3A_52 : i32
      %dma_wait3A_54 = tpu.memref_slice %arg5[%mul3A_53] : memref<4096xi32, #tpu.memory_space<vmem>> -> memref<128xi32, #tpu.memory_space<vmem>>
      %dma_wait3A_55 = arith.constant 0 : i32
      %dma_wait3A_56 = arith.constant 0 : i32
      %dma_wait3A_57 = tpu.memref_slice %arg2[%dma_wait3A_55, %dma_wait3A_56] : memref<8192x128xi32, #tpu.memory_space<hbm>> -> memref<8192x128xi32, #tpu.memory_space<hbm>>
      tpu.wait_indirect_dma semaphore(%arg9 : memref<!tpu.dma_semaphore, #tpu.memory_space<semaphore_mem>>) src(%dma_wait3A_57 : memref<8192x128xi32, #tpu.memory_space<hbm>>) dst(%arg7 : memref<128x128xi32, #tpu.memory_space<vmem>>)
      %mul3A_58 = arith.constant 128 : i32
      %mul3A_59 = arith.muli %add3A_51, %mul3A_58 : i32
      %add3A_60 = arith.addi %mul3A_2, %mul3A_59 : i32
      "tpu.region"() ({
        %run_scoped3A = tpu.sem_alloc : memref<!tpu.dma_semaphore, #tpu.memory_space<semaphore_mem>>
        %dma_start3A_69 = arith.constant 0 : i32
        %dma_start3A_70 = tpu.memref_slice %arg4[%add3A_60, %dma_start3A_69] : memref<131072x128xi32, #tpu.memory_space<hbm>> -> memref<128x128xi32, #tpu.memory_space<hbm>>
        %dma_start3A_71 = arith.constant 0 : i32
        %dma_start3A_72 = tpu.memref_slice %arg4[%add3A_60, %dma_start3A_71] : memref<131072x128xi32, #tpu.memory_space<hbm>> -> memref<128x128xi32, #tpu.memory_space<hbm>>
        tpu.enqueue_dma source(%arg7 : memref<128x128xi32, #tpu.memory_space<vmem>>) target(%dma_start3A_72 : memref<128x128xi32, #tpu.memory_space<hbm>>) target_semaphore(%run_scoped3A : memref<!tpu.dma_semaphore, #tpu.memory_space<semaphore_mem>>)
        %dma_wait3A_73 = arith.constant 0 : i32
        %dma_wait3A_74 = tpu.memref_slice %arg4[%add3A_60, %dma_wait3A_73] : memref<131072x128xi32, #tpu.memory_space<hbm>> -> memref<128x128xi32, #tpu.memory_space<hbm>>
        %dma_wait3A_75 = arith.constant 0 : i32
        %dma_wait3A_76 = tpu.memref_slice %arg4[%add3A_60, %dma_wait3A_75] : memref<131072x128xi32, #tpu.memory_space<hbm>> -> memref<128x128xi32, #tpu.memory_space<hbm>>
        tpu.wait_dma2 semaphore(%run_scoped3A : memref<!tpu.dma_semaphore, #tpu.memory_space<semaphore_mem>>) src(%arg7 : memref<128x128xi32, #tpu.memory_space<vmem>>) dst(%dma_wait3A_76 : memref<128x128xi32, #tpu.memory_space<hbm>>)
        tpu.yield
      }) : () -> ()
      %add3A_61 = arith.constant 3 : i32
      %add3A_62 = arith.addi %mul3A_32, %add3A_61 : i32
      %mul3A_63 = arith.constant 128 : i32
      %mul3A_64 = arith.muli %add3A_62, %mul3A_63 : i32
      %dma_start3A_65 = tpu.memref_slice %arg5[%mul3A_64] : memref<4096xi32, #tpu.memory_space<vmem>> -> memref<128xi32, #tpu.memory_space<vmem>>
      %dma_start3A_66 = arith.constant 0 : i32
      %dma_start3A_67 = arith.constant 0 : i32
      %dma_start3A_68 = tpu.memref_slice %arg2[%dma_start3A_66, %dma_start3A_67] : memref<8192x128xi32, #tpu.memory_space<hbm>> -> memref<8192x128xi32, #tpu.memory_space<hbm>>
      tpu.enqueue_indirect_dma source(%dma_start3A_68 : memref<8192x128xi32, #tpu.memory_space<hbm>>) target(%arg7 : memref<128x128xi32, #tpu.memory_space<vmem>>) offsets(%dma_start3A_65 : memref<128xi32, #tpu.memory_space<vmem>>) semaphore(%arg9 : memref<!tpu.dma_semaphore, #tpu.memory_space<semaphore_mem>>)
    }
    %scan3A_16 = arith.constant 15 : i32
    %dma_wait3A = arith.constant 3840 : i32
    %dma_wait3A_17 = tpu.memref_slice %arg5[%dma_wait3A] : memref<4096xi32, #tpu.memory_space<vmem>> -> memref<128xi32, #tpu.memory_space<vmem>>
    %dma_wait3A_18 = arith.constant 0 : i32
    %dma_wait3A_19 = arith.constant 0 : i32
    %dma_wait3A_20 = tpu.memref_slice %arg2[%dma_wait3A_18, %dma_wait3A_19] : memref<8192x128xi32, #tpu.memory_space<hbm>> -> memref<8192x128xi32, #tpu.memory_space<hbm>>
    tpu.wait_indirect_dma semaphore(%arg8 : memref<!tpu.dma_semaphore, #tpu.memory_space<semaphore_mem>>) src(%dma_wait3A_20 : memref<8192x128xi32, #tpu.memory_space<hbm>>) dst(%arg6 : memref<128x128xi32, #tpu.memory_space<vmem>>)
    %add3A_21 = arith.constant 3840 : i32
    %add3A_22 = arith.addi %mul3A_2, %add3A_21 : i32
    "tpu.region"() ({
      %run_scoped3A = tpu.sem_alloc : memref<!tpu.dma_semaphore, #tpu.memory_space<semaphore_mem>>
      %dma_start3A_30 = arith.constant 0 : i32
      %dma_start3A_31 = tpu.memref_slice %arg4[%add3A_22, %dma_start3A_30] : memref<131072x128xi32, #tpu.memory_space<hbm>> -> memref<128x128xi32, #tpu.memory_space<hbm>>
      %dma_start3A_32 = arith.constant 0 : i32
      %dma_start3A_33 = tpu.memref_slice %arg4[%add3A_22, %dma_start3A_32] : memref<131072x128xi32, #tpu.memory_space<hbm>> -> memref<128x128xi32, #tpu.memory_space<hbm>>
      tpu.enqueue_dma source(%arg6 : memref<128x128xi32, #tpu.memory_space<vmem>>) target(%dma_start3A_33 : memref<128x128xi32, #tpu.memory_space<hbm>>) target_semaphore(%run_scoped3A : memref<!tpu.dma_semaphore, #tpu.memory_space<semaphore_mem>>)
      %dma_wait3A_34 = arith.constant 0 : i32
      %dma_wait3A_35 = tpu.memref_slice %arg4[%add3A_22, %dma_wait3A_34] : memref<131072x128xi32, #tpu.memory_space<hbm>> -> memref<128x128xi32, #tpu.memory_space<hbm>>
      %dma_wait3A_36 = arith.constant 0 : i32
      %dma_wait3A_37 = tpu.memref_slice %arg4[%add3A_22, %dma_wait3A_36] : memref<131072x128xi32, #tpu.memory_space<hbm>> -> memref<128x128xi32, #tpu.memory_space<hbm>>
      tpu.wait_dma2 semaphore(%run_scoped3A : memref<!tpu.dma_semaphore, #tpu.memory_space<semaphore_mem>>) src(%arg6 : memref<128x128xi32, #tpu.memory_space<vmem>>) dst(%dma_wait3A_37 : memref<128x128xi32, #tpu.memory_space<hbm>>)
      tpu.yield
    }) : () -> ()
    %dma_wait3A_23 = arith.constant 3968 : i32
    %dma_wait3A_24 = tpu.memref_slice %arg5[%dma_wait3A_23] : memref<4096xi32, #tpu.memory_space<vmem>> -> memref<128xi32, #tpu.memory_space<vmem>>
    %dma_wait3A_25 = arith.constant 0 : i32
    %dma_wait3A_26 = arith.constant 0 : i32
    %dma_wait3A_27 = tpu.memref_slice %arg2[%dma_wait3A_25, %dma_wait3A_26] : memref<8192x128xi32, #tpu.memory_space<hbm>> -> memref<8192x128xi32, #tpu.memory_space<hbm>>
    tpu.wait_indirect_dma semaphore(%arg9 : memref<!tpu.dma_semaphore, #tpu.memory_space<semaphore_mem>>) src(%dma_wait3A_27 : memref<8192x128xi32, #tpu.memory_space<hbm>>) dst(%arg7 : memref<128x128xi32, #tpu.memory_space<vmem>>)
    %add3A_28 = arith.constant 3968 : i32
    %add3A_29 = arith.addi %mul3A_2, %add3A_28 : i32
    "tpu.region"() ({
      %run_scoped3A = tpu.sem_alloc : memref<!tpu.dma_semaphore, #tpu.memory_space<semaphore_mem>>
      %dma_start3A_30 = arith.constant 0 : i32
      %dma_start3A_31 = tpu.memref_slice %arg4[%add3A_29, %dma_start3A_30] : memref<131072x128xi32, #tpu.memory_space<hbm>> -> memref<128x128xi32, #tpu.memory_space<hbm>>
      %dma_start3A_32 = arith.constant 0 : i32
      %dma_start3A_33 = tpu.memref_slice %arg4[%add3A_29, %dma_start3A_32] : memref<131072x128xi32, #tpu.memory_space<hbm>> -> memref<128x128xi32, #tpu.memory_space<hbm>>
      tpu.enqueue_dma source(%arg7 : memref<128x128xi32, #tpu.memory_space<vmem>>) target(%dma_start3A_33 : memref<128x128xi32, #tpu.memory_space<hbm>>) target_semaphore(%run_scoped3A : memref<!tpu.dma_semaphore, #tpu.memory_space<semaphore_mem>>)
      %dma_wait3A_34 = arith.constant 0 : i32
      %dma_wait3A_35 = tpu.memref_slice %arg4[%add3A_29, %dma_wait3A_34] : memref<131072x128xi32, #tpu.memory_space<hbm>> -> memref<128x128xi32, #tpu.memory_space<hbm>>
      %dma_wait3A_36 = arith.constant 0 : i32
      %dma_wait3A_37 = tpu.memref_slice %arg4[%add3A_29, %dma_wait3A_36] : memref<131072x128xi32, #tpu.memory_space<hbm>> -> memref<128x128xi32, #tpu.memory_space<hbm>>
      tpu.wait_dma2 semaphore(%run_scoped3A : memref<!tpu.dma_semaphore, #tpu.memory_space<semaphore_mem>>) src(%arg7 : memref<128x128xi32, #tpu.memory_space<vmem>>) dst(%dma_wait3A_37 : memref<128x128xi32, #tpu.memory_space<hbm>>)
      tpu.yield
    }) : () -> ()
    return
  }
}

#map = affine_map<(d0, d1) -> (0, 0)>
#map1 = affine_map<(d0, d1) -> (0)>
module attributes {stable_mosaic.version = 14 : i64} {
  func.func @_gather_rows(%arg0: i32, %arg1: i32, %arg2: memref<8192x128xi32, #tpu.memory_space<hbm>>, %arg3: memref<131072xi32, #tpu.memory_space<hbm>>, %arg4: memref<131072x128xi32, #tpu.memory_space<hbm>>, %arg5: memref<4096xi32, #tpu.memory_space<vmem>>, %arg6: memref<128x128xi32, #tpu.memory_space<vmem>>, %arg7: memref<128x128xi32, #tpu.memory_space<vmem>>, %arg8: memref<!tpu.dma_semaphore, #tpu.memory_space<semaphore_mem>>, %arg9: memref<!tpu.dma_semaphore, #tpu.memory_space<semaphore_mem>>) attributes {dimension_semantics = [#tpu.dimension_semantics<core_parallel>, #tpu.dimension_semantics<subcore_parallel>], iteration_bounds = array<i64: 2, 16>, scalar_prefetch = 0 : i64, scratch_operands = 5 : i64, tpu.core_type = #tpu.core_type<sc_vector_subcore>, window_params = [{transform_indices = #map}, {transform_indices = #map1}, {transform_indices = #map}]} {
    %mul3A = arith.constant 2 : i32
    %mul3A_0 = arith.muli %arg1, %mul3A : i32
    %add3A = arith.addi %mul3A_0, %arg0 : i32
    %mul3A_1 = arith.constant 4096 : i32
    %mul3A_2 = arith.muli %add3A, %mul3A_1 : i32
    "tpu.region"() ({
      %run_scoped3A = tpu.sem_alloc : memref<!tpu.dma_semaphore, #tpu.memory_space<semaphore_mem>>
      %dma_start3A_30 = tpu.memref_slice %arg3[%mul3A_2] : memref<131072xi32, #tpu.memory_space<hbm>> -> memref<4096xi32, #tpu.memory_space<hbm>>
      %dma_start3A_31 = tpu.memref_slice %arg3[%mul3A_2] : memref<131072xi32, #tpu.memory_space<hbm>> -> memref<4096xi32, #tpu.memory_space<hbm>>
      tpu.enqueue_dma source(%dma_start3A_31 : memref<4096xi32, #tpu.memory_space<hbm>>) target(%arg5 : memref<4096xi32, #tpu.memory_space<vmem>>) target_semaphore(%run_scoped3A : memref<!tpu.dma_semaphore, #tpu.memory_space<semaphore_mem>>)
      %dma_wait3A_32 = tpu.memref_slice %arg3[%mul3A_2] : memref<131072xi32, #tpu.memory_space<hbm>> -> memref<4096xi32, #tpu.memory_space<hbm>>
      %dma_wait3A_33 = tpu.memref_slice %arg3[%mul3A_2] : memref<131072xi32, #tpu.memory_space<hbm>> -> memref<4096xi32, #tpu.memory_space<hbm>>
      tpu.wait_dma2 semaphore(%run_scoped3A : memref<!tpu.dma_semaphore, #tpu.memory_space<semaphore_mem>>) src(%dma_wait3A_33 : memref<4096xi32, #tpu.memory_space<hbm>>) dst(%arg5 : memref<4096xi32, #tpu.memory_space<vmem>>)
      tpu.yield
    }) : () -> ()
    %dma_start3A = arith.constant 0 : i32
    %dma_start3A_3 = tpu.memref_slice %arg5[%dma_start3A] : memref<4096xi32, #tpu.memory_space<vmem>> -> memref<128xi32, #tpu.memory_space<vmem>>
    %dma_start3A_4 = arith.constant 0 : i32
    %dma_start3A_5 = arith.constant 0 : i32
    %dma_start3A_6 = tpu.memref_slice %arg2[%dma_start3A_4, %dma_start3A_5] : memref<8192x128xi32, #tpu.memory_space<hbm>> -> memref<8192x128xi32, #tpu.memory_space<hbm>>
    tpu.enqueue_indirect_dma source(%dma_start3A_6 : memref<8192x128xi32, #tpu.memory_space<hbm>>) target(%arg6 : memref<128x128xi32, #tpu.memory_space<vmem>>) offsets(%dma_start3A_3 : memref<128xi32, #tpu.memory_space<vmem>>) semaphore(%arg8 : memref<!tpu.dma_semaphore, #tpu.memory_space<semaphore_mem>>)
    %dma_start3A_7 = arith.constant 128 : i32
    %dma_start3A_8 = tpu.memref_slice %arg5[%dma_start3A_7] : memref<4096xi32, #tpu.memory_space<vmem>> -> memref<128xi32, #tpu.memory_space<vmem>>
    %dma_start3A_9 = arith.constant 0 : i32
    %dma_start3A_10 = arith.constant 0 : i32
    %dma_start3A_11 = tpu.memref_slice %arg2[%dma_start3A_9, %dma_start3A_10] : memref<8192x128xi32, #tpu.memory_space<hbm>> -> memref<8192x128xi32, #tpu.memory_space<hbm>>
    tpu.enqueue_indirect_dma source(%dma_start3A_11 : memref<8192x128xi32, #tpu.memory_space<hbm>>) target(%arg7 : memref<128x128xi32, #tpu.memory_space<vmem>>) offsets(%dma_start3A_8 : memref<128xi32, #tpu.memory_space<vmem>>) semaphore(%arg9 : memref<!tpu.dma_semaphore, #tpu.memory_space<semaphore_mem>>)
    %scan3A = arith.constant 0 : i32
    %scan3A_12 = arith.constant 0 : i32
    %scan3A_13 = arith.constant 15 : i32
    %scan3A_14 = arith.addi %scan3A_12, %scan3A_13 : i32
    %scan3A_15 = arith.constant 1 : i32
    scf.for %scan3A_30 = %scan3A_12 to %scan3A_14 step %scan3A_15  : i32 {
      %mul3A_31 = arith.constant 2 : i32
      %mul3A_32 = arith.muli %scan3A_30, %mul3A_31 : i32
      %mul3A_33 = arith.constant 128 : i32
      %mul3A_34 = arith.muli %mul3A_32, %mul3A_33 : i32
      %dma_wait3A_35 = tpu.memref_slice %arg5[%mul3A_34] : memref<4096xi32, #tpu.memory_space<vmem>> -> memref<128xi32, #tpu.memory_space<vmem>>
      %dma_wait3A_36 = arith.constant 0 : i32
      %dma_wait3A_37 = arith.constant 0 : i32
      %dma_wait3A_38 = tpu.memref_slice %arg2[%dma_wait3A_36, %dma_wait3A_37] : memref<8192x128xi32, #tpu.memory_space<hbm>> -> memref<8192x128xi32, #tpu.memory_space<hbm>>
      tpu.wait_indirect_dma semaphore(%arg8 : memref<!tpu.dma_semaphore, #tpu.memory_space<semaphore_mem>>) src(%dma_wait3A_38 : memref<8192x128xi32, #tpu.memory_space<hbm>>) dst(%arg6 : memref<128x128xi32, #tpu.memory_space<vmem>>)
      %mul3A_39 = arith.constant 128 : i32
      %mul3A_40 = arith.muli %mul3A_32, %mul3A_39 : i32
      %add3A_41 = arith.addi %mul3A_2, %mul3A_40 : i32
      "tpu.region"() ({
        %run_scoped3A = tpu.sem_alloc : memref<!tpu.dma_semaphore, #tpu.memory_space<semaphore_mem>>
        %dma_start3A_69 = arith.constant 0 : i32
        %dma_start3A_70 = tpu.memref_slice %arg4[%add3A_41, %dma_start3A_69] : memref<131072x128xi32, #tpu.memory_space<hbm>> -> memref<128x128xi32, #tpu.memory_space<hbm>>
        %dma_start3A_71 = arith.constant 0 : i32
        %dma_start3A_72 = tpu.memref_slice %arg4[%add3A_41, %dma_start3A_71] : memref<131072x128xi32, #tpu.memory_space<hbm>> -> memref<128x128xi32, #tpu.memory_space<hbm>>
        tpu.enqueue_dma source(%arg6 : memref<128x128xi32, #tpu.memory_space<vmem>>) target(%dma_start3A_72 : memref<128x128xi32, #tpu.memory_space<hbm>>) target_semaphore(%run_scoped3A : memref<!tpu.dma_semaphore, #tpu.memory_space<semaphore_mem>>)
        %dma_wait3A_73 = arith.constant 0 : i32
        %dma_wait3A_74 = tpu.memref_slice %arg4[%add3A_41, %dma_wait3A_73] : memref<131072x128xi32, #tpu.memory_space<hbm>> -> memref<128x128xi32, #tpu.memory_space<hbm>>
        %dma_wait3A_75 = arith.constant 0 : i32
        %dma_wait3A_76 = tpu.memref_slice %arg4[%add3A_41, %dma_wait3A_75] : memref<131072x128xi32, #tpu.memory_space<hbm>> -> memref<128x128xi32, #tpu.memory_space<hbm>>
        tpu.wait_dma2 semaphore(%run_scoped3A : memref<!tpu.dma_semaphore, #tpu.memory_space<semaphore_mem>>) src(%arg6 : memref<128x128xi32, #tpu.memory_space<vmem>>) dst(%dma_wait3A_76 : memref<128x128xi32, #tpu.memory_space<hbm>>)
        tpu.yield
      }) : () -> ()
      %add3A_42 = arith.constant 2 : i32
      %add3A_43 = arith.addi %mul3A_32, %add3A_42 : i32
      %mul3A_44 = arith.constant 128 : i32
      %mul3A_45 = arith.muli %add3A_43, %mul3A_44 : i32
      %dma_start3A_46 = tpu.memref_slice %arg5[%mul3A_45] : memref<4096xi32, #tpu.memory_space<vmem>> -> memref<128xi32, #tpu.memory_space<vmem>>
      %dma_start3A_47 = arith.constant 0 : i32
      %dma_start3A_48 = arith.constant 0 : i32
      %dma_start3A_49 = tpu.memref_slice %arg2[%dma_start3A_47, %dma_start3A_48] : memref<8192x128xi32, #tpu.memory_space<hbm>> -> memref<8192x128xi32, #tpu.memory_space<hbm>>
      tpu.enqueue_indirect_dma source(%dma_start3A_49 : memref<8192x128xi32, #tpu.memory_space<hbm>>) target(%arg6 : memref<128x128xi32, #tpu.memory_space<vmem>>) offsets(%dma_start3A_46 : memref<128xi32, #tpu.memory_space<vmem>>) semaphore(%arg8 : memref<!tpu.dma_semaphore, #tpu.memory_space<semaphore_mem>>)
      %add3A_50 = arith.constant 1 : i32
      %add3A_51 = arith.addi %mul3A_32, %add3A_50 : i32
      %mul3A_52 = arith.constant 128 : i32
      %mul3A_53 = arith.muli %add3A_51, %mul3A_52 : i32
      %dma_wait3A_54 = tpu.memref_slice %arg5[%mul3A_53] : memref<4096xi32, #tpu.memory_space<vmem>> -> memref<128xi32, #tpu.memory_space<vmem>>
      %dma_wait3A_55 = arith.constant 0 : i32
      %dma_wait3A_56 = arith.constant 0 : i32
      %dma_wait3A_57 = tpu.memref_slice %arg2[%dma_wait3A_55, %dma_wait3A_56] : memref<8192x128xi32, #tpu.memory_space<hbm>> -> memref<8192x128xi32, #tpu.memory_space<hbm>>
      tpu.wait_indirect_dma semaphore(%arg9 : memref<!tpu.dma_semaphore, #tpu.memory_space<semaphore_mem>>) src(%dma_wait3A_57 : memref<8192x128xi32, #tpu.memory_space<hbm>>) dst(%arg7 : memref<128x128xi32, #tpu.memory_space<vmem>>)
      %mul3A_58 = arith.constant 128 : i32
      %mul3A_59 = arith.muli %add3A_51, %mul3A_58 : i32
      %add3A_60 = arith.addi %mul3A_2, %mul3A_59 : i32
      "tpu.region"() ({
        %run_scoped3A = tpu.sem_alloc : memref<!tpu.dma_semaphore, #tpu.memory_space<semaphore_mem>>
        %dma_start3A_69 = arith.constant 0 : i32
        %dma_start3A_70 = tpu.memref_slice %arg4[%add3A_60, %dma_start3A_69] : memref<131072x128xi32, #tpu.memory_space<hbm>> -> memref<128x128xi32, #tpu.memory_space<hbm>>
        %dma_start3A_71 = arith.constant 0 : i32
        %dma_start3A_72 = tpu.memref_slice %arg4[%add3A_60, %dma_start3A_71] : memref<131072x128xi32, #tpu.memory_space<hbm>> -> memref<128x128xi32, #tpu.memory_space<hbm>>
        tpu.enqueue_dma source(%arg7 : memref<128x128xi32, #tpu.memory_space<vmem>>) target(%dma_start3A_72 : memref<128x128xi32, #tpu.memory_space<hbm>>) target_semaphore(%run_scoped3A : memref<!tpu.dma_semaphore, #tpu.memory_space<semaphore_mem>>)
        %dma_wait3A_73 = arith.constant 0 : i32
        %dma_wait3A_74 = tpu.memref_slice %arg4[%add3A_60, %dma_wait3A_73] : memref<131072x128xi32, #tpu.memory_space<hbm>> -> memref<128x128xi32, #tpu.memory_space<hbm>>
        %dma_wait3A_75 = arith.constant 0 : i32
        %dma_wait3A_76 = tpu.memref_slice %arg4[%add3A_60, %dma_wait3A_75] : memref<131072x128xi32, #tpu.memory_space<hbm>> -> memref<128x128xi32, #tpu.memory_space<hbm>>
        tpu.wait_dma2 semaphore(%run_scoped3A : memref<!tpu.dma_semaphore, #tpu.memory_space<semaphore_mem>>) src(%arg7 : memref<128x128xi32, #tpu.memory_space<vmem>>) dst(%dma_wait3A_76 : memref<128x128xi32, #tpu.memory_space<hbm>>)
        tpu.yield
      }) : () -> ()
      %add3A_61 = arith.constant 3 : i32
      %add3A_62 = arith.addi %mul3A_32, %add3A_61 : i32
      %mul3A_63 = arith.constant 128 : i32
      %mul3A_64 = arith.muli %add3A_62, %mul3A_63 : i32
      %dma_start3A_65 = tpu.memref_slice %arg5[%mul3A_64] : memref<4096xi32, #tpu.memory_space<vmem>> -> memref<128xi32, #tpu.memory_space<vmem>>
      %dma_start3A_66 = arith.constant 0 : i32
      %dma_start3A_67 = arith.constant 0 : i32
      %dma_start3A_68 = tpu.memref_slice %arg2[%dma_start3A_66, %dma_start3A_67] : memref<8192x128xi32, #tpu.memory_space<hbm>> -> memref<8192x128xi32, #tpu.memory_space<hbm>>
      tpu.enqueue_indirect_dma source(%dma_start3A_68 : memref<8192x128xi32, #tpu.memory_space<hbm>>) target(%arg7 : memref<128x128xi32, #tpu.memory_space<vmem>>) offsets(%dma_start3A_65 : memref<128xi32, #tpu.memory_space<vmem>>) semaphore(%arg9 : memref<!tpu.dma_semaphore, #tpu.memory_space<semaphore_mem>>)
    }
    %scan3A_16 = arith.constant 15 : i32
    %dma_wait3A = arith.constant 3840 : i32
    %dma_wait3A_17 = tpu.memref_slice %arg5[%dma_wait3A] : memref<4096xi32, #tpu.memory_space<vmem>> -> memref<128xi32, #tpu.memory_space<vmem>>
    %dma_wait3A_18 = arith.constant 0 : i32
    %dma_wait3A_19 = arith.constant 0 : i32
    %dma_wait3A_20 = tpu.memref_slice %arg2[%dma_wait3A_18, %dma_wait3A_19] : memref<8192x128xi32, #tpu.memory_space<hbm>> -> memref<8192x128xi32, #tpu.memory_space<hbm>>
    tpu.wait_indirect_dma semaphore(%arg8 : memref<!tpu.dma_semaphore, #tpu.memory_space<semaphore_mem>>) src(%dma_wait3A_20 : memref<8192x128xi32, #tpu.memory_space<hbm>>) dst(%arg6 : memref<128x128xi32, #tpu.memory_space<vmem>>)
    %add3A_21 = arith.constant 3840 : i32
    %add3A_22 = arith.addi %mul3A_2, %add3A_21 : i32
    "tpu.region"() ({
      %run_scoped3A = tpu.sem_alloc : memref<!tpu.dma_semaphore, #tpu.memory_space<semaphore_mem>>
      %dma_start3A_30 = arith.constant 0 : i32
      %dma_start3A_31 = tpu.memref_slice %arg4[%add3A_22, %dma_start3A_30] : memref<131072x128xi32, #tpu.memory_space<hbm>> -> memref<128x128xi32, #tpu.memory_space<hbm>>
      %dma_start3A_32 = arith.constant 0 : i32
      %dma_start3A_33 = tpu.memref_slice %arg4[%add3A_22, %dma_start3A_32] : memref<131072x128xi32, #tpu.memory_space<hbm>> -> memref<128x128xi32, #tpu.memory_space<hbm>>
      tpu.enqueue_dma source(%arg6 : memref<128x128xi32, #tpu.memory_space<vmem>>) target(%dma_start3A_33 : memref<128x128xi32, #tpu.memory_space<hbm>>) target_semaphore(%run_scoped3A : memref<!tpu.dma_semaphore, #tpu.memory_space<semaphore_mem>>)
      %dma_wait3A_34 = arith.constant 0 : i32
      %dma_wait3A_35 = tpu.memref_slice %arg4[%add3A_22, %dma_wait3A_34] : memref<131072x128xi32, #tpu.memory_space<hbm>> -> memref<128x128xi32, #tpu.memory_space<hbm>>
      %dma_wait3A_36 = arith.constant 0 : i32
      %dma_wait3A_37 = tpu.memref_slice %arg4[%add3A_22, %dma_wait3A_36] : memref<131072x128xi32, #tpu.memory_space<hbm>> -> memref<128x128xi32, #tpu.memory_space<hbm>>
      tpu.wait_dma2 semaphore(%run_scoped3A : memref<!tpu.dma_semaphore, #tpu.memory_space<semaphore_mem>>) src(%arg6 : memref<128x128xi32, #tpu.memory_space<vmem>>) dst(%dma_wait3A_37 : memref<128x128xi32, #tpu.memory_space<hbm>>)
      tpu.yield
    }) : () -> ()
    %dma_wait3A_23 = arith.constant 3968 : i32
    %dma_wait3A_24 = tpu.memref_slice %arg5[%dma_wait3A_23] : memref<4096xi32, #tpu.memory_space<vmem>> -> memref<128xi32, #tpu.memory_space<vmem>>
    %dma_wait3A_25 = arith.constant 0 : i32
    %dma_wait3A_26 = arith.constant 0 : i32
    %dma_wait3A_27 = tpu.memref_slice %arg2[%dma_wait3A_25, %dma_wait3A_26] : memref<8192x128xi32, #tpu.memory_space<hbm>> -> memref<8192x128xi32, #tpu.memory_space<hbm>>
    tpu.wait_indirect_dma semaphore(%arg9 : memref<!tpu.dma_semaphore, #tpu.memory_space<semaphore_mem>>) src(%dma_wait3A_27 : memref<8192x128xi32, #tpu.memory_space<hbm>>) dst(%arg7 : memref<128x128xi32, #tpu.memory_space<vmem>>)
    %add3A_28 = arith.constant 3968 : i32
    %add3A_29 = arith.addi %mul3A_2, %add3A_28 : i32
    "tpu.region"() ({
      %run_scoped3A = tpu.sem_alloc : memref<!tpu.dma_semaphore, #tpu.memory_space<semaphore_mem>>
      %dma_start3A_30 = arith.constant 0 : i32
      %dma_start3A_31 = tpu.memref_slice %arg4[%add3A_29, %dma_start3A_30] : memref<131072x128xi32, #tpu.memory_space<hbm>> -> memref<128x128xi32, #tpu.memory_space<hbm>>
      %dma_start3A_32 = arith.constant 0 : i32
      %dma_start3A_33 = tpu.memref_slice %arg4[%add3A_29, %dma_start3A_32] : memref<131072x128xi32, #tpu.memory_space<hbm>> -> memref<128x128xi32, #tpu.memory_space<hbm>>
      tpu.enqueue_dma source(%arg7 : memref<128x128xi32, #tpu.memory_space<vmem>>) target(%dma_start3A_33 : memref<128x128xi32, #tpu.memory_space<hbm>>) target_semaphore(%run_scoped3A : memref<!tpu.dma_semaphore, #tpu.memory_space<semaphore_mem>>)
      %dma_wait3A_34 = arith.constant 0 : i32
      %dma_wait3A_35 = tpu.memref_slice %arg4[%add3A_29, %dma_wait3A_34] : memref<131072x128xi32, #tpu.memory_space<hbm>> -> memref<128x128xi32, #tpu.memory_space<hbm>>
      %dma_wait3A_36 = arith.constant 0 : i32
      %dma_wait3A_37 = tpu.memref_slice %arg4[%add3A_29, %dma_wait3A_36] : memref<131072x128xi32, #tpu.memory_space<hbm>> -> memref<128x128xi32, #tpu.memory_space<hbm>>
      tpu.wait_dma2 semaphore(%run_scoped3A : memref<!tpu.dma_semaphore, #tpu.memory_space<semaphore_mem>>) src(%arg7 : memref<128x128xi32, #tpu.memory_space<vmem>>) dst(%dma_wait3A_37 : memref<128x128xi32, #tpu.memory_space<hbm>>)
      tpu.yield
    }) : () -> ()
    return
  }
}

#map = affine_map<(d0, d1) -> (0, 0)>
module attributes {stable_mosaic.version = 14 : i64} {
  func.func @_build_a(%arg0: i32, %arg1: i32, %arg2: memref<8192x16xf32, #tpu.memory_space<hbm>>, %arg3: memref<8192x16xi32, #tpu.memory_space<hbm>>, %arg4: memref<8192x1024xf32, #tpu.memory_space<hbm>>, %arg5: memref<256x16xf32, #tpu.memory_space<vmem>>, %arg6: memref<256x16xi32, #tpu.memory_space<vmem>>, %arg7: memref<1024xf32, #tpu.memory_space<vmem>>, %arg8: memref<1024xf32, #tpu.memory_space<vmem>>, %arg9: memref<!tpu.dma_semaphore, #tpu.memory_space<semaphore_mem>>, %arg10: memref<!tpu.dma_semaphore, #tpu.memory_space<semaphore_mem>>) attributes {dimension_semantics = [#tpu.dimension_semantics<core_parallel>, #tpu.dimension_semantics<subcore_parallel>], iteration_bounds = array<i64: 2, 16>, scalar_prefetch = 0 : i64, scratch_operands = 6 : i64, tpu.core_type = #tpu.core_type<sc_vector_subcore>, window_params = [{transform_indices = #map}, {transform_indices = #map}, {transform_indices = #map}]} {
    %mul3A = arith.constant 2 : i32
    %mul3A_0 = arith.muli %arg1, %mul3A : i32
    %add3A = arith.addi %mul3A_0, %arg0 : i32
    %mul3A_1 = arith.constant 256 : i32
    %mul3A_2 = arith.muli %add3A, %mul3A_1 : i32
    "tpu.region"() ({
      %run_scoped3A = tpu.sem_alloc : memref<!tpu.dma_semaphore, #tpu.memory_space<semaphore_mem>>
      %dma_start3A_63 = arith.constant 0 : i32
      %dma_start3A_64 = tpu.memref_slice %arg2[%mul3A_2, %dma_start3A_63] : memref<8192x16xf32, #tpu.memory_space<hbm>> -> memref<256x16xf32, #tpu.memory_space<hbm>>
      %dma_start3A_65 = arith.constant 0 : i32
      %dma_start3A_66 = tpu.memref_slice %arg2[%mul3A_2, %dma_start3A_65] : memref<8192x16xf32, #tpu.memory_space<hbm>> -> memref<256x16xf32, #tpu.memory_space<hbm>>
      tpu.enqueue_dma source(%dma_start3A_66 : memref<256x16xf32, #tpu.memory_space<hbm>>) target(%arg5 : memref<256x16xf32, #tpu.memory_space<vmem>>) target_semaphore(%run_scoped3A : memref<!tpu.dma_semaphore, #tpu.memory_space<semaphore_mem>>)
      %dma_wait3A_67 = arith.constant 0 : i32
      %dma_wait3A_68 = tpu.memref_slice %arg2[%mul3A_2, %dma_wait3A_67] : memref<8192x16xf32, #tpu.memory_space<hbm>> -> memref<256x16xf32, #tpu.memory_space<hbm>>
      %dma_wait3A_69 = arith.constant 0 : i32
      %dma_wait3A_70 = tpu.memref_slice %arg2[%mul3A_2, %dma_wait3A_69] : memref<8192x16xf32, #tpu.memory_space<hbm>> -> memref<256x16xf32, #tpu.memory_space<hbm>>
      tpu.wait_dma2 semaphore(%run_scoped3A : memref<!tpu.dma_semaphore, #tpu.memory_space<semaphore_mem>>) src(%dma_wait3A_70 : memref<256x16xf32, #tpu.memory_space<hbm>>) dst(%arg5 : memref<256x16xf32, #tpu.memory_space<vmem>>)
      tpu.yield
    }) : () -> ()
    "tpu.region"() ({
      %run_scoped3A = tpu.sem_alloc : memref<!tpu.dma_semaphore, #tpu.memory_space<semaphore_mem>>
      %dma_start3A_63 = arith.constant 0 : i32
      %dma_start3A_64 = tpu.memref_slice %arg3[%mul3A_2, %dma_start3A_63] : memref<8192x16xi32, #tpu.memory_space<hbm>> -> memref<256x16xi32, #tpu.memory_space<hbm>>
      %dma_start3A_65 = arith.constant 0 : i32
      %dma_start3A_66 = tpu.memref_slice %arg3[%mul3A_2, %dma_start3A_65] : memref<8192x16xi32, #tpu.memory_space<hbm>> -> memref<256x16xi32, #tpu.memory_space<hbm>>
      tpu.enqueue_dma source(%dma_start3A_66 : memref<256x16xi32, #tpu.memory_space<hbm>>) target(%arg6 : memref<256x16xi32, #tpu.memory_space<vmem>>) target_semaphore(%run_scoped3A : memref<!tpu.dma_semaphore, #tpu.memory_space<semaphore_mem>>)
      %dma_wait3A_67 = arith.constant 0 : i32
      %dma_wait3A_68 = tpu.memref_slice %arg3[%mul3A_2, %dma_wait3A_67] : memref<8192x16xi32, #tpu.memory_space<hbm>> -> memref<256x16xi32, #tpu.memory_space<hbm>>
      %dma_wait3A_69 = arith.constant 0 : i32
      %dma_wait3A_70 = tpu.memref_slice %arg3[%mul3A_2, %dma_wait3A_69] : memref<8192x16xi32, #tpu.memory_space<hbm>> -> memref<256x16xi32, #tpu.memory_space<hbm>>
      tpu.wait_dma2 semaphore(%run_scoped3A : memref<!tpu.dma_semaphore, #tpu.memory_space<semaphore_mem>>) src(%dma_wait3A_70 : memref<256x16xi32, #tpu.memory_space<hbm>>) dst(%arg6 : memref<256x16xi32, #tpu.memory_space<vmem>>)
      tpu.yield
    }) : () -> ()
    %broadcast_in_dim3A = arith.constant 0.000000e+00 : f32
    %broadcast_in_dim3A_3 = vector.broadcast %broadcast_in_dim3A : f32 to vector<16xf32>
    %scan3A = arith.constant 0 : i32
    %scan3A_4 = arith.constant 0 : i32
    %scan3A_5 = arith.constant 64 : i32
    %scan3A_6 = arith.addi %scan3A_4, %scan3A_5 : i32
    %scan3A_7 = arith.constant 1 : i32
    scf.for %scan3A_63 = %scan3A_4 to %scan3A_6 step %scan3A_7  : i32 {
      %mul3A_64 = arith.constant 16 : i32
      %mul3A_65 = arith.muli %scan3A_63, %mul3A_64 : i32
      %swap3A = arith.index_cast %mul3A_65 : i32 to index
      %swap3A_66 = tpu.vector_load %arg7[%swap3A] {strides = array<i32>} : memref<1024xf32, #tpu.memory_space<vmem>>, vector<16xf32>,
      tpu.vector_store %arg7[%swap3A], %broadcast_in_dim3A_3 {strides = array<i32>} : memref<1024xf32, #tpu.memory_space<vmem>>, vector<16xf32>,
      %mul3A_67 = arith.constant 16 : i32
      %mul3A_68 = arith.muli %scan3A_63, %mul3A_67 : i32
      %swap3A_69 = arith.index_cast %mul3A_68 : i32 to index
      %swap3A_70 = tpu.vector_load %arg8[%swap3A_69] {strides = array<i32>} : memref<1024xf32, #tpu.memory_space<vmem>>, vector<16xf32>,
      tpu.vector_store %arg8[%swap3A_69], %broadcast_in_dim3A_3 {strides = array<i32>} : memref<1024xf32, #tpu.memory_space<vmem>>, vector<16xf32>,
    }
    %scan3A_8 = arith.constant 64 : i32
    %get3A = arith.constant 0 : i32
    %get3A_9 = arith.index_cast %get3A : i32 to index
    %get3A_10 = arith.constant 0 : index
    %get3A_11 = tpu.vector_load %arg6[%get3A_9, %get3A_10] {strides = array<i32>} : memref<256x16xi32, #tpu.memory_space<vmem>>, vector<16xi32>,
    %get3A_12 = arith.constant 0 : i32
    %get3A_13 = arith.index_cast %get3A_12 : i32 to index
    %get3A_14 = arith.constant 0 : index
    %get3A_15 = tpu.vector_load %arg5[%get3A_13, %get3A_14] {strides = array<i32>} : memref<256x16xf32, #tpu.memory_space<vmem>>, vector<16xf32>,
    tpu.vector_store_idx %arg7[%get3A_11], %get3A_15 : memref<1024xf32, #tpu.memory_space<vmem>>[vector<16xi32>], vector<16xf32>,
    %add3A_16 = arith.constant 0 : i32
    %add3A_17 = arith.addi %mul3A_2, %add3A_16 : i32
    %dma_start3A = arith.constant 0 : i32
    %dma_start3A_18 = tpu.memref_slice %arg4[%add3A_17, %dma_start3A] : memref<8192x1024xf32, #tpu.memory_space<hbm>> -> memref<1x1024xf32, #tpu.memory_space<hbm>>
    %dma_start3A_19 = tpu.memref_squeeze %dma_start3A_18 : memref<1x1024xf32, #tpu.memory_space<hbm>> -> memref<1024xf32, #tpu.memory_space<hbm>>
    %dma_start3A_20 = arith.constant 0 : i32
    %dma_start3A_21 = tpu.memref_slice %arg4[%add3A_17, %dma_start3A_20] : memref<8192x1024xf32, #tpu.memory_space<hbm>> -> memref<1x1024xf32, #tpu.memory_space<hbm>>
    %dma_start3A_22 = tpu.memref_squeeze %dma_start3A_21 : memref<1x1024xf32, #tpu.memory_space<hbm>> -> memref<1024xf32, #tpu.memory_space<hbm>>
    tpu.enqueue_dma source(%arg7 : memref<1024xf32, #tpu.memory_space<vmem>>) target(%dma_start3A_22 : memref<1024xf32, #tpu.memory_space<hbm>>) target_semaphore(%arg9 : memref<!tpu.dma_semaphore, #tpu.memory_space<semaphore_mem>>)
    %get3A_23 = arith.constant 1 : i32
    %get3A_24 = arith.index_cast %get3A_23 : i32 to index
    %get3A_25 = arith.constant 0 : index
    %get3A_26 = tpu.vector_load %arg6[%get3A_24, %get3A_25] {strides = array<i32>} : memref<256x16xi32, #tpu.memory_space<vmem>>, vector<16xi32>,
    %get3A_27 = arith.constant 1 : i32
    %get3A_28 = arith.index_cast %get3A_27 : i32 to index
    %get3A_29 = arith.constant 0 : index
    %get3A_30 = tpu.vector_load %arg5[%get3A_28, %get3A_29] {strides = array<i32>} : memref<256x16xf32, #tpu.memory_space<vmem>>, vector<16xf32>,
    tpu.vector_store_idx %arg8[%get3A_26], %get3A_30 : memref<1024xf32, #tpu.memory_space<vmem>>[vector<16xi32>], vector<16xf32>,
    %add3A_31 = arith.constant 1 : i32
    %add3A_32 = arith.addi %mul3A_2, %add3A_31 : i32
    %dma_start3A_33 = arith.constant 0 : i32
    %dma_start3A_34 = tpu.memref_slice %arg4[%add3A_32, %dma_start3A_33] : memref<8192x1024xf32, #tpu.memory_space<hbm>> -> memref<1x1024xf32, #tpu.memory_space<hbm>>
    %dma_start3A_35 = tpu.memref_squeeze %dma_start3A_34 : memref<1x1024xf32, #tpu.memory_space<hbm>> -> memref<1024xf32, #tpu.memory_space<hbm>>
    %dma_start3A_36 = arith.constant 0 : i32
    %dma_start3A_37 = tpu.memref_slice %arg4[%add3A_32, %dma_start3A_36] : memref<8192x1024xf32, #tpu.memory_space<hbm>> -> memref<1x1024xf32, #tpu.memory_space<hbm>>
    %dma_start3A_38 = tpu.memref_squeeze %dma_start3A_37 : memref<1x1024xf32, #tpu.memory_space<hbm>> -> memref<1024xf32, #tpu.memory_space<hbm>>
    tpu.enqueue_dma source(%arg8 : memref<1024xf32, #tpu.memory_space<vmem>>) target(%dma_start3A_38 : memref<1024xf32, #tpu.memory_space<hbm>>) target_semaphore(%arg10 : memref<!tpu.dma_semaphore, #tpu.memory_space<semaphore_mem>>)
    %scan3A_39 = arith.constant 0 : i32
    %scan3A_40 = arith.constant 1 : i32
    %scan3A_41 = arith.constant 127 : i32
    %scan3A_42 = arith.addi %scan3A_40, %scan3A_41 : i32
    %scan3A_43 = arith.constant 1 : i32
    scf.for %scan3A_63 = %scan3A_40 to %scan3A_42 step %scan3A_43  : i32 {
      %mul3A_64 = arith.constant 2 : i32
      %mul3A_65 = arith.muli %scan3A_63, %mul3A_64 : i32
      %sub3A_66 = arith.constant 2 : i32
      %sub3A_67 = arith.subi %mul3A_65, %sub3A_66 : i32
      %add3A_68 = arith.addi %mul3A_2, %sub3A_67 : i32
      %dma_wait3A_69 = arith.constant 0 : i32
      %dma_wait3A_70 = tpu.memref_slice %arg4[%add3A_68, %dma_wait3A_69] : memref<8192x1024xf32, #tpu.memory_space<hbm>> -> memref<1x1024xf32, #tpu.memory_space<hbm>>
      %dma_wait3A_71 = tpu.memref_squeeze %dma_wait3A_70 : memref<1x1024xf32, #tpu.memory_space<hbm>> -> memref<1024xf32, #tpu.memory_space<hbm>>
      %dma_wait3A_72 = arith.constant 0 : i32
      %dma_wait3A_73 = tpu.memref_slice %arg4[%add3A_68, %dma_wait3A_72] : memref<8192x1024xf32, #tpu.memory_space<hbm>> -> memref<1x1024xf32, #tpu.memory_space<hbm>>
      %dma_wait3A_74 = tpu.memref_squeeze %dma_wait3A_73 : memref<1x1024xf32, #tpu.memory_space<hbm>> -> memref<1024xf32, #tpu.memory_space<hbm>>
      tpu.wait_dma2 semaphore(%arg9 : memref<!tpu.dma_semaphore, #tpu.memory_space<semaphore_mem>>) src(%arg7 : memref<1024xf32, #tpu.memory_space<vmem>>) dst(%dma_wait3A_74 : memref<1024xf32, #tpu.memory_space<hbm>>)
      %get3A_75 = arith.index_cast %sub3A_67 : i32 to index
      %get3A_76 = arith.constant 0 : index
      %get3A_77 = tpu.vector_load %arg6[%get3A_75, %get3A_76] {strides = array<i32>} : memref<256x16xi32, #tpu.memory_space<vmem>>, vector<16xi32>,
      tpu.vector_store_idx %arg7[%get3A_77], %broadcast_in_dim3A_3 : memref<1024xf32, #tpu.memory_space<vmem>>[vector<16xi32>], vector<16xf32>,
      %get3A_78 = arith.index_cast %mul3A_65 : i32 to index
      %get3A_79 = arith.constant 0 : index
      %get3A_80 = tpu.vector_load %arg6[%get3A_78, %get3A_79] {strides = array<i32>} : memref<256x16xi32, #tpu.memory_space<vmem>>, vector<16xi32>,
      %get3A_81 = arith.index_cast %mul3A_65 : i32 to index
      %get3A_82 = arith.constant 0 : index
      %get3A_83 = tpu.vector_load %arg5[%get3A_81, %get3A_82] {strides = array<i32>} : memref<256x16xf32, #tpu.memory_space<vmem>>, vector<16xf32>,
      tpu.vector_store_idx %arg7[%get3A_80], %get3A_83 : memref<1024xf32, #tpu.memory_space<vmem>>[vector<16xi32>], vector<16xf32>,
      %add3A_84 = arith.addi %mul3A_2, %mul3A_65 : i32
      %dma_start3A_85 = arith.constant 0 : i32
      %dma_start3A_86 = tpu.memref_slice %arg4[%add3A_84, %dma_start3A_85] : memref<8192x1024xf32, #tpu.memory_space<hbm>> -> memref<1x1024xf32, #tpu.memory_space<hbm>>
      %dma_start3A_87 = tpu.memref_squeeze %dma_start3A_86 : memref<1x1024xf32, #tpu.memory_space<hbm>> -> memref<1024xf32, #tpu.memory_space<hbm>>
      %dma_start3A_88 = arith.constant 0 : i32
      %dma_start3A_89 = tpu.memref_slice %arg4[%add3A_84, %dma_start3A_88] : memref<8192x1024xf32, #tpu.memory_space<hbm>> -> memref<1x1024xf32, #tpu.memory_space<hbm>>
      %dma_start3A_90 = tpu.memref_squeeze %dma_start3A_89 : memref<1x1024xf32, #tpu.memory_space<hbm>> -> memref<1024xf32, #tpu.memory_space<hbm>>
      tpu.enqueue_dma source(%arg7 : memref<1024xf32, #tpu.memory_space<vmem>>) target(%dma_start3A_90 : memref<1024xf32, #tpu.memory_space<hbm>>) target_semaphore(%arg9 : memref<!tpu.dma_semaphore, #tpu.memory_space<semaphore_mem>>)
      %sub3A_91 = arith.constant 1 : i32
      %sub3A_92 = arith.subi %mul3A_65, %sub3A_91 : i32
      %add3A_93 = arith.addi %mul3A_2, %sub3A_92 : i32
      %dma_wait3A_94 = arith.constant 0 : i32
      %dma_wait3A_95 = tpu.memref_slice %arg4[%add3A_93, %dma_wait3A_94] : memref<8192x1024xf32, #tpu.memory_space<hbm>> -> memref<1x1024xf32, #tpu.memory_space<hbm>>
      %dma_wait3A_96 = tpu.memref_squeeze %dma_wait3A_95 : memref<1x1024xf32, #tpu.memory_space<hbm>> -> memref<1024xf32, #tpu.memory_space<hbm>>
      %dma_wait3A_97 = arith.constant 0 : i32
      %dma_wait3A_98 = tpu.memref_slice %arg4[%add3A_93, %dma_wait3A_97] : memref<8192x1024xf32, #tpu.memory_space<hbm>> -> memref<1x1024xf32, #tpu.memory_space<hbm>>
      %dma_wait3A_99 = tpu.memref_squeeze %dma_wait3A_98 : memref<1x1024xf32, #tpu.memory_space<hbm>> -> memref<1024xf32, #tpu.memory_space<hbm>>
      tpu.wait_dma2 semaphore(%arg10 : memref<!tpu.dma_semaphore, #tpu.memory_space<semaphore_mem>>) src(%arg8 : memref<1024xf32, #tpu.memory_space<vmem>>) dst(%dma_wait3A_99 : memref<1024xf32, #tpu.memory_space<hbm>>)
      %get3A_100 = arith.index_cast %sub3A_92 : i32 to index
      %get3A_101 = arith.constant 0 : index
      %get3A_102 = tpu.vector_load %arg6[%get3A_100, %get3A_101] {strides = array<i32>} : memref<256x16xi32, #tpu.memory_space<vmem>>, vector<16xi32>,
      tpu.vector_store_idx %arg8[%get3A_102], %broadcast_in_dim3A_3 : memref<1024xf32, #tpu.memory_space<vmem>>[vector<16xi32>], vector<16xf32>,
      %add3A_103 = arith.constant 1 : i32
      %add3A_104 = arith.addi %mul3A_65, %add3A_103 : i32
      %get3A_105 = arith.index_cast %add3A_104 : i32 to index
      %get3A_106 = arith.constant 0 : index
      %get3A_107 = tpu.vector_load %arg6[%get3A_105, %get3A_106] {strides = array<i32>} : memref<256x16xi32, #tpu.memory_space<vmem>>, vector<16xi32>,
      %get3A_108 = arith.index_cast %add3A_104 : i32 to index
      %get3A_109 = arith.constant 0 : index
      %get3A_110 = tpu.vector_load %arg5[%get3A_108, %get3A_109] {strides = array<i32>} : memref<256x16xf32, #tpu.memory_space<vmem>>, vector<16xf32>,
      tpu.vector_store_idx %arg8[%get3A_107], %get3A_110 : memref<1024xf32, #tpu.memory_space<vmem>>[vector<16xi32>], vector<16xf32>,
      %add3A_111 = arith.addi %mul3A_2, %add3A_104 : i32
      %dma_start3A_112 = arith.constant 0 : i32
      %dma_start3A_113 = tpu.memref_slice %arg4[%add3A_111, %dma_start3A_112] : memref<8192x1024xf32, #tpu.memory_space<hbm>> -> memref<1x1024xf32, #tpu.memory_space<hbm>>
      %dma_start3A_114 = tpu.memref_squeeze %dma_start3A_113 : memref<1x1024xf32, #tpu.memory_space<hbm>> -> memref<1024xf32, #tpu.memory_space<hbm>>
      %dma_start3A_115 = arith.constant 0 : i32
      %dma_start3A_116 = tpu.memref_slice %arg4[%add3A_111, %dma_start3A_115] : memref<8192x1024xf32, #tpu.memory_space<hbm>> -> memref<1x1024xf32, #tpu.memory_space<hbm>>
      %dma_start3A_117 = tpu.memref_squeeze %dma_start3A_116 : memref<1x1024xf32, #tpu.memory_space<hbm>> -> memref<1024xf32, #tpu.memory_space<hbm>>
      tpu.enqueue_dma source(%arg8 : memref<1024xf32, #tpu.memory_space<vmem>>) target(%dma_start3A_117 : memref<1024xf32, #tpu.memory_space<hbm>>) target_semaphore(%arg10 : memref<!tpu.dma_semaphore, #tpu.memory_space<semaphore_mem>>)
    }
    %scan3A_44 = arith.constant 127 : i32
    %add3A_45 = arith.constant 256 : i32
    %add3A_46 = arith.addi %mul3A_2, %add3A_45 : i32
    %sub3A = arith.constant 2 : i32
    %sub3A_47 = arith.subi %add3A_46, %sub3A : i32
    %dma_wait3A = arith.constant 0 : i32
    %dma_wait3A_48 = tpu.memref_slice %arg4[%sub3A_47, %dma_wait3A] : memref<8192x1024xf32, #tpu.memory_space<hbm>> -> memref<1x1024xf32, #tpu.memory_space<hbm>>
    %dma_wait3A_49 = tpu.memref_squeeze %dma_wait3A_48 : memref<1x1024xf32, #tpu.memory_space<hbm>> -> memref<1024xf32, #tpu.memory_space<hbm>>
    %dma_wait3A_50 = arith.constant 0 : i32
    %dma_wait3A_51 = tpu.memref_slice %arg4[%sub3A_47, %dma_wait3A_50] : memref<8192x1024xf32, #tpu.memory_space<hbm>> -> memref<1x1024xf32, #tpu.memory_space<hbm>>
    %dma_wait3A_52 = tpu.memref_squeeze %dma_wait3A_51 : memref<1x1024xf32, #tpu.memory_space<hbm>> -> memref<1024xf32, #tpu.memory_space<hbm>>
    tpu.wait_dma2 semaphore(%arg9 : memref<!tpu.dma_semaphore, #tpu.memory_space<semaphore_mem>>) src(%arg7 : memref<1024xf32, #tpu.memory_space<vmem>>) dst(%dma_wait3A_52 : memref<1024xf32, #tpu.memory_space<hbm>>)
    %add3A_53 = arith.constant 256 : i32
    %add3A_54 = arith.addi %mul3A_2, %add3A_53 : i32
    %sub3A_55 = arith.constant 1 : i32
    %sub3A_56 = arith.subi %add3A_54, %sub3A_55 : i32
    %dma_wait3A_57 = arith.constant 0 : i32
    %dma_wait3A_58 = tpu.memref_slice %arg4[%sub3A_56, %dma_wait3A_57] : memref<8192x1024xf32, #tpu.memory_space<hbm>> -> memref<1x1024xf32, #tpu.memory_space<hbm>>
    %dma_wait3A_59 = tpu.memref_squeeze %dma_wait3A_58 : memref<1x1024xf32, #tpu.memory_space<hbm>> -> memref<1024xf32, #tpu.memory_space<hbm>>
    %dma_wait3A_60 = arith.constant 0 : i32
    %dma_wait3A_61 = tpu.memref_slice %arg4[%sub3A_56, %dma_wait3A_60] : memref<8192x1024xf32, #tpu.memory_space<hbm>> -> memref<1x1024xf32, #tpu.memory_space<hbm>>
    %dma_wait3A_62 = tpu.memref_squeeze %dma_wait3A_61 : memref<1x1024xf32, #tpu.memory_space<hbm>> -> memref<1024xf32, #tpu.memory_space<hbm>>
    tpu.wait_dma2 semaphore(%arg10 : memref<!tpu.dma_semaphore, #tpu.memory_space<semaphore_mem>>) src(%arg8 : memref<1024xf32, #tpu.memory_space<vmem>>) dst(%dma_wait3A_62 : memref<1024xf32, #tpu.memory_space<hbm>>)
    return
  }
}

#map = affine_map<(d0, d1) -> (0, 0)>
#map1 = affine_map<(d0, d1) -> (0)>
module attributes {stable_mosaic.version = 14 : i64} {
  func.func @_gather_rows(%arg0: i32, %arg1: i32, %arg2: memref<8192x128xi32, #tpu.memory_space<hbm>>, %arg3: memref<131072xi32, #tpu.memory_space<hbm>>, %arg4: memref<131072x128xi32, #tpu.memory_space<hbm>>, %arg5: memref<4096xi32, #tpu.memory_space<vmem>>, %arg6: memref<128x128xi32, #tpu.memory_space<vmem>>, %arg7: memref<128x128xi32, #tpu.memory_space<vmem>>, %arg8: memref<!tpu.dma_semaphore, #tpu.memory_space<semaphore_mem>>, %arg9: memref<!tpu.dma_semaphore, #tpu.memory_space<semaphore_mem>>) attributes {dimension_semantics = [#tpu.dimension_semantics<core_parallel>, #tpu.dimension_semantics<subcore_parallel>], iteration_bounds = array<i64: 2, 16>, scalar_prefetch = 0 : i64, scratch_operands = 5 : i64, tpu.core_type = #tpu.core_type<sc_vector_subcore>, window_params = [{transform_indices = #map}, {transform_indices = #map1}, {transform_indices = #map}]} {
    %mul3A = arith.constant 2 : i32
    %mul3A_0 = arith.muli %arg1, %mul3A : i32
    %add3A = arith.addi %mul3A_0, %arg0 : i32
    %mul3A_1 = arith.constant 4096 : i32
    %mul3A_2 = arith.muli %add3A, %mul3A_1 : i32
    "tpu.region"() ({
      %run_scoped3A = tpu.sem_alloc : memref<!tpu.dma_semaphore, #tpu.memory_space<semaphore_mem>>
      %dma_start3A_30 = tpu.memref_slice %arg3[%mul3A_2] : memref<131072xi32, #tpu.memory_space<hbm>> -> memref<4096xi32, #tpu.memory_space<hbm>>
      %dma_start3A_31 = tpu.memref_slice %arg3[%mul3A_2] : memref<131072xi32, #tpu.memory_space<hbm>> -> memref<4096xi32, #tpu.memory_space<hbm>>
      tpu.enqueue_dma source(%dma_start3A_31 : memref<4096xi32, #tpu.memory_space<hbm>>) target(%arg5 : memref<4096xi32, #tpu.memory_space<vmem>>) target_semaphore(%run_scoped3A : memref<!tpu.dma_semaphore, #tpu.memory_space<semaphore_mem>>)
      %dma_wait3A_32 = tpu.memref_slice %arg3[%mul3A_2] : memref<131072xi32, #tpu.memory_space<hbm>> -> memref<4096xi32, #tpu.memory_space<hbm>>
      %dma_wait3A_33 = tpu.memref_slice %arg3[%mul3A_2] : memref<131072xi32, #tpu.memory_space<hbm>> -> memref<4096xi32, #tpu.memory_space<hbm>>
      tpu.wait_dma2 semaphore(%run_scoped3A : memref<!tpu.dma_semaphore, #tpu.memory_space<semaphore_mem>>) src(%dma_wait3A_33 : memref<4096xi32, #tpu.memory_space<hbm>>) dst(%arg5 : memref<4096xi32, #tpu.memory_space<vmem>>)
      tpu.yield
    }) : () -> ()
    %dma_start3A = arith.constant 0 : i32
    %dma_start3A_3 = tpu.memref_slice %arg5[%dma_start3A] : memref<4096xi32, #tpu.memory_space<vmem>> -> memref<128xi32, #tpu.memory_space<vmem>>
    %dma_start3A_4 = arith.constant 0 : i32
    %dma_start3A_5 = arith.constant 0 : i32
    %dma_start3A_6 = tpu.memref_slice %arg2[%dma_start3A_4, %dma_start3A_5] : memref<8192x128xi32, #tpu.memory_space<hbm>> -> memref<8192x128xi32, #tpu.memory_space<hbm>>
    tpu.enqueue_indirect_dma source(%dma_start3A_6 : memref<8192x128xi32, #tpu.memory_space<hbm>>) target(%arg6 : memref<128x128xi32, #tpu.memory_space<vmem>>) offsets(%dma_start3A_3 : memref<128xi32, #tpu.memory_space<vmem>>) semaphore(%arg8 : memref<!tpu.dma_semaphore, #tpu.memory_space<semaphore_mem>>)
    %dma_start3A_7 = arith.constant 128 : i32
    %dma_start3A_8 = tpu.memref_slice %arg5[%dma_start3A_7] : memref<4096xi32, #tpu.memory_space<vmem>> -> memref<128xi32, #tpu.memory_space<vmem>>
    %dma_start3A_9 = arith.constant 0 : i32
    %dma_start3A_10 = arith.constant 0 : i32
    %dma_start3A_11 = tpu.memref_slice %arg2[%dma_start3A_9, %dma_start3A_10] : memref<8192x128xi32, #tpu.memory_space<hbm>> -> memref<8192x128xi32, #tpu.memory_space<hbm>>
    tpu.enqueue_indirect_dma source(%dma_start3A_11 : memref<8192x128xi32, #tpu.memory_space<hbm>>) target(%arg7 : memref<128x128xi32, #tpu.memory_space<vmem>>) offsets(%dma_start3A_8 : memref<128xi32, #tpu.memory_space<vmem>>) semaphore(%arg9 : memref<!tpu.dma_semaphore, #tpu.memory_space<semaphore_mem>>)
    %scan3A = arith.constant 0 : i32
    %scan3A_12 = arith.constant 0 : i32
    %scan3A_13 = arith.constant 15 : i32
    %scan3A_14 = arith.addi %scan3A_12, %scan3A_13 : i32
    %scan3A_15 = arith.constant 1 : i32
    scf.for %scan3A_30 = %scan3A_12 to %scan3A_14 step %scan3A_15  : i32 {
      %mul3A_31 = arith.constant 2 : i32
      %mul3A_32 = arith.muli %scan3A_30, %mul3A_31 : i32
      %mul3A_33 = arith.constant 128 : i32
      %mul3A_34 = arith.muli %mul3A_32, %mul3A_33 : i32
      %dma_wait3A_35 = tpu.memref_slice %arg5[%mul3A_34] : memref<4096xi32, #tpu.memory_space<vmem>> -> memref<128xi32, #tpu.memory_space<vmem>>
      %dma_wait3A_36 = arith.constant 0 : i32
      %dma_wait3A_37 = arith.constant 0 : i32
      %dma_wait3A_38 = tpu.memref_slice %arg2[%dma_wait3A_36, %dma_wait3A_37] : memref<8192x128xi32, #tpu.memory_space<hbm>> -> memref<8192x128xi32, #tpu.memory_space<hbm>>
      tpu.wait_indirect_dma semaphore(%arg8 : memref<!tpu.dma_semaphore, #tpu.memory_space<semaphore_mem>>) src(%dma_wait3A_38 : memref<8192x128xi32, #tpu.memory_space<hbm>>) dst(%arg6 : memref<128x128xi32, #tpu.memory_space<vmem>>)
      %mul3A_39 = arith.constant 128 : i32
      %mul3A_40 = arith.muli %mul3A_32, %mul3A_39 : i32
      %add3A_41 = arith.addi %mul3A_2, %mul3A_40 : i32
      "tpu.region"() ({
        %run_scoped3A = tpu.sem_alloc : memref<!tpu.dma_semaphore, #tpu.memory_space<semaphore_mem>>
        %dma_start3A_69 = arith.constant 0 : i32
        %dma_start3A_70 = tpu.memref_slice %arg4[%add3A_41, %dma_start3A_69] : memref<131072x128xi32, #tpu.memory_space<hbm>> -> memref<128x128xi32, #tpu.memory_space<hbm>>
        %dma_start3A_71 = arith.constant 0 : i32
        %dma_start3A_72 = tpu.memref_slice %arg4[%add3A_41, %dma_start3A_71] : memref<131072x128xi32, #tpu.memory_space<hbm>> -> memref<128x128xi32, #tpu.memory_space<hbm>>
        tpu.enqueue_dma source(%arg6 : memref<128x128xi32, #tpu.memory_space<vmem>>) target(%dma_start3A_72 : memref<128x128xi32, #tpu.memory_space<hbm>>) target_semaphore(%run_scoped3A : memref<!tpu.dma_semaphore, #tpu.memory_space<semaphore_mem>>)
        %dma_wait3A_73 = arith.constant 0 : i32
        %dma_wait3A_74 = tpu.memref_slice %arg4[%add3A_41, %dma_wait3A_73] : memref<131072x128xi32, #tpu.memory_space<hbm>> -> memref<128x128xi32, #tpu.memory_space<hbm>>
        %dma_wait3A_75 = arith.constant 0 : i32
        %dma_wait3A_76 = tpu.memref_slice %arg4[%add3A_41, %dma_wait3A_75] : memref<131072x128xi32, #tpu.memory_space<hbm>> -> memref<128x128xi32, #tpu.memory_space<hbm>>
        tpu.wait_dma2 semaphore(%run_scoped3A : memref<!tpu.dma_semaphore, #tpu.memory_space<semaphore_mem>>) src(%arg6 : memref<128x128xi32, #tpu.memory_space<vmem>>) dst(%dma_wait3A_76 : memref<128x128xi32, #tpu.memory_space<hbm>>)
        tpu.yield
      }) : () -> ()
      %add3A_42 = arith.constant 2 : i32
      %add3A_43 = arith.addi %mul3A_32, %add3A_42 : i32
      %mul3A_44 = arith.constant 128 : i32
      %mul3A_45 = arith.muli %add3A_43, %mul3A_44 : i32
      %dma_start3A_46 = tpu.memref_slice %arg5[%mul3A_45] : memref<4096xi32, #tpu.memory_space<vmem>> -> memref<128xi32, #tpu.memory_space<vmem>>
      %dma_start3A_47 = arith.constant 0 : i32
      %dma_start3A_48 = arith.constant 0 : i32
      %dma_start3A_49 = tpu.memref_slice %arg2[%dma_start3A_47, %dma_start3A_48] : memref<8192x128xi32, #tpu.memory_space<hbm>> -> memref<8192x128xi32, #tpu.memory_space<hbm>>
      tpu.enqueue_indirect_dma source(%dma_start3A_49 : memref<8192x128xi32, #tpu.memory_space<hbm>>) target(%arg6 : memref<128x128xi32, #tpu.memory_space<vmem>>) offsets(%dma_start3A_46 : memref<128xi32, #tpu.memory_space<vmem>>) semaphore(%arg8 : memref<!tpu.dma_semaphore, #tpu.memory_space<semaphore_mem>>)
      %add3A_50 = arith.constant 1 : i32
      %add3A_51 = arith.addi %mul3A_32, %add3A_50 : i32
      %mul3A_52 = arith.constant 128 : i32
      %mul3A_53 = arith.muli %add3A_51, %mul3A_52 : i32
      %dma_wait3A_54 = tpu.memref_slice %arg5[%mul3A_53] : memref<4096xi32, #tpu.memory_space<vmem>> -> memref<128xi32, #tpu.memory_space<vmem>>
      %dma_wait3A_55 = arith.constant 0 : i32
      %dma_wait3A_56 = arith.constant 0 : i32
      %dma_wait3A_57 = tpu.memref_slice %arg2[%dma_wait3A_55, %dma_wait3A_56] : memref<8192x128xi32, #tpu.memory_space<hbm>> -> memref<8192x128xi32, #tpu.memory_space<hbm>>
      tpu.wait_indirect_dma semaphore(%arg9 : memref<!tpu.dma_semaphore, #tpu.memory_space<semaphore_mem>>) src(%dma_wait3A_57 : memref<8192x128xi32, #tpu.memory_space<hbm>>) dst(%arg7 : memref<128x128xi32, #tpu.memory_space<vmem>>)
      %mul3A_58 = arith.constant 128 : i32
      %mul3A_59 = arith.muli %add3A_51, %mul3A_58 : i32
      %add3A_60 = arith.addi %mul3A_2, %mul3A_59 : i32
      "tpu.region"() ({
        %run_scoped3A = tpu.sem_alloc : memref<!tpu.dma_semaphore, #tpu.memory_space<semaphore_mem>>
        %dma_start3A_69 = arith.constant 0 : i32
        %dma_start3A_70 = tpu.memref_slice %arg4[%add3A_60, %dma_start3A_69] : memref<131072x128xi32, #tpu.memory_space<hbm>> -> memref<128x128xi32, #tpu.memory_space<hbm>>
        %dma_start3A_71 = arith.constant 0 : i32
        %dma_start3A_72 = tpu.memref_slice %arg4[%add3A_60, %dma_start3A_71] : memref<131072x128xi32, #tpu.memory_space<hbm>> -> memref<128x128xi32, #tpu.memory_space<hbm>>
        tpu.enqueue_dma source(%arg7 : memref<128x128xi32, #tpu.memory_space<vmem>>) target(%dma_start3A_72 : memref<128x128xi32, #tpu.memory_space<hbm>>) target_semaphore(%run_scoped3A : memref<!tpu.dma_semaphore, #tpu.memory_space<semaphore_mem>>)
        %dma_wait3A_73 = arith.constant 0 : i32
        %dma_wait3A_74 = tpu.memref_slice %arg4[%add3A_60, %dma_wait3A_73] : memref<131072x128xi32, #tpu.memory_space<hbm>> -> memref<128x128xi32, #tpu.memory_space<hbm>>
        %dma_wait3A_75 = arith.constant 0 : i32
        %dma_wait3A_76 = tpu.memref_slice %arg4[%add3A_60, %dma_wait3A_75] : memref<131072x128xi32, #tpu.memory_space<hbm>> -> memref<128x128xi32, #tpu.memory_space<hbm>>
        tpu.wait_dma2 semaphore(%run_scoped3A : memref<!tpu.dma_semaphore, #tpu.memory_space<semaphore_mem>>) src(%arg7 : memref<128x128xi32, #tpu.memory_space<vmem>>) dst(%dma_wait3A_76 : memref<128x128xi32, #tpu.memory_space<hbm>>)
        tpu.yield
      }) : () -> ()
      %add3A_61 = arith.constant 3 : i32
      %add3A_62 = arith.addi %mul3A_32, %add3A_61 : i32
      %mul3A_63 = arith.constant 128 : i32
      %mul3A_64 = arith.muli %add3A_62, %mul3A_63 : i32
      %dma_start3A_65 = tpu.memref_slice %arg5[%mul3A_64] : memref<4096xi32, #tpu.memory_space<vmem>> -> memref<128xi32, #tpu.memory_space<vmem>>
      %dma_start3A_66 = arith.constant 0 : i32
      %dma_start3A_67 = arith.constant 0 : i32
      %dma_start3A_68 = tpu.memref_slice %arg2[%dma_start3A_66, %dma_start3A_67] : memref<8192x128xi32, #tpu.memory_space<hbm>> -> memref<8192x128xi32, #tpu.memory_space<hbm>>
      tpu.enqueue_indirect_dma source(%dma_start3A_68 : memref<8192x128xi32, #tpu.memory_space<hbm>>) target(%arg7 : memref<128x128xi32, #tpu.memory_space<vmem>>) offsets(%dma_start3A_65 : memref<128xi32, #tpu.memory_space<vmem>>) semaphore(%arg9 : memref<!tpu.dma_semaphore, #tpu.memory_space<semaphore_mem>>)
    }
    %scan3A_16 = arith.constant 15 : i32
    %dma_wait3A = arith.constant 3840 : i32
    %dma_wait3A_17 = tpu.memref_slice %arg5[%dma_wait3A] : memref<4096xi32, #tpu.memory_space<vmem>> -> memref<128xi32, #tpu.memory_space<vmem>>
    %dma_wait3A_18 = arith.constant 0 : i32
    %dma_wait3A_19 = arith.constant 0 : i32
    %dma_wait3A_20 = tpu.memref_slice %arg2[%dma_wait3A_18, %dma_wait3A_19] : memref<8192x128xi32, #tpu.memory_space<hbm>> -> memref<8192x128xi32, #tpu.memory_space<hbm>>
    tpu.wait_indirect_dma semaphore(%arg8 : memref<!tpu.dma_semaphore, #tpu.memory_space<semaphore_mem>>) src(%dma_wait3A_20 : memref<8192x128xi32, #tpu.memory_space<hbm>>) dst(%arg6 : memref<128x128xi32, #tpu.memory_space<vmem>>)
    %add3A_21 = arith.constant 3840 : i32
    %add3A_22 = arith.addi %mul3A_2, %add3A_21 : i32
    "tpu.region"() ({
      %run_scoped3A = tpu.sem_alloc : memref<!tpu.dma_semaphore, #tpu.memory_space<semaphore_mem>>
      %dma_start3A_30 = arith.constant 0 : i32
      %dma_start3A_31 = tpu.memref_slice %arg4[%add3A_22, %dma_start3A_30] : memref<131072x128xi32, #tpu.memory_space<hbm>> -> memref<128x128xi32, #tpu.memory_space<hbm>>
      %dma_start3A_32 = arith.constant 0 : i32
      %dma_start3A_33 = tpu.memref_slice %arg4[%add3A_22, %dma_start3A_32] : memref<131072x128xi32, #tpu.memory_space<hbm>> -> memref<128x128xi32, #tpu.memory_space<hbm>>
      tpu.enqueue_dma source(%arg6 : memref<128x128xi32, #tpu.memory_space<vmem>>) target(%dma_start3A_33 : memref<128x128xi32, #tpu.memory_space<hbm>>) target_semaphore(%run_scoped3A : memref<!tpu.dma_semaphore, #tpu.memory_space<semaphore_mem>>)
      %dma_wait3A_34 = arith.constant 0 : i32
      %dma_wait3A_35 = tpu.memref_slice %arg4[%add3A_22, %dma_wait3A_34] : memref<131072x128xi32, #tpu.memory_space<hbm>> -> memref<128x128xi32, #tpu.memory_space<hbm>>
      %dma_wait3A_36 = arith.constant 0 : i32
      %dma_wait3A_37 = tpu.memref_slice %arg4[%add3A_22, %dma_wait3A_36] : memref<131072x128xi32, #tpu.memory_space<hbm>> -> memref<128x128xi32, #tpu.memory_space<hbm>>
      tpu.wait_dma2 semaphore(%run_scoped3A : memref<!tpu.dma_semaphore, #tpu.memory_space<semaphore_mem>>) src(%arg6 : memref<128x128xi32, #tpu.memory_space<vmem>>) dst(%dma_wait3A_37 : memref<128x128xi32, #tpu.memory_space<hbm>>)
      tpu.yield
    }) : () -> ()
    %dma_wait3A_23 = arith.constant 3968 : i32
    %dma_wait3A_24 = tpu.memref_slice %arg5[%dma_wait3A_23] : memref<4096xi32, #tpu.memory_space<vmem>> -> memref<128xi32, #tpu.memory_space<vmem>>
    %dma_wait3A_25 = arith.constant 0 : i32
    %dma_wait3A_26 = arith.constant 0 : i32
    %dma_wait3A_27 = tpu.memref_slice %arg2[%dma_wait3A_25, %dma_wait3A_26] : memref<8192x128xi32, #tpu.memory_space<hbm>> -> memref<8192x128xi32, #tpu.memory_space<hbm>>
    tpu.wait_indirect_dma semaphore(%arg9 : memref<!tpu.dma_semaphore, #tpu.memory_space<semaphore_mem>>) src(%dma_wait3A_27 : memref<8192x128xi32, #tpu.memory_space<hbm>>) dst(%arg7 : memref<128x128xi32, #tpu.memory_space<vmem>>)
    %add3A_28 = arith.constant 3968 : i32
    %add3A_29 = arith.addi %mul3A_2, %add3A_28 : i32
    "tpu.region"() ({
      %run_scoped3A = tpu.sem_alloc : memref<!tpu.dma_semaphore, #tpu.memory_space<semaphore_mem>>
      %dma_start3A_30 = arith.constant 0 : i32
      %dma_start3A_31 = tpu.memref_slice %arg4[%add3A_29, %dma_start3A_30] : memref<131072x128xi32, #tpu.memory_space<hbm>> -> memref<128x128xi32, #tpu.memory_space<hbm>>
      %dma_start3A_32 = arith.constant 0 : i32
      %dma_start3A_33 = tpu.memref_slice %arg4[%add3A_29, %dma_start3A_32] : memref<131072x128xi32, #tpu.memory_space<hbm>> -> memref<128x128xi32, #tpu.memory_space<hbm>>
      tpu.enqueue_dma source(%arg7 : memref<128x128xi32, #tpu.memory_space<vmem>>) target(%dma_start3A_33 : memref<128x128xi32, #tpu.memory_space<hbm>>) target_semaphore(%run_scoped3A : memref<!tpu.dma_semaphore, #tpu.memory_space<semaphore_mem>>)
      %dma_wait3A_34 = arith.constant 0 : i32
      %dma_wait3A_35 = tpu.memref_slice %arg4[%add3A_29, %dma_wait3A_34] : memref<131072x128xi32, #tpu.memory_space<hbm>> -> memref<128x128xi32, #tpu.memory_space<hbm>>
      %dma_wait3A_36 = arith.constant 0 : i32
      %dma_wait3A_37 = tpu.memref_slice %arg4[%add3A_29, %dma_wait3A_36] : memref<131072x128xi32, #tpu.memory_space<hbm>> -> memref<128x128xi32, #tpu.memory_space<hbm>>
      tpu.wait_dma2 semaphore(%run_scoped3A : memref<!tpu.dma_semaphore, #tpu.memory_space<semaphore_mem>>) src(%arg7 : memref<128x128xi32, #tpu.memory_space<vmem>>) dst(%dma_wait3A_37 : memref<128x128xi32, #tpu.memory_space<hbm>>)
      tpu.yield
    }) : () -> ()
    return
  }
}

#map = affine_map<(d0, d1) -> (0, 0)>
module attributes {stable_mosaic.version = 14 : i64} {
  func.func @_build_a(%arg0: i32, %arg1: i32, %arg2: memref<8192x16xf32, #tpu.memory_space<hbm>>, %arg3: memref<8192x16xi32, #tpu.memory_space<hbm>>, %arg4: memref<8192x1024xf32, #tpu.memory_space<hbm>>, %arg5: memref<256x16xf32, #tpu.memory_space<vmem>>, %arg6: memref<256x16xi32, #tpu.memory_space<vmem>>, %arg7: memref<1024xf32, #tpu.memory_space<vmem>>, %arg8: memref<1024xf32, #tpu.memory_space<vmem>>, %arg9: memref<!tpu.dma_semaphore, #tpu.memory_space<semaphore_mem>>, %arg10: memref<!tpu.dma_semaphore, #tpu.memory_space<semaphore_mem>>) attributes {dimension_semantics = [#tpu.dimension_semantics<core_parallel>, #tpu.dimension_semantics<subcore_parallel>], iteration_bounds = array<i64: 2, 16>, scalar_prefetch = 0 : i64, scratch_operands = 6 : i64, tpu.core_type = #tpu.core_type<sc_vector_subcore>, window_params = [{transform_indices = #map}, {transform_indices = #map}, {transform_indices = #map}]} {
    %mul3A = arith.constant 2 : i32
    %mul3A_0 = arith.muli %arg1, %mul3A : i32
    %add3A = arith.addi %mul3A_0, %arg0 : i32
    %mul3A_1 = arith.constant 256 : i32
    %mul3A_2 = arith.muli %add3A, %mul3A_1 : i32
    "tpu.region"() ({
      %run_scoped3A = tpu.sem_alloc : memref<!tpu.dma_semaphore, #tpu.memory_space<semaphore_mem>>
      %dma_start3A_63 = arith.constant 0 : i32
      %dma_start3A_64 = tpu.memref_slice %arg2[%mul3A_2, %dma_start3A_63] : memref<8192x16xf32, #tpu.memory_space<hbm>> -> memref<256x16xf32, #tpu.memory_space<hbm>>
      %dma_start3A_65 = arith.constant 0 : i32
      %dma_start3A_66 = tpu.memref_slice %arg2[%mul3A_2, %dma_start3A_65] : memref<8192x16xf32, #tpu.memory_space<hbm>> -> memref<256x16xf32, #tpu.memory_space<hbm>>
      tpu.enqueue_dma source(%dma_start3A_66 : memref<256x16xf32, #tpu.memory_space<hbm>>) target(%arg5 : memref<256x16xf32, #tpu.memory_space<vmem>>) target_semaphore(%run_scoped3A : memref<!tpu.dma_semaphore, #tpu.memory_space<semaphore_mem>>)
      %dma_wait3A_67 = arith.constant 0 : i32
      %dma_wait3A_68 = tpu.memref_slice %arg2[%mul3A_2, %dma_wait3A_67] : memref<8192x16xf32, #tpu.memory_space<hbm>> -> memref<256x16xf32, #tpu.memory_space<hbm>>
      %dma_wait3A_69 = arith.constant 0 : i32
      %dma_wait3A_70 = tpu.memref_slice %arg2[%mul3A_2, %dma_wait3A_69] : memref<8192x16xf32, #tpu.memory_space<hbm>> -> memref<256x16xf32, #tpu.memory_space<hbm>>
      tpu.wait_dma2 semaphore(%run_scoped3A : memref<!tpu.dma_semaphore, #tpu.memory_space<semaphore_mem>>) src(%dma_wait3A_70 : memref<256x16xf32, #tpu.memory_space<hbm>>) dst(%arg5 : memref<256x16xf32, #tpu.memory_space<vmem>>)
      tpu.yield
    }) : () -> ()
    "tpu.region"() ({
      %run_scoped3A = tpu.sem_alloc : memref<!tpu.dma_semaphore, #tpu.memory_space<semaphore_mem>>
      %dma_start3A_63 = arith.constant 0 : i32
      %dma_start3A_64 = tpu.memref_slice %arg3[%mul3A_2, %dma_start3A_63] : memref<8192x16xi32, #tpu.memory_space<hbm>> -> memref<256x16xi32, #tpu.memory_space<hbm>>
      %dma_start3A_65 = arith.constant 0 : i32
      %dma_start3A_66 = tpu.memref_slice %arg3[%mul3A_2, %dma_start3A_65] : memref<8192x16xi32, #tpu.memory_space<hbm>> -> memref<256x16xi32, #tpu.memory_space<hbm>>
      tpu.enqueue_dma source(%dma_start3A_66 : memref<256x16xi32, #tpu.memory_space<hbm>>) target(%arg6 : memref<256x16xi32, #tpu.memory_space<vmem>>) target_semaphore(%run_scoped3A : memref<!tpu.dma_semaphore, #tpu.memory_space<semaphore_mem>>)
      %dma_wait3A_67 = arith.constant 0 : i32
      %dma_wait3A_68 = tpu.memref_slice %arg3[%mul3A_2, %dma_wait3A_67] : memref<8192x16xi32, #tpu.memory_space<hbm>> -> memref<256x16xi32, #tpu.memory_space<hbm>>
      %dma_wait3A_69 = arith.constant 0 : i32
      %dma_wait3A_70 = tpu.memref_slice %arg3[%mul3A_2, %dma_wait3A_69] : memref<8192x16xi32, #tpu.memory_space<hbm>> -> memref<256x16xi32, #tpu.memory_space<hbm>>
      tpu.wait_dma2 semaphore(%run_scoped3A : memref<!tpu.dma_semaphore, #tpu.memory_space<semaphore_mem>>) src(%dma_wait3A_70 : memref<256x16xi32, #tpu.memory_space<hbm>>) dst(%arg6 : memref<256x16xi32, #tpu.memory_space<vmem>>)
      tpu.yield
    }) : () -> ()
    %broadcast_in_dim3A = arith.constant 0.000000e+00 : f32
    %broadcast_in_dim3A_3 = vector.broadcast %broadcast_in_dim3A : f32 to vector<16xf32>
    %scan3A = arith.constant 0 : i32
    %scan3A_4 = arith.constant 0 : i32
    %scan3A_5 = arith.constant 64 : i32
    %scan3A_6 = arith.addi %scan3A_4, %scan3A_5 : i32
    %scan3A_7 = arith.constant 1 : i32
    scf.for %scan3A_63 = %scan3A_4 to %scan3A_6 step %scan3A_7  : i32 {
      %mul3A_64 = arith.constant 16 : i32
      %mul3A_65 = arith.muli %scan3A_63, %mul3A_64 : i32
      %swap3A = arith.index_cast %mul3A_65 : i32 to index
      %swap3A_66 = tpu.vector_load %arg7[%swap3A] {strides = array<i32>} : memref<1024xf32, #tpu.memory_space<vmem>>, vector<16xf32>,
      tpu.vector_store %arg7[%swap3A], %broadcast_in_dim3A_3 {strides = array<i32>} : memref<1024xf32, #tpu.memory_space<vmem>>, vector<16xf32>,
      %mul3A_67 = arith.constant 16 : i32
      %mul3A_68 = arith.muli %scan3A_63, %mul3A_67 : i32
      %swap3A_69 = arith.index_cast %mul3A_68 : i32 to index
      %swap3A_70 = tpu.vector_load %arg8[%swap3A_69] {strides = array<i32>} : memref<1024xf32, #tpu.memory_space<vmem>>, vector<16xf32>,
      tpu.vector_store %arg8[%swap3A_69], %broadcast_in_dim3A_3 {strides = array<i32>} : memref<1024xf32, #tpu.memory_space<vmem>>, vector<16xf32>,
    }
    %scan3A_8 = arith.constant 64 : i32
    %get3A = arith.constant 0 : i32
    %get3A_9 = arith.index_cast %get3A : i32 to index
    %get3A_10 = arith.constant 0 : index
    %get3A_11 = tpu.vector_load %arg6[%get3A_9, %get3A_10] {strides = array<i32>} : memref<256x16xi32, #tpu.memory_space<vmem>>, vector<16xi32>,
    %get3A_12 = arith.constant 0 : i32
    %get3A_13 = arith.index_cast %get3A_12 : i32 to index
    %get3A_14 = arith.constant 0 : index
    %get3A_15 = tpu.vector_load %arg5[%get3A_13, %get3A_14] {strides = array<i32>} : memref<256x16xf32, #tpu.memory_space<vmem>>, vector<16xf32>,
    tpu.vector_store_idx %arg7[%get3A_11], %get3A_15 : memref<1024xf32, #tpu.memory_space<vmem>>[vector<16xi32>], vector<16xf32>,
    %add3A_16 = arith.constant 0 : i32
    %add3A_17 = arith.addi %mul3A_2, %add3A_16 : i32
    %dma_start3A = arith.constant 0 : i32
    %dma_start3A_18 = tpu.memref_slice %arg4[%add3A_17, %dma_start3A] : memref<8192x1024xf32, #tpu.memory_space<hbm>> -> memref<1x1024xf32, #tpu.memory_space<hbm>>
    %dma_start3A_19 = tpu.memref_squeeze %dma_start3A_18 : memref<1x1024xf32, #tpu.memory_space<hbm>> -> memref<1024xf32, #tpu.memory_space<hbm>>
    %dma_start3A_20 = arith.constant 0 : i32
    %dma_start3A_21 = tpu.memref_slice %arg4[%add3A_17, %dma_start3A_20] : memref<8192x1024xf32, #tpu.memory_space<hbm>> -> memref<1x1024xf32, #tpu.memory_space<hbm>>
    %dma_start3A_22 = tpu.memref_squeeze %dma_start3A_21 : memref<1x1024xf32, #tpu.memory_space<hbm>> -> memref<1024xf32, #tpu.memory_space<hbm>>
    tpu.enqueue_dma source(%arg7 : memref<1024xf32, #tpu.memory_space<vmem>>) target(%dma_start3A_22 : memref<1024xf32, #tpu.memory_space<hbm>>) target_semaphore(%arg9 : memref<!tpu.dma_semaphore, #tpu.memory_space<semaphore_mem>>)
    %get3A_23 = arith.constant 1 : i32
    %get3A_24 = arith.index_cast %get3A_23 : i32 to index
    %get3A_25 = arith.constant 0 : index
    %get3A_26 = tpu.vector_load %arg6[%get3A_24, %get3A_25] {strides = array<i32>} : memref<256x16xi32, #tpu.memory_space<vmem>>, vector<16xi32>,
    %get3A_27 = arith.constant 1 : i32
    %get3A_28 = arith.index_cast %get3A_27 : i32 to index
    %get3A_29 = arith.constant 0 : index
    %get3A_30 = tpu.vector_load %arg5[%get3A_28, %get3A_29] {strides = array<i32>} : memref<256x16xf32, #tpu.memory_space<vmem>>, vector<16xf32>,
    tpu.vector_store_idx %arg8[%get3A_26], %get3A_30 : memref<1024xf32, #tpu.memory_space<vmem>>[vector<16xi32>], vector<16xf32>,
    %add3A_31 = arith.constant 1 : i32
    %add3A_32 = arith.addi %mul3A_2, %add3A_31 : i32
    %dma_start3A_33 = arith.constant 0 : i32
    %dma_start3A_34 = tpu.memref_slice %arg4[%add3A_32, %dma_start3A_33] : memref<8192x1024xf32, #tpu.memory_space<hbm>> -> memref<1x1024xf32, #tpu.memory_space<hbm>>
    %dma_start3A_35 = tpu.memref_squeeze %dma_start3A_34 : memref<1x1024xf32, #tpu.memory_space<hbm>> -> memref<1024xf32, #tpu.memory_space<hbm>>
    %dma_start3A_36 = arith.constant 0 : i32
    %dma_start3A_37 = tpu.memref_slice %arg4[%add3A_32, %dma_start3A_36] : memref<8192x1024xf32, #tpu.memory_space<hbm>> -> memref<1x1024xf32, #tpu.memory_space<hbm>>
    %dma_start3A_38 = tpu.memref_squeeze %dma_start3A_37 : memref<1x1024xf32, #tpu.memory_space<hbm>> -> memref<1024xf32, #tpu.memory_space<hbm>>
    tpu.enqueue_dma source(%arg8 : memref<1024xf32, #tpu.memory_space<vmem>>) target(%dma_start3A_38 : memref<1024xf32, #tpu.memory_space<hbm>>) target_semaphore(%arg10 : memref<!tpu.dma_semaphore, #tpu.memory_space<semaphore_mem>>)
    %scan3A_39 = arith.constant 0 : i32
    %scan3A_40 = arith.constant 1 : i32
    %scan3A_41 = arith.constant 127 : i32
    %scan3A_42 = arith.addi %scan3A_40, %scan3A_41 : i32
    %scan3A_43 = arith.constant 1 : i32
    scf.for %scan3A_63 = %scan3A_40 to %scan3A_42 step %scan3A_43  : i32 {
      %mul3A_64 = arith.constant 2 : i32
      %mul3A_65 = arith.muli %scan3A_63, %mul3A_64 : i32
      %sub3A_66 = arith.constant 2 : i32
      %sub3A_67 = arith.subi %mul3A_65, %sub3A_66 : i32
      %add3A_68 = arith.addi %mul3A_2, %sub3A_67 : i32
      %dma_wait3A_69 = arith.constant 0 : i32
      %dma_wait3A_70 = tpu.memref_slice %arg4[%add3A_68, %dma_wait3A_69] : memref<8192x1024xf32, #tpu.memory_space<hbm>> -> memref<1x1024xf32, #tpu.memory_space<hbm>>
      %dma_wait3A_71 = tpu.memref_squeeze %dma_wait3A_70 : memref<1x1024xf32, #tpu.memory_space<hbm>> -> memref<1024xf32, #tpu.memory_space<hbm>>
      %dma_wait3A_72 = arith.constant 0 : i32
      %dma_wait3A_73 = tpu.memref_slice %arg4[%add3A_68, %dma_wait3A_72] : memref<8192x1024xf32, #tpu.memory_space<hbm>> -> memref<1x1024xf32, #tpu.memory_space<hbm>>
      %dma_wait3A_74 = tpu.memref_squeeze %dma_wait3A_73 : memref<1x1024xf32, #tpu.memory_space<hbm>> -> memref<1024xf32, #tpu.memory_space<hbm>>
      tpu.wait_dma2 semaphore(%arg9 : memref<!tpu.dma_semaphore, #tpu.memory_space<semaphore_mem>>) src(%arg7 : memref<1024xf32, #tpu.memory_space<vmem>>) dst(%dma_wait3A_74 : memref<1024xf32, #tpu.memory_space<hbm>>)
      %get3A_75 = arith.index_cast %sub3A_67 : i32 to index
      %get3A_76 = arith.constant 0 : index
      %get3A_77 = tpu.vector_load %arg6[%get3A_75, %get3A_76] {strides = array<i32>} : memref<256x16xi32, #tpu.memory_space<vmem>>, vector<16xi32>,
      tpu.vector_store_idx %arg7[%get3A_77], %broadcast_in_dim3A_3 : memref<1024xf32, #tpu.memory_space<vmem>>[vector<16xi32>], vector<16xf32>,
      %get3A_78 = arith.index_cast %mul3A_65 : i32 to index
      %get3A_79 = arith.constant 0 : index
      %get3A_80 = tpu.vector_load %arg6[%get3A_78, %get3A_79] {strides = array<i32>} : memref<256x16xi32, #tpu.memory_space<vmem>>, vector<16xi32>,
      %get3A_81 = arith.index_cast %mul3A_65 : i32 to index
      %get3A_82 = arith.constant 0 : index
      %get3A_83 = tpu.vector_load %arg5[%get3A_81, %get3A_82] {strides = array<i32>} : memref<256x16xf32, #tpu.memory_space<vmem>>, vector<16xf32>,
      tpu.vector_store_idx %arg7[%get3A_80], %get3A_83 : memref<1024xf32, #tpu.memory_space<vmem>>[vector<16xi32>], vector<16xf32>,
      %add3A_84 = arith.addi %mul3A_2, %mul3A_65 : i32
      %dma_start3A_85 = arith.constant 0 : i32
      %dma_start3A_86 = tpu.memref_slice %arg4[%add3A_84, %dma_start3A_85] : memref<8192x1024xf32, #tpu.memory_space<hbm>> -> memref<1x1024xf32, #tpu.memory_space<hbm>>
      %dma_start3A_87 = tpu.memref_squeeze %dma_start3A_86 : memref<1x1024xf32, #tpu.memory_space<hbm>> -> memref<1024xf32, #tpu.memory_space<hbm>>
      %dma_start3A_88 = arith.constant 0 : i32
      %dma_start3A_89 = tpu.memref_slice %arg4[%add3A_84, %dma_start3A_88] : memref<8192x1024xf32, #tpu.memory_space<hbm>> -> memref<1x1024xf32, #tpu.memory_space<hbm>>
      %dma_start3A_90 = tpu.memref_squeeze %dma_start3A_89 : memref<1x1024xf32, #tpu.memory_space<hbm>> -> memref<1024xf32, #tpu.memory_space<hbm>>
      tpu.enqueue_dma source(%arg7 : memref<1024xf32, #tpu.memory_space<vmem>>) target(%dma_start3A_90 : memref<1024xf32, #tpu.memory_space<hbm>>) target_semaphore(%arg9 : memref<!tpu.dma_semaphore, #tpu.memory_space<semaphore_mem>>)
      %sub3A_91 = arith.constant 1 : i32
      %sub3A_92 = arith.subi %mul3A_65, %sub3A_91 : i32
      %add3A_93 = arith.addi %mul3A_2, %sub3A_92 : i32
      %dma_wait3A_94 = arith.constant 0 : i32
      %dma_wait3A_95 = tpu.memref_slice %arg4[%add3A_93, %dma_wait3A_94] : memref<8192x1024xf32, #tpu.memory_space<hbm>> -> memref<1x1024xf32, #tpu.memory_space<hbm>>
      %dma_wait3A_96 = tpu.memref_squeeze %dma_wait3A_95 : memref<1x1024xf32, #tpu.memory_space<hbm>> -> memref<1024xf32, #tpu.memory_space<hbm>>
      %dma_wait3A_97 = arith.constant 0 : i32
      %dma_wait3A_98 = tpu.memref_slice %arg4[%add3A_93, %dma_wait3A_97] : memref<8192x1024xf32, #tpu.memory_space<hbm>> -> memref<1x1024xf32, #tpu.memory_space<hbm>>
      %dma_wait3A_99 = tpu.memref_squeeze %dma_wait3A_98 : memref<1x1024xf32, #tpu.memory_space<hbm>> -> memref<1024xf32, #tpu.memory_space<hbm>>
      tpu.wait_dma2 semaphore(%arg10 : memref<!tpu.dma_semaphore, #tpu.memory_space<semaphore_mem>>) src(%arg8 : memref<1024xf32, #tpu.memory_space<vmem>>) dst(%dma_wait3A_99 : memref<1024xf32, #tpu.memory_space<hbm>>)
      %get3A_100 = arith.index_cast %sub3A_92 : i32 to index
      %get3A_101 = arith.constant 0 : index
      %get3A_102 = tpu.vector_load %arg6[%get3A_100, %get3A_101] {strides = array<i32>} : memref<256x16xi32, #tpu.memory_space<vmem>>, vector<16xi32>,
      tpu.vector_store_idx %arg8[%get3A_102], %broadcast_in_dim3A_3 : memref<1024xf32, #tpu.memory_space<vmem>>[vector<16xi32>], vector<16xf32>,
      %add3A_103 = arith.constant 1 : i32
      %add3A_104 = arith.addi %mul3A_65, %add3A_103 : i32
      %get3A_105 = arith.index_cast %add3A_104 : i32 to index
      %get3A_106 = arith.constant 0 : index
      %get3A_107 = tpu.vector_load %arg6[%get3A_105, %get3A_106] {strides = array<i32>} : memref<256x16xi32, #tpu.memory_space<vmem>>, vector<16xi32>,
      %get3A_108 = arith.index_cast %add3A_104 : i32 to index
      %get3A_109 = arith.constant 0 : index
      %get3A_110 = tpu.vector_load %arg5[%get3A_108, %get3A_109] {strides = array<i32>} : memref<256x16xf32, #tpu.memory_space<vmem>>, vector<16xf32>,
      tpu.vector_store_idx %arg8[%get3A_107], %get3A_110 : memref<1024xf32, #tpu.memory_space<vmem>>[vector<16xi32>], vector<16xf32>,
      %add3A_111 = arith.addi %mul3A_2, %add3A_104 : i32
      %dma_start3A_112 = arith.constant 0 : i32
      %dma_start3A_113 = tpu.memref_slice %arg4[%add3A_111, %dma_start3A_112] : memref<8192x1024xf32, #tpu.memory_space<hbm>> -> memref<1x1024xf32, #tpu.memory_space<hbm>>
      %dma_start3A_114 = tpu.memref_squeeze %dma_start3A_113 : memref<1x1024xf32, #tpu.memory_space<hbm>> -> memref<1024xf32, #tpu.memory_space<hbm>>
      %dma_start3A_115 = arith.constant 0 : i32
      %dma_start3A_116 = tpu.memref_slice %arg4[%add3A_111, %dma_start3A_115] : memref<8192x1024xf32, #tpu.memory_space<hbm>> -> memref<1x1024xf32, #tpu.memory_space<hbm>>
      %dma_start3A_117 = tpu.memref_squeeze %dma_start3A_116 : memref<1x1024xf32, #tpu.memory_space<hbm>> -> memref<1024xf32, #tpu.memory_space<hbm>>
      tpu.enqueue_dma source(%arg8 : memref<1024xf32, #tpu.memory_space<vmem>>) target(%dma_start3A_117 : memref<1024xf32, #tpu.memory_space<hbm>>) target_semaphore(%arg10 : memref<!tpu.dma_semaphore, #tpu.memory_space<semaphore_mem>>)
    }
    %scan3A_44 = arith.constant 127 : i32
    %add3A_45 = arith.constant 256 : i32
    %add3A_46 = arith.addi %mul3A_2, %add3A_45 : i32
    %sub3A = arith.constant 2 : i32
    %sub3A_47 = arith.subi %add3A_46, %sub3A : i32
    %dma_wait3A = arith.constant 0 : i32
    %dma_wait3A_48 = tpu.memref_slice %arg4[%sub3A_47, %dma_wait3A] : memref<8192x1024xf32, #tpu.memory_space<hbm>> -> memref<1x1024xf32, #tpu.memory_space<hbm>>
    %dma_wait3A_49 = tpu.memref_squeeze %dma_wait3A_48 : memref<1x1024xf32, #tpu.memory_space<hbm>> -> memref<1024xf32, #tpu.memory_space<hbm>>
    %dma_wait3A_50 = arith.constant 0 : i32
    %dma_wait3A_51 = tpu.memref_slice %arg4[%sub3A_47, %dma_wait3A_50] : memref<8192x1024xf32, #tpu.memory_space<hbm>> -> memref<1x1024xf32, #tpu.memory_space<hbm>>
    %dma_wait3A_52 = tpu.memref_squeeze %dma_wait3A_51 : memref<1x1024xf32, #tpu.memory_space<hbm>> -> memref<1024xf32, #tpu.memory_space<hbm>>
    tpu.wait_dma2 semaphore(%arg9 : memref<!tpu.dma_semaphore, #tpu.memory_space<semaphore_mem>>) src(%arg7 : memref<1024xf32, #tpu.memory_space<vmem>>) dst(%dma_wait3A_52 : memref<1024xf32, #tpu.memory_space<hbm>>)
    %add3A_53 = arith.constant 256 : i32
    %add3A_54 = arith.addi %mul3A_2, %add3A_53 : i32
    %sub3A_55 = arith.constant 1 : i32
    %sub3A_56 = arith.subi %add3A_54, %sub3A_55 : i32
    %dma_wait3A_57 = arith.constant 0 : i32
    %dma_wait3A_58 = tpu.memref_slice %arg4[%sub3A_56, %dma_wait3A_57] : memref<8192x1024xf32, #tpu.memory_space<hbm>> -> memref<1x1024xf32, #tpu.memory_space<hbm>>
    %dma_wait3A_59 = tpu.memref_squeeze %dma_wait3A_58 : memref<1x1024xf32, #tpu.memory_space<hbm>> -> memref<1024xf32, #tpu.memory_space<hbm>>
    %dma_wait3A_60 = arith.constant 0 : i32
    %dma_wait3A_61 = tpu.memref_slice %arg4[%sub3A_56, %dma_wait3A_60] : memref<8192x1024xf32, #tpu.memory_space<hbm>> -> memref<1x1024xf32, #tpu.memory_space<hbm>>
    %dma_wait3A_62 = tpu.memref_squeeze %dma_wait3A_61 : memref<1x1024xf32, #tpu.memory_space<hbm>> -> memref<1024xf32, #tpu.memory_space<hbm>>
    tpu.wait_dma2 semaphore(%arg10 : memref<!tpu.dma_semaphore, #tpu.memory_space<semaphore_mem>>) src(%arg8 : memref<1024xf32, #tpu.memory_space<vmem>>) dst(%dma_wait3A_62 : memref<1024xf32, #tpu.memory_space<hbm>>)
    return
  }
}

module attributes {stable_mosaic.version = 14 : i64} {
  func.func @_knn_body(%arg0: i32, %arg1: memref<1x1024x3xf32, #tpu.memory_space<vmem>>, %arg2: memref<1x3x1024xf32, #tpu.memory_space<vmem>>, %arg3: memref<1x1024x16xi32, #tpu.memory_space<vmem>>, %arg4: memref<1x1024x16xi32, #tpu.memory_space<vmem>>) attributes {dimension_semantics = [#tpu.dimension_semantics<arbitrary>], iteration_bounds = array<i64: 8>, scalar_prefetch = 0 : i64, scratch_operands = 0 : i64, tpu.core_type = #tpu.core_type<tc>, window_params = [{transform_indices = @transform_0, window_bounds = array<i64: 1, 1024, 3>}, {transform_indices = @transform_1, window_bounds = array<i64: 1, 3, 1024>}, {transform_indices = @transform_2, window_bounds = array<i64: 1, 1024, 16>}, {transform_indices = @transform_3, window_bounds = array<i64: 1, 1024, 16>}]} {
    %get3A = arith.constant 0 : index
    %get3A_0 = arith.constant 0 : index
    %get3A_1 = arith.constant 0 : index
    %get3A_2 = vector.load %arg1[%get3A, %get3A_0, %get3A_1] : memref<1x1024x3xf32, #tpu.memory_space<vmem>>, vector<1x1024x1xf32>
    %get3A_3 = vector.shape_cast %get3A_2 : vector<1x1024x1xf32> to vector<1024x1xf32>
    %get3A_4 = arith.constant 0 : index
    %get3A_5 = arith.constant 0 : index
    %get3A_6 = arith.constant 0 : index
    %get3A_7 = vector.load %arg2[%get3A_4, %get3A_5, %get3A_6] : memref<1x3x1024xf32, #tpu.memory_space<vmem>>, vector<1x1x1024xf32>
    %get3A_8 = vector.shape_cast %get3A_7 : vector<1x1x1024xf32> to vector<1x1024xf32>
    %sub3A = vector.broadcast %get3A_3 : vector<1024x1xf32> to vector<1024x1024xf32>
    %sub3A_9 = vector.broadcast %get3A_8 : vector<1x1024xf32> to vector<1024x1024xf32>
    %sub3A_10 = arith.subf %sub3A, %sub3A_9 : vector<1024x1024xf32>
    %integer_pow3A = arith.mulf %sub3A_10, %sub3A_10 : vector<1024x1024xf32>
    %get3A_11 = arith.constant 0 : index
    %get3A_12 = arith.constant 0 : index
    %get3A_13 = arith.constant 1 : index
    %get3A_14 = vector.load %arg1[%get3A_11, %get3A_12, %get3A_13] : memref<1x1024x3xf32, #tpu.memory_space<vmem>>, vector<1x1024x1xf32>
    %get3A_15 = vector.shape_cast %get3A_14 : vector<1x1024x1xf32> to vector<1024x1xf32>
    %get3A_16 = arith.constant 0 : index
    %get3A_17 = arith.constant 1 : index
    %get3A_18 = arith.constant 0 : index
    %get3A_19 = vector.load %arg2[%get3A_16, %get3A_17, %get3A_18] : memref<1x3x1024xf32, #tpu.memory_space<vmem>>, vector<1x1x1024xf32>
    %get3A_20 = vector.shape_cast %get3A_19 : vector<1x1x1024xf32> to vector<1x1024xf32>
    %sub3A_21 = vector.broadcast %get3A_15 : vector<1024x1xf32> to vector<1024x1024xf32>
    %sub3A_22 = vector.broadcast %get3A_20 : vector<1x1024xf32> to vector<1024x1024xf32>
    %sub3A_23 = arith.subf %sub3A_21, %sub3A_22 : vector<1024x1024xf32>
    %integer_pow3A_24 = arith.mulf %sub3A_23, %sub3A_23 : vector<1024x1024xf32>
    %get3A_25 = arith.constant 0 : index
    %get3A_26 = arith.constant 0 : index
    %get3A_27 = arith.constant 2 : index
    %get3A_28 = vector.load %arg1[%get3A_25, %get3A_26, %get3A_27] : memref<1x1024x3xf32, #tpu.memory_space<vmem>>, vector<1x1024x1xf32>
    %get3A_29 = vector.shape_cast %get3A_28 : vector<1x1024x1xf32> to vector<1024x1xf32>
    %get3A_30 = arith.constant 0 : index
    %get3A_31 = arith.constant 2 : index
    %get3A_32 = arith.constant 0 : index
    %get3A_33 = vector.load %arg2[%get3A_30, %get3A_31, %get3A_32] : memref<1x3x1024xf32, #tpu.memory_space<vmem>>, vector<1x1x1024xf32>
    %get3A_34 = vector.shape_cast %get3A_33 : vector<1x1x1024xf32> to vector<1x1024xf32>
    %sub3A_35 = vector.broadcast %get3A_29 : vector<1024x1xf32> to vector<1024x1024xf32>
    %sub3A_36 = vector.broadcast %get3A_34 : vector<1x1024xf32> to vector<1024x1024xf32>
    %sub3A_37 = arith.subf %sub3A_35, %sub3A_36 : vector<1024x1024xf32>
    %integer_pow3A_38 = arith.mulf %sub3A_37, %sub3A_37 : vector<1024x1024xf32>
    %add3A = arith.addf %integer_pow3A, %integer_pow3A_24 : vector<1024x1024xf32>
    %add3A_39 = arith.addf %add3A, %integer_pow3A_38 : vector<1024x1024xf32>
    %iota3A = tpu.iota {dimensions = array<i32: 1>} : vector<1024x1024xi32>
    %reduce_min3A = arith.constant dense<0x7F800000> : vector<1024xf32>
    %reduce_min3A_40 = vector.multi_reduction <minimumf>, %add3A_39, %reduce_min3A [1] : vector<1024x1024xf32> to vector<1024xf32>
    %broadcast_in_dim3A = vector.shape_cast %reduce_min3A_40 : vector<1024xf32> to vector<1024x1xf32>
    %eq3A = vector.broadcast %broadcast_in_dim3A : vector<1024x1xf32> to vector<1024x1024xf32>
    %eq3A_41 = arith.cmpf oeq, %add3A_39, %eq3A : vector<1024x1024xf32>
    %jit3A = arith.constant 1073741824 : i32
    %broadcast_in_dim3A_42 = vector.broadcast %jit3A : i32 to vector<1024x1024xi32>
    %select_n3A = arith.select %eq3A_41, %iota3A, %broadcast_in_dim3A_42 : vector<1024x1024xi1>, vector<1024x1024xi32>
    %reduce_min3A_43 = arith.constant dense<2147483647> : vector<1024xi32>
    %reduce_min3A_44 = vector.multi_reduction <minsi>, %select_n3A, %reduce_min3A_43 [1] : vector<1024x1024xi32> to vector<1024xi32>
    %broadcast_in_dim3A_45 = vector.shape_cast %reduce_min3A_44 : vector<1024xi32> to vector<1024x1xi32>
    %eq3A_46 = vector.broadcast %broadcast_in_dim3A_45 : vector<1024x1xi32> to vector<1024x1024xi32>
    %eq3A_47 = arith.cmpi eq, %iota3A, %eq3A_46 : vector<1024x1024xi32>
    %jit3A_48 = arith.constant 3.000000e+38 : f32
    %broadcast_in_dim3A_49 = vector.broadcast %jit3A_48 : f32 to vector<1024x1024xf32>
    %select_n3A_50 = arith.select %eq3A_47, %broadcast_in_dim3A_49, %add3A_39 : vector<1024x1024xi1>, vector<1024x1024xf32>
    %reduce_min3A_51 = arith.constant dense<0x7F800000> : vector<1024xf32>
    %reduce_min3A_52 = vector.multi_reduction <minimumf>, %select_n3A_50, %reduce_min3A_51 [1] : vector<1024x1024xf32> to vector<1024xf32>
    %broadcast_in_dim3A_53 = vector.shape_cast %reduce_min3A_52 : vector<1024xf32> to vector<1024x1xf32>
    %eq3A_54 = vector.broadcast %broadcast_in_dim3A_53 : vector<1024x1xf32> to vector<1024x1024xf32>
    %eq3A_55 = arith.cmpf oeq, %select_n3A_50, %eq3A_54 : vector<1024x1024xf32>
    %jit3A_56 = arith.constant 1073741824 : i32
    %broadcast_in_dim3A_57 = vector.broadcast %jit3A_56 : i32 to vector<1024x1024xi32>
    %select_n3A_58 = arith.select %eq3A_55, %iota3A, %broadcast_in_dim3A_57 : vector<1024x1024xi1>, vector<1024x1024xi32>
    %reduce_min3A_59 = arith.constant dense<2147483647> : vector<1024xi32>
    %reduce_min3A_60 = vector.multi_reduction <minsi>, %select_n3A_58, %reduce_min3A_59 [1] : vector<1024x1024xi32> to vector<1024xi32>
    %broadcast_in_dim3A_61 = vector.shape_cast %reduce_min3A_60 : vector<1024xi32> to vector<1024x1xi32>
    %eq3A_62 = vector.broadcast %broadcast_in_dim3A_61 : vector<1024x1xi32> to vector<1024x1024xi32>
    %eq3A_63 = arith.cmpi eq, %iota3A, %eq3A_62 : vector<1024x1024xi32>
    %jit3A_64 = arith.constant 3.000000e+38 : f32
    %broadcast_in_dim3A_65 = vector.broadcast %jit3A_64 : f32 to vector<1024x1024xf32>
    %select_n3A_66 = arith.select %eq3A_63, %broadcast_in_dim3A_65, %select_n3A_50 : vector<1024x1024xi1>, vector<1024x1024xf32>
    %reduce_min3A_67 = arith.constant dense<0x7F800000> : vector<1024xf32>
    %reduce_min3A_68 = vector.multi_reduction <minimumf>, %select_n3A_66, %reduce_min3A_67 [1] : vector<1024x1024xf32> to vector<1024xf32>
    %broadcast_in_dim3A_69 = vector.shape_cast %reduce_min3A_68 : vector<1024xf32> to vector<1024x1xf32>
    %eq3A_70 = vector.broadcast %broadcast_in_dim3A_69 : vector<1024x1xf32> to vector<1024x1024xf32>
    %eq3A_71 = arith.cmpf oeq, %select_n3A_66, %eq3A_70 : vector<1024x1024xf32>
    %jit3A_72 = arith.constant 1073741824 : i32
    %broadcast_in_dim3A_73 = vector.broadcast %jit3A_72 : i32 to vector<1024x1024xi32>
    %select_n3A_74 = arith.select %eq3A_71, %iota3A, %broadcast_in_dim3A_73 : vector<1024x1024xi1>, vector<1024x1024xi32>
    %reduce_min3A_75 = arith.constant dense<2147483647> : vector<1024xi32>
    %reduce_min3A_76 = vector.multi_reduction <minsi>, %select_n3A_74, %reduce_min3A_75 [1] : vector<1024x1024xi32> to vector<1024xi32>
    %broadcast_in_dim3A_77 = vector.shape_cast %reduce_min3A_76 : vector<1024xi32> to vector<1024x1xi32>
    %eq3A_78 = vector.broadcast %broadcast_in_dim3A_77 : vector<1024x1xi32> to vector<1024x1024xi32>
    %eq3A_79 = arith.cmpi eq, %iota3A, %eq3A_78 : vector<1024x1024xi32>
    %jit3A_80 = arith.constant 3.000000e+38 : f32
    %broadcast_in_dim3A_81 = vector.broadcast %jit3A_80 : f32 to vector<1024x1024xf32>
    %select_n3A_82 = arith.select %eq3A_79, %broadcast_in_dim3A_81, %select_n3A_66 : vector<1024x1024xi1>, vector<1024x1024xf32>
    %reduce_min3A_83 = arith.constant dense<0x7F800000> : vector<1024xf32>
    %reduce_min3A_84 = vector.multi_reduction <minimumf>, %select_n3A_82, %reduce_min3A_83 [1] : vector<1024x1024xf32> to vector<1024xf32>
    %broadcast_in_dim3A_85 = vector.shape_cast %reduce_min3A_84 : vector<1024xf32> to vector<1024x1xf32>
    %eq3A_86 = vector.broadcast %broadcast_in_dim3A_85 : vector<1024x1xf32> to vector<1024x1024xf32>
    %eq3A_87 = arith.cmpf oeq, %select_n3A_82, %eq3A_86 : vector<1024x1024xf32>
    %jit3A_88 = arith.constant 1073741824 : i32
    %broadcast_in_dim3A_89 = vector.broadcast %jit3A_88 : i32 to vector<1024x1024xi32>
    %select_n3A_90 = arith.select %eq3A_87, %iota3A, %broadcast_in_dim3A_89 : vector<1024x1024xi1>, vector<1024x1024xi32>
    %reduce_min3A_91 = arith.constant dense<2147483647> : vector<1024xi32>
    %reduce_min3A_92 = vector.multi_reduction <minsi>, %select_n3A_90, %reduce_min3A_91 [1] : vector<1024x1024xi32> to vector<1024xi32>
    %broadcast_in_dim3A_93 = vector.shape_cast %reduce_min3A_92 : vector<1024xi32> to vector<1024x1xi32>
    %eq3A_94 = vector.broadcast %broadcast_in_dim3A_93 : vector<1024x1xi32> to vector<1024x1024xi32>
    %eq3A_95 = arith.cmpi eq, %iota3A, %eq3A_94 : vector<1024x1024xi32>
    %jit3A_96 = arith.constant 3.000000e+38 : f32
    %broadcast_in_dim3A_97 = vector.broadcast %jit3A_96 : f32 to vector<1024x1024xf32>
    %select_n3A_98 = arith.select %eq3A_95, %broadcast_in_dim3A_97, %select_n3A_82 : vector<1024x1024xi1>, vector<1024x1024xf32>
    %reduce_min3A_99 = arith.constant dense<0x7F800000> : vector<1024xf32>
    %reduce_min3A_100 = vector.multi_reduction <minimumf>, %select_n3A_98, %reduce_min3A_99 [1] : vector<1024x1024xf32> to vector<1024xf32>
    %broadcast_in_dim3A_101 = vector.shape_cast %reduce_min3A_100 : vector<1024xf32> to vector<1024x1xf32>
    %eq3A_102 = vector.broadcast %broadcast_in_dim3A_101 : vector<1024x1xf32> to vector<1024x1024xf32>
    %eq3A_103 = arith.cmpf oeq, %select_n3A_98, %eq3A_102 : vector<1024x1024xf32>
    %jit3A_104 = arith.constant 1073741824 : i32
    %broadcast_in_dim3A_105 = vector.broadcast %jit3A_104 : i32 to vector<1024x1024xi32>
    %select_n3A_106 = arith.select %eq3A_103, %iota3A, %broadcast_in_dim3A_105 : vector<1024x1024xi1>, vector<1024x1024xi32>
    %reduce_min3A_107 = arith.constant dense<2147483647> : vector<1024xi32>
    %reduce_min3A_108 = vector.multi_reduction <minsi>, %select_n3A_106, %reduce_min3A_107 [1] : vector<1024x1024xi32> to vector<1024xi32>
    %broadcast_in_dim3A_109 = vector.shape_cast %reduce_min3A_108 : vector<1024xi32> to vector<1024x1xi32>
    %eq3A_110 = vector.broadcast %broadcast_in_dim3A_109 : vector<1024x1xi32> to vector<1024x1024xi32>
    %eq3A_111 = arith.cmpi eq, %iota3A, %eq3A_110 : vector<1024x1024xi32>
    %jit3A_112 = arith.constant 3.000000e+38 : f32
    %broadcast_in_dim3A_113 = vector.broadcast %jit3A_112 : f32 to vector<1024x1024xf32>
    %select_n3A_114 = arith.select %eq3A_111, %broadcast_in_dim3A_113, %select_n3A_98 : vector<1024x1024xi1>, vector<1024x1024xf32>
    %reduce_min3A_115 = arith.constant dense<0x7F800000> : vector<1024xf32>
    %reduce_min3A_116 = vector.multi_reduction <minimumf>, %select_n3A_114, %reduce_min3A_115 [1] : vector<1024x1024xf32> to vector<1024xf32>
    %broadcast_in_dim3A_117 = vector.shape_cast %reduce_min3A_116 : vector<1024xf32> to vector<1024x1xf32>
    %eq3A_118 = vector.broadcast %broadcast_in_dim3A_117 : vector<1024x1xf32> to vector<1024x1024xf32>
    %eq3A_119 = arith.cmpf oeq, %select_n3A_114, %eq3A_118 : vector<1024x1024xf32>
    %jit3A_120 = arith.constant 1073741824 : i32
    %broadcast_in_dim3A_121 = vector.broadcast %jit3A_120 : i32 to vector<1024x1024xi32>
    %select_n3A_122 = arith.select %eq3A_119, %iota3A, %broadcast_in_dim3A_121 : vector<1024x1024xi1>, vector<1024x1024xi32>
    %reduce_min3A_123 = arith.constant dense<2147483647> : vector<1024xi32>
    %reduce_min3A_124 = vector.multi_reduction <minsi>, %select_n3A_122, %reduce_min3A_123 [1] : vector<1024x1024xi32> to vector<1024xi32>
    %broadcast_in_dim3A_125 = vector.shape_cast %reduce_min3A_124 : vector<1024xi32> to vector<1024x1xi32>
    %eq3A_126 = vector.broadcast %broadcast_in_dim3A_125 : vector<1024x1xi32> to vector<1024x1024xi32>
    %eq3A_127 = arith.cmpi eq, %iota3A, %eq3A_126 : vector<1024x1024xi32>
    %jit3A_128 = arith.constant 3.000000e+38 : f32
    %broadcast_in_dim3A_129 = vector.broadcast %jit3A_128 : f32 to vector<1024x1024xf32>
    %select_n3A_130 = arith.select %eq3A_127, %broadcast_in_dim3A_129, %select_n3A_114 : vector<1024x1024xi1>, vector<1024x1024xf32>
    %reduce_min3A_131 = arith.constant dense<0x7F800000> : vector<1024xf32>
    %reduce_min3A_132 = vector.multi_reduction <minimumf>, %select_n3A_130, %reduce_min3A_131 [1] : vector<1024x1024xf32> to vector<1024xf32>
    %broadcast_in_dim3A_133 = vector.shape_cast %reduce_min3A_132 : vector<1024xf32> to vector<1024x1xf32>
    %eq3A_134 = vector.broadcast %broadcast_in_dim3A_133 : vector<1024x1xf32> to vector<1024x1024xf32>
    %eq3A_135 = arith.cmpf oeq, %select_n3A_130, %eq3A_134 : vector<1024x1024xf32>
    %jit3A_136 = arith.constant 1073741824 : i32
    %broadcast_in_dim3A_137 = vector.broadcast %jit3A_136 : i32 to vector<1024x1024xi32>
    %select_n3A_138 = arith.select %eq3A_135, %iota3A, %broadcast_in_dim3A_137 : vector<1024x1024xi1>, vector<1024x1024xi32>
    %reduce_min3A_139 = arith.constant dense<2147483647> : vector<1024xi32>
    %reduce_min3A_140 = vector.multi_reduction <minsi>, %select_n3A_138, %reduce_min3A_139 [1] : vector<1024x1024xi32> to vector<1024xi32>
    %broadcast_in_dim3A_141 = vector.shape_cast %reduce_min3A_140 : vector<1024xi32> to vector<1024x1xi32>
    %eq3A_142 = vector.broadcast %broadcast_in_dim3A_141 : vector<1024x1xi32> to vector<1024x1024xi32>
    %eq3A_143 = arith.cmpi eq, %iota3A, %eq3A_142 : vector<1024x1024xi32>
    %jit3A_144 = arith.constant 3.000000e+38 : f32
    %broadcast_in_dim3A_145 = vector.broadcast %jit3A_144 : f32 to vector<1024x1024xf32>
    %select_n3A_146 = arith.select %eq3A_143, %broadcast_in_dim3A_145, %select_n3A_130 : vector<1024x1024xi1>, vector<1024x1024xf32>
    %reduce_min3A_147 = arith.constant dense<0x7F800000> : vector<1024xf32>
    %reduce_min3A_148 = vector.multi_reduction <minimumf>, %select_n3A_146, %reduce_min3A_147 [1] : vector<1024x1024xf32> to vector<1024xf32>
    %broadcast_in_dim3A_149 = vector.shape_cast %reduce_min3A_148 : vector<1024xf32> to vector<1024x1xf32>
    %eq3A_150 = vector.broadcast %broadcast_in_dim3A_149 : vector<1024x1xf32> to vector<1024x1024xf32>
    %eq3A_151 = arith.cmpf oeq, %select_n3A_146, %eq3A_150 : vector<1024x1024xf32>
    %jit3A_152 = arith.constant 1073741824 : i32
    %broadcast_in_dim3A_153 = vector.broadcast %jit3A_152 : i32 to vector<1024x1024xi32>
    %select_n3A_154 = arith.select %eq3A_151, %iota3A, %broadcast_in_dim3A_153 : vector<1024x1024xi1>, vector<1024x1024xi32>
    %reduce_min3A_155 = arith.constant dense<2147483647> : vector<1024xi32>
    %reduce_min3A_156 = vector.multi_reduction <minsi>, %select_n3A_154, %reduce_min3A_155 [1] : vector<1024x1024xi32> to vector<1024xi32>
    %broadcast_in_dim3A_157 = vector.shape_cast %reduce_min3A_156 : vector<1024xi32> to vector<1024x1xi32>
    %eq3A_158 = vector.broadcast %broadcast_in_dim3A_157 : vector<1024x1xi32> to vector<1024x1024xi32>
    %eq3A_159 = arith.cmpi eq, %iota3A, %eq3A_158 : vector<1024x1024xi32>
    %jit3A_160 = arith.constant 3.000000e+38 : f32
    %broadcast_in_dim3A_161 = vector.broadcast %jit3A_160 : f32 to vector<1024x1024xf32>
    %select_n3A_162 = arith.select %eq3A_159, %broadcast_in_dim3A_161, %select_n3A_146 : vector<1024x1024xi1>, vector<1024x1024xf32>
    %reduce_min3A_163 = arith.constant dense<0x7F800000> : vector<1024xf32>
    %reduce_min3A_164 = vector.multi_reduction <minimumf>, %select_n3A_162, %reduce_min3A_163 [1] : vector<1024x1024xf32> to vector<1024xf32>
    %broadcast_in_dim3A_165 = vector.shape_cast %reduce_min3A_164 : vector<1024xf32> to vector<1024x1xf32>
    %eq3A_166 = vector.broadcast %broadcast_in_dim3A_165 : vector<1024x1xf32> to vector<1024x1024xf32>
    %eq3A_167 = arith.cmpf oeq, %select_n3A_162, %eq3A_166 : vector<1024x1024xf32>
    %jit3A_168 = arith.constant 1073741824 : i32
    %broadcast_in_dim3A_169 = vector.broadcast %jit3A_168 : i32 to vector<1024x1024xi32>
    %select_n3A_170 = arith.select %eq3A_167, %iota3A, %broadcast_in_dim3A_169 : vector<1024x1024xi1>, vector<1024x1024xi32>
    %reduce_min3A_171 = arith.constant dense<2147483647> : vector<1024xi32>
    %reduce_min3A_172 = vector.multi_reduction <minsi>, %select_n3A_170, %reduce_min3A_171 [1] : vector<1024x1024xi32> to vector<1024xi32>
    %broadcast_in_dim3A_173 = vector.shape_cast %reduce_min3A_172 : vector<1024xi32> to vector<1024x1xi32>
    %eq3A_174 = vector.broadcast %broadcast_in_dim3A_173 : vector<1024x1xi32> to vector<1024x1024xi32>
    %eq3A_175 = arith.cmpi eq, %iota3A, %eq3A_174 : vector<1024x1024xi32>
    %jit3A_176 = arith.constant 3.000000e+38 : f32
    %broadcast_in_dim3A_177 = vector.broadcast %jit3A_176 : f32 to vector<1024x1024xf32>
    %select_n3A_178 = arith.select %eq3A_175, %broadcast_in_dim3A_177, %select_n3A_162 : vector<1024x1024xi1>, vector<1024x1024xf32>
    %reduce_min3A_179 = arith.constant dense<0x7F800000> : vector<1024xf32>
    %reduce_min3A_180 = vector.multi_reduction <minimumf>, %select_n3A_178, %reduce_min3A_179 [1] : vector<1024x1024xf32> to vector<1024xf32>
    %broadcast_in_dim3A_181 = vector.shape_cast %reduce_min3A_180 : vector<1024xf32> to vector<1024x1xf32>
    %eq3A_182 = vector.broadcast %broadcast_in_dim3A_181 : vector<1024x1xf32> to vector<1024x1024xf32>
    %eq3A_183 = arith.cmpf oeq, %select_n3A_178, %eq3A_182 : vector<1024x1024xf32>
    %jit3A_184 = arith.constant 1073741824 : i32
    %broadcast_in_dim3A_185 = vector.broadcast %jit3A_184 : i32 to vector<1024x1024xi32>
    %select_n3A_186 = arith.select %eq3A_183, %iota3A, %broadcast_in_dim3A_185 : vector<1024x1024xi1>, vector<1024x1024xi32>
    %reduce_min3A_187 = arith.constant dense<2147483647> : vector<1024xi32>
    %reduce_min3A_188 = vector.multi_reduction <minsi>, %select_n3A_186, %reduce_min3A_187 [1] : vector<1024x1024xi32> to vector<1024xi32>
    %broadcast_in_dim3A_189 = vector.shape_cast %reduce_min3A_188 : vector<1024xi32> to vector<1024x1xi32>
    %eq3A_190 = vector.broadcast %broadcast_in_dim3A_189 : vector<1024x1xi32> to vector<1024x1024xi32>
    %eq3A_191 = arith.cmpi eq, %iota3A, %eq3A_190 : vector<1024x1024xi32>
    %jit3A_192 = arith.constant 3.000000e+38 : f32
    %broadcast_in_dim3A_193 = vector.broadcast %jit3A_192 : f32 to vector<1024x1024xf32>
    %select_n3A_194 = arith.select %eq3A_191, %broadcast_in_dim3A_193, %select_n3A_178 : vector<1024x1024xi1>, vector<1024x1024xf32>
    %reduce_min3A_195 = arith.constant dense<0x7F800000> : vector<1024xf32>
    %reduce_min3A_196 = vector.multi_reduction <minimumf>, %select_n3A_194, %reduce_min3A_195 [1] : vector<1024x1024xf32> to vector<1024xf32>
    %broadcast_in_dim3A_197 = vector.shape_cast %reduce_min3A_196 : vector<1024xf32> to vector<1024x1xf32>
    %eq3A_198 = vector.broadcast %broadcast_in_dim3A_197 : vector<1024x1xf32> to vector<1024x1024xf32>
    %eq3A_199 = arith.cmpf oeq, %select_n3A_194, %eq3A_198 : vector<1024x1024xf32>
    %jit3A_200 = arith.constant 1073741824 : i32
    %broadcast_in_dim3A_201 = vector.broadcast %jit3A_200 : i32 to vector<1024x1024xi32>
    %select_n3A_202 = arith.select %eq3A_199, %iota3A, %broadcast_in_dim3A_201 : vector<1024x1024xi1>, vector<1024x1024xi32>
    %reduce_min3A_203 = arith.constant dense<2147483647> : vector<1024xi32>
    %reduce_min3A_204 = vector.multi_reduction <minsi>, %select_n3A_202, %reduce_min3A_203 [1] : vector<1024x1024xi32> to vector<1024xi32>
    %broadcast_in_dim3A_205 = vector.shape_cast %reduce_min3A_204 : vector<1024xi32> to vector<1024x1xi32>
    %eq3A_206 = vector.broadcast %broadcast_in_dim3A_205 : vector<1024x1xi32> to vector<1024x1024xi32>
    %eq3A_207 = arith.cmpi eq, %iota3A, %eq3A_206 : vector<1024x1024xi32>
    %jit3A_208 = arith.constant 3.000000e+38 : f32
    %broadcast_in_dim3A_209 = vector.broadcast %jit3A_208 : f32 to vector<1024x1024xf32>
    %select_n3A_210 = arith.select %eq3A_207, %broadcast_in_dim3A_209, %select_n3A_194 : vector<1024x1024xi1>, vector<1024x1024xf32>
    %reduce_min3A_211 = arith.constant dense<0x7F800000> : vector<1024xf32>
    %reduce_min3A_212 = vector.multi_reduction <minimumf>, %select_n3A_210, %reduce_min3A_211 [1] : vector<1024x1024xf32> to vector<1024xf32>
    %broadcast_in_dim3A_213 = vector.shape_cast %reduce_min3A_212 : vector<1024xf32> to vector<1024x1xf32>
    %eq3A_214 = vector.broadcast %broadcast_in_dim3A_213 : vector<1024x1xf32> to vector<1024x1024xf32>
    %eq3A_215 = arith.cmpf oeq, %select_n3A_210, %eq3A_214 : vector<1024x1024xf32>
    %jit3A_216 = arith.constant 1073741824 : i32
    %broadcast_in_dim3A_217 = vector.broadcast %jit3A_216 : i32 to vector<1024x1024xi32>
    %select_n3A_218 = arith.select %eq3A_215, %iota3A, %broadcast_in_dim3A_217 : vector<1024x1024xi1>, vector<1024x1024xi32>
    %reduce_min3A_219 = arith.constant dense<2147483647> : vector<1024xi32>
    %reduce_min3A_220 = vector.multi_reduction <minsi>, %select_n3A_218, %reduce_min3A_219 [1] : vector<1024x1024xi32> to vector<1024xi32>
    %broadcast_in_dim3A_221 = vector.shape_cast %reduce_min3A_220 : vector<1024xi32> to vector<1024x1xi32>
    %eq3A_222 = vector.broadcast %broadcast_in_dim3A_221 : vector<1024x1xi32> to vector<1024x1024xi32>
    %eq3A_223 = arith.cmpi eq, %iota3A, %eq3A_222 : vector<1024x1024xi32>
    %jit3A_224 = arith.constant 3.000000e+38 : f32
    %broadcast_in_dim3A_225 = vector.broadcast %jit3A_224 : f32 to vector<1024x1024xf32>
    %select_n3A_226 = arith.select %eq3A_223, %broadcast_in_dim3A_225, %select_n3A_210 : vector<1024x1024xi1>, vector<1024x1024xf32>
    %reduce_min3A_227 = arith.constant dense<0x7F800000> : vector<1024xf32>
    %reduce_min3A_228 = vector.multi_reduction <minimumf>, %select_n3A_226, %reduce_min3A_227 [1] : vector<1024x1024xf32> to vector<1024xf32>
    %broadcast_in_dim3A_229 = vector.shape_cast %reduce_min3A_228 : vector<1024xf32> to vector<1024x1xf32>
    %eq3A_230 = vector.broadcast %broadcast_in_dim3A_229 : vector<1024x1xf32> to vector<1024x1024xf32>
    %eq3A_231 = arith.cmpf oeq, %select_n3A_226, %eq3A_230 : vector<1024x1024xf32>
    %jit3A_232 = arith.constant 1073741824 : i32
    %broadcast_in_dim3A_233 = vector.broadcast %jit3A_232 : i32 to vector<1024x1024xi32>
    %select_n3A_234 = arith.select %eq3A_231, %iota3A, %broadcast_in_dim3A_233 : vector<1024x1024xi1>, vector<1024x1024xi32>
    %reduce_min3A_235 = arith.constant dense<2147483647> : vector<1024xi32>
    %reduce_min3A_236 = vector.multi_reduction <minsi>, %select_n3A_234, %reduce_min3A_235 [1] : vector<1024x1024xi32> to vector<1024xi32>
    %broadcast_in_dim3A_237 = vector.shape_cast %reduce_min3A_236 : vector<1024xi32> to vector<1024x1xi32>
    %eq3A_238 = vector.broadcast %broadcast_in_dim3A_237 : vector<1024x1xi32> to vector<1024x1024xi32>
    %eq3A_239 = arith.cmpi eq, %iota3A, %eq3A_238 : vector<1024x1024xi32>
    %jit3A_240 = arith.constant 3.000000e+38 : f32
    %broadcast_in_dim3A_241 = vector.broadcast %jit3A_240 : f32 to vector<1024x1024xf32>
    %select_n3A_242 = arith.select %eq3A_239, %broadcast_in_dim3A_241, %select_n3A_226 : vector<1024x1024xi1>, vector<1024x1024xf32>
    %reduce_min3A_243 = arith.constant dense<0x7F800000> : vector<1024xf32>
    %reduce_min3A_244 = vector.multi_reduction <minimumf>, %select_n3A_242, %reduce_min3A_243 [1] : vector<1024x1024xf32> to vector<1024xf32>
    %broadcast_in_dim3A_245 = vector.shape_cast %reduce_min3A_244 : vector<1024xf32> to vector<1024x1xf32>
    %eq3A_246 = vector.broadcast %broadcast_in_dim3A_245 : vector<1024x1xf32> to vector<1024x1024xf32>
    %eq3A_247 = arith.cmpf oeq, %select_n3A_242, %eq3A_246 : vector<1024x1024xf32>
    %jit3A_248 = arith.constant 1073741824 : i32
    %broadcast_in_dim3A_249 = vector.broadcast %jit3A_248 : i32 to vector<1024x1024xi32>
    %select_n3A_250 = arith.select %eq3A_247, %iota3A, %broadcast_in_dim3A_249 : vector<1024x1024xi1>, vector<1024x1024xi32>
    %reduce_min3A_251 = arith.constant dense<2147483647> : vector<1024xi32>
    %reduce_min3A_252 = vector.multi_reduction <minsi>, %select_n3A_250, %reduce_min3A_251 [1] : vector<1024x1024xi32> to vector<1024xi32>
    %broadcast_in_dim3A_253 = vector.shape_cast %reduce_min3A_252 : vector<1024xi32> to vector<1024x1xi32>
    %eq3A_254 = vector.broadcast %broadcast_in_dim3A_253 : vector<1024x1xi32> to vector<1024x1024xi32>
    %eq3A_255 = arith.cmpi eq, %iota3A, %eq3A_254 : vector<1024x1024xi32>
    %jit3A_256 = arith.constant 3.000000e+38 : f32
    %broadcast_in_dim3A_257 = vector.broadcast %jit3A_256 : f32 to vector<1024x1024xf32>
    %select_n3A_258 = arith.select %eq3A_255, %broadcast_in_dim3A_257, %select_n3A_242 : vector<1024x1024xi1>, vector<1024x1024xf32>
    %reduce_min3A_259 = arith.constant dense<0x7F800000> : vector<1024xf32>
    %reduce_min3A_260 = vector.multi_reduction <minimumf>, %select_n3A_258, %reduce_min3A_259 [1] : vector<1024x1024xf32> to vector<1024xf32>
    %broadcast_in_dim3A_261 = vector.shape_cast %reduce_min3A_260 : vector<1024xf32> to vector<1024x1xf32>
    %eq3A_262 = vector.broadcast %broadcast_in_dim3A_261 : vector<1024x1xf32> to vector<1024x1024xf32>
    %eq3A_263 = arith.cmpf oeq, %select_n3A_258, %eq3A_262 : vector<1024x1024xf32>
    %jit3A_264 = arith.constant 1073741824 : i32
    %broadcast_in_dim3A_265 = vector.broadcast %jit3A_264 : i32 to vector<1024x1024xi32>
    %select_n3A_266 = arith.select %eq3A_263, %iota3A, %broadcast_in_dim3A_265 : vector<1024x1024xi1>, vector<1024x1024xi32>
    %reduce_min3A_267 = arith.constant dense<2147483647> : vector<1024xi32>
    %reduce_min3A_268 = vector.multi_reduction <minsi>, %select_n3A_266, %reduce_min3A_267 [1] : vector<1024x1024xi32> to vector<1024xi32>
    %broadcast_in_dim3A_269 = vector.shape_cast %reduce_min3A_268 : vector<1024xi32> to vector<1024x1xi32>
    %eq3A_270 = vector.broadcast %broadcast_in_dim3A_269 : vector<1024x1xi32> to vector<1024x1024xi32>
    %eq3A_271 = arith.cmpi eq, %iota3A, %eq3A_270 : vector<1024x1024xi32>
    %jit3A_272 = arith.constant 3.000000e+38 : f32
    %broadcast_in_dim3A_273 = vector.broadcast %jit3A_272 : f32 to vector<1024x1024xf32>
    %select_n3A_274 = arith.select %eq3A_271, %broadcast_in_dim3A_273, %select_n3A_258 : vector<1024x1024xi1>, vector<1024x1024xf32>
    %reduce_min3A_275 = arith.constant dense<0x7F800000> : vector<1024xf32>
    %reduce_min3A_276 = vector.multi_reduction <minimumf>, %select_n3A_274, %reduce_min3A_275 [1] : vector<1024x1024xf32> to vector<1024xf32>
    %broadcast_in_dim3A_277 = vector.shape_cast %reduce_min3A_276 : vector<1024xf32> to vector<1024x1xf32>
    %eq3A_278 = vector.broadcast %broadcast_in_dim3A_277 : vector<1024x1xf32> to vector<1024x1024xf32>
    %eq3A_279 = arith.cmpf oeq, %select_n3A_274, %eq3A_278 : vector<1024x1024xf32>
    %jit3A_280 = arith.constant 1073741824 : i32
    %broadcast_in_dim3A_281 = vector.broadcast %jit3A_280 : i32 to vector<1024x1024xi32>
    %select_n3A_282 = arith.select %eq3A_279, %iota3A, %broadcast_in_dim3A_281 : vector<1024x1024xi1>, vector<1024x1024xi32>
    %reduce_min3A_283 = arith.constant dense<2147483647> : vector<1024xi32>
    %reduce_min3A_284 = vector.multi_reduction <minsi>, %select_n3A_282, %reduce_min3A_283 [1] : vector<1024x1024xi32> to vector<1024xi32>
    %broadcast_in_dim3A_285 = vector.shape_cast %reduce_min3A_284 : vector<1024xi32> to vector<1024x1xi32>
    %concatenate3A = tpu.concatenate %broadcast_in_dim3A_45, %broadcast_in_dim3A_61, %broadcast_in_dim3A_77, %broadcast_in_dim3A_93, %broadcast_in_dim3A_109, %broadcast_in_dim3A_125, %broadcast_in_dim3A_141, %broadcast_in_dim3A_157, %broadcast_in_dim3A_173, %broadcast_in_dim3A_189, %broadcast_in_dim3A_205, %broadcast_in_dim3A_221, %broadcast_in_dim3A_237, %broadcast_in_dim3A_253, %broadcast_in_dim3A_269, %broadcast_in_dim3A_285 in 1 : vector<1024x1xi32>, vector<1024x1xi32>, vector<1024x1xi32>, vector<1024x1xi32>, vector<1024x1xi32>, vector<1024x1xi32>, vector<1024x1xi32>, vector<1024x1xi32>, vector<1024x1xi32>, vector<1024x1xi32>, vector<1024x1xi32>, vector<1024x1xi32>, vector<1024x1xi32>, vector<1024x1xi32>, vector<1024x1xi32>, vector<1024x1xi32> -> vector<1024x16xi32>
    %swap3A = arith.constant 0 : index
    %swap3A_286 = arith.constant 0 : index
    %swap3A_287 = arith.constant 0 : index
    %swap3A_288 = vector.load %arg3[%swap3A, %swap3A_286, %swap3A_287] : memref<1x1024x16xi32, #tpu.memory_space<vmem>>, vector<1x1024x16xi32>
    %swap3A_289 = vector.shape_cast %swap3A_288 : vector<1x1024x16xi32> to vector<1024x16xi32>
    %swap3A_290 = vector.shape_cast %concatenate3A : vector<1024x16xi32> to vector<1x1024x16xi32>
    tpu.vector_store %arg3[%swap3A, %swap3A_286, %swap3A_287], %swap3A_290 {strides = array<i32>} : memref<1x1024x16xi32, #tpu.memory_space<vmem>>, vector<1x1024x16xi32>,
    %mul3A = arith.constant 1024 : i32
    %mul3A_291 = arith.muli %arg0, %mul3A : i32
    %add3A_292 = vector.broadcast %mul3A_291 : i32 to vector<1024x16xi32>
    %add3A_293 = arith.addi %concatenate3A, %add3A_292 : vector<1024x16xi32>
    %swap3A_294 = arith.constant 0 : index
    %swap3A_295 = arith.constant 0 : index
    %swap3A_296 = arith.constant 0 : index
    %swap3A_297 = vector.load %arg4[%swap3A_294, %swap3A_295, %swap3A_296] : memref<1x1024x16xi32, #tpu.memory_space<vmem>>, vector<1x1024x16xi32>
    %swap3A_298 = vector.shape_cast %swap3A_297 : vector<1x1024x16xi32> to vector<1024x16xi32>
    %swap3A_299 = vector.shape_cast %add3A_293 : vector<1024x16xi32> to vector<1x1024x16xi32>
    tpu.vector_store %arg4[%swap3A_294, %swap3A_295, %swap3A_296], %swap3A_299 {strides = array<i32>} : memref<1x1024x16xi32, #tpu.memory_space<vmem>>, vector<1x1024x16xi32>,
    return
  }
  func.func @transform_0(%arg0: i32) -> (i32, i32, i32) {
    %c0_i32 = arith.constant 0 : i32
    %c0_i32_0 = arith.constant 0 : i32
    %c0_i32_1 = arith.constant 0 : i32
    return %arg0, %c0_i32, %c0_i32_0 : i32, i32, i32
  }
  func.func @transform_1(%arg0: i32) -> (i32, i32, i32) {
    %c0_i32 = arith.constant 0 : i32
    %c0_i32_0 = arith.constant 0 : i32
    %c0_i32_1 = arith.constant 0 : i32
    return %arg0, %c0_i32, %c0_i32_0 : i32, i32, i32
  }
  func.func @transform_2(%arg0: i32) -> (i32, i32, i32) {
    %c0_i32 = arith.constant 0 : i32
    %c0_i32_0 = arith.constant 0 : i32
    %c0_i32_1 = arith.constant 0 : i32
    return %arg0, %c0_i32, %c0_i32_0 : i32, i32, i32
  }
  func.func @transform_3(%arg0: i32) -> (i32, i32, i32) {
    %c0_i32 = arith.constant 0 : i32
    %c0_i32_0 = arith.constant 0 : i32
    %c0_i32_1 = arith.constant 0 : i32
    return %arg0, %c0_i32, %c0_i32_0 : i32, i32, i32
  }
}

module attributes {stable_mosaic.version = 14 : i64} {
  func.func @_prep_body(%arg0: i32, %arg1: memref<1024x72xf32, #tpu.memory_space<vmem>>, %arg2: memref<1024x3xf32, #tpu.memory_space<vmem>>, %arg3: memref<72x256xf32, #tpu.memory_space<vmem>>, %arg4: memref<1x256xf32, #tpu.memory_space<vmem>>, %arg5: memref<256x256xf32, #tpu.memory_space<vmem>>, %arg6: memref<1x256xf32, #tpu.memory_space<vmem>>, %arg7: memref<3x256xf32, #tpu.memory_space<vmem>>, %arg8: memref<256x256xf32, #tpu.memory_space<vmem>>, %arg9: memref<256x256xf32, #tpu.memory_space<vmem>>, %arg10: memref<1x256xf32, #tpu.memory_space<vmem>>, %arg11: memref<1024x256xf32, #tpu.memory_space<vmem>>, %arg12: memref<1024x256xf32, #tpu.memory_space<vmem>>, %arg13: memref<1024x256xf32, #tpu.memory_space<vmem>>, %arg14: memref<1024x128xi32, #tpu.memory_space<vmem>>, %arg15: memref<1024x69xf32, #tpu.memory_space<vmem>>) attributes {dimension_semantics = [#tpu.dimension_semantics<arbitrary>], iteration_bounds = array<i64: 8>, scalar_prefetch = 0 : i64, scratch_operands = 0 : i64, tpu.core_type = #tpu.core_type<tc>, window_params = [{transform_indices = @transform_0, window_bounds = array<i64: 1024, 72>}, {transform_indices = @transform_1, window_bounds = array<i64: 1024, 3>}, {pipeline_mode = #tpu.pipeline_mode<synchronous>, transform_indices = @transform_2, window_bounds = array<i64: 72, 256>}, {pipeline_mode = #tpu.pipeline_mode<synchronous>, transform_indices = @transform_3, window_bounds = array<i64: 1, 256>}, {pipeline_mode = #tpu.pipeline_mode<synchronous>, transform_indices = @transform_4, window_bounds = array<i64: 256, 256>}, {pipeline_mode = #tpu.pipeline_mode<synchronous>, transform_indices = @transform_5, window_bounds = array<i64: 1, 256>}, {pipeline_mode = #tpu.pipeline_mode<synchronous>, transform_indices = @transform_6, window_bounds = array<i64: 3, 256>}, {pipeline_mode = #tpu.pipeline_mode<synchronous>, transform_indices = @transform_7, window_bounds = array<i64: 256, 256>}, {pipeline_mode = #tpu.pipeline_mode<synchronous>, transform_indices = @transform_8, window_bounds = array<i64: 256, 256>}, {pipeline_mode = #tpu.pipeline_mode<synchronous>, transform_indices = @transform_9, window_bounds = array<i64: 1, 256>}, {transform_indices = @transform_10, window_bounds = array<i64: 1024, 256>}, {transform_indices = @transform_11, window_bounds = array<i64: 1024, 256>}, {transform_indices = @transform_12, window_bounds = array<i64: 1024, 256>}, {transform_indices = @transform_13, window_bounds = array<i64: 1024, 128>}, {transform_indices = @transform_14, window_bounds = array<i64: 1024, 69>}]} {
    %get3A = arith.constant 0 : index
    %get3A_0 = arith.constant 0 : index
    %get3A_1 = vector.load %arg1[%get3A, %get3A_0] : memref<1024x72xf32, #tpu.memory_space<vmem>>, vector<1024x72xf32>
    %get3A_2 = arith.constant 0 : index
    %get3A_3 = arith.constant 0 : index
    %get3A_4 = vector.load %arg3[%get3A_2, %get3A_3] : memref<72x256xf32, #tpu.memory_space<vmem>>, vector<72x256xf32>
    %dot_general3A = arith.constant dense<0.000000e+00> : vector<1024x256xf32>
    %dot_general3A_5 = tpu.matmul %get3A_1, %get3A_4, %dot_general3A {dimension_numbers = #tpu.dot_dimension_numbers<[1], [0], [0], [1], [0, 0, 1, 1], [], []>, transpose_lhs_hint = false} : vector<1024x72xf32>, vector<72x256xf32>, vector<1024x256xf32> -> vector<1024x256xf32>
    %get3A_6 = arith.constant 0 : index
    %get3A_7 = arith.constant 0 : index
    %get3A_8 = vector.load %arg4[%get3A_6, %get3A_7] : memref<1x256xf32, #tpu.memory_space<vmem>>, vector<1x256xf32>
    %add3A = vector.broadcast %get3A_8 : vector<1x256xf32> to vector<1024x256xf32>
    %add3A_9 = arith.addf %dot_general3A_5, %add3A : vector<1024x256xf32>
    %max3A = arith.constant 0.000000e+00 : f32
    %max3A_10 = vector.broadcast %max3A : f32 to vector<1024x256xf32>
    %max3A_11 = arith.maximumf %add3A_9, %max3A_10 : vector<1024x256xf32>
    %get3A_12 = arith.constant 0 : index
    %get3A_13 = arith.constant 0 : index
    %get3A_14 = vector.load %arg5[%get3A_12, %get3A_13] : memref<256x256xf32, #tpu.memory_space<vmem>>, vector<256x256xf32>
    %dot_general3A_15 = arith.constant dense<0.000000e+00> : vector<1024x256xf32>
    %dot_general3A_16 = tpu.matmul %max3A_11, %get3A_14, %dot_general3A_15 {dimension_numbers = #tpu.dot_dimension_numbers<[1], [0], [0], [1], [0, 0, 1, 1], [], []>, transpose_lhs_hint = false} : vector<1024x256xf32>, vector<256x256xf32>, vector<1024x256xf32> -> vector<1024x256xf32>
    %get3A_17 = arith.constant 0 : index
    %get3A_18 = arith.constant 0 : index
    %get3A_19 = vector.load %arg6[%get3A_17, %get3A_18] : memref<1x256xf32, #tpu.memory_space<vmem>>, vector<1x256xf32>
    %add3A_20 = vector.broadcast %get3A_19 : vector<1x256xf32> to vector<1024x256xf32>
    %add3A_21 = arith.addf %dot_general3A_16, %add3A_20 : vector<1024x256xf32>
    %swap3A = arith.constant 0 : index
    %swap3A_22 = arith.constant 0 : index
    %swap3A_23 = vector.load %arg11[%swap3A, %swap3A_22] : memref<1024x256xf32, #tpu.memory_space<vmem>>, vector<1024x256xf32>
    tpu.vector_store %arg11[%swap3A, %swap3A_22], %add3A_21 {strides = array<i32>} : memref<1024x256xf32, #tpu.memory_space<vmem>>, vector<1024x256xf32>,
    %get3A_24 = arith.constant 0 : index
    %get3A_25 = arith.constant 0 : index
    %get3A_26 = vector.load %arg2[%get3A_24, %get3A_25] : memref<1024x3xf32, #tpu.memory_space<vmem>>, vector<1024x3xf32>
    %get3A_27 = arith.constant 0 : index
    %get3A_28 = arith.constant 0 : index
    %get3A_29 = vector.load %arg7[%get3A_27, %get3A_28] : memref<3x256xf32, #tpu.memory_space<vmem>>, vector<3x256xf32>
    %dot_general3A_30 = arith.constant dense<0.000000e+00> : vector<1024x256xf32>
    %dot_general3A_31 = tpu.matmul %get3A_26, %get3A_29, %dot_general3A_30 {dimension_numbers = #tpu.dot_dimension_numbers<[1], [0], [0], [1], [0, 0, 1, 1], [], []>, transpose_lhs_hint = false} : vector<1024x3xf32>, vector<3x256xf32>, vector<1024x256xf32> -> vector<1024x256xf32>
    %swap3A_32 = arith.constant 0 : index
    %swap3A_33 = arith.constant 0 : index
    %swap3A_34 = vector.load %arg12[%swap3A_32, %swap3A_33] : memref<1024x256xf32, #tpu.memory_space<vmem>>, vector<1024x256xf32>
    tpu.vector_store %arg12[%swap3A_32, %swap3A_33], %dot_general3A_31 {strides = array<i32>} : memref<1024x256xf32, #tpu.memory_space<vmem>>, vector<1024x256xf32>,
    %get3A_35 = arith.constant 0 : index
    %get3A_36 = arith.constant 0 : index
    %get3A_37 = vector.load %arg8[%get3A_35, %get3A_36] : memref<256x256xf32, #tpu.memory_space<vmem>>, vector<256x256xf32>
    %dot_general3A_38 = arith.constant dense<0.000000e+00> : vector<1024x256xf32>
    %dot_general3A_39 = tpu.matmul %add3A_21, %get3A_37, %dot_general3A_38 {dimension_numbers = #tpu.dot_dimension_numbers<[1], [0], [0], [1], [0, 0, 1, 1], [], []>, transpose_lhs_hint = false} : vector<1024x256xf32>, vector<256x256xf32>, vector<1024x256xf32> -> vector<1024x256xf32>
    %add3A_40 = arith.addf %dot_general3A_39, %dot_general3A_31 : vector<1024x256xf32>
    %get3A_41 = arith.constant 0 : index
    %get3A_42 = arith.constant 0 : index
    %get3A_43 = vector.load %arg10[%get3A_41, %get3A_42] : memref<1x256xf32, #tpu.memory_space<vmem>>, vector<1x256xf32>
    %add3A_44 = vector.broadcast %get3A_43 : vector<1x256xf32> to vector<1024x256xf32>
    %add3A_45 = arith.addf %add3A_40, %add3A_44 : vector<1024x256xf32>
    %swap3A_46 = arith.constant 0 : index
    %swap3A_47 = arith.constant 0 : index
    %swap3A_48 = vector.load %arg13[%swap3A_46, %swap3A_47] : memref<1024x256xf32, #tpu.memory_space<vmem>>, vector<1024x256xf32>
    tpu.vector_store %arg13[%swap3A_46, %swap3A_47], %add3A_45 {strides = array<i32>} : memref<1024x256xf32, #tpu.memory_space<vmem>>, vector<1024x256xf32>,
    %get3A_49 = arith.constant 0 : index
    %get3A_50 = arith.constant 0 : index
    %get3A_51 = vector.load %arg9[%get3A_49, %get3A_50] : memref<256x256xf32, #tpu.memory_space<vmem>>, vector<256x256xf32>
    %dot_general3A_52 = arith.constant dense<0.000000e+00> : vector<1024x256xf32>
    %dot_general3A_53 = tpu.matmul %add3A_21, %get3A_51, %dot_general3A_52 {dimension_numbers = #tpu.dot_dimension_numbers<[1], [0], [0], [1], [0, 0, 1, 1], [], []>, transpose_lhs_hint = false} : vector<1024x256xf32>, vector<256x256xf32>, vector<1024x256xf32> -> vector<1024x256xf32>
    %sub3A = arith.subf %dot_general3A_53, %dot_general3A_31 : vector<1024x256xf32>
    %slice3A = vector.extract_strided_slice %sub3A {offsets = [0, 0], sizes = [1024, 128], strides = [1, 1]} : vector<1024x256xf32> to vector<1024x128xf32>
    %bitcast_convert_type3A = tpu.bitcast %slice3A : vector<1024x128xf32> -> vector<1024x128xi32>
    %add3A_54 = arith.constant 32767 : i32
    %add3A_55 = vector.broadcast %add3A_54 : i32 to vector<1024x128xi32>
    %add3A_56 = arith.addi %bitcast_convert_type3A, %add3A_55 : vector<1024x128xi32>
    %shift_right_logical3A = arith.constant 16 : i32
    %shift_right_logical3A_57 = vector.broadcast %shift_right_logical3A : i32 to vector<1024x128xi32>
    %shift_right_logical3A_58 = arith.shrui %bitcast_convert_type3A, %shift_right_logical3A_57 : vector<1024x128xi32>
    %and3A = arith.constant 1 : i32
    %and3A_59 = vector.broadcast %and3A : i32 to vector<1024x128xi32>
    %and3A_60 = arith.andi %shift_right_logical3A_58, %and3A_59 : vector<1024x128xi32>
    %add3A_61 = arith.addi %add3A_56, %and3A_60 : vector<1024x128xi32>
    %and3A_62 = arith.constant -65536 : i32
    %and3A_63 = vector.broadcast %and3A_62 : i32 to vector<1024x128xi32>
    %and3A_64 = arith.andi %add3A_61, %and3A_63 : vector<1024x128xi32>
    %slice3A_65 = vector.extract_strided_slice %sub3A {offsets = [0, 128], sizes = [1024, 128], strides = [1, 1]} : vector<1024x256xf32> to vector<1024x128xf32>
    %bitcast_convert_type3A_66 = tpu.bitcast %slice3A_65 : vector<1024x128xf32> -> vector<1024x128xi32>
    %add3A_67 = arith.constant 32767 : i32
    %add3A_68 = vector.broadcast %add3A_67 : i32 to vector<1024x128xi32>
    %add3A_69 = arith.addi %bitcast_convert_type3A_66, %add3A_68 : vector<1024x128xi32>
    %shift_right_logical3A_70 = arith.constant 16 : i32
    %shift_right_logical3A_71 = vector.broadcast %shift_right_logical3A_70 : i32 to vector<1024x128xi32>
    %shift_right_logical3A_72 = arith.shrui %bitcast_convert_type3A_66, %shift_right_logical3A_71 : vector<1024x128xi32>
    %and3A_73 = arith.constant 1 : i32
    %and3A_74 = vector.broadcast %and3A_73 : i32 to vector<1024x128xi32>
    %and3A_75 = arith.andi %shift_right_logical3A_72, %and3A_74 : vector<1024x128xi32>
    %add3A_76 = arith.addi %add3A_69, %and3A_75 : vector<1024x128xi32>
    %and3A_77 = arith.constant -65536 : i32
    %and3A_78 = vector.broadcast %and3A_77 : i32 to vector<1024x128xi32>
    %and3A_79 = arith.andi %add3A_76, %and3A_78 : vector<1024x128xi32>
    %shift_right_logical3A_80 = arith.constant 16 : i32
    %shift_right_logical3A_81 = vector.broadcast %shift_right_logical3A_80 : i32 to vector<1024x128xi32>
    %shift_right_logical3A_82 = arith.shrui %and3A_79, %shift_right_logical3A_81 : vector<1024x128xi32>
    %or3A = arith.ori %and3A_64, %shift_right_logical3A_82 : vector<1024x128xi32>
    %bitcast_convert_type3A_83 = tpu.bitcast %or3A : vector<1024x128xi32> -> vector<1024x128xi32>
    %swap3A_84 = arith.constant 0 : index
    %swap3A_85 = arith.constant 0 : index
    %swap3A_86 = vector.load %arg14[%swap3A_84, %swap3A_85] : memref<1024x128xi32, #tpu.memory_space<vmem>>, vector<1024x128xi32>
    tpu.vector_store %arg14[%swap3A_84, %swap3A_85], %bitcast_convert_type3A_83 {strides = array<i32>} : memref<1024x128xi32, #tpu.memory_space<vmem>>, vector<1024x128xi32>,
    %slice3A_87 = vector.extract_strided_slice %get3A_1 {offsets = [0, 3], sizes = [1024, 69], strides = [1, 1]} : vector<1024x72xf32> to vector<1024x69xf32>
    %slice3A_88 = vector.extract_strided_slice %get3A_1 {offsets = [0, 0], sizes = [1024, 69], strides = [1, 1]} : vector<1024x72xf32> to vector<1024x69xf32>
    %sub3A_89 = arith.subf %slice3A_87, %slice3A_88 : vector<1024x69xf32>
    %swap3A_90 = arith.constant 0 : index
    %swap3A_91 = arith.constant 0 : index
    %swap3A_92 = vector.load %arg15[%swap3A_90, %swap3A_91] : memref<1024x69xf32, #tpu.memory_space<vmem>>, vector<1024x69xf32>
    tpu.vector_store %arg15[%swap3A_90, %swap3A_91], %sub3A_89 {strides = array<i32>} : memref<1024x69xf32, #tpu.memory_space<vmem>>, vector<1024x69xf32>,
    return
  }
  func.func @transform_0(%arg0: i32) -> (i32, i32) {
    %c0_i32 = arith.constant 0 : i32
    %c0_i32_0 = arith.constant 0 : i32
    return %arg0, %c0_i32 : i32, i32
  }
  func.func @transform_1(%arg0: i32) -> (i32, i32) {
    %c0_i32 = arith.constant 0 : i32
    %c0_i32_0 = arith.constant 0 : i32
    return %arg0, %c0_i32 : i32, i32
  }
  func.func @transform_2(%arg0: i32) -> (i32, i32) {
    %c0_i32 = arith.constant 0 : i32
    %c0_i32_0 = arith.constant 0 : i32
    %c0_i32_1 = arith.constant 0 : i32
    return %c0_i32, %c0_i32_0 : i32, i32
  }
  func.func @transform_3(%arg0: i32) -> (i32, i32) {
    %c0_i32 = arith.constant 0 : i32
    %c0_i32_0 = arith.constant 0 : i32
    %c0_i32_1 = arith.constant 0 : i32
    return %c0_i32, %c0_i32_0 : i32, i32
  }
  func.func @transform_4(%arg0: i32) -> (i32, i32) {
    %c0_i32 = arith.constant 0 : i32
    %c0_i32_0 = arith.constant 0 : i32
    %c0_i32_1 = arith.constant 0 : i32
    return %c0_i32, %c0_i32_0 : i32, i32
  }
  func.func @transform_5(%arg0: i32) -> (i32, i32) {
    %c0_i32 = arith.constant 0 : i32
    %c0_i32_0 = arith.constant 0 : i32
    %c0_i32_1 = arith.constant 0 : i32
    return %c0_i32, %c0_i32_0 : i32, i32
  }
  func.func @transform_6(%arg0: i32) -> (i32, i32) {
    %c0_i32 = arith.constant 0 : i32
    %c0_i32_0 = arith.constant 0 : i32
    %c0_i32_1 = arith.constant 0 : i32
    return %c0_i32, %c0_i32_0 : i32, i32
  }
  func.func @transform_7(%arg0: i32) -> (i32, i32) {
    %c0_i32 = arith.constant 0 : i32
    %c0_i32_0 = arith.constant 0 : i32
    %c0_i32_1 = arith.constant 0 : i32
    return %c0_i32, %c0_i32_0 : i32, i32
  }
  func.func @transform_8(%arg0: i32) -> (i32, i32) {
    %c0_i32 = arith.constant 0 : i32
    %c0_i32_0 = arith.constant 0 : i32
    %c0_i32_1 = arith.constant 0 : i32
    return %c0_i32, %c0_i32_0 : i32, i32
  }
  func.func @transform_9(%arg0: i32) -> (i32, i32) {
    %c0_i32 = arith.constant 0 : i32
    %c0_i32_0 = arith.constant 0 : i32
    %c0_i32_1 = arith.constant 0 : i32
    return %c0_i32, %c0_i32_0 : i32, i32
  }
  func.func @transform_10(%arg0: i32) -> (i32, i32) {
    %c0_i32 = arith.constant 0 : i32
    %c0_i32_0 = arith.constant 0 : i32
    return %arg0, %c0_i32 : i32, i32
  }
  func.func @transform_11(%arg0: i32) -> (i32, i32) {
    %c0_i32 = arith.constant 0 : i32
    %c0_i32_0 = arith.constant 0 : i32
    return %arg0, %c0_i32 : i32, i32
  }
  func.func @transform_12(%arg0: i32) -> (i32, i32) {
    %c0_i32 = arith.constant 0 : i32
    %c0_i32_0 = arith.constant 0 : i32
    return %arg0, %c0_i32 : i32, i32
  }
  func.func @transform_13(%arg0: i32) -> (i32, i32) {
    %c0_i32 = arith.constant 0 : i32
    %c0_i32_0 = arith.constant 0 : i32
    return %arg0, %c0_i32 : i32, i32
  }
  func.func @transform_14(%arg0: i32) -> (i32, i32) {
    %c0_i32 = arith.constant 0 : i32
    %c0_i32_0 = arith.constant 0 : i32
    return %arg0, %c0_i32 : i32, i32
  }
}

module attributes {stable_mosaic.version = 14 : i64} {
  func.func @_edge_mlp_body(%arg0: i32, %arg1: memref<128x256xf32, #tpu.memory_space<vmem>>, %arg2: memref<128x16x128xi32, #tpu.memory_space<vmem>>, %arg3: memref<256x256xbf16, #tpu.memory_space<vmem>>, %arg4: memref<1x256xf32, #tpu.memory_space<vmem>>, %arg5: memref<1x1x256xf32, #tpu.memory_space<vmem>>, %arg6: memref<128x16xf32, #tpu.memory_space<vmem>>) attributes {dimension_semantics = [#tpu.dimension_semantics<arbitrary>], iteration_bounds = array<i64: 64>, scalar_prefetch = 0 : i64, scratch_operands = 0 : i64, tpu.core_type = #tpu.core_type<tc>, window_params = [{transform_indices = @transform_0, window_bounds = array<i64: 128, 256>}, {transform_indices = @transform_1, window_bounds = array<i64: 128, 16, 128>}, {pipeline_mode = #tpu.pipeline_mode<synchronous>, transform_indices = @transform_2, window_bounds = array<i64: 256, 256>}, {pipeline_mode = #tpu.pipeline_mode<synchronous>, transform_indices = @transform_3, window_bounds = array<i64: 1, 256>}, {pipeline_mode = #tpu.pipeline_mode<synchronous>, transform_indices = @transform_4, window_bounds = array<i64: 1, 1, 256>}, {transform_indices = @transform_5, window_bounds = array<i64: 128, 16>}]} {
    %get3A = arith.constant 0 : index
    %get3A_0 = arith.constant 0 : index
    %get3A_1 = vector.load %arg1[%get3A, %get3A_0] : memref<128x256xf32, #tpu.memory_space<vmem>>, vector<128x256xf32>
    %get3A_2 = arith.constant 0 : index
    %get3A_3 = arith.constant 0 : index
    %get3A_4 = arith.constant 0 : index
    %get3A_5 = vector.load %arg2[%get3A_2, %get3A_3, %get3A_4] : memref<128x16x128xi32, #tpu.memory_space<vmem>>, vector<128x16x128xi32>
    %bitcast_convert_type3A = tpu.bitcast %get3A_5 : vector<128x16x128xi32> -> vector<128x16x128xi32>
    %and3A = arith.constant -65536 : i32
    %and3A_6 = vector.broadcast %and3A : i32 to vector<128x16x128xi32>
    %and3A_7 = arith.andi %bitcast_convert_type3A, %and3A_6 : vector<128x16x128xi32>
    %bitcast_convert_type3A_8 = tpu.bitcast %and3A_7 : vector<128x16x128xi32> -> vector<128x16x128xf32>
    %shift_left3A = arith.constant 16 : i32
    %shift_left3A_9 = vector.broadcast %shift_left3A : i32 to vector<128x16x128xi32>
    %shift_left3A_10 = arith.shli %bitcast_convert_type3A, %shift_left3A_9 : vector<128x16x128xi32>
    %bitcast_convert_type3A_11 = tpu.bitcast %shift_left3A_10 : vector<128x16x128xi32> -> vector<128x16x128xf32>
    %slice3A = vector.extract_strided_slice %get3A_1 {offsets = [0, 0], sizes = [128, 128], strides = [1, 1]} : vector<128x256xf32> to vector<128x128xf32>
    %broadcast_in_dim3A = vector.shape_cast %slice3A : vector<128x128xf32> to vector<128x1x128xf32>
    %add3A = vector.broadcast %broadcast_in_dim3A : vector<128x1x128xf32> to vector<128x16x128xf32>
    %add3A_12 = arith.addf %bitcast_convert_type3A_8, %add3A : vector<128x16x128xf32>
    %max3A = arith.constant 0.000000e+00 : f32
    %max3A_13 = vector.broadcast %max3A : f32 to vector<128x16x128xf32>
    %max3A_14 = arith.maximumf %add3A_12, %max3A_13 : vector<128x16x128xf32>
    %slice3A_15 = vector.extract_strided_slice %get3A_1 {offsets = [0, 128], sizes = [128, 128], strides = [1, 1]} : vector<128x256xf32> to vector<128x128xf32>
    %broadcast_in_dim3A_16 = vector.shape_cast %slice3A_15 : vector<128x128xf32> to vector<128x1x128xf32>
    %add3A_17 = vector.broadcast %broadcast_in_dim3A_16 : vector<128x1x128xf32> to vector<128x16x128xf32>
    %add3A_18 = arith.addf %bitcast_convert_type3A_11, %add3A_17 : vector<128x16x128xf32>
    %max3A_19 = arith.constant 0.000000e+00 : f32
    %max3A_20 = vector.broadcast %max3A_19 : f32 to vector<128x16x128xf32>
    %max3A_21 = arith.maximumf %add3A_18, %max3A_20 : vector<128x16x128xf32>
    %reshape3A = vector.shape_cast %max3A_14 : vector<128x16x128xf32> to vector<2048x128xf32>
    %convert_element_type3A = arith.truncf %reshape3A : vector<2048x128xf32> to vector<2048x128xbf16>
    %reshape3A_22 = vector.shape_cast %max3A_21 : vector<128x16x128xf32> to vector<2048x128xf32>
    %convert_element_type3A_23 = arith.truncf %reshape3A_22 : vector<2048x128xf32> to vector<2048x128xbf16>
    %get3A_24 = arith.constant 0 : index
    %get3A_25 = arith.constant 0 : index
    %get3A_26 = vector.load %arg3[%get3A_24, %get3A_25] : memref<256x256xbf16, #tpu.memory_space<vmem>>, vector<128x256xbf16>
    %dot_general3A = arith.constant dense<0.000000e+00> : vector<2048x256xf32>
    %dot_general3A_27 = tpu.matmul %convert_element_type3A, %get3A_26, %dot_general3A {dimension_numbers = #tpu.dot_dimension_numbers<[1], [0], [0], [1], [0, 0, 1, 1], [], []>, transpose_lhs_hint = false} : vector<2048x128xbf16>, vector<128x256xbf16>, vector<2048x256xf32> -> vector<2048x256xf32>
    %get3A_28 = arith.constant 128 : index
    %get3A_29 = arith.constant 0 : index
    %get3A_30 = vector.load %arg3[%get3A_28, %get3A_29] : memref<256x256xbf16, #tpu.memory_space<vmem>>, vector<128x256xbf16>
    %dot_general3A_31 = arith.constant dense<0.000000e+00> : vector<2048x256xf32>
    %dot_general3A_32 = tpu.matmul %convert_element_type3A_23, %get3A_30, %dot_general3A_31 {dimension_numbers = #tpu.dot_dimension_numbers<[1], [0], [0], [1], [0, 0, 1, 1], [], []>, transpose_lhs_hint = false} : vector<2048x128xbf16>, vector<128x256xbf16>, vector<2048x256xf32> -> vector<2048x256xf32>
    %add3A_33 = arith.addf %dot_general3A_27, %dot_general3A_32 : vector<2048x256xf32>
    %get3A_34 = arith.constant 0 : index
    %get3A_35 = arith.constant 0 : index
    %get3A_36 = vector.load %arg4[%get3A_34, %get3A_35] : memref<1x256xf32, #tpu.memory_space<vmem>>, vector<1x256xf32>
    %add3A_37 = vector.broadcast %get3A_36 : vector<1x256xf32> to vector<2048x256xf32>
    %add3A_38 = arith.addf %add3A_33, %add3A_37 : vector<2048x256xf32>
    %max3A_39 = arith.constant 0.000000e+00 : f32
    %max3A_40 = vector.broadcast %max3A_39 : f32 to vector<2048x256xf32>
    %max3A_41 = arith.maximumf %add3A_38, %max3A_40 : vector<2048x256xf32>
    %reshape3A_42 = vector.shape_cast %max3A_41 : vector<2048x256xf32> to vector<128x16x256xf32>
    %get3A_43 = arith.constant 0 : index
    %get3A_44 = arith.constant 0 : index
    %get3A_45 = arith.constant 0 : index
    %get3A_46 = vector.load %arg5[%get3A_43, %get3A_44, %get3A_45] : memref<1x1x256xf32, #tpu.memory_space<vmem>>, vector<1x1x256xf32>
    %mul3A = vector.broadcast %get3A_46 : vector<1x1x256xf32> to vector<128x16x256xf32>
    %mul3A_47 = arith.mulf %reshape3A_42, %mul3A : vector<128x16x256xf32>
    %reduce_sum3A = arith.constant dense<0.000000e+00> : vector<128x16xf32>
    %reduce_sum3A_48 = vector.multi_reduction <add>, %mul3A_47, %reduce_sum3A [2] : vector<128x16x256xf32> to vector<128x16xf32>
    %reduce_max3A = arith.constant dense<0xFF800000> : vector<128xf32>
    %reduce_max3A_49 = vector.multi_reduction <maximumf>, %reduce_sum3A_48, %reduce_max3A [1] : vector<128x16xf32> to vector<128xf32>
    %broadcast_in_dim3A_50 = vector.shape_cast %reduce_max3A_49 : vector<128xf32> to vector<128x1xf32>
    %sub3A = vector.broadcast %broadcast_in_dim3A_50 : vector<128x1xf32> to vector<128x16xf32>
    %sub3A_51 = arith.subf %reduce_sum3A_48, %sub3A : vector<128x16xf32>
    %exp3A = math.exp %sub3A_51 : vector<128x16xf32>
    %reduce_sum3A_52 = arith.constant dense<0.000000e+00> : vector<128xf32>
    %reduce_sum3A_53 = vector.multi_reduction <add>, %exp3A, %reduce_sum3A_52 [1] : vector<128x16xf32> to vector<128xf32>
    %broadcast_in_dim3A_54 = vector.shape_cast %reduce_sum3A_53 : vector<128xf32> to vector<128x1xf32>
    %div3A = vector.broadcast %broadcast_in_dim3A_54 : vector<128x1xf32> to vector<128x16xf32>
    %div3A_55 = arith.divf %exp3A, %div3A : vector<128x16xf32>
    %swap3A = arith.constant 0 : index
    %swap3A_56 = arith.constant 0 : index
    %swap3A_57 = vector.load %arg6[%swap3A, %swap3A_56] : memref<128x16xf32, #tpu.memory_space<vmem>>, vector<128x16xf32>
    tpu.vector_store %arg6[%swap3A, %swap3A_56], %div3A_55 {strides = array<i32>} : memref<128x16xf32, #tpu.memory_space<vmem>>, vector<128x16xf32>,
    return
  }
  func.func @transform_0(%arg0: i32) -> (i32, i32) {
    %c0_i32 = arith.constant 0 : i32
    %c0_i32_0 = arith.constant 0 : i32
    return %arg0, %c0_i32 : i32, i32
  }
  func.func @transform_1(%arg0: i32) -> (i32, i32, i32) {
    %c0_i32 = arith.constant 0 : i32
    %c0_i32_0 = arith.constant 0 : i32
    %c0_i32_1 = arith.constant 0 : i32
    return %arg0, %c0_i32, %c0_i32_0 : i32, i32, i32
  }
  func.func @transform_2(%arg0: i32) -> (i32, i32) {
    %c0_i32 = arith.constant 0 : i32
    %c0_i32_0 = arith.constant 0 : i32
    %c0_i32_1 = arith.constant 0 : i32
    return %c0_i32, %c0_i32_0 : i32, i32
  }
  func.func @transform_3(%arg0: i32) -> (i32, i32) {
    %c0_i32 = arith.constant 0 : i32
    %c0_i32_0 = arith.constant 0 : i32
    %c0_i32_1 = arith.constant 0 : i32
    return %c0_i32, %c0_i32_0 : i32, i32
  }
  func.func @transform_4(%arg0: i32) -> (i32, i32, i32) {
    %c0_i32 = arith.constant 0 : i32
    %c0_i32_0 = arith.constant 0 : i32
    %c0_i32_1 = arith.constant 0 : i32
    %c0_i32_2 = arith.constant 0 : i32
    return %c0_i32, %c0_i32_0, %c0_i32_1 : i32, i32, i32
  }
  func.func @transform_5(%arg0: i32) -> (i32, i32) {
    %c0_i32 = arith.constant 0 : i32
    %c0_i32_0 = arith.constant 0 : i32
    return %arg0, %c0_i32 : i32, i32
  }
}

module attributes {stable_mosaic.version = 14 : i64} {
  func.func @_update_body(%arg0: i32, %arg1: memref<256x1024xf32, #tpu.memory_space<vmem>>, %arg2: memref<1x1024x256xf32, #tpu.memory_space<vmem>>, %arg3: memref<256x256xf32, #tpu.memory_space<vmem>>, %arg4: memref<256x256xf32, #tpu.memory_space<vmem>>, %arg5: memref<256x256xf32, #tpu.memory_space<vmem>>, %arg6: memref<256x256xf32, #tpu.memory_space<vmem>>, %arg7: memref<1x256xf32, #tpu.memory_space<vmem>>, %arg8: memref<256x256xf32, #tpu.memory_space<vmem>>, %arg9: memref<1x256xf32, #tpu.memory_space<vmem>>, %arg10: memref<256x256xf32, #tpu.memory_space<vmem>>, %arg11: memref<256x256xf32, #tpu.memory_space<vmem>>, %arg12: memref<1x256xf32, #tpu.memory_space<vmem>>, %arg13: memref<256x256xf32, #tpu.memory_space<vmem>>, %arg14: memref<256x256xf32, #tpu.memory_space<vmem>>, %arg15: memref<256x128xi32, #tpu.memory_space<vmem>>) attributes {dimension_semantics = [#tpu.dimension_semantics<arbitrary>], iteration_bounds = array<i64: 32>, scalar_prefetch = 0 : i64, scratch_operands = 0 : i64, tpu.core_type = #tpu.core_type<tc>, window_params = [{transform_indices = @transform_0, window_bounds = array<i64: 256, 1024>}, {transform_indices = @transform_1, window_bounds = array<i64: 1, 1024, 256>}, {transform_indices = @transform_2, window_bounds = array<i64: 256, 256>}, {transform_indices = @transform_3, window_bounds = array<i64: 256, 256>}, {pipeline_mode = #tpu.pipeline_mode<synchronous>, transform_indices = @transform_4, window_bounds = array<i64: 256, 256>}, {pipeline_mode = #tpu.pipeline_mode<synchronous>, transform_indices = @transform_5, window_bounds = array<i64: 256, 256>}, {pipeline_mode = #tpu.pipeline_mode<synchronous>, transform_indices = @transform_6, window_bounds = array<i64: 1, 256>}, {pipeline_mode = #tpu.pipeline_mode<synchronous>, transform_indices = @transform_7, window_bounds = array<i64: 256, 256>}, {pipeline_mode = #tpu.pipeline_mode<synchronous>, transform_indices = @transform_8, window_bounds = array<i64: 1, 256>}, {pipeline_mode = #tpu.pipeline_mode<synchronous>, transform_indices = @transform_9, window_bounds = array<i64: 256, 256>}, {pipeline_mode = #tpu.pipeline_mode<synchronous>, transform_indices = @transform_10, window_bounds = array<i64: 256, 256>}, {pipeline_mode = #tpu.pipeline_mode<synchronous>, transform_indices = @transform_11, window_bounds = array<i64: 1, 256>}, {transform_indices = @transform_12, window_bounds = array<i64: 256, 256>}, {transform_indices = @transform_13, window_bounds = array<i64: 256, 256>}, {transform_indices = @transform_14, window_bounds = array<i64: 256, 128>}]} {
    %get3A = arith.constant 0 : index
    %get3A_0 = arith.constant 0 : index
    %get3A_1 = vector.load %arg1[%get3A, %get3A_0] : memref<256x1024xf32, #tpu.memory_space<vmem>>, vector<256x1024xf32>
    %get3A_2 = arith.constant 0 : index
    %get3A_3 = arith.constant 0 : index
    %get3A_4 = arith.constant 0 : index
    %get3A_5 = vector.load %arg2[%get3A_2, %get3A_3, %get3A_4] : memref<1x1024x256xf32, #tpu.memory_space<vmem>>, vector<1x1024x256xf32>
    %get3A_6 = vector.shape_cast %get3A_5 : vector<1x1024x256xf32> to vector<1024x256xf32>
    %dot_general3A = arith.constant dense<0.000000e+00> : vector<256x256xf32>
    %dot_general3A_7 = tpu.matmul %get3A_1, %get3A_6, %dot_general3A {dimension_numbers = #tpu.dot_dimension_numbers<[1], [0], [0], [1], [0, 0, 1, 1], [], []>, transpose_lhs_hint = false} : vector<256x1024xf32>, vector<1024x256xf32>, vector<256x256xf32> -> vector<256x256xf32>
    %get3A_8 = arith.constant 0 : index
    %get3A_9 = arith.constant 0 : index
    %get3A_10 = vector.load %arg3[%get3A_8, %get3A_9] : memref<256x256xf32, #tpu.memory_space<vmem>>, vector<256x256xf32>
    %get3A_11 = arith.constant 0 : index
    %get3A_12 = arith.constant 0 : index
    %get3A_13 = vector.load %arg5[%get3A_11, %get3A_12] : memref<256x256xf32, #tpu.memory_space<vmem>>, vector<256x256xf32>
    %dot_general3A_14 = arith.constant dense<0.000000e+00> : vector<256x256xf32>
    %dot_general3A_15 = tpu.matmul %get3A_10, %get3A_13, %dot_general3A_14 {dimension_numbers = #tpu.dot_dimension_numbers<[1], [0], [0], [1], [0, 0, 1, 1], [], []>, transpose_lhs_hint = false} : vector<256x256xf32>, vector<256x256xf32>, vector<256x256xf32> -> vector<256x256xf32>
    %get3A_16 = arith.constant 0 : index
    %get3A_17 = arith.constant 0 : index
    %get3A_18 = vector.load %arg6[%get3A_16, %get3A_17] : memref<256x256xf32, #tpu.memory_space<vmem>>, vector<256x256xf32>
    %dot_general3A_19 = arith.constant dense<0.000000e+00> : vector<256x256xf32>
    %dot_general3A_20 = tpu.matmul %dot_general3A_7, %get3A_18, %dot_general3A_19 {dimension_numbers = #tpu.dot_dimension_numbers<[1], [0], [0], [1], [0, 0, 1, 1], [], []>, transpose_lhs_hint = false} : vector<256x256xf32>, vector<256x256xf32>, vector<256x256xf32> -> vector<256x256xf32>
    %add3A = arith.addf %dot_general3A_15, %dot_general3A_20 : vector<256x256xf32>
    %get3A_21 = arith.constant 0 : index
    %get3A_22 = arith.constant 0 : index
    %get3A_23 = vector.load %arg7[%get3A_21, %get3A_22] : memref<1x256xf32, #tpu.memory_space<vmem>>, vector<1x256xf32>
    %add3A_24 = vector.broadcast %get3A_23 : vector<1x256xf32> to vector<256x256xf32>
    %add3A_25 = arith.addf %add3A, %add3A_24 : vector<256x256xf32>
    %max3A = arith.constant 0.000000e+00 : f32
    %max3A_26 = vector.broadcast %max3A : f32 to vector<256x256xf32>
    %max3A_27 = arith.maximumf %add3A_25, %max3A_26 : vector<256x256xf32>
    %get3A_28 = arith.constant 0 : index
    %get3A_29 = arith.constant 0 : index
    %get3A_30 = vector.load %arg8[%get3A_28, %get3A_29] : memref<256x256xf32, #tpu.memory_space<vmem>>, vector<256x256xf32>
    %dot_general3A_31 = arith.constant dense<0.000000e+00> : vector<256x256xf32>
    %dot_general3A_32 = tpu.matmul %max3A_27, %get3A_30, %dot_general3A_31 {dimension_numbers = #tpu.dot_dimension_numbers<[1], [0], [0], [1], [0, 0, 1, 1], [], []>, transpose_lhs_hint = false} : vector<256x256xf32>, vector<256x256xf32>, vector<256x256xf32> -> vector<256x256xf32>
    %get3A_33 = arith.constant 0 : index
    %get3A_34 = arith.constant 0 : index
    %get3A_35 = vector.load %arg9[%get3A_33, %get3A_34] : memref<1x256xf32, #tpu.memory_space<vmem>>, vector<1x256xf32>
    %add3A_36 = vector.broadcast %get3A_35 : vector<1x256xf32> to vector<256x256xf32>
    %add3A_37 = arith.addf %dot_general3A_32, %add3A_36 : vector<256x256xf32>
    %swap3A = arith.constant 0 : index
    %swap3A_38 = arith.constant 0 : index
    %swap3A_39 = vector.load %arg13[%swap3A, %swap3A_38] : memref<256x256xf32, #tpu.memory_space<vmem>>, vector<256x256xf32>
    tpu.vector_store %arg13[%swap3A, %swap3A_38], %add3A_37 {strides = array<i32>} : memref<256x256xf32, #tpu.memory_space<vmem>>, vector<256x256xf32>,
    %get3A_40 = arith.constant 0 : index
    %get3A_41 = arith.constant 0 : index
    %get3A_42 = vector.load %arg4[%get3A_40, %get3A_41] : memref<256x256xf32, #tpu.memory_space<vmem>>, vector<256x256xf32>
    %get3A_43 = arith.constant 0 : index
    %get3A_44 = arith.constant 0 : index
    %get3A_45 = vector.load %arg10[%get3A_43, %get3A_44] : memref<256x256xf32, #tpu.memory_space<vmem>>, vector<256x256xf32>
    %dot_general3A_46 = arith.constant dense<0.000000e+00> : vector<256x256xf32>
    %dot_general3A_47 = tpu.matmul %add3A_37, %get3A_45, %dot_general3A_46 {dimension_numbers = #tpu.dot_dimension_numbers<[1], [0], [0], [1], [0, 0, 1, 1], [], []>, transpose_lhs_hint = false} : vector<256x256xf32>, vector<256x256xf32>, vector<256x256xf32> -> vector<256x256xf32>
    %add3A_48 = arith.addf %dot_general3A_47, %get3A_42 : vector<256x256xf32>
    %get3A_49 = arith.constant 0 : index
    %get3A_50 = arith.constant 0 : index
    %get3A_51 = vector.load %arg12[%get3A_49, %get3A_50] : memref<1x256xf32, #tpu.memory_space<vmem>>, vector<1x256xf32>
    %add3A_52 = vector.broadcast %get3A_51 : vector<1x256xf32> to vector<256x256xf32>
    %add3A_53 = arith.addf %add3A_48, %add3A_52 : vector<256x256xf32>
    %swap3A_54 = arith.constant 0 : index
    %swap3A_55 = arith.constant 0 : index
    %swap3A_56 = vector.load %arg14[%swap3A_54, %swap3A_55] : memref<256x256xf32, #tpu.memory_space<vmem>>, vector<256x256xf32>
    tpu.vector_store %arg14[%swap3A_54, %swap3A_55], %add3A_53 {strides = array<i32>} : memref<256x256xf32, #tpu.memory_space<vmem>>, vector<256x256xf32>,
    %get3A_57 = arith.constant 0 : index
    %get3A_58 = arith.constant 0 : index
    %get3A_59 = vector.load %arg11[%get3A_57, %get3A_58] : memref<256x256xf32, #tpu.memory_space<vmem>>, vector<256x256xf32>
    %dot_general3A_60 = arith.constant dense<0.000000e+00> : vector<256x256xf32>
    %dot_general3A_61 = tpu.matmul %add3A_37, %get3A_59, %dot_general3A_60 {dimension_numbers = #tpu.dot_dimension_numbers<[1], [0], [0], [1], [0, 0, 1, 1], [], []>, transpose_lhs_hint = false} : vector<256x256xf32>, vector<256x256xf32>, vector<256x256xf32> -> vector<256x256xf32>
    %sub3A = arith.subf %dot_general3A_61, %get3A_42 : vector<256x256xf32>
    %slice3A = vector.extract_strided_slice %sub3A {offsets = [0, 0], sizes = [256, 128], strides = [1, 1]} : vector<256x256xf32> to vector<256x128xf32>
    %bitcast_convert_type3A = tpu.bitcast %slice3A : vector<256x128xf32> -> vector<256x128xi32>
    %add3A_62 = arith.constant 32767 : i32
    %add3A_63 = vector.broadcast %add3A_62 : i32 to vector<256x128xi32>
    %add3A_64 = arith.addi %bitcast_convert_type3A, %add3A_63 : vector<256x128xi32>
    %shift_right_logical3A = arith.constant 16 : i32
    %shift_right_logical3A_65 = vector.broadcast %shift_right_logical3A : i32 to vector<256x128xi32>
    %shift_right_logical3A_66 = arith.shrui %bitcast_convert_type3A, %shift_right_logical3A_65 : vector<256x128xi32>
    %and3A = arith.constant 1 : i32
    %and3A_67 = vector.broadcast %and3A : i32 to vector<256x128xi32>
    %and3A_68 = arith.andi %shift_right_logical3A_66, %and3A_67 : vector<256x128xi32>
    %add3A_69 = arith.addi %add3A_64, %and3A_68 : vector<256x128xi32>
    %and3A_70 = arith.constant -65536 : i32
    %and3A_71 = vector.broadcast %and3A_70 : i32 to vector<256x128xi32>
    %and3A_72 = arith.andi %add3A_69, %and3A_71 : vector<256x128xi32>
    %slice3A_73 = vector.extract_strided_slice %sub3A {offsets = [0, 128], sizes = [256, 128], strides = [1, 1]} : vector<256x256xf32> to vector<256x128xf32>
    %bitcast_convert_type3A_74 = tpu.bitcast %slice3A_73 : vector<256x128xf32> -> vector<256x128xi32>
    %add3A_75 = arith.constant 32767 : i32
    %add3A_76 = vector.broadcast %add3A_75 : i32 to vector<256x128xi32>
    %add3A_77 = arith.addi %bitcast_convert_type3A_74, %add3A_76 : vector<256x128xi32>
    %shift_right_logical3A_78 = arith.constant 16 : i32
    %shift_right_logical3A_79 = vector.broadcast %shift_right_logical3A_78 : i32 to vector<256x128xi32>
    %shift_right_logical3A_80 = arith.shrui %bitcast_convert_type3A_74, %shift_right_logical3A_79 : vector<256x128xi32>
    %and3A_81 = arith.constant 1 : i32
    %and3A_82 = vector.broadcast %and3A_81 : i32 to vector<256x128xi32>
    %and3A_83 = arith.andi %shift_right_logical3A_80, %and3A_82 : vector<256x128xi32>
    %add3A_84 = arith.addi %add3A_77, %and3A_83 : vector<256x128xi32>
    %and3A_85 = arith.constant -65536 : i32
    %and3A_86 = vector.broadcast %and3A_85 : i32 to vector<256x128xi32>
    %and3A_87 = arith.andi %add3A_84, %and3A_86 : vector<256x128xi32>
    %shift_right_logical3A_88 = arith.constant 16 : i32
    %shift_right_logical3A_89 = vector.broadcast %shift_right_logical3A_88 : i32 to vector<256x128xi32>
    %shift_right_logical3A_90 = arith.shrui %and3A_87, %shift_right_logical3A_89 : vector<256x128xi32>
    %or3A = arith.ori %and3A_72, %shift_right_logical3A_90 : vector<256x128xi32>
    %bitcast_convert_type3A_91 = tpu.bitcast %or3A : vector<256x128xi32> -> vector<256x128xi32>
    %swap3A_92 = arith.constant 0 : index
    %swap3A_93 = arith.constant 0 : index
    %swap3A_94 = vector.load %arg15[%swap3A_92, %swap3A_93] : memref<256x128xi32, #tpu.memory_space<vmem>>, vector<256x128xi32>
    tpu.vector_store %arg15[%swap3A_92, %swap3A_93], %bitcast_convert_type3A_91 {strides = array<i32>} : memref<256x128xi32, #tpu.memory_space<vmem>>, vector<256x128xi32>,
    return
  }
  func.func @transform_0(%arg0: i32) -> (i32, i32) {
    %c0_i32 = arith.constant 0 : i32
    %c0_i32_0 = arith.constant 0 : i32
    return %arg0, %c0_i32 : i32, i32
  }
  func.func @transform_1(%arg0: i32) -> (i32, i32, i32) {
    %jit3A = arith.constant 4 : i32
    %div3A = arith.divsi %arg0, %jit3A : i32
    %sign3A = arith.constant 0 : i32
    %sign3A_0 = arith.cmpi sgt, %arg0, %sign3A : i32
    %sign3A_1 = arith.extui %sign3A_0 : i1 to i32
    %sign3A_2 = arith.constant 0 : i32
    %sign3A_3 = arith.cmpi slt, %arg0, %sign3A_2 : i32
    %sign3A_4 = arith.extui %sign3A_3 : i1 to i32
    %sign3A_5 = arith.subi %sign3A_1, %sign3A_4 : i32
    %sign3A_6 = arith.constant 0 : i32
    %sign3A_7 = arith.cmpi sgt, %jit3A, %sign3A_6 : i32
    %sign3A_8 = arith.extui %sign3A_7 : i1 to i32
    %sign3A_9 = arith.constant 0 : i32
    %sign3A_10 = arith.cmpi slt, %jit3A, %sign3A_9 : i32
    %sign3A_11 = arith.extui %sign3A_10 : i1 to i32
    %sign3A_12 = arith.subi %sign3A_8, %sign3A_11 : i32
    %ne3A = arith.cmpi ne, %sign3A_5, %sign3A_12 : i32
    %rem3A = arith.remsi %arg0, %jit3A : i32
    %ne3A_13 = arith.constant 0 : i32
    %ne3A_14 = arith.cmpi ne, %rem3A, %ne3A_13 : i32
    %and3A = arith.andi %ne3A, %ne3A_14 : i1
    %sub3A = arith.constant 1 : i32
    %sub3A_15 = arith.subi %div3A, %sub3A : i32
    %select_n3A = arith.select %and3A, %sub3A_15, %div3A : i32
    %c0_i32 = arith.constant 0 : i32
    %c0_i32_16 = arith.constant 0 : i32
    %c0_i32_17 = arith.constant 0 : i32
    return %select_n3A, %c0_i32, %c0_i32_16 : i32, i32, i32
  }
  func.func @transform_2(%arg0: i32) -> (i32, i32) {
    %c0_i32 = arith.constant 0 : i32
    %c0_i32_0 = arith.constant 0 : i32
    return %arg0, %c0_i32 : i32, i32
  }
  func.func @transform_3(%arg0: i32) -> (i32, i32) {
    %c0_i32 = arith.constant 0 : i32
    %c0_i32_0 = arith.constant 0 : i32
    return %arg0, %c0_i32 : i32, i32
  }
  func.func @transform_4(%arg0: i32) -> (i32, i32) {
    %c0_i32 = arith.constant 0 : i32
    %c0_i32_0 = arith.constant 0 : i32
    %c0_i32_1 = arith.constant 0 : i32
    return %c0_i32, %c0_i32_0 : i32, i32
  }
  func.func @transform_5(%arg0: i32) -> (i32, i32) {
    %c0_i32 = arith.constant 0 : i32
    %c0_i32_0 = arith.constant 0 : i32
    %c0_i32_1 = arith.constant 0 : i32
    return %c0_i32, %c0_i32_0 : i32, i32
  }
  func.func @transform_6(%arg0: i32) -> (i32, i32) {
    %c0_i32 = arith.constant 0 : i32
    %c0_i32_0 = arith.constant 0 : i32
    %c0_i32_1 = arith.constant 0 : i32
    return %c0_i32, %c0_i32_0 : i32, i32
  }
  func.func @transform_7(%arg0: i32) -> (i32, i32) {
    %c0_i32 = arith.constant 0 : i32
    %c0_i32_0 = arith.constant 0 : i32
    %c0_i32_1 = arith.constant 0 : i32
    return %c0_i32, %c0_i32_0 : i32, i32
  }
  func.func @transform_8(%arg0: i32) -> (i32, i32) {
    %c0_i32 = arith.constant 0 : i32
    %c0_i32_0 = arith.constant 0 : i32
    %c0_i32_1 = arith.constant 0 : i32
    return %c0_i32, %c0_i32_0 : i32, i32
  }
  func.func @transform_9(%arg0: i32) -> (i32, i32) {
    %c0_i32 = arith.constant 0 : i32
    %c0_i32_0 = arith.constant 0 : i32
    %c0_i32_1 = arith.constant 0 : i32
    return %c0_i32, %c0_i32_0 : i32, i32
  }
  func.func @transform_10(%arg0: i32) -> (i32, i32) {
    %c0_i32 = arith.constant 0 : i32
    %c0_i32_0 = arith.constant 0 : i32
    %c0_i32_1 = arith.constant 0 : i32
    return %c0_i32, %c0_i32_0 : i32, i32
  }
  func.func @transform_11(%arg0: i32) -> (i32, i32) {
    %c0_i32 = arith.constant 0 : i32
    %c0_i32_0 = arith.constant 0 : i32
    %c0_i32_1 = arith.constant 0 : i32
    return %c0_i32, %c0_i32_0 : i32, i32
  }
  func.func @transform_12(%arg0: i32) -> (i32, i32) {
    %c0_i32 = arith.constant 0 : i32
    %c0_i32_0 = arith.constant 0 : i32
    return %arg0, %c0_i32 : i32, i32
  }
  func.func @transform_13(%arg0: i32) -> (i32, i32) {
    %c0_i32 = arith.constant 0 : i32
    %c0_i32_0 = arith.constant 0 : i32
    return %arg0, %c0_i32 : i32, i32
  }
  func.func @transform_14(%arg0: i32) -> (i32, i32) {
    %c0_i32 = arith.constant 0 : i32
    %c0_i32_0 = arith.constant 0 : i32
    return %arg0, %c0_i32 : i32, i32
  }
}

module attributes {stable_mosaic.version = 14 : i64} {
  func.func @_update_body(%arg0: i32, %arg1: memref<256x1024xf32, #tpu.memory_space<vmem>>, %arg2: memref<1x1024x256xf32, #tpu.memory_space<vmem>>, %arg3: memref<256x256xf32, #tpu.memory_space<vmem>>, %arg4: memref<256x256xf32, #tpu.memory_space<vmem>>, %arg5: memref<256x256xf32, #tpu.memory_space<vmem>>, %arg6: memref<256x256xf32, #tpu.memory_space<vmem>>, %arg7: memref<1x256xf32, #tpu.memory_space<vmem>>, %arg8: memref<256x256xf32, #tpu.memory_space<vmem>>, %arg9: memref<1x256xf32, #tpu.memory_space<vmem>>, %arg10: memref<256x256xf32, #tpu.memory_space<vmem>>, %arg11: memref<256x256xf32, #tpu.memory_space<vmem>>, %arg12: memref<1x256xf32, #tpu.memory_space<vmem>>, %arg13: memref<256x256xf32, #tpu.memory_space<vmem>>, %arg14: memref<256x256xf32, #tpu.memory_space<vmem>>, %arg15: memref<256x128xi32, #tpu.memory_space<vmem>>) attributes {dimension_semantics = [#tpu.dimension_semantics<arbitrary>], iteration_bounds = array<i64: 32>, scalar_prefetch = 0 : i64, scratch_operands = 0 : i64, tpu.core_type = #tpu.core_type<tc>, window_params = [{transform_indices = @transform_0, window_bounds = array<i64: 256, 1024>}, {transform_indices = @transform_1, window_bounds = array<i64: 1, 1024, 256>}, {transform_indices = @transform_2, window_bounds = array<i64: 256, 256>}, {transform_indices = @transform_3, window_bounds = array<i64: 256, 256>}, {pipeline_mode = #tpu.pipeline_mode<synchronous>, transform_indices = @transform_4, window_bounds = array<i64: 256, 256>}, {pipeline_mode = #tpu.pipeline_mode<synchronous>, transform_indices = @transform_5, window_bounds = array<i64: 256, 256>}, {pipeline_mode = #tpu.pipeline_mode<synchronous>, transform_indices = @transform_6, window_bounds = array<i64: 1, 256>}, {pipeline_mode = #tpu.pipeline_mode<synchronous>, transform_indices = @transform_7, window_bounds = array<i64: 256, 256>}, {pipeline_mode = #tpu.pipeline_mode<synchronous>, transform_indices = @transform_8, window_bounds = array<i64: 1, 256>}, {pipeline_mode = #tpu.pipeline_mode<synchronous>, transform_indices = @transform_9, window_bounds = array<i64: 256, 256>}, {pipeline_mode = #tpu.pipeline_mode<synchronous>, transform_indices = @transform_10, window_bounds = array<i64: 256, 256>}, {pipeline_mode = #tpu.pipeline_mode<synchronous>, transform_indices = @transform_11, window_bounds = array<i64: 1, 256>}, {transform_indices = @transform_12, window_bounds = array<i64: 256, 256>}, {transform_indices = @transform_13, window_bounds = array<i64: 256, 256>}, {transform_indices = @transform_14, window_bounds = array<i64: 256, 128>}]} {
    %get3A = arith.constant 0 : index
    %get3A_0 = arith.constant 0 : index
    %get3A_1 = vector.load %arg1[%get3A, %get3A_0] : memref<256x1024xf32, #tpu.memory_space<vmem>>, vector<256x1024xf32>
    %get3A_2 = arith.constant 0 : index
    %get3A_3 = arith.constant 0 : index
    %get3A_4 = arith.constant 0 : index
    %get3A_5 = vector.load %arg2[%get3A_2, %get3A_3, %get3A_4] : memref<1x1024x256xf32, #tpu.memory_space<vmem>>, vector<1x1024x256xf32>
    %get3A_6 = vector.shape_cast %get3A_5 : vector<1x1024x256xf32> to vector<1024x256xf32>
    %dot_general3A = arith.constant dense<0.000000e+00> : vector<256x256xf32>
    %dot_general3A_7 = tpu.matmul %get3A_1, %get3A_6, %dot_general3A {dimension_numbers = #tpu.dot_dimension_numbers<[1], [0], [0], [1], [0, 0, 1, 1], [], []>, transpose_lhs_hint = false} : vector<256x1024xf32>, vector<1024x256xf32>, vector<256x256xf32> -> vector<256x256xf32>
    %get3A_8 = arith.constant 0 : index
    %get3A_9 = arith.constant 0 : index
    %get3A_10 = vector.load %arg3[%get3A_8, %get3A_9] : memref<256x256xf32, #tpu.memory_space<vmem>>, vector<256x256xf32>
    %get3A_11 = arith.constant 0 : index
    %get3A_12 = arith.constant 0 : index
    %get3A_13 = vector.load %arg5[%get3A_11, %get3A_12] : memref<256x256xf32, #tpu.memory_space<vmem>>, vector<256x256xf32>
    %dot_general3A_14 = arith.constant dense<0.000000e+00> : vector<256x256xf32>
    %dot_general3A_15 = tpu.matmul %get3A_10, %get3A_13, %dot_general3A_14 {dimension_numbers = #tpu.dot_dimension_numbers<[1], [0], [0], [1], [0, 0, 1, 1], [], []>, transpose_lhs_hint = false} : vector<256x256xf32>, vector<256x256xf32>, vector<256x256xf32> -> vector<256x256xf32>
    %get3A_16 = arith.constant 0 : index
    %get3A_17 = arith.constant 0 : index
    %get3A_18 = vector.load %arg6[%get3A_16, %get3A_17] : memref<256x256xf32, #tpu.memory_space<vmem>>, vector<256x256xf32>
    %dot_general3A_19 = arith.constant dense<0.000000e+00> : vector<256x256xf32>
    %dot_general3A_20 = tpu.matmul %dot_general3A_7, %get3A_18, %dot_general3A_19 {dimension_numbers = #tpu.dot_dimension_numbers<[1], [0], [0], [1], [0, 0, 1, 1], [], []>, transpose_lhs_hint = false} : vector<256x256xf32>, vector<256x256xf32>, vector<256x256xf32> -> vector<256x256xf32>
    %add3A = arith.addf %dot_general3A_15, %dot_general3A_20 : vector<256x256xf32>
    %get3A_21 = arith.constant 0 : index
    %get3A_22 = arith.constant 0 : index
    %get3A_23 = vector.load %arg7[%get3A_21, %get3A_22] : memref<1x256xf32, #tpu.memory_space<vmem>>, vector<1x256xf32>
    %add3A_24 = vector.broadcast %get3A_23 : vector<1x256xf32> to vector<256x256xf32>
    %add3A_25 = arith.addf %add3A, %add3A_24 : vector<256x256xf32>
    %max3A = arith.constant 0.000000e+00 : f32
    %max3A_26 = vector.broadcast %max3A : f32 to vector<256x256xf32>
    %max3A_27 = arith.maximumf %add3A_25, %max3A_26 : vector<256x256xf32>
    %get3A_28 = arith.constant 0 : index
    %get3A_29 = arith.constant 0 : index
    %get3A_30 = vector.load %arg8[%get3A_28, %get3A_29] : memref<256x256xf32, #tpu.memory_space<vmem>>, vector<256x256xf32>
    %dot_general3A_31 = arith.constant dense<0.000000e+00> : vector<256x256xf32>
    %dot_general3A_32 = tpu.matmul %max3A_27, %get3A_30, %dot_general3A_31 {dimension_numbers = #tpu.dot_dimension_numbers<[1], [0], [0], [1], [0, 0, 1, 1], [], []>, transpose_lhs_hint = false} : vector<256x256xf32>, vector<256x256xf32>, vector<256x256xf32> -> vector<256x256xf32>
    %get3A_33 = arith.constant 0 : index
    %get3A_34 = arith.constant 0 : index
    %get3A_35 = vector.load %arg9[%get3A_33, %get3A_34] : memref<1x256xf32, #tpu.memory_space<vmem>>, vector<1x256xf32>
    %add3A_36 = vector.broadcast %get3A_35 : vector<1x256xf32> to vector<256x256xf32>
    %add3A_37 = arith.addf %dot_general3A_32, %add3A_36 : vector<256x256xf32>
    %swap3A = arith.constant 0 : index
    %swap3A_38 = arith.constant 0 : index
    %swap3A_39 = vector.load %arg13[%swap3A, %swap3A_38] : memref<256x256xf32, #tpu.memory_space<vmem>>, vector<256x256xf32>
    tpu.vector_store %arg13[%swap3A, %swap3A_38], %add3A_37 {strides = array<i32>} : memref<256x256xf32, #tpu.memory_space<vmem>>, vector<256x256xf32>,
    %get3A_40 = arith.constant 0 : index
    %get3A_41 = arith.constant 0 : index
    %get3A_42 = vector.load %arg4[%get3A_40, %get3A_41] : memref<256x256xf32, #tpu.memory_space<vmem>>, vector<256x256xf32>
    %get3A_43 = arith.constant 0 : index
    %get3A_44 = arith.constant 0 : index
    %get3A_45 = vector.load %arg10[%get3A_43, %get3A_44] : memref<256x256xf32, #tpu.memory_space<vmem>>, vector<256x256xf32>
    %dot_general3A_46 = arith.constant dense<0.000000e+00> : vector<256x256xf32>
    %dot_general3A_47 = tpu.matmul %add3A_37, %get3A_45, %dot_general3A_46 {dimension_numbers = #tpu.dot_dimension_numbers<[1], [0], [0], [1], [0, 0, 1, 1], [], []>, transpose_lhs_hint = false} : vector<256x256xf32>, vector<256x256xf32>, vector<256x256xf32> -> vector<256x256xf32>
    %add3A_48 = arith.addf %dot_general3A_47, %get3A_42 : vector<256x256xf32>
    %get3A_49 = arith.constant 0 : index
    %get3A_50 = arith.constant 0 : index
    %get3A_51 = vector.load %arg12[%get3A_49, %get3A_50] : memref<1x256xf32, #tpu.memory_space<vmem>>, vector<1x256xf32>
    %add3A_52 = vector.broadcast %get3A_51 : vector<1x256xf32> to vector<256x256xf32>
    %add3A_53 = arith.addf %add3A_48, %add3A_52 : vector<256x256xf32>
    %swap3A_54 = arith.constant 0 : index
    %swap3A_55 = arith.constant 0 : index
    %swap3A_56 = vector.load %arg14[%swap3A_54, %swap3A_55] : memref<256x256xf32, #tpu.memory_space<vmem>>, vector<256x256xf32>
    tpu.vector_store %arg14[%swap3A_54, %swap3A_55], %add3A_53 {strides = array<i32>} : memref<256x256xf32, #tpu.memory_space<vmem>>, vector<256x256xf32>,
    %get3A_57 = arith.constant 0 : index
    %get3A_58 = arith.constant 0 : index
    %get3A_59 = vector.load %arg11[%get3A_57, %get3A_58] : memref<256x256xf32, #tpu.memory_space<vmem>>, vector<256x256xf32>
    %dot_general3A_60 = arith.constant dense<0.000000e+00> : vector<256x256xf32>
    %dot_general3A_61 = tpu.matmul %add3A_37, %get3A_59, %dot_general3A_60 {dimension_numbers = #tpu.dot_dimension_numbers<[1], [0], [0], [1], [0, 0, 1, 1], [], []>, transpose_lhs_hint = false} : vector<256x256xf32>, vector<256x256xf32>, vector<256x256xf32> -> vector<256x256xf32>
    %sub3A = arith.subf %dot_general3A_61, %get3A_42 : vector<256x256xf32>
    %slice3A = vector.extract_strided_slice %sub3A {offsets = [0, 0], sizes = [256, 128], strides = [1, 1]} : vector<256x256xf32> to vector<256x128xf32>
    %bitcast_convert_type3A = tpu.bitcast %slice3A : vector<256x128xf32> -> vector<256x128xi32>
    %add3A_62 = arith.constant 32767 : i32
    %add3A_63 = vector.broadcast %add3A_62 : i32 to vector<256x128xi32>
    %add3A_64 = arith.addi %bitcast_convert_type3A, %add3A_63 : vector<256x128xi32>
    %shift_right_logical3A = arith.constant 16 : i32
    %shift_right_logical3A_65 = vector.broadcast %shift_right_logical3A : i32 to vector<256x128xi32>
    %shift_right_logical3A_66 = arith.shrui %bitcast_convert_type3A, %shift_right_logical3A_65 : vector<256x128xi32>
    %and3A = arith.constant 1 : i32
    %and3A_67 = vector.broadcast %and3A : i32 to vector<256x128xi32>
    %and3A_68 = arith.andi %shift_right_logical3A_66, %and3A_67 : vector<256x128xi32>
    %add3A_69 = arith.addi %add3A_64, %and3A_68 : vector<256x128xi32>
    %and3A_70 = arith.constant -65536 : i32
    %and3A_71 = vector.broadcast %and3A_70 : i32 to vector<256x128xi32>
    %and3A_72 = arith.andi %add3A_69, %and3A_71 : vector<256x128xi32>
    %slice3A_73 = vector.extract_strided_slice %sub3A {offsets = [0, 128], sizes = [256, 128], strides = [1, 1]} : vector<256x256xf32> to vector<256x128xf32>
    %bitcast_convert_type3A_74 = tpu.bitcast %slice3A_73 : vector<256x128xf32> -> vector<256x128xi32>
    %add3A_75 = arith.constant 32767 : i32
    %add3A_76 = vector.broadcast %add3A_75 : i32 to vector<256x128xi32>
    %add3A_77 = arith.addi %bitcast_convert_type3A_74, %add3A_76 : vector<256x128xi32>
    %shift_right_logical3A_78 = arith.constant 16 : i32
    %shift_right_logical3A_79 = vector.broadcast %shift_right_logical3A_78 : i32 to vector<256x128xi32>
    %shift_right_logical3A_80 = arith.shrui %bitcast_convert_type3A_74, %shift_right_logical3A_79 : vector<256x128xi32>
    %and3A_81 = arith.constant 1 : i32
    %and3A_82 = vector.broadcast %and3A_81 : i32 to vector<256x128xi32>
    %and3A_83 = arith.andi %shift_right_logical3A_80, %and3A_82 : vector<256x128xi32>
    %add3A_84 = arith.addi %add3A_77, %and3A_83 : vector<256x128xi32>
    %and3A_85 = arith.constant -65536 : i32
    %and3A_86 = vector.broadcast %and3A_85 : i32 to vector<256x128xi32>
    %and3A_87 = arith.andi %add3A_84, %and3A_86 : vector<256x128xi32>
    %shift_right_logical3A_88 = arith.constant 16 : i32
    %shift_right_logical3A_89 = vector.broadcast %shift_right_logical3A_88 : i32 to vector<256x128xi32>
    %shift_right_logical3A_90 = arith.shrui %and3A_87, %shift_right_logical3A_89 : vector<256x128xi32>
    %or3A = arith.ori %and3A_72, %shift_right_logical3A_90 : vector<256x128xi32>
    %bitcast_convert_type3A_91 = tpu.bitcast %or3A : vector<256x128xi32> -> vector<256x128xi32>
    %swap3A_92 = arith.constant 0 : index
    %swap3A_93 = arith.constant 0 : index
    %swap3A_94 = vector.load %arg15[%swap3A_92, %swap3A_93] : memref<256x128xi32, #tpu.memory_space<vmem>>, vector<256x128xi32>
    tpu.vector_store %arg15[%swap3A_92, %swap3A_93], %bitcast_convert_type3A_91 {strides = array<i32>} : memref<256x128xi32, #tpu.memory_space<vmem>>, vector<256x128xi32>,
    return
  }
  func.func @transform_0(%arg0: i32) -> (i32, i32) {
    %c0_i32 = arith.constant 0 : i32
    %c0_i32_0 = arith.constant 0 : i32
    return %arg0, %c0_i32 : i32, i32
  }
  func.func @transform_1(%arg0: i32) -> (i32, i32, i32) {
    %jit3A = arith.constant 4 : i32
    %div3A = arith.divsi %arg0, %jit3A : i32
    %sign3A = arith.constant 0 : i32
    %sign3A_0 = arith.cmpi sgt, %arg0, %sign3A : i32
    %sign3A_1 = arith.extui %sign3A_0 : i1 to i32
    %sign3A_2 = arith.constant 0 : i32
    %sign3A_3 = arith.cmpi slt, %arg0, %sign3A_2 : i32
    %sign3A_4 = arith.extui %sign3A_3 : i1 to i32
    %sign3A_5 = arith.subi %sign3A_1, %sign3A_4 : i32
    %sign3A_6 = arith.constant 0 : i32
    %sign3A_7 = arith.cmpi sgt, %jit3A, %sign3A_6 : i32
    %sign3A_8 = arith.extui %sign3A_7 : i1 to i32
    %sign3A_9 = arith.constant 0 : i32
    %sign3A_10 = arith.cmpi slt, %jit3A, %sign3A_9 : i32
    %sign3A_11 = arith.extui %sign3A_10 : i1 to i32
    %sign3A_12 = arith.subi %sign3A_8, %sign3A_11 : i32
    %ne3A = arith.cmpi ne, %sign3A_5, %sign3A_12 : i32
    %rem3A = arith.remsi %arg0, %jit3A : i32
    %ne3A_13 = arith.constant 0 : i32
    %ne3A_14 = arith.cmpi ne, %rem3A, %ne3A_13 : i32
    %and3A = arith.andi %ne3A, %ne3A_14 : i1
    %sub3A = arith.constant 1 : i32
    %sub3A_15 = arith.subi %div3A, %sub3A : i32
    %select_n3A = arith.select %and3A, %sub3A_15, %div3A : i32
    %c0_i32 = arith.constant 0 : i32
    %c0_i32_16 = arith.constant 0 : i32
    %c0_i32_17 = arith.constant 0 : i32
    return %select_n3A, %c0_i32, %c0_i32_16 : i32, i32, i32
  }
  func.func @transform_2(%arg0: i32) -> (i32, i32) {
    %c0_i32 = arith.constant 0 : i32
    %c0_i32_0 = arith.constant 0 : i32
    return %arg0, %c0_i32 : i32, i32
  }
  func.func @transform_3(%arg0: i32) -> (i32, i32) {
    %c0_i32 = arith.constant 0 : i32
    %c0_i32_0 = arith.constant 0 : i32
    return %arg0, %c0_i32 : i32, i32
  }
  func.func @transform_4(%arg0: i32) -> (i32, i32) {
    %c0_i32 = arith.constant 0 : i32
    %c0_i32_0 = arith.constant 0 : i32
    %c0_i32_1 = arith.constant 0 : i32
    return %c0_i32, %c0_i32_0 : i32, i32
  }
  func.func @transform_5(%arg0: i32) -> (i32, i32) {
    %c0_i32 = arith.constant 0 : i32
    %c0_i32_0 = arith.constant 0 : i32
    %c0_i32_1 = arith.constant 0 : i32
    return %c0_i32, %c0_i32_0 : i32, i32
  }
  func.func @transform_6(%arg0: i32) -> (i32, i32) {
    %c0_i32 = arith.constant 0 : i32
    %c0_i32_0 = arith.constant 0 : i32
    %c0_i32_1 = arith.constant 0 : i32
    return %c0_i32, %c0_i32_0 : i32, i32
  }
  func.func @transform_7(%arg0: i32) -> (i32, i32) {
    %c0_i32 = arith.constant 0 : i32
    %c0_i32_0 = arith.constant 0 : i32
    %c0_i32_1 = arith.constant 0 : i32
    return %c0_i32, %c0_i32_0 : i32, i32
  }
  func.func @transform_8(%arg0: i32) -> (i32, i32) {
    %c0_i32 = arith.constant 0 : i32
    %c0_i32_0 = arith.constant 0 : i32
    %c0_i32_1 = arith.constant 0 : i32
    return %c0_i32, %c0_i32_0 : i32, i32
  }
  func.func @transform_9(%arg0: i32) -> (i32, i32) {
    %c0_i32 = arith.constant 0 : i32
    %c0_i32_0 = arith.constant 0 : i32
    %c0_i32_1 = arith.constant 0 : i32
    return %c0_i32, %c0_i32_0 : i32, i32
  }
  func.func @transform_10(%arg0: i32) -> (i32, i32) {
    %c0_i32 = arith.constant 0 : i32
    %c0_i32_0 = arith.constant 0 : i32
    %c0_i32_1 = arith.constant 0 : i32
    return %c0_i32, %c0_i32_0 : i32, i32
  }
  func.func @transform_11(%arg0: i32) -> (i32, i32) {
    %c0_i32 = arith.constant 0 : i32
    %c0_i32_0 = arith.constant 0 : i32
    %c0_i32_1 = arith.constant 0 : i32
    return %c0_i32, %c0_i32_0 : i32, i32
  }
  func.func @transform_12(%arg0: i32) -> (i32, i32) {
    %c0_i32 = arith.constant 0 : i32
    %c0_i32_0 = arith.constant 0 : i32
    return %arg0, %c0_i32 : i32, i32
  }
  func.func @transform_13(%arg0: i32) -> (i32, i32) {
    %c0_i32 = arith.constant 0 : i32
    %c0_i32_0 = arith.constant 0 : i32
    return %arg0, %c0_i32 : i32, i32
  }
  func.func @transform_14(%arg0: i32) -> (i32, i32) {
    %c0_i32 = arith.constant 0 : i32
    %c0_i32_0 = arith.constant 0 : i32
    return %arg0, %c0_i32 : i32, i32
  }
}

module attributes {stable_mosaic.version = 14 : i64} {
  func.func @_neumann_body(%arg0: i32, %arg1: i32, %arg2: memref<256x1024xf32, #tpu.memory_space<vmem>>, %arg3: memref<1x1024x69xf32, #tpu.memory_space<vmem>>, %arg4: memref<256x69xf32, #tpu.memory_space<vmem>>, %arg5: memref<256x69xf32, #tpu.memory_space<vmem>>, %arg6: memref<2x8192x69xf32, #tpu.memory_space<vmem>>, %arg7: memref<8192x69xf32, #tpu.memory_space<vmem>>) attributes {dimension_semantics = [#tpu.dimension_semantics<arbitrary>, #tpu.dimension_semantics<arbitrary>], iteration_bounds = array<i64: 4, 32>, scalar_prefetch = 0 : i64, scratch_operands = 2 : i64, tpu.core_type = #tpu.core_type<tc>, window_params = [{transform_indices = @transform_0, window_bounds = array<i64: 256, 1024>}, {transform_indices = @transform_1, window_bounds = array<i64: 1, 1024, 69>}, {transform_indices = @transform_2, window_bounds = array<i64: 256, 69>}, {transform_indices = @transform_3, window_bounds = array<i64: 256, 69>}]} {
    %jit3A = arith.constant 4 : i32
    %div3A = arith.divsi %arg1, %jit3A : i32
    %sign3A = arith.constant 0 : i32
    %sign3A_0 = arith.cmpi sgt, %arg1, %sign3A : i32
    %sign3A_1 = arith.extui %sign3A_0 : i1 to i32
    %sign3A_2 = arith.constant 0 : i32
    %sign3A_3 = arith.cmpi slt, %arg1, %sign3A_2 : i32
    %sign3A_4 = arith.extui %sign3A_3 : i1 to i32
    %sign3A_5 = arith.subi %sign3A_1, %sign3A_4 : i32
    %sign3A_6 = arith.constant 0 : i32
    %sign3A_7 = arith.cmpi sgt, %jit3A, %sign3A_6 : i32
    %sign3A_8 = arith.extui %sign3A_7 : i1 to i32
    %sign3A_9 = arith.constant 0 : i32
    %sign3A_10 = arith.cmpi slt, %jit3A, %sign3A_9 : i32
    %sign3A_11 = arith.extui %sign3A_10 : i1 to i32
    %sign3A_12 = arith.subi %sign3A_8, %sign3A_11 : i32
    %ne3A = arith.cmpi ne, %sign3A_5, %sign3A_12 : i32
    %rem3A = arith.remsi %arg1, %jit3A : i32
    %ne3A_13 = arith.constant 0 : i32
    %ne3A_14 = arith.cmpi ne, %rem3A, %ne3A_13 : i32
    %and3A = arith.andi %ne3A, %ne3A_14 : i1
    %sub3A = arith.constant 1 : i32
    %sub3A_15 = arith.subi %div3A, %sub3A : i32
    %select_n3A = arith.select %and3A, %sub3A_15, %div3A : i32
    %mul3A = arith.constant 256 : i32
    %mul3A_16 = arith.muli %arg1, %mul3A : i32
    %jit3A_17 = arith.constant 8 : i32
    %eq3A = arith.constant 0 : i32
    %eq3A_18 = arith.cmpi eq, %jit3A_17, %eq3A : i32
    %jit3A_19 = arith.constant 1 : i32
    %select_n3A_20 = arith.select %eq3A_18, %jit3A_19, %jit3A_17 : i32
    %rem3A_21 = arith.remsi %select_n3A, %select_n3A_20 : i32
    %ne3A_22 = arith.constant 0 : i32
    %ne3A_23 = arith.cmpi ne, %rem3A_21, %ne3A_22 : i32
    %lt3A = arith.constant 0 : i32
    %lt3A_24 = arith.cmpi slt, %rem3A_21, %lt3A : i32
    %lt3A_25 = arith.constant 0 : i32
    %lt3A_26 = arith.cmpi slt, %select_n3A_20, %lt3A_25 : i32
    %ne3A_27 = arith.xori %lt3A_24, %lt3A_26 : i1
    %and3A_28 = arith.andi %ne3A_27, %ne3A_23 : i1
    %add3A = arith.addi %rem3A_21, %select_n3A_20 : i32
    %select_n3A_29 = arith.select %and3A_28, %add3A, %rem3A_21 : i32
    %mul3A_30 = arith.constant 1024 : i32
    %mul3A_31 = arith.muli %select_n3A_29, %mul3A_30 : i32
    %add3A_32 = arith.constant 1 : i32
    %add3A_33 = arith.addi %arg0, %add3A_32 : i32
    %jit3A_34 = arith.constant 2 : i32
    %eq3A_35 = arith.constant 0 : i32
    %eq3A_36 = arith.cmpi eq, %jit3A_34, %eq3A_35 : i32
    %jit3A_37 = arith.constant 1 : i32
    %select_n3A_38 = arith.select %eq3A_36, %jit3A_37, %jit3A_34 : i32
    %rem3A_39 = arith.remsi %add3A_33, %select_n3A_38 : i32
    %ne3A_40 = arith.constant 0 : i32
    %ne3A_41 = arith.cmpi ne, %rem3A_39, %ne3A_40 : i32
    %lt3A_42 = arith.constant 0 : i32
    %lt3A_43 = arith.cmpi slt, %rem3A_39, %lt3A_42 : i32
    %lt3A_44 = arith.constant 0 : i32
    %lt3A_45 = arith.cmpi slt, %select_n3A_38, %lt3A_44 : i32
    %ne3A_46 = arith.xori %lt3A_43, %lt3A_45 : i1
    %and3A_47 = arith.andi %ne3A_46, %ne3A_41 : i1
    %add3A_48 = arith.addi %rem3A_39, %select_n3A_38 : i32
    %select_n3A_49 = arith.select %and3A_47, %add3A_48, %rem3A_39 : i32
    %get3A = arith.index_cast %select_n3A_49 : i32 to index
    %get3A_50 = arith.index_cast %mul3A_31 : i32 to index
    %get3A_51 = arith.constant 0 : index
    %get3A_52 = vector.load %arg6[%get3A, %get3A_50, %get3A_51] : memref<2x8192x69xf32, #tpu.memory_space<vmem>>, vector<1x1024x69xf32>
    %get3A_53 = vector.shape_cast %get3A_52 : vector<1x1024x69xf32> to vector<1024x69xf32>
    %eq3A_54 = arith.constant 0 : i32
    %eq3A_55 = arith.cmpi eq, %arg0, %eq3A_54 : i32
    %get3A_56 = arith.constant 0 : index
    %get3A_57 = arith.constant 0 : index
    %get3A_58 = arith.constant 0 : index
    %get3A_59 = vector.load %arg3[%get3A_56, %get3A_57, %get3A_58] : memref<1x1024x69xf32, #tpu.memory_space<vmem>>, vector<1x1024x69xf32>
    %get3A_60 = vector.shape_cast %get3A_59 : vector<1x1024x69xf32> to vector<1024x69xf32>
    %select_n3A_61 = arith.select %eq3A_55, %get3A_60, %get3A_53 : vector<1024x69xf32>
    %get3A_62 = arith.constant 0 : index
    %get3A_63 = arith.constant 0 : index
    %get3A_64 = vector.load %arg2[%get3A_62, %get3A_63] : memref<256x1024xf32, #tpu.memory_space<vmem>>, vector<256x1024xf32>
    %dot_general3A = arith.constant dense<0.000000e+00> : vector<256x69xf32>
    %dot_general3A_65 = tpu.matmul %get3A_64, %select_n3A_61, %dot_general3A {dimension_numbers = #tpu.dot_dimension_numbers<[1], [0], [0], [1], [0, 0, 1, 1], [], []>, transpose_lhs_hint = false} : vector<256x1024xf32>, vector<1024x69xf32>, vector<256x69xf32> -> vector<256x69xf32>
    %jit3A_66 = arith.constant 2 : i32
    %eq3A_67 = arith.constant 0 : i32
    %eq3A_68 = arith.cmpi eq, %jit3A_66, %eq3A_67 : i32
    %jit3A_69 = arith.constant 1 : i32
    %select_n3A_70 = arith.select %eq3A_68, %jit3A_69, %jit3A_66 : i32
    %rem3A_71 = arith.remsi %arg0, %select_n3A_70 : i32
    %ne3A_72 = arith.constant 0 : i32
    %ne3A_73 = arith.cmpi ne, %rem3A_71, %ne3A_72 : i32
    %lt3A_74 = arith.constant 0 : i32
    %lt3A_75 = arith.cmpi slt, %rem3A_71, %lt3A_74 : i32
    %lt3A_76 = arith.constant 0 : i32
    %lt3A_77 = arith.cmpi slt, %select_n3A_70, %lt3A_76 : i32
    %ne3A_78 = arith.xori %lt3A_75, %lt3A_77 : i1
    %and3A_79 = arith.andi %ne3A_78, %ne3A_73 : i1
    %add3A_80 = arith.addi %rem3A_71, %select_n3A_70 : i32
    %select_n3A_81 = arith.select %and3A_79, %add3A_80, %rem3A_71 : i32
    %swap3A = arith.index_cast %select_n3A_81 : i32 to index
    %swap3A_82 = arith.index_cast %mul3A_16 : i32 to index
    %swap3A_83 = arith.constant 0 : index
    %swap3A_84 = vector.load %arg6[%swap3A, %swap3A_82, %swap3A_83] : memref<2x8192x69xf32, #tpu.memory_space<vmem>>, vector<1x256x69xf32>
    %swap3A_85 = vector.shape_cast %swap3A_84 : vector<1x256x69xf32> to vector<256x69xf32>
    %swap3A_86 = vector.shape_cast %dot_general3A_65 : vector<256x69xf32> to vector<1x256x69xf32>
    tpu.vector_store %arg6[%swap3A, %swap3A_82, %swap3A_83], %swap3A_86 {strides = array<i32>} : memref<2x8192x69xf32, #tpu.memory_space<vmem>>, vector<1x256x69xf32>,
    %eq3A_87 = arith.constant 0 : i32
    %eq3A_88 = arith.cmpi eq, %arg0, %eq3A_87 : i32
    %get3A_89 = arith.constant 0 : index
    %get3A_90 = arith.constant 0 : index
    %get3A_91 = vector.load %arg4[%get3A_89, %get3A_90] : memref<256x69xf32, #tpu.memory_space<vmem>>, vector<256x69xf32>
    %get3A_92 = arith.index_cast %mul3A_16 : i32 to index
    %get3A_93 = arith.constant 0 : index
    %get3A_94 = vector.load %arg7[%get3A_92, %get3A_93] : memref<8192x69xf32, #tpu.memory_space<vmem>>, vector<256x69xf32>
    %select_n3A_95 = arith.select %eq3A_88, %get3A_91, %get3A_94 : vector<256x69xf32>
    %add3A_96 = arith.addf %select_n3A_95, %dot_general3A_65 : vector<256x69xf32>
    %swap3A_97 = arith.index_cast %mul3A_16 : i32 to index
    %swap3A_98 = arith.constant 0 : index
    %swap3A_99 = vector.load %arg7[%swap3A_97, %swap3A_98] : memref<8192x69xf32, #tpu.memory_space<vmem>>, vector<256x69xf32>
    tpu.vector_store %arg7[%swap3A_97, %swap3A_98], %add3A_96 {strides = array<i32>} : memref<8192x69xf32, #tpu.memory_space<vmem>>, vector<256x69xf32>,
    %swap3A_100 = arith.constant 0 : index
    %swap3A_101 = arith.constant 0 : index
    %swap3A_102 = vector.load %arg5[%swap3A_100, %swap3A_101] : memref<256x69xf32, #tpu.memory_space<vmem>>, vector<256x69xf32>
    tpu.vector_store %arg5[%swap3A_100, %swap3A_101], %add3A_96 {strides = array<i32>} : memref<256x69xf32, #tpu.memory_space<vmem>>, vector<256x69xf32>,
    return
  }
  func.func @transform_0(%arg0: i32, %arg1: i32) -> (i32, i32) {
    %c0_i32 = arith.constant 0 : i32
    %c0_i32_0 = arith.constant 0 : i32
    return %arg1, %c0_i32 : i32, i32
  }
  func.func @transform_1(%arg0: i32, %arg1: i32) -> (i32, i32, i32) {
    %jit3A = arith.constant 4 : i32
    %div3A = arith.divsi %arg1, %jit3A : i32
    %sign3A = arith.constant 0 : i32
    %sign3A_0 = arith.cmpi sgt, %arg1, %sign3A : i32
    %sign3A_1 = arith.extui %sign3A_0 : i1 to i32
    %sign3A_2 = arith.constant 0 : i32
    %sign3A_3 = arith.cmpi slt, %arg1, %sign3A_2 : i32
    %sign3A_4 = arith.extui %sign3A_3 : i1 to i32
    %sign3A_5 = arith.subi %sign3A_1, %sign3A_4 : i32
    %sign3A_6 = arith.constant 0 : i32
    %sign3A_7 = arith.cmpi sgt, %jit3A, %sign3A_6 : i32
    %sign3A_8 = arith.extui %sign3A_7 : i1 to i32
    %sign3A_9 = arith.constant 0 : i32
    %sign3A_10 = arith.cmpi slt, %jit3A, %sign3A_9 : i32
    %sign3A_11 = arith.extui %sign3A_10 : i1 to i32
    %sign3A_12 = arith.subi %sign3A_8, %sign3A_11 : i32
    %ne3A = arith.cmpi ne, %sign3A_5, %sign3A_12 : i32
    %rem3A = arith.remsi %arg1, %jit3A : i32
    %ne3A_13 = arith.constant 0 : i32
    %ne3A_14 = arith.cmpi ne, %rem3A, %ne3A_13 : i32
    %and3A = arith.andi %ne3A, %ne3A_14 : i1
    %sub3A = arith.constant 1 : i32
    %sub3A_15 = arith.subi %div3A, %sub3A : i32
    %select_n3A = arith.select %and3A, %sub3A_15, %div3A : i32
    %c0_i32 = arith.constant 0 : i32
    %c0_i32_16 = arith.constant 0 : i32
    %c0_i32_17 = arith.constant 0 : i32
    return %select_n3A, %c0_i32, %c0_i32_16 : i32, i32, i32
  }
  func.func @transform_2(%arg0: i32, %arg1: i32) -> (i32, i32) {
    %c0_i32 = arith.constant 0 : i32
    %c0_i32_0 = arith.constant 0 : i32
    return %arg1, %c0_i32 : i32, i32
  }
  func.func @transform_3(%arg0: i32, %arg1: i32) -> (i32, i32) {
    %c0_i32 = arith.constant 0 : i32
    %c0_i32_0 = arith.constant 0 : i32
    return %arg1, %c0_i32 : i32, i32
  }
}

</mosaic_0001>

<sc_bundles>
// kernel: kernel.16.cloned.1.call-start
scs
__scs_entry_jumppad:
0x0: {  	(pc) =	sbr.rel $0x88, $3  }
0x1: {  	(tag) =	ssettag $0x0;
	lr =	simm.s32 $0x1  }
0x2: {  	[smem:$0x3F8F] =	sst lr;
	_ =	strace $0xD0000000  }
0x3: {  	_ = 	snop  }
0x4: {  	_ = 	snop  }
0x5: {  	_ = 	snop  }
0x6: {  	_ = 	snop  }
0x7: {  	_ = 	snop  }
__scs_overlays_trampoline_lowered:
0x8: {  	[smem:$0x3F9E] =	sst s0  }
0x9: {  	[smem:$0x3F9F] =	sst s1  }
0xa: {  	[smem:$0x3FA0] =	sst s2  }
0xb: {  	[smem:$0x3FA1] =	sst s3  }
0xc: {  	[smem:$0x3FA2] =	sst s4  }
0xd: {  	[smem:$0x3FA3] =	sst s5  }
0xe: {  	[smem:$0x3FA4] =	sst s6  }
0xf: {  	[smem:$0x3FA5] =	sst s7  }
0x10: {  	[smem:$0x3FA6] =	sst s8  }
0x11: {  	[smem:$0x3FA7] =	sst s9;
	s0 =	simm.s32 @!p0 $0x0  }
0x12: {  	s1 =	sld [smem:$0x3F8D];
	s0 =	simm.s32 @p0 $0x1  }
0x13: {  	[smem:$0x3FA8] =	sst s0;
	s0 =	simm.s32 @!p1 $0x0  }
0x14: {  	s2 =	sld [smem:$0x3F8C];
	s0 =	simm.s32 @p1 $0x1  }
0x15: {  	[smem:$0x3FA9] =	sst s0;
	s0 =	simm.s32 @!p2 $0x0  }
0x16: {  	s3 =	sld [smem:$0x3FDB];
	s0 =	simm.s32 @p2 $0x1  }
0x17: {  	s4 =	simm.s32 $0x1BF5;
	[smem:$0x3FAB] =	sst s0  }
0x18: {  	s0 =	sld [smem:$0x3F8E];
	_ =	swait.ge [sflag:s4], $0x0  }
0x19: {  	s7 =	sld [smem:$0x3F8F]  }
0x1a: {  	s8 =	sadd.s32 $0xFFFFE003, lr  }
0x1b: {  	s9 =	sadd.s32 $0xFFFFFEF7, lr;
	s5 =	simm.s32 $0xFFFFFFFF;
	p2 =	slt.u32 s8, $0xFFFFF086  }
0x1c: {  	p1 =	slt.u32 s9, $0xF7A;
	s5 =	simm.s32 @!p2 $0x0  }
0x1d: {  	s5 =	simm.s32 @p1 $0x1;
	p0 =	seq.s32 s7, s2  }
0x1e: {  	s7 =	smul.u32 @!p0 $0xF7A, s2;
	p2 =	seq.s32 @!p0 s5, $0x0  }
0x1f: {  	s9 =	smul.u32 $0xF7A, s1;
	s8 =	simm.s32 @!p0 $0x1BF5;
	p2 =	por !p2, p0  }
0x20: {  	[sflag:s8] =	ssyncset.s32 @!p0 $0xFFFFF086;
	s6 =	sadd.s32 @!p0 s3, s7;
	s7 =	simm.s32 @!p0 $0x108  }
0x21: {  	s3 =	sadd.s32 s3, s9;
	s6 =	sadd.s32 @!p0 $0x88, s6;
	s7 =	simm.s32 @p2 $0x1082  }
0x22: {  	[simem:s7], [sflag:s8] =	dma.local @!p0 [hbm:s6], $0xF7A  }
0x23: {  	s9 =	sor.u32 $0xD0000000, s2;
	s6 =	simm.s32 $0x108;
	_ =	swait.ge @!p0 [sflag:s8], $0x0  }
0x24: {  	s3 =	sadd.s32 $0x88, s3;
	s6 =	simm.s32 @!p1 $0x1082;
	[sflag:s4] =	ssyncset.s32 $0xFFFFF086  }
0x25: {  	[simem:s6], [sflag:s4] =	dma.local [hbm:s3], $0xF7A  }
0x26: {  	[smem:$0x3F8F] =	sst s1;
	(tag) =	ssettag s2;
	_ =	strace s9  }
0x27: {  	s1 =	sld [smem:$0x3F9F]  }
0x28: {  	s2 =	sld [smem:$0x3FA0]  }
0x29: {  	s4 =	sld [smem:$0x3FA2]  }
0x2a: {  	p0 =	seq.s32 s5, $0x0;
	s5 =	sld [smem:$0x3FA3]  }
0x2b: {  	s6 =	sld [smem:$0x3FA4]  }
0x2c: {  	s7 =	sld [smem:$0x3FA5]  }
0x2d: {  	s3 =	simm.s32 $0x108;
	s8 =	sld [smem:$0x3FA6]  }
0x2e: {  	s3 =	simm.s32 @!p0 $0x1082;
	s9 =	sld [smem:$0x3FA7]  }
0x2f: {  	lr =	sadd.s32 s0, s3;
	s0 =	sld [smem:$0x3F9E]  }
0x30: {  	s3 =	sld [smem:$0x3FA1]  }
0x31: {  	[smem:$0x3FAA] =	sst s10  }
0x32: {  	s10 =	sld [smem:$0x3FA8];
	_ =	sdelay $0x3  }
0x33: {  	p0 =	seq.s32 s10, $0x1;
	s10 =	sld [smem:$0x3FAA];
	_ =	sdelay $0x3  }
0x34: {  	[smem:$0x3FAA] =	sst s10  }
0x35: {  	s10 =	sld [smem:$0x3FA9];
	_ =	sdelay $0x3  }
0x36: {  	p1 =	seq.s32 s10, $0x1;
	s10 =	sld [smem:$0x3FAA];
	_ =	sdelay $0x3  }
0x37: {  	[smem:$0x3FAA] =	sst s10  }
0x38: {  	s10 =	sld [smem:$0x3FAB]  }
0x39: {  	_ = 	snop;
	(pc) =	sbr.ind lr, $3  }
0x3a: {  	_ = 	snop  }
0x3b: {  	_ = 	snop  }
0x3c: {  	p2 =	seq.s32 s10, $0x1;
	s10 =	sld [smem:$0x3FAA]  }
0x3d: {  	_ =	shalt  }
0x3e: {  	_ =	shalt  }
0x3f: {  	_ =	shalt  }
0x40: {  	_ =	shalt  }
0x41: {  	_ =	shalt  }
0x42: {  	_ =	shalt  }
0x43: {  	_ =	shalt  }
0x44: {  	_ =	shalt  }
0x45: {  	_ =	shalt  }
0x46: {  	_ =	shalt  }
0x47: {  	_ =	shalt  }
0x48: {  	_ =	shalt  }
0x49: {  	_ =	shalt  }
0x4a: {  	_ =	shalt  }
0x4b: {  	_ =	shalt  }
0x4c: {  	_ =	shalt  }
0x4d: {  	_ =	shalt  }
0x4e: {  	_ =	shalt  }
0x4f: {  	_ =	shalt  }
0x50: {  	_ =	shalt  }
0x51: {  	_ =	shalt  }
0x52: {  	_ =	shalt  }
0x53: {  	_ =	shalt  }
0x54: {  	_ =	shalt  }
0x55: {  	_ =	shalt  }
0x56: {  	_ =	shalt  }
0x57: {  	_ =	shalt  }
0x58: {  	_ =	shalt  }
0x59: {  	_ =	shalt  }
0x5a: {  	_ =	shalt  }
0x5b: {  	_ =	shalt  }
0x5c: {  	_ =	shalt  }
0x5d: {  	_ =	shalt  }
0x5e: {  	_ =	shalt  }
0x5f: {  	_ =	shalt  }
0x60: {  	_ =	shalt  }
0x61: {  	_ =	shalt  }
0x62: {  	_ =	shalt  }
0x63: {  	_ =	shalt  }
0x64: {  	_ =	shalt  }
0x65: {  	_ =	shalt  }
0x66: {  	_ =	shalt  }
0x67: {  	_ =	shalt  }
0x68: {  	_ =	shalt  }
0x69: {  	_ =	shalt  }
0x6a: {  	_ =	shalt  }
0x6b: {  	_ =	shalt  }
0x6c: {  	_ =	shalt  }
0x6d: {  	_ =	shalt  }
0x6e: {  	_ =	shalt  }
0x6f: {  	_ =	shalt  }
0x70: {  	_ =	shalt  }
0x71: {  	_ =	shalt  }
0x72: {  	_ =	shalt  }
0x73: {  	_ =	shalt  }
0x74: {  	_ =	shalt  }
0x75: {  	_ =	shalt  }
0x76: {  	_ =	shalt  }
0x77: {  	_ =	shalt  }
0x78: {  	_ =	shalt  }
0x79: {  	_ =	shalt  }
0x7a: {  	_ =	shalt  }
0x7b: {  	_ =	shalt  }
0x7c: {  	_ =	shalt  }
0x7d: {  	_ =	shalt  }
0x7e: {  	_ =	shalt  }
0x7f: {  	_ =	shalt  }
0x80: {  	_ =	shalt  }
0x81: {  	_ =	shalt  }
0x82: {  	_ =	shalt  }
0x83: {  	_ =	shalt  }
0x84: {  	_ =	shalt  }
0x85: {  	_ =	shalt  }
0x86: {  	_ =	shalt  }
0x87: {  	_ =	shalt  }
.Lfunc_end0:
.L_simem_size_0:
called_computation_lowered:
.L_overlay_start_0:
0x88: {  	s2 =	sld [smem:$0x3FD9]  }
0x89: {  	s3 =	sld [smem:$0x3FFE];
	_ =	sdelay $0x1  }
0x8a: {  	s1 =	srdreg.scid  }
0x8b: {  	s0 =	sand.u32 $0x1, s1  }
0x8c: {  	s17 =	sshll.u32 s0, $0xA;
	s2 =	sadd.s32 s3, s2  }
0x8d: {  	s2 =	sadd.s32 s2, s17  }
0x8e: {  	[smem:$0x3FB6] =	sst s2  }
0x8f: {  	_ = 	snop  }
0x90: {  	s2 =	sld [smem:$0x3FD0];
	(tm) =	ssettm $0x1  }
0x91: {  	s18 =	sld [smem:$0x3FFB];
	_ =	sdelay $0x3  }
0x92: {  	_ =	strace s18  }
0x93: {  	s3 =	sld [smem:$0x3FFC];
	_ =	sdelay $0x3  }
0x94: {  	_ =	strace s3  }
0x95: {  	s3 =	sld [smem:$0x3FFD];
	_ =	sdelay $0x3  }
0x96: {  	_ =	strace s3  }
0x97: {  	_ =	strace $0x8FFFFFFF  }
0x98: {  	s19 =	sld [smem:$0x3FDB];
	_ =	sdelay $0x1  }
0x99: {  	s4 =	simm.s32 $_scs_section_size  }
0x9a: {  	s5 =	simm.s32 $_size__tile_overlayer_lowered;
	s6 =	simm.s32 $_tile_overlayer_lowered  }
0x9b: {  	s22 =	simm.s32 $0x1BFF;
	s21 =	sshll.u32 s6, $0x1;
	s3 =	sadd.s32 s4, s19  }
0x9c: {  	s7 =	simm.s32 $0x0;
	s20 =	sshll.u32 s5, $0x1;
	s5 =	sadd.s32 s21, s3  }
0x9d: {  	[timem:s7], [sflag:s22] =	dma.local [hbm:s5], s20  }
0x9e: {  	_ =	swait.ge [sflag:s22], s20  }
0x9f: {  	s4 =	ssub.s32 $0x0, s20;
	[sflag:s22] =	ssyncset.done $0x0  }
0xa0: {  	[sflag:s22] =	ssyncadd.s32 s4;
	_ =	sdelay $0x1  }
0xa1: {  	s23 =	simm.s32 $0x1B8B  }
0xa2: {  	_ =	swait.ge [sflag:s23], $0x1  }
0xa3: {  	[sflag:s23] =	ssyncset.done $0x0  }
0xa4: {  	s25 =	simm.s32 $0x1B8E;
	s24 =	sld [smem:$0x3FFE];
	[sflag:s23] =	ssyncadd.s32 $0xFFFFFFFF  }
0xa5: {  	s26 =	simm.s32 $execute0_lowered;
	[smem:$0x3FD2] =	sst s25  }
0xa6: {  	s5 =	sshll.u32 s26, $0x1;
	_ =	strace $0x80000046;
	[dreg:$0x1] =	wrdreg $0xFFFFFFFF  }
0xa7: {  	s28 =	simm.s32 $_size_execute0_lowered;
	s3 =	sadd.s32 s3, s5;
	[dreg:$0x0] =	wrdreg $0x0  }
0xa8: {  	s5 =	sshll.u32 s28, $0x1;
	[dreg:$0x2] =	wrdreg s3  }
0xa9: {  	[dreg:$0x3] =	wrdreg s5  }
0xaa: {  	[dreg:$0x4] =	wrdreg $0xC0  }
0xab: {  	_ =	task [dreg:s7], $0x5FFFF  }
0xac: {  	[dreg:$0x1] =	wrdreg $0xFFFFFFFF  }
0xad: {  	[dreg:$0x0] =	wrdreg $0x60  }
0xae: {  	[dreg:$0x2] =	wrdreg s24  }
0xaf: {  	[dreg:$0x3] =	wrdreg s2  }
0xb0: {  	[dreg:$0x4] =	wrdreg $0x9  }
0xb1: {  	_ =	task.clear_ibuf [dreg:s7], $0x5FFFF;
	_ =	strace $0x90000046  }
0xb2: {  	s29 =	simm.s32 $0x9;
	_ =	strace $0x80000048  }
0xb3: {  	_ =	swait.ge [sflag:s29], $0x1  }
0xb4: {  	[sflag:s29] =	ssyncadd.s32 $0xFFFFFFFF  }
0xb5: {  	_ =	strace $0x90000048  }
0xb6: {  	_ =	sfence  }
0xb7: {  	s30 =	sld [smem:$0x0];
	_ =	sdelay $0x2  }
0xb8: {  	s31 =	sshll.u32 s1, $0xD;
	s1 =	sshrl.u32 s1, $0x2  }
0xb9: {  	s3 =	sand.u32 $0x4000, s31;
	s1 =	sadd.s32 s1, s30  }
0xba: {  	s0 =	sor.u32 s3, s0;
	s1 =	sshll.u32 s1, $0x11  }
0xbb: {  	s0 =	sor.u32 s1, s0  }
0xbc: {  	s0 =	sadd.s32 $0x8F2B, s0  }
0xbd: {  	[sflag:s0] =	ssyncadd.remote.s32 $0x1  }
0xbe: {  	_ =	sfence.sel $0xFFFF  }
0xbf: {  	[dreg:$0x0] =	wrdreg $0xFFFFFFFF;
	(pc) =	sbr.abs _section_cstart, $3  }
0xc0: {  	[dreg:$0x1] =	wrdreg $0xFFFFFFFF  }
0xc1: {  	_ =	task.clear_ibuf [dreg:s7], $0x2FFFF;
	_ =	strace $0x9FFFFFFF  }
0xc2: {  	(tm) =	ssettm $0x7FFFFFFF  }
0xc3: {  	_ =	shalt  }
tec
execute0_lowered:
.L_overlay_start_1:
0x0: {  	(tag) =	ssettag $0x1  }
0x1: {  	s4 =	rddreg [dreg:$0x0]  }
0x2: {  	s5 =	rddreg [dreg:$0x1]  }
0x3: {  	s0 =	rddreg [dreg:$0x2];
	s2 =	simm.s32 $0x0;
	s3 =	srdreg.scid  }
0x4: {  	s1 =	stileid.u32;
	s11 =	simm.s32 $0x1000;
	s12 =	simm.s32 $0x5000  }
0x5: {  	s13 =	simm.s32 $0x1;
	s14 =	simm.s32 $0x2;
	s15 =	simm.s32 $0x0  }
0x6: {  	[smem:$0x7FF] =	sst s2;
	s7 =	sand.u32 $0x1, s3;
	s6 =	sshll.u32 s1, $0xD  }
0x7: {  	s3 =	sadd.s32 $0xEA200, s4;
	s25 =	sadd.s32 $0x12A200, s4;
	s30 =	sshll.u32 s1, $0x11  }
0x8: {  	_ =	strace $0x80000047;
	s8 =	sshll.u32 s7, $0xC;
	s9 =	ssub.s32 $0x2, s7  }
0x9: {  	s31 =	sshll.u32 s7, $0x10;
	s6 =	sor.u32 s8, s6;
	s26 =	sshrl.u32 s9, $0x1  }
0xa: {  	s8 =	sadd.s32 s30, s25;
	s10 =	sshll.u32 s6, $0x4;
	s9 =	ssub.s32 s9, s26  }
0xb: {  	s28 =	sshrl.u32 s6, $0x3;
	s8 =	sadd.s32 s31, s8;
	s29 =	sadd.s32 s10, s25  }
0xc: {  	s4 =	sadd.s32 s5, s28;
	s7 =	smax.u32 s9, $0x1;
	s9 =	simm.s32 $0x3  }
0xd: {  	s10 =	simm.s32 $0x80;
	s5 =	sadd.s32 $0xF000, s29;
	s6 =	sadd.s32 $0xF800, s29  }
.LBB2_1:
0xe: {  	[tilespmem:s2], [sflag:$0x3] =	stream.linear.gather [hbm4b:s4+s2], $0x1000, $0x38;
	[tilespmem:$0x9000] =	vst v63  }
0xf: {  	_ =	swait.ge [sflag:s9], $0x1000  }
0x10: {  	[sflag:s9] =	ssyncset.done $0x0  }
0x11: {  	[sflag:s9] =	ssyncadd.s32 $0xFFFFF000  }
0x12: {  	[tilespmem:s11], [sflag:$0x1] =	stream.indirect.gather [hbm4b:s3+s10], $0x80, s2, s10, $0xb8;
	[tilespmem:$0x9000] =	vst v63  }
0x13: {  	_ = 	snop  }
0x14: {  	[tilespmem:s12], [sflag:$0x2] =	stream.indirect.gather [hbm4b:s3+s10], $0x80, s10, s10, $0xb8;
	[tilespmem:$0x9000] =	vst v63  }
0x15: {  	_ =	swait.ge [sflag:s13], $0x4000  }
0x16: {  	[sflag:s13] =	ssyncset.done $0x0  }
0x17: {  	s16 =	sadd.s32 $0x0, s8;
	[sflag:s13] =	ssyncadd.s32 $0xFFFFC000  }
0x18: {  	[hbm4b:s16+s2] =	stream.linear.scatter [tilespmem:s11], [sflag:$0x3], $0x4000, $0x38;
	[tilespmem:$0x9000] =	vst v63  }
0x19: {  	_ =	swait.ge [sflag:s9], $0x4000  }
0x1a: {  	[sflag:s9] =	ssyncset.done $0x0  }
0x1b: {  	s17 =	simm.s32 $0x100;
	[sflag:s9] =	ssyncadd.s32 $0xFFFFC000  }
0x1c: {  	[tilespmem:s11], [sflag:$0x1] =	stream.indirect.gather [hbm4b:s3+s10], $0x80, s17, s10, $0xb8;
	[tilespmem:$0x9000] =	vst v63  }
0x1d: {  	_ =	swait.ge [sflag:s14], $0x4000  }
0x1e: {  	[sflag:s14] =	ssyncset.done $0x0  }
0x1f: {  	s16 =	sadd.s32 $0x800, s16;
	[sflag:s14] =	ssyncadd.s32 $0xFFFFC000  }
0x20: {  	[hbm4b:s16+s2] =	stream.linear.scatter [tilespmem:s12], [sflag:$0x3], $0x4000, $0x38;
	[tilespmem:$0x9000] =	vst v63  }
0x21: {  	_ =	swait.ge [sflag:s9], $0x4000  }
0x22: {  	s18 =	simm.s32 $0x280;
	[sflag:s9] =	ssyncset.done $0x0  }
0x23: {  	s17 =	simm.s32 $0x1000;
	s16 =	simm.s32 $0x180;
	[sflag:s9] =	ssyncadd.s32 $0xFFFFC000  }
.LBB2_2:
0x24: {  	[tilespmem:s12], [sflag:$0x2] =	stream.indirect.gather [hbm4b:s3+s10], $0x80, s16, s10, $0xb8;
	[tilespmem:$0x9000] =	vst v63  }
0x25: {  	s19 =	smov.u32 s17;
	s16 =	smov.u32 s18  }
0x26: {  	p0 =	sne.s32 s17, $0xE000;
	s17 =	sadd.s32 $0x1000, s17;
	_ =	swait.ge [sflag:s13], $0x4000  }
0x27: {  	[sflag:s13] =	ssyncset.done $0x0  }
0x28: {  	s19 =	sadd.s32 s19, s8;
	[sflag:s13] =	ssyncadd.s32 $0xFFFFC000  }
0x29: {  	[hbm4b:s19+s2] =	stream.linear.scatter [tilespmem:s11], [sflag:$0x3], $0x4000, $0x38;
	[tilespmem:$0x9000] =	vst v63  }
0x2a: {  	_ =	swait.ge [sflag:s9], $0x4000  }
0x2b: {  	[sflag:s9] =	ssyncset.done $0x0  }
0x2c: {  	s20 =	sadd.s32 $0xFFFFFF80, s18;
	[sflag:s9] =	ssyncadd.s32 $0xFFFFC000  }
0x2d: {  	[tilespmem:s11], [sflag:$0x1] =	stream.indirect.gather [hbm4b:s3+s10], $0x80, s20, s10, $0xb8;
	[tilespmem:$0x9000] =	vst v63  }
0x2e: {  	_ =	swait.ge [sflag:s14], $0x4000  }
0x2f: {  	[sflag:s14] =	ssyncset.done $0x0  }
.Ltmp0:
0x30: {  	s19 =	sadd.s32 $0x800, s19;
	[sflag:s14] =	ssyncadd.s32 $0xFFFFC000;
	(pc) =	sbr.rel @p0 .LBB2_2-.Ltmp0, $4  }
0x31: {  	[hbm4b:s19+s2] =	stream.linear.scatter [tilespmem:s12], [sflag:$0x3], $0x4000, $0x38;
	[tilespmem:$0x9000] =	vst v63  }
0x32: {  	_ =	swait.ge [sflag:s9], $0x4000  }
0x33: {  	[sflag:s9] =	ssyncset.done $0x0  }
0x34: {  	s18 =	sadd.s32 $0x100, s18;
	[sflag:s9] =	ssyncadd.s32 $0xFFFFC000  }
0x35: {  	[tilespmem:s12], [sflag:$0x2] =	stream.indirect.gather [hbm4b:s3+s10], $0x80, s16, s10, $0xb8;
	[tilespmem:$0x9000] =	vst v63  }
0x36: {  	_ =	swait.ge [sflag:s13], $0x4000  }
0x37: {  	[sflag:s13] =	ssyncset.done $0x0  }
0x38: {  	[sflag:s13] =	ssyncadd.s32 $0xFFFFC000  }
0x39: {  	[hbm4b:s5+s2] =	stream.linear.scatter [tilespmem:s11], [sflag:$0x3], $0x4000, $0x38;
	[tilespmem:$0x9000] =	vst v63  }
0x3a: {  	_ =	swait.ge [sflag:s9], $0x4000  }
0x3b: {  	[sflag:s9] =	ssyncset.done $0x0  }
0x3c: {  	[sflag:s9] =	ssyncadd.s32 $0xFFFFC000  }
0x3d: {  	s15 =	sadd.s32 $0x1, s15;
	_ =	swait.ge [sflag:s14], $0x4000  }
0x3e: {  	p0 =	sne.s32 s15, s7;
	[sflag:s14] =	ssyncset.done $0x0  }
.Ltmp1:
0x3f: {  	[sflag:s14] =	ssyncadd.s32 $0xFFFFC000;
	(pc) =	sbr.rel @p0 .LBB2_1-.Ltmp1, $4  }
0x40: {  	[hbm4b:s6+s2] =	stream.linear.scatter [tilespmem:s12], [sflag:$0x3], $0x4000, $0x38;
	[tilespmem:$0x9000] =	vst v63  }
0x41: {  	_ =	swait.ge [sflag:s9], $0x4000  }
0x42: {  	[sflag:s9] =	ssyncset.done $0x0  }
0x43: {  	[sflag:s9] =	ssyncadd.s32 $0xFFFFC000  }
0x44: {  	_ =	sfence.sel $0x180000  }
0x45: {  	[bflag:$0x0] =	sbarrier.arrive $0xFFFF  }
0x46: {  	p0 =	sne.s32 s1, $0x0;
	_ =	strace $0x90000047  }
0x47: {  	s0 =	sadd.s32 @!p0 $0x100000, s0;
	[bflag:$0x2] =	sbarrier.arrive $0xFFFF  }
0x48: {  	[sflag:s0] =	ssyncadd.tile.s32 @!p0 $0x1;
	_ =	shalt  }
.Lfunc_end2:
_tile_overlayer_lowered:
.L_overlay_start_2:
0x49: {  	(tag) =	ssettag $0x2  }
0x4a: {  	s0 =	rddreg [dreg:$0x0];
	s2 =	stileid.u32  }
0x4b: {  	s1 =	rddreg [dreg:$0x1];
	p0 =	sne.s32 s2, $0x0  }
0x4c: {  	s3 =	rddreg [dreg:$0x2];
	[bflag:$0x3] =	sbarrier.arrive $0xFFFF;
	s2 =	simm.s32 @!p0 $0x1C03  }
0x4d: {  	[timem:s3], [sflag:s2] =	dma.local @!p0 [hbm:s0], s1  }
0x4e: {  	s0 =	simm.s32 @!p0 $0x3  }
0x4f: {  	_ =	swait.ge @!p0 [sflag:s0], s1  }
0x50: {  	s1 =	ssub.s32 @!p0 $0x0, s1;
	[sflag:s0] =	ssyncset.done @!p0 $0x0  }
0x51: {  	[sflag:s0] =	ssyncadd.s32 @!p0 s1  }
0x52: {  	[bflag:$0x3] =	sbarrier.arrive $0xFFFF  }
0x53: {  	_ =	shalt  }

// kernel: kernel.19.cloned.1.call-start
scs
__scs_entry_jumppad:
0x0: {  	(pc) =	sbr.rel $0x88, $3  }
0x1: {  	(tag) =	ssettag $0x0;
	lr =	simm.s32 $0x1  }
0x2: {  	[smem:$0x3F8F] =	sst lr;
	_ =	strace $0xD0000000  }
0x3: {  	_ = 	snop  }
0x4: {  	_ = 	snop  }
0x5: {  	_ = 	snop  }
0x6: {  	_ = 	snop  }
0x7: {  	_ = 	snop  }
__scs_overlays_trampoline_lowered:
0x8: {  	[smem:$0x3F9E] =	sst s0  }
0x9: {  	[smem:$0x3F9F] =	sst s1  }
0xa: {  	[smem:$0x3FA0] =	sst s2  }
0xb: {  	[smem:$0x3FA1] =	sst s3  }
0xc: {  	[smem:$0x3FA2] =	sst s4  }
0xd: {  	[smem:$0x3FA3] =	sst s5  }
0xe: {  	[smem:$0x3FA4] =	sst s6  }
0xf: {  	[smem:$0x3FA5] =	sst s7  }
0x10: {  	[smem:$0x3FA6] =	sst s8  }
0x11: {  	[smem:$0x3FA7] =	sst s9;
	s0 =	simm.s32 @!p0 $0x0  }
0x12: {  	s1 =	sld [smem:$0x3F8D];
	s0 =	simm.s32 @p0 $0x1  }
0x13: {  	[smem:$0x3FA8] =	sst s0;
	s0 =	simm.s32 @!p1 $0x0  }
0x14: {  	s2 =	sld [smem:$0x3F8C];
	s0 =	simm.s32 @p1 $0x1  }
0x15: {  	[smem:$0x3FA9] =	sst s0;
	s0 =	simm.s32 @!p2 $0x0  }
0x16: {  	s3 =	sld [smem:$0x3FDB];
	s0 =	simm.s32 @p2 $0x1  }
0x17: {  	s4 =	simm.s32 $0x1BF5;
	[smem:$0x3FAB] =	sst s0  }
0x18: {  	s0 =	sld [smem:$0x3F8E];
	_ =	swait.ge [sflag:s4], $0x0  }
0x19: {  	s7 =	sld [smem:$0x3F8F]  }
0x1a: {  	s8 =	sadd.s32 $0xFFFFE003, lr  }
0x1b: {  	s9 =	sadd.s32 $0xFFFFFEF7, lr;
	s5 =	simm.s32 $0xFFFFFFFF;
	p2 =	slt.u32 s8, $0xFFFFF086  }
0x1c: {  	p1 =	slt.u32 s9, $0xF7A;
	s5 =	simm.s32 @!p2 $0x0  }
0x1d: {  	s5 =	simm.s32 @p1 $0x1;
	p0 =	seq.s32 s7, s2  }
0x1e: {  	s7 =	smul.u32 @!p0 $0xF7A, s2;
	p2 =	seq.s32 @!p0 s5, $0x0  }
0x1f: {  	s9 =	smul.u32 $0xF7A, s1;
	s8 =	simm.s32 @!p0 $0x1BF5;
	p2 =	por !p2, p0  }
0x20: {  	[sflag:s8] =	ssyncset.s32 @!p0 $0xFFFFF086;
	s6 =	sadd.s32 @!p0 s3, s7;
	s7 =	simm.s32 @!p0 $0x108  }
0x21: {  	s3 =	sadd.s32 s3, s9;
	s6 =	sadd.s32 @!p0 $0x88, s6;
	s7 =	simm.s32 @p2 $0x1082  }
0x22: {  	[simem:s7], [sflag:s8] =	dma.local @!p0 [hbm:s6], $0xF7A  }
0x23: {  	s9 =	sor.u32 $0xD0000000, s2;
	s6 =	simm.s32 $0x108;
	_ =	swait.ge @!p0 [sflag:s8], $0x0  }
0x24: {  	s3 =	sadd.s32 $0x88, s3;
	s6 =	simm.s32 @!p1 $0x1082;
	[sflag:s4] =	ssyncset.s32 $0xFFFFF086  }
0x25: {  	[simem:s6], [sflag:s4] =	dma.local [hbm:s3], $0xF7A  }
0x26: {  	[smem:$0x3F8F] =	sst s1;
	(tag) =	ssettag s2;
	_ =	strace s9  }
0x27: {  	s1 =	sld [smem:$0x3F9F]  }
0x28: {  	s2 =	sld [smem:$0x3FA0]  }
0x29: {  	s4 =	sld [smem:$0x3FA2]  }
0x2a: {  	p0 =	seq.s32 s5, $0x0;
	s5 =	sld [smem:$0x3FA3]  }
0x2b: {  	s6 =	sld [smem:$0x3FA4]  }
0x2c: {  	s7 =	sld [smem:$0x3FA5]  }
0x2d: {  	s3 =	simm.s32 $0x108;
	s8 =	sld [smem:$0x3FA6]  }
0x2e: {  	s3 =	simm.s32 @!p0 $0x1082;
	s9 =	sld [smem:$0x3FA7]  }
0x2f: {  	lr =	sadd.s32 s0, s3;
	s0 =	sld [smem:$0x3F9E]  }
0x30: {  	s3 =	sld [smem:$0x3FA1]  }
0x31: {  	[smem:$0x3FAA] =	sst s10  }
0x32: {  	s10 =	sld [smem:$0x3FA8];
	_ =	sdelay $0x3  }
0x33: {  	p0 =	seq.s32 s10, $0x1;
	s10 =	sld [smem:$0x3FAA];
	_ =	sdelay $0x3  }
0x34: {  	[smem:$0x3FAA] =	sst s10  }
0x35: {  	s10 =	sld [smem:$0x3FA9];
	_ =	sdelay $0x3  }
0x36: {  	p1 =	seq.s32 s10, $0x1;
	s10 =	sld [smem:$0x3FAA];
	_ =	sdelay $0x3  }
0x37: {  	[smem:$0x3FAA] =	sst s10  }
0x38: {  	s10 =	sld [smem:$0x3FAB]  }
0x39: {  	_ = 	snop;
	(pc) =	sbr.ind lr, $3  }
0x3a: {  	_ = 	snop  }
0x3b: {  	_ = 	snop  }
0x3c: {  	p2 =	seq.s32 s10, $0x1;
	s10 =	sld [smem:$0x3FAA]  }
0x3d: {  	_ =	shalt  }
0x3e: {  	_ =	shalt  }
0x3f: {  	_ =	shalt  }
0x40: {  	_ =	shalt  }
0x41: {  	_ =	shalt  }
0x42: {  	_ =	shalt  }
0x43: {  	_ =	shalt  }
0x44: {  	_ =	shalt  }
0x45: {  	_ =	shalt  }
0x46: {  	_ =	shalt  }
0x47: {  	_ =	shalt  }
0x48: {  	_ =	shalt  }
0x49: {  	_ =	shalt  }
0x4a: {  	_ =	shalt  }
0x4b: {  	_ =	shalt  }
0x4c: {  	_ =	shalt  }
0x4d: {  	_ =	shalt  }
0x4e: {  	_ =	shalt  }
0x4f: {  	_ =	shalt  }
0x50: {  	_ =	shalt  }
0x51: {  	_ =	shalt  }
0x52: {  	_ =	shalt  }
0x53: {  	_ =	shalt  }
0x54: {  	_ =	shalt  }
0x55: {  	_ =	shalt  }
0x56: {  	_ =	shalt  }
0x57: {  	_ =	shalt  }
0x58: {  	_ =	shalt  }
0x59: {  	_ =	shalt  }
0x5a: {  	_ =	shalt  }
0x5b: {  	_ =	shalt  }
0x5c: {  	_ =	shalt  }
0x5d: {  	_ =	shalt  }
0x5e: {  	_ =	shalt  }
0x5f: {  	_ =	shalt  }
0x60: {  	_ =	shalt  }
0x61: {  	_ =	shalt  }
0x62: {  	_ =	shalt  }
0x63: {  	_ =	shalt  }
0x64: {  	_ =	shalt  }
0x65: {  	_ =	shalt  }
0x66: {  	_ =	shalt  }
0x67: {  	_ =	shalt  }
0x68: {  	_ =	shalt  }
0x69: {  	_ =	shalt  }
0x6a: {  	_ =	shalt  }
0x6b: {  	_ =	shalt  }
0x6c: {  	_ =	shalt  }
0x6d: {  	_ =	shalt  }
0x6e: {  	_ =	shalt  }
0x6f: {  	_ =	shalt  }
0x70: {  	_ =	shalt  }
0x71: {  	_ =	shalt  }
0x72: {  	_ =	shalt  }
0x73: {  	_ =	shalt  }
0x74: {  	_ =	shalt  }
0x75: {  	_ =	shalt  }
0x76: {  	_ =	shalt  }
0x77: {  	_ =	shalt  }
0x78: {  	_ =	shalt  }
0x79: {  	_ =	shalt  }
0x7a: {  	_ =	shalt  }
0x7b: {  	_ =	shalt  }
0x7c: {  	_ =	shalt  }
0x7d: {  	_ =	shalt  }
0x7e: {  	_ =	shalt  }
0x7f: {  	_ =	shalt  }
0x80: {  	_ =	shalt  }
0x81: {  	_ =	shalt  }
0x82: {  	_ =	shalt  }
0x83: {  	_ =	shalt  }
0x84: {  	_ =	shalt  }
0x85: {  	_ =	shalt  }
0x86: {  	_ =	shalt  }
0x87: {  	_ =	shalt  }
.Lfunc_end0:
.L_simem_size_0:
called_computation.1_lowered:
.L_overlay_start_0:
0x88: {  	s2 =	sld [smem:$0x3FD9]  }
0x89: {  	s3 =	sld [smem:$0x3FFE];
	_ =	sdelay $0x1  }
0x8a: {  	s1 =	srdreg.scid  }
0x8b: {  	s0 =	sand.u32 $0x1, s1  }
0x8c: {  	s16 =	sshll.u32 s0, $0xA;
	s2 =	sadd.s32 s3, s2  }
0x8d: {  	s2 =	sadd.s32 s2, s16  }
0x8e: {  	[smem:$0x3FB6] =	sst s2  }
0x8f: {  	_ = 	snop  }
0x90: {  	(tm) =	ssettm $0x1  }
0x91: {  	s17 =	sld [smem:$0x3FFB];
	_ =	sdelay $0x3  }
0x92: {  	_ =	strace s17  }
0x93: {  	s2 =	sld [smem:$0x3FFC];
	_ =	sdelay $0x3  }
0x94: {  	_ =	strace s2  }
0x95: {  	s2 =	sld [smem:$0x3FFD];
	_ =	sdelay $0x3  }
0x96: {  	_ =	strace s2  }
0x97: {  	_ =	strace $0x8FFFFFFF  }
0x98: {  	s18 =	sld [smem:$0x3FDB];
	_ =	sdelay $0x1  }
0x99: {  	s19 =	simm.s32 $_scs_section_size  }
0x9a: {  	s4 =	simm.s32 $_size__tile_overlayer_lowered;
	s5 =	simm.s32 $_tile_overlayer_lowered  }
0x9b: {  	s22 =	simm.s32 $0x1BFF;
	s21 =	sshll.u32 s5, $0x1;
	s2 =	sadd.s32 s19, s18  }
0x9c: {  	s6 =	simm.s32 $0x0;
	s20 =	sshll.u32 s4, $0x1;
	s4 =	sadd.s32 s21, s2  }
0x9d: {  	[timem:s6], [sflag:s22] =	dma.local [hbm:s4], s20  }
0x9e: {  	_ =	swait.ge [sflag:s22], s20  }
0x9f: {  	s3 =	ssub.s32 $0x0, s20;
	[sflag:s22] =	ssyncset.done $0x0  }
0xa0: {  	[sflag:s22] =	ssyncadd.s32 s3;
	_ =	sdelay $0x1  }
0xa1: {  	s23 =	simm.s32 $0x1B8B  }
0xa2: {  	_ =	swait.ge [sflag:s23], $0x1  }
0xa3: {  	[sflag:s23] =	ssyncset.done $0x0  }
0xa4: {  	s25 =	simm.s32 $0x1B8E;
	s24 =	sld [smem:$0x3FFE];
	[sflag:s23] =	ssyncadd.s32 $0xFFFFFFFF  }
0xa5: {  	s26 =	simm.s32 $execute0_lowered;
	[smem:$0x3FD2] =	sst s25  }
0xa6: {  	s4 =	sshll.u32 s26, $0x1;
	_ =	strace $0x80000049;
	[dreg:$0x1] =	wrdreg $0xFFFFFFFF  }
0xa7: {  	s28 =	simm.s32 $_size_execute0_lowered;
	s2 =	sadd.s32 s2, s4;
	[dreg:$0x0] =	wrdreg $0x0  }
0xa8: {  	s4 =	sshll.u32 s28, $0x1;
	[dreg:$0x2] =	wrdreg s2  }
0xa9: {  	[dreg:$0x3] =	wrdreg s4  }
0xaa: {  	[dreg:$0x4] =	wrdreg $0xC0  }
0xab: {  	_ =	task [dreg:s6], $0x5FFFF  }
0xac: {  	[dreg:$0x1] =	wrdreg $0xFFFFFFFF  }
0xad: {  	[dreg:$0x0] =	wrdreg $0x60  }
0xae: {  	[dreg:$0x2] =	wrdreg s24  }
0xaf: {  	[dreg:$0x3] =	wrdreg $0x9  }
0xb0: {  	_ =	task.clear_ibuf [dreg:s6], $0x4FFFF;
	_ =	strace $0x90000049  }
0xb1: {  	s29 =	simm.s32 $0x9;
	_ =	strace $0x8000004B  }
0xb2: {  	_ =	swait.ge [sflag:s29], $0x1  }
0xb3: {  	[sflag:s29] =	ssyncadd.s32 $0xFFFFFFFF  }
0xb4: {  	_ =	strace $0x9000004B  }
0xb5: {  	_ =	sfence  }
0xb6: {  	s30 =	sld [smem:$0x0];
	_ =	sdelay $0x2  }
0xb7: {  	s31 =	sshll.u32 s1, $0xD;
	s1 =	sshrl.u32 s1, $0x2  }
0xb8: {  	s3 =	sand.u32 $0x4000, s31;
	s1 =	sadd.s32 s1, s30  }
0xb9: {  	s0 =	sor.u32 s3, s0;
	s1 =	sshll.u32 s1, $0x11  }
0xba: {  	s0 =	sor.u32 s1, s0  }
0xbb: {  	s0 =	sadd.s32 $0x8F2B, s0  }
0xbc: {  	[sflag:s0] =	ssyncadd.remote.s32 $0x1  }
0xbd: {  	_ =	sfence.sel $0xFFFF  }
0xbe: {  	[dreg:$0x0] =	wrdreg $0xFFFFFFFF;
	(pc) =	sbr.abs _section_cstart, $3  }
0xbf: {  	[dreg:$0x1] =	wrdreg $0xFFFFFFFF  }
0xc0: {  	_ =	task.clear_ibuf [dreg:s6], $0x2FFFF;
	_ =	strace $0x9FFFFFFF  }
0xc1: {  	(tm) =	ssettm $0x7FFFFFFF  }
tec
execute0_lowered:
.L_overlay_start_1:
0x0: {  	(tag) =	ssettag $0x1  }
0x1: {  	s1 =	srdreg.scid  }
0x2: {  	s0 =	stileid.u32;
	s4 =	rddreg [dreg:$0x0]  }
0x3: {  	s2 =	simm.s32 $0x0;
	s10 =	simm.s32 $0x3;
	s11 =	simm.s32 $0x8000  }
0x4: {  	s12 =	simm.s32 $0x10000;
	s13 =	simm.s32 $0x80;
	s14 =	simm.s32 $0x400  }
0x5: {  	s15 =	simm.s32 $0x10400;
	s16 =	simm.s32 $0x1;
	s17 =	simm.s32 $0x2  }
0x6: {  	s18 =	simm.s32 $0x0;
	s3 =	sand.u32 $0x1, s1;
	s1 =	rddreg [dreg:$0x1]  }
0x7: {  	s5 =	sshll.u32 s0, $0x9;
	[smem:$0x7FF] =	sst s2;
	s6 =	sshll.u32 s3, $0x8  }
0x8: {  	s7 =	ssub.s32 $0x2, s3;
	_ =	strace $0x8000004A;
	s5 =	sor.u32 s6, s5  }
0x9: {  	s3 =	sadd.s32 $0x12A200, s4;
	s8 =	sshrl.u32 s7, $0x1;
	s6 =	sshll.u32 s5, $0x4  }
0xa: {  	s8 =	ssub.s32 s7, s8;
	s9 =	sshll.u32 s5, $0x7;
	s6 =	sadd.s32 s6, s4  }
0xb: {  	s4 =	sadd.s32 $0xEA200, s6;
	s5 =	sadd.s32 $0xA200, s6;
	s6 =	sadd.s32 s3, s9  }
0xc: {  	v0 =	vimm.f32 $0.0e+00;
	s8 =	smax.u32 s8, $0x1;
	s9 =	sor.u32 $0x100, s9;
	s7 =	sadd.s32 $0x10, s6  }
.LBB2_1:
0xd: {  	[tilespmem:s2], [sflag:$0x3] =	stream.linear.gather [hbm4b:s4+s2], $0x8000, $0x38;
	[tilespmem:$0x10800] =	vst v63  }
0xe: {  	_ =	swait.ge [sflag:s10], $0x8000  }
0xf: {  	[sflag:s10] =	ssyncset.done $0x0  }
0x10: {  	[sflag:s10] =	ssyncadd.s32 $0xFFFF8000  }
0x11: {  	[tilespmem:s11], [sflag:$0x3] =	stream.linear.gather [hbm4b:s5+s2], $0x8000, $0x38;
	[tilespmem:$0x10800] =	vst v63  }
0x12: {  	_ =	swait.ge [sflag:s10], $0x8000  }
0x13: {  	[sflag:s10] =	ssyncset.done $0x0  }
0x14: {  	s19 =	simm.s32 $0x40;
	s20 =	simm.s32 $0x0;
	[sflag:s10] =	ssyncadd.s32 $0xFFFF8000  }
.LBB2_2:
0x15: {  	p0 =	sne.s32 s19, $0xFC0;
	[tilespmem:s20+$0x10000] =	vst v0;
	s21 =	smov.u32 s19;
	s19 =	sadd.s32 $0x40, s19  }
.Ltmp0:
0x16: {  	[tilespmem:s20+$0x10400] =	vst v0;
	(pc) =	sbr.rel @p0 .LBB2_2-.Ltmp0, $2  }
0x17: {  	_ =	sdelay $0x2  }
0x18: {  	s20 =	sshra.s32 s21, $0x2  }
0x19: {  	[tilespmem:s20+$0x10000] =	vst v0  }
0x1a: {  	[tilespmem:s20+$0x10400] =	vst v0  }
0x1b: {  	v1 =	vld [tilespmem:$0x8000];
	_ =	sdelay $0x2  }
0x1c: {  	v2 =	vld [tilespmem:$0x0];
	_ =	sdelay $0x4  }
0x1d: {  	[tilespmem:v1+s12+$0x0] =	vst.idx.msk $0xffff, v2  }
0x1e: {  	[hbm4b:s6+s13] =	stream.strided.scatter [tilespmem:s12], [sflag:$0x1], $0x400, s14, s13, $0x38;
	[tilespmem:$0x10800] =	vst v63  }
0x1f: {  	v1 =	vld [tilespmem:$0x8080];
	_ =	sdelay $0x2  }
0x20: {  	v2 =	vld [tilespmem:$0x80];
	_ =	sdelay $0x3  }
0x21: {  	s19 =	simm.s32 $0x30  }
0x22: {  	s20 =	simm.s32 $0x180;
	s21 =	simm.s32 $0x8100;
	s22 =	smov.u32 s9;
	[tilespmem:v1+s15+$0x0] =	vst.idx.msk $0xffff, v2  }
0x23: {  	[hbm4b:s7+s13] =	stream.strided.scatter [tilespmem:s15], [sflag:$0x2], $0x400, s14, s13, $0x38;
	[tilespmem:$0x10800] =	vst v63  }
.LBB2_4:
0x24: {  	_ =	swait.ge [sflag:s16], $0x400  }
0x25: {  	[sflag:s16] =	ssyncset.done $0x0  }
0x26: {  	[sflag:s16] =	ssyncadd.s32 $0xFFFFFC00  }
0x27: {  	v1 =	vld [tilespmem:s21+$0xFFFFFF00];
	_ =	sdelay $0x7  }
0x28: {  	[tilespmem:v1+s12+$0x0] =	vst.idx.msk $0xffff, v0  }
0x29: {  	v1 =	vld [tilespmem:s21+$0x0];
	_ =	sdelay $0x2  }
0x2a: {  	v2 =	vld [tilespmem:s20+$0xFFFFFF80];
	_ =	sdelay $0x1  }
0x2b: {  	s23 =	sadd.s32 $0xFFFFFFF0, s19  }
0x2c: {  	s23 =	sand.u32 $0x60, s23  }
0x2d: {  	s24 =	sand.u32 $0xFFC00, s22;
	s23 =	sadd.s32 s3, s23  }
0x2e: {  	s23 =	sadd.s32 s24, s23;
	[tilespmem:v1+s12+$0x0] =	vst.idx.msk $0xffff, v2  }
0x2f: {  	[hbm4b:s23+s13] =	stream.strided.scatter [tilespmem:s12], [sflag:$0x1], $0x400, s14, s13, $0x38;
	[tilespmem:$0x10800] =	vst v63  }
0x30: {  	_ =	swait.ge [sflag:s17], $0x400  }
0x31: {  	[sflag:s17] =	ssyncset.done $0x0  }
0x32: {  	[sflag:s17] =	ssyncadd.s32 $0xFFFFFC00  }
0x33: {  	v1 =	vld [tilespmem:s21+$0xFFFFFF80];
	_ =	sdelay $0x7  }
0x34: {  	[tilespmem:v1+s15+$0x0] =	vst.idx.msk $0xffff, v0  }
0x35: {  	v1 =	vld [tilespmem:s21+$0x80];
	_ =	sdelay $0x2  }
0x36: {  	v2 =	vld [tilespmem:s20+$0x0]  }
0x37: {  	p0 =	sne.s32 s19, $0xFF0  }
.Ltmp1:
0x38: {  	_ = 	snop;
	(pc) =	sbr.rel @p0 .LBB2_4-.Ltmp1, $4  }
0x39: {  	s31 =	sand.u32 $0x70, s19  }
0x3a: {  	s22 =	sadd.s32 $0x100, s22;
	s19 =	sadd.s32 $0x20, s19;
	s23 =	sadd.s32 s3, s31  }
0x3b: {  	s23 =	sadd.s32 s24, s23;
	s20 =	sadd.s32 $0x100, s20;
	s21 =	sadd.s32 $0x100, s21;
	[tilespmem:v1+s15+$0x0] =	vst.idx.msk $0xffff, v2  }
0x3c: {  	[hbm4b:s23+s13] =	stream.strided.scatter [tilespmem:s15], [sflag:$0x2], $0x400, s14, s13, $0x38;
	[tilespmem:$0x10800] =	vst v63  }
0x3d: {  	s18 =	sadd.s32 $0x1, s18  }
0x3e: {  	_ =	swait.ge [sflag:s16], $0x400;
	p0 =	sne.s32 s18, s8  }
.Ltmp2:
0x3f: {  	[sflag:s16] =	ssyncset.done $0x0;
	(pc) =	sbr.rel @p0 .LBB2_1-.Ltmp2, $4  }
0x40: {  	[sflag:s16] =	ssyncadd.s32 $0xFFFFFC00  }
0x41: {  	_ =	swait.ge [sflag:s17], $0x400  }
0x42: {  	[sflag:s17] =	ssyncset.done $0x0  }
0x43: {  	[sflag:s17] =	ssyncadd.s32 $0xFFFFFC00  }
0x44: {  	_ =	sfence.sel $0x180000  }
0x45: {  	[bflag:$0x0] =	sbarrier.arrive $0xFFFF  }
0x46: {  	p0 =	sne.s32 s0, $0x0;
	_ =	strace $0x9000004A  }
0x47: {  	s0 =	sadd.s32 @!p0 $0x100000, s1;
	[bflag:$0x2] =	sbarrier.arrive $0xFFFF  }
0x48: {  	[sflag:s0] =	ssyncadd.tile.s32 @!p0 $0x1;
	_ =	shalt  }
.Lfunc_end2:
_tile_overlayer_lowered:
.L_overlay_start_2:
0x49: {  	(tag) =	ssettag $0x2  }
0x4a: {  	s0 =	rddreg [dreg:$0x0];
	s2 =	stileid.u32  }
0x4b: {  	s1 =	rddreg [dreg:$0x1];
	p0 =	sne.s32 s2, $0x0  }
0x4c: {  	s3 =	rddreg [dreg:$0x2];
	[bflag:$0x3] =	sbarrier.arrive $0xFFFF;
	s2 =	simm.s32 @!p0 $0x1C03  }
0x4d: {  	[timem:s3], [sflag:s2] =	dma.local @!p0 [hbm:s0], s1  }
0x4e: {  	s0 =	simm.s32 @!p0 $0x3  }
0x4f: {  	_ =	swait.ge @!p0 [sflag:s0], s1  }
0x50: {  	s1 =	ssub.s32 @!p0 $0x0, s1;
	[sflag:s0] =	ssyncset.done @!p0 $0x0  }
0x51: {  	[sflag:s0] =	ssyncadd.s32 @!p0 s1  }
0x52: {  	[bflag:$0x3] =	sbarrier.arrive $0xFFFF  }
0x53: {  	_ =	shalt  }

// kernel: kernel.22.cloned.1.call-start
scs
__scs_entry_jumppad:
0x0: {  	(pc) =	sbr.rel $0x88, $3  }
0x1: {  	(tag) =	ssettag $0x0;
	lr =	simm.s32 $0x1  }
0x2: {  	[smem:$0x3F8F] =	sst lr;
	_ =	strace $0xD0000000  }
0x3: {  	_ = 	snop  }
0x4: {  	_ = 	snop  }
0x5: {  	_ = 	snop  }
0x6: {  	_ = 	snop  }
0x7: {  	_ = 	snop  }
__scs_overlays_trampoline_lowered:
0x8: {  	[smem:$0x3F9E] =	sst s0  }
0x9: {  	[smem:$0x3F9F] =	sst s1  }
0xa: {  	[smem:$0x3FA0] =	sst s2  }
0xb: {  	[smem:$0x3FA1] =	sst s3  }
0xc: {  	[smem:$0x3FA2] =	sst s4  }
0xd: {  	[smem:$0x3FA3] =	sst s5  }
0xe: {  	[smem:$0x3FA4] =	sst s6  }
0xf: {  	[smem:$0x3FA5] =	sst s7  }
0x10: {  	[smem:$0x3FA6] =	sst s8  }
0x11: {  	[smem:$0x3FA7] =	sst s9;
	s0 =	simm.s32 @!p0 $0x0  }
0x12: {  	s1 =	sld [smem:$0x3F8D];
	s0 =	simm.s32 @p0 $0x1  }
0x13: {  	[smem:$0x3FA8] =	sst s0;
	s0 =	simm.s32 @!p1 $0x0  }
0x14: {  	s2 =	sld [smem:$0x3F8C];
	s0 =	simm.s32 @p1 $0x1  }
0x15: {  	[smem:$0x3FA9] =	sst s0;
	s0 =	simm.s32 @!p2 $0x0  }
0x16: {  	s3 =	sld [smem:$0x3FDB];
	s0 =	simm.s32 @p2 $0x1  }
0x17: {  	s4 =	simm.s32 $0x1BF5;
	[smem:$0x3FAB] =	sst s0  }
0x18: {  	s0 =	sld [smem:$0x3F8E];
	_ =	swait.ge [sflag:s4], $0x0  }
0x19: {  	s7 =	sld [smem:$0x3F8F]  }
0x1a: {  	s8 =	sadd.s32 $0xFFFFE003, lr  }
0x1b: {  	s9 =	sadd.s32 $0xFFFFFEF7, lr;
	s5 =	simm.s32 $0xFFFFFFFF;
	p2 =	slt.u32 s8, $0xFFFFF086  }
0x1c: {  	p1 =	slt.u32 s9, $0xF7A;
	s5 =	simm.s32 @!p2 $0x0  }
0x1d: {  	s5 =	simm.s32 @p1 $0x1;
	p0 =	seq.s32 s7, s2  }
0x1e: {  	s7 =	smul.u32 @!p0 $0xF7A, s2;
	p2 =	seq.s32 @!p0 s5, $0x0  }
0x1f: {  	s9 =	smul.u32 $0xF7A, s1;
	s8 =	simm.s32 @!p0 $0x1BF5;
	p2 =	por !p2, p0  }
0x20: {  	[sflag:s8] =	ssyncset.s32 @!p0 $0xFFFFF086;
	s6 =	sadd.s32 @!p0 s3, s7;
	s7 =	simm.s32 @!p0 $0x108  }
0x21: {  	s3 =	sadd.s32 s3, s9;
	s6 =	sadd.s32 @!p0 $0x88, s6;
	s7 =	simm.s32 @p2 $0x1082  }
0x22: {  	[simem:s7], [sflag:s8] =	dma.local @!p0 [hbm:s6], $0xF7A  }
0x23: {  	s9 =	sor.u32 $0xD0000000, s2;
	s6 =	simm.s32 $0x108;
	_ =	swait.ge @!p0 [sflag:s8], $0x0  }
0x24: {  	s3 =	sadd.s32 $0x88, s3;
	s6 =	simm.s32 @!p1 $0x1082;
	[sflag:s4] =	ssyncset.s32 $0xFFFFF086  }
0x25: {  	[simem:s6], [sflag:s4] =	dma.local [hbm:s3], $0xF7A  }
0x26: {  	[smem:$0x3F8F] =	sst s1;
	(tag) =	ssettag s2;
	_ =	strace s9  }
0x27: {  	s1 =	sld [smem:$0x3F9F]  }
0x28: {  	s2 =	sld [smem:$0x3FA0]  }
0x29: {  	s4 =	sld [smem:$0x3FA2]  }
0x2a: {  	p0 =	seq.s32 s5, $0x0;
	s5 =	sld [smem:$0x3FA3]  }
0x2b: {  	s6 =	sld [smem:$0x3FA4]  }
0x2c: {  	s7 =	sld [smem:$0x3FA5]  }
0x2d: {  	s3 =	simm.s32 $0x108;
	s8 =	sld [smem:$0x3FA6]  }
0x2e: {  	s3 =	simm.s32 @!p0 $0x1082;
	s9 =	sld [smem:$0x3FA7]  }
0x2f: {  	lr =	sadd.s32 s0, s3;
	s0 =	sld [smem:$0x3F9E]  }
0x30: {  	s3 =	sld [smem:$0x3FA1]  }
0x31: {  	[smem:$0x3FAA] =	sst s10  }
0x32: {  	s10 =	sld [smem:$0x3FA8];
	_ =	sdelay $0x3  }
0x33: {  	p0 =	seq.s32 s10, $0x1;
	s10 =	sld [smem:$0x3FAA];
	_ =	sdelay $0x3  }
0x34: {  	[smem:$0x3FAA] =	sst s10  }
0x35: {  	s10 =	sld [smem:$0x3FA9];
	_ =	sdelay $0x3  }
0x36: {  	p1 =	seq.s32 s10, $0x1;
	s10 =	sld [smem:$0x3FAA];
	_ =	sdelay $0x3  }
0x37: {  	[smem:$0x3FAA] =	sst s10  }
0x38: {  	s10 =	sld [smem:$0x3FAB]  }
0x39: {  	_ = 	snop;
	(pc) =	sbr.ind lr, $3  }
0x3a: {  	_ = 	snop  }
0x3b: {  	_ = 	snop  }
0x3c: {  	p2 =	seq.s32 s10, $0x1;
	s10 =	sld [smem:$0x3FAA]  }
0x3d: {  	_ =	shalt  }
0x3e: {  	_ =	shalt  }
0x3f: {  	_ =	shalt  }
0x40: {  	_ =	shalt  }
0x41: {  	_ =	shalt  }
0x42: {  	_ =	shalt  }
0x43: {  	_ =	shalt  }
0x44: {  	_ =	shalt  }
0x45: {  	_ =	shalt  }
0x46: {  	_ =	shalt  }
0x47: {  	_ =	shalt  }
0x48: {  	_ =	shalt  }
0x49: {  	_ =	shalt  }
0x4a: {  	_ =	shalt  }
0x4b: {  	_ =	shalt  }
0x4c: {  	_ =	shalt  }
0x4d: {  	_ =	shalt  }
0x4e: {  	_ =	shalt  }
0x4f: {  	_ =	shalt  }
0x50: {  	_ =	shalt  }
0x51: {  	_ =	shalt  }
0x52: {  	_ =	shalt  }
0x53: {  	_ =	shalt  }
0x54: {  	_ =	shalt  }
0x55: {  	_ =	shalt  }
0x56: {  	_ =	shalt  }
0x57: {  	_ =	shalt  }
0x58: {  	_ =	shalt  }
0x59: {  	_ =	shalt  }
0x5a: {  	_ =	shalt  }
0x5b: {  	_ =	shalt  }
0x5c: {  	_ =	shalt  }
0x5d: {  	_ =	shalt  }
0x5e: {  	_ =	shalt  }
0x5f: {  	_ =	shalt  }
0x60: {  	_ =	shalt  }
0x61: {  	_ =	shalt  }
0x62: {  	_ =	shalt  }
0x63: {  	_ =	shalt  }
0x64: {  	_ =	shalt  }
0x65: {  	_ =	shalt  }
0x66: {  	_ =	shalt  }
0x67: {  	_ =	shalt  }
0x68: {  	_ =	shalt  }
0x69: {  	_ =	shalt  }
0x6a: {  	_ =	shalt  }
0x6b: {  	_ =	shalt  }
0x6c: {  	_ =	shalt  }
0x6d: {  	_ =	shalt  }
0x6e: {  	_ =	shalt  }
0x6f: {  	_ =	shalt  }
0x70: {  	_ =	shalt  }
0x71: {  	_ =	shalt  }
0x72: {  	_ =	shalt  }
0x73: {  	_ =	shalt  }
0x74: {  	_ =	shalt  }
0x75: {  	_ =	shalt  }
0x76: {  	_ =	shalt  }
0x77: {  	_ =	shalt  }
0x78: {  	_ =	shalt  }
0x79: {  	_ =	shalt  }
0x7a: {  	_ =	shalt  }
0x7b: {  	_ =	shalt  }
0x7c: {  	_ =	shalt  }
0x7d: {  	_ =	shalt  }
0x7e: {  	_ =	shalt  }
0x7f: {  	_ =	shalt  }
0x80: {  	_ =	shalt  }
0x81: {  	_ =	shalt  }
0x82: {  	_ =	shalt  }
0x83: {  	_ =	shalt  }
0x84: {  	_ =	shalt  }
0x85: {  	_ =	shalt  }
0x86: {  	_ =	shalt  }
0x87: {  	_ =	shalt  }
.Lfunc_end0:
.L_simem_size_0:
called_computation.2_lowered:
.L_overlay_start_0:
0x88: {  	s2 =	sld [smem:$0x3FD9]  }
0x89: {  	s3 =	sld [smem:$0x3FFE];
	_ =	sdelay $0x1  }
0x8a: {  	s1 =	srdreg.scid  }
0x8b: {  	s0 =	sand.u32 $0x1, s1  }
0x8c: {  	s17 =	sshll.u32 s0, $0xA;
	s2 =	sadd.s32 s3, s2  }
0x8d: {  	s2 =	sadd.s32 s2, s17  }
0x8e: {  	[smem:$0x3FB6] =	sst s2  }
0x8f: {  	_ = 	snop  }
0x90: {  	s2 =	sld [smem:$0x3FD0];
	(tm) =	ssettm $0x1  }
0x91: {  	s18 =	sld [smem:$0x3FFB];
	_ =	sdelay $0x3  }
0x92: {  	_ =	strace s18  }
0x93: {  	s3 =	sld [smem:$0x3FFC];
	_ =	sdelay $0x3  }
0x94: {  	_ =	strace s3  }
0x95: {  	s3 =	sld [smem:$0x3FFD];
	_ =	sdelay $0x3  }
0x96: {  	_ =	strace s3  }
0x97: {  	_ =	strace $0x8FFFFFFF  }
0x98: {  	s19 =	sld [smem:$0x3FDB];
	_ =	sdelay $0x1  }
0x99: {  	s4 =	simm.s32 $_scs_section_size  }
0x9a: {  	s5 =	simm.s32 $_size__tile_overlayer_lowered;
	s6 =	simm.s32 $_tile_overlayer_lowered  }
0x9b: {  	s22 =	simm.s32 $0x1BFF;
	s21 =	sshll.u32 s6, $0x1;
	s3 =	sadd.s32 s4, s19  }
0x9c: {  	s7 =	simm.s32 $0x0;
	s20 =	sshll.u32 s5, $0x1;
	s5 =	sadd.s32 s21, s3  }
0x9d: {  	[timem:s7], [sflag:s22] =	dma.local [hbm:s5], s20  }
0x9e: {  	_ =	swait.ge [sflag:s22], s20  }
0x9f: {  	s4 =	ssub.s32 $0x0, s20;
	[sflag:s22] =	ssyncset.done $0x0  }
0xa0: {  	[sflag:s22] =	ssyncadd.s32 s4;
	_ =	sdelay $0x1  }
0xa1: {  	s23 =	simm.s32 $0x1B8B  }
0xa2: {  	_ =	swait.ge [sflag:s23], $0x1  }
0xa3: {  	[sflag:s23] =	ssyncset.done $0x0  }
0xa4: {  	s25 =	simm.s32 $0x1B8E;
	s24 =	sld [smem:$0x3FFE];
	[sflag:s23] =	ssyncadd.s32 $0xFFFFFFFF  }
0xa5: {  	s26 =	simm.s32 $execute0_lowered;
	[smem:$0x3FD2] =	sst s25  }
0xa6: {  	s5 =	sshll.u32 s26, $0x1;
	_ =	strace $0x8000004C;
	[dreg:$0x1] =	wrdreg $0xFFFFFFFF  }
0xa7: {  	s28 =	simm.s32 $_size_execute0_lowered;
	s3 =	sadd.s32 s3, s5;
	[dreg:$0x0] =	wrdreg $0x0  }
0xa8: {  	s5 =	sshll.u32 s28, $0x1;
	[dreg:$0x2] =	wrdreg s3  }
0xa9: {  	[dreg:$0x3] =	wrdreg s5  }
0xaa: {  	[dreg:$0x4] =	wrdreg $0xC0  }
0xab: {  	_ =	task [dreg:s7], $0x5FFFF  }
0xac: {  	[dreg:$0x1] =	wrdreg $0xFFFFFFFF  }
0xad: {  	[dreg:$0x0] =	wrdreg $0x60  }
0xae: {  	[dreg:$0x2] =	wrdreg s24  }
0xaf: {  	[dreg:$0x3] =	wrdreg s2  }
0xb0: {  	[dreg:$0x4] =	wrdreg $0x9  }
0xb1: {  	_ =	task.clear_ibuf [dreg:s7], $0x5FFFF;
	_ =	strace $0x9000004C  }
0xb2: {  	s29 =	simm.s32 $0x9;
	_ =	strace $0x8000004E  }
0xb3: {  	_ =	swait.ge [sflag:s29], $0x1  }
0xb4: {  	[sflag:s29] =	ssyncadd.s32 $0xFFFFFFFF  }
0xb5: {  	_ =	strace $0x9000004E  }
0xb6: {  	_ =	sfence  }
0xb7: {  	s30 =	sld [smem:$0x0];
	_ =	sdelay $0x2  }
0xb8: {  	s31 =	sshll.u32 s1, $0xD;
	s1 =	sshrl.u32 s1, $0x2  }
0xb9: {  	s3 =	sand.u32 $0x4000, s31;
	s1 =	sadd.s32 s1, s30  }
0xba: {  	s0 =	sor.u32 s3, s0;
	s1 =	sshll.u32 s1, $0x11  }
0xbb: {  	s0 =	sor.u32 s1, s0  }
0xbc: {  	s0 =	sadd.s32 $0x8F2B, s0  }
0xbd: {  	[sflag:s0] =	ssyncadd.remote.s32 $0x1  }
0xbe: {  	_ =	sfence.sel $0xFFFF  }
0xbf: {  	[dreg:$0x0] =	wrdreg $0xFFFFFFFF;
	(pc) =	sbr.abs _section_cstart, $3  }
0xc0: {  	[dreg:$0x1] =	wrdreg $0xFFFFFFFF  }
0xc1: {  	_ =	task.clear_ibuf [dreg:s7], $0x2FFFF;
	_ =	strace $0x9FFFFFFF  }
0xc2: {  	(tm) =	ssettm $0x7FFFFFFF  }
0xc3: {  	_ =	shalt  }
tec
execute0_lowered:
.L_overlay_start_1:
0x0: {  	(tag) =	ssettag $0x1  }
0x1: {  	s4 =	rddreg [dreg:$0x0]  }
0x2: {  	s5 =	rddreg [dreg:$0x1]  }
0x3: {  	s0 =	rddreg [dreg:$0x2];
	s2 =	simm.s32 $0x0;
	s3 =	srdreg.scid  }
0x4: {  	s1 =	stileid.u32;
	s11 =	simm.s32 $0x1000;
	s12 =	simm.s32 $0x5000  }
0x5: {  	s13 =	simm.s32 $0x1;
	s14 =	simm.s32 $0x2;
	s15 =	simm.s32 $0x0  }
0x6: {  	[smem:$0x7FF] =	sst s2;
	s7 =	sand.u32 $0x1, s3;
	s6 =	sshll.u32 s1, $0xD  }
0x7: {  	s3 =	sadd.s32 $0xEA200, s4;
	s25 =	sadd.s32 $0x12A200, s4;
	s30 =	sshll.u32 s1, $0x11  }
0x8: {  	_ =	strace $0x8000004D;
	s8 =	sshll.u32 s7, $0xC;
	s9 =	ssub.s32 $0x2, s7  }
0x9: {  	s31 =	sshll.u32 s7, $0x10;
	s6 =	sor.u32 s8, s6;
	s26 =	sshrl.u32 s9, $0x1  }
0xa: {  	s8 =	sadd.s32 s30, s25;
	s10 =	sshll.u32 s6, $0x4;
	s9 =	ssub.s32 s9, s26  }
0xb: {  	s28 =	sshrl.u32 s6, $0x3;
	s8 =	sadd.s32 s31, s8;
	s29 =	sadd.s32 s10, s25  }
0xc: {  	s4 =	sadd.s32 s5, s28;
	s7 =	smax.u32 s9, $0x1;
	s9 =	simm.s32 $0x3  }
0xd: {  	s10 =	simm.s32 $0x80;
	s5 =	sadd.s32 $0xF000, s29;
	s6 =	sadd.s32 $0xF800, s29  }
.LBB2_1:
0xe: {  	[tilespmem:s2], [sflag:$0x3] =	stream.linear.gather [hbm4b:s4+s2], $0x1000, $0x38;
	[tilespmem:$0x9000] =	vst v63  }
0xf: {  	_ =	swait.ge [sflag:s9], $0x1000  }
0x10: {  	[sflag:s9] =	ssyncset.done $0x0  }
0x11: {  	[sflag:s9] =	ssyncadd.s32 $0xFFFFF000  }
0x12: {  	[tilespmem:s11], [sflag:$0x1] =	stream.indirect.gather [hbm4b:s3+s10], $0x80, s2, s10, $0xb8;
	[tilespmem:$0x9000] =	vst v63  }
0x13: {  	_ = 	snop  }
0x14: {  	[tilespmem:s12], [sflag:$0x2] =	stream.indirect.gather [hbm4b:s3+s10], $0x80, s10, s10, $0xb8;
	[tilespmem:$0x9000] =	vst v63  }
0x15: {  	_ =	swait.ge [sflag:s13], $0x4000  }
0x16: {  	[sflag:s13] =	ssyncset.done $0x0  }
0x17: {  	s16 =	sadd.s32 $0x0, s8;
	[sflag:s13] =	ssyncadd.s32 $0xFFFFC000  }
0x18: {  	[hbm4b:s16+s2] =	stream.linear.scatter [tilespmem:s11], [sflag:$0x3], $0x4000, $0x38;
	[tilespmem:$0x9000] =	vst v63  }
0x19: {  	_ =	swait.ge [sflag:s9], $0x4000  }
0x1a: {  	[sflag:s9] =	ssyncset.done $0x0  }
0x1b: {  	s17 =	simm.s32 $0x100;
	[sflag:s9] =	ssyncadd.s32 $0xFFFFC000  }
0x1c: {  	[tilespmem:s11], [sflag:$0x1] =	stream.indirect.gather [hbm4b:s3+s10], $0x80, s17, s10, $0xb8;
	[tilespmem:$0x9000] =	vst v63  }
0x1d: {  	_ =	swait.ge [sflag:s14], $0x4000  }
0x1e: {  	[sflag:s14] =	ssyncset.done $0x0  }
0x1f: {  	s16 =	sadd.s32 $0x800, s16;
	[sflag:s14] =	ssyncadd.s32 $0xFFFFC000  }
0x20: {  	[hbm4b:s16+s2] =	stream.linear.scatter [tilespmem:s12], [sflag:$0x3], $0x4000, $0x38;
	[tilespmem:$0x9000] =	vst v63  }
0x21: {  	_ =	swait.ge [sflag:s9], $0x4000  }
0x22: {  	s18 =	simm.s32 $0x280;
	[sflag:s9] =	ssyncset.done $0x0  }
0x23: {  	s17 =	simm.s32 $0x1000;
	s16 =	simm.s32 $0x180;
	[sflag:s9] =	ssyncadd.s32 $0xFFFFC000  }
.LBB2_2:
0x24: {  	[tilespmem:s12], [sflag:$0x2] =	stream.indirect.gather [hbm4b:s3+s10], $0x80, s16, s10, $0xb8;
	[tilespmem:$0x9000] =	vst v63  }
0x25: {  	s19 =	smov.u32 s17;
	s16 =	smov.u32 s18  }
0x26: {  	p0 =	sne.s32 s17, $0xE000;
	s17 =	sadd.s32 $0x1000, s17;
	_ =	swait.ge [sflag:s13], $0x4000  }
0x27: {  	[sflag:s13] =	ssyncset.done $0x0  }
0x28: {  	s19 =	sadd.s32 s19, s8;
	[sflag:s13] =	ssyncadd.s32 $0xFFFFC000  }
0x29: {  	[hbm4b:s19+s2] =	stream.linear.scatter [tilespmem:s11], [sflag:$0x3], $0x4000, $0x38;
	[tilespmem:$0x9000] =	vst v63  }
0x2a: {  	_ =	swait.ge [sflag:s9], $0x4000  }
0x2b: {  	[sflag:s9] =	ssyncset.done $0x0  }
0x2c: {  	s20 =	sadd.s32 $0xFFFFFF80, s18;
	[sflag:s9] =	ssyncadd.s32 $0xFFFFC000  }
0x2d: {  	[tilespmem:s11], [sflag:$0x1] =	stream.indirect.gather [hbm4b:s3+s10], $0x80, s20, s10, $0xb8;
	[tilespmem:$0x9000] =	vst v63  }
0x2e: {  	_ =	swait.ge [sflag:s14], $0x4000  }
0x2f: {  	[sflag:s14] =	ssyncset.done $0x0  }
.Ltmp0:
0x30: {  	s19 =	sadd.s32 $0x800, s19;
	[sflag:s14] =	ssyncadd.s32 $0xFFFFC000;
	(pc) =	sbr.rel @p0 .LBB2_2-.Ltmp0, $4  }
0x31: {  	[hbm4b:s19+s2] =	stream.linear.scatter [tilespmem:s12], [sflag:$0x3], $0x4000, $0x38;
	[tilespmem:$0x9000] =	vst v63  }
0x32: {  	_ =	swait.ge [sflag:s9], $0x4000  }
0x33: {  	[sflag:s9] =	ssyncset.done $0x0  }
0x34: {  	s18 =	sadd.s32 $0x100, s18;
	[sflag:s9] =	ssyncadd.s32 $0xFFFFC000  }
0x35: {  	[tilespmem:s12], [sflag:$0x2] =	stream.indirect.gather [hbm4b:s3+s10], $0x80, s16, s10, $0xb8;
	[tilespmem:$0x9000] =	vst v63  }
0x36: {  	_ =	swait.ge [sflag:s13], $0x4000  }
0x37: {  	[sflag:s13] =	ssyncset.done $0x0  }
0x38: {  	[sflag:s13] =	ssyncadd.s32 $0xFFFFC000  }
0x39: {  	[hbm4b:s5+s2] =	stream.linear.scatter [tilespmem:s11], [sflag:$0x3], $0x4000, $0x38;
	[tilespmem:$0x9000] =	vst v63  }
0x3a: {  	_ =	swait.ge [sflag:s9], $0x4000  }
0x3b: {  	[sflag:s9] =	ssyncset.done $0x0  }
0x3c: {  	[sflag:s9] =	ssyncadd.s32 $0xFFFFC000  }
0x3d: {  	s15 =	sadd.s32 $0x1, s15;
	_ =	swait.ge [sflag:s14], $0x4000  }
0x3e: {  	p0 =	sne.s32 s15, s7;
	[sflag:s14] =	ssyncset.done $0x0  }
.Ltmp1:
0x3f: {  	[sflag:s14] =	ssyncadd.s32 $0xFFFFC000;
	(pc) =	sbr.rel @p0 .LBB2_1-.Ltmp1, $4  }
0x40: {  	[hbm4b:s6+s2] =	stream.linear.scatter [tilespmem:s12], [sflag:$0x3], $0x4000, $0x38;
	[tilespmem:$0x9000] =	vst v63  }
0x41: {  	_ =	swait.ge [sflag:s9], $0x4000  }
0x42: {  	[sflag:s9] =	ssyncset.done $0x0  }
0x43: {  	[sflag:s9] =	ssyncadd.s32 $0xFFFFC000  }
0x44: {  	_ =	sfence.sel $0x180000  }
0x45: {  	[bflag:$0x0] =	sbarrier.arrive $0xFFFF  }
0x46: {  	p0 =	sne.s32 s1, $0x0;
	_ =	strace $0x9000004D  }
0x47: {  	s0 =	sadd.s32 @!p0 $0x100000, s0;
	[bflag:$0x2] =	sbarrier.arrive $0xFFFF  }
0x48: {  	[sflag:s0] =	ssyncadd.tile.s32 @!p0 $0x1;
	_ =	shalt  }
.Lfunc_end2:
_tile_overlayer_lowered:
.L_overlay_start_2:
0x49: {  	(tag) =	ssettag $0x2  }
0x4a: {  	s0 =	rddreg [dreg:$0x0];
	s2 =	stileid.u32  }
0x4b: {  	s1 =	rddreg [dreg:$0x1];
	p0 =	sne.s32 s2, $0x0  }
0x4c: {  	s3 =	rddreg [dreg:$0x2];
	[bflag:$0x3] =	sbarrier.arrive $0xFFFF;
	s2 =	simm.s32 @!p0 $0x1C03  }
0x4d: {  	[timem:s3], [sflag:s2] =	dma.local @!p0 [hbm:s0], s1  }
0x4e: {  	s0 =	simm.s32 @!p0 $0x3  }
0x4f: {  	_ =	swait.ge @!p0 [sflag:s0], s1  }
0x50: {  	s1 =	ssub.s32 @!p0 $0x0, s1;
	[sflag:s0] =	ssyncset.done @!p0 $0x0  }
0x51: {  	[sflag:s0] =	ssyncadd.s32 @!p0 s1  }
0x52: {  	[bflag:$0x3] =	sbarrier.arrive $0xFFFF  }
0x53: {  	_ =	shalt  }

// kernel: kernel.25.cloned.1.call-start
scs
__scs_entry_jumppad:
0x0: {  	(pc) =	sbr.rel $0x88, $3  }
0x1: {  	(tag) =	ssettag $0x0;
	lr =	simm.s32 $0x1  }
0x2: {  	[smem:$0x3F8F] =	sst lr;
	_ =	strace $0xD0000000  }
0x3: {  	_ = 	snop  }
0x4: {  	_ = 	snop  }
0x5: {  	_ = 	snop  }
0x6: {  	_ = 	snop  }
0x7: {  	_ = 	snop  }
__scs_overlays_trampoline_lowered:
0x8: {  	[smem:$0x3F9E] =	sst s0  }
0x9: {  	[smem:$0x3F9F] =	sst s1  }
0xa: {  	[smem:$0x3FA0] =	sst s2  }
0xb: {  	[smem:$0x3FA1] =	sst s3  }
0xc: {  	[smem:$0x3FA2] =	sst s4  }
0xd: {  	[smem:$0x3FA3] =	sst s5  }
0xe: {  	[smem:$0x3FA4] =	sst s6  }
0xf: {  	[smem:$0x3FA5] =	sst s7  }
0x10: {  	[smem:$0x3FA6] =	sst s8  }
0x11: {  	[smem:$0x3FA7] =	sst s9;
	s0 =	simm.s32 @!p0 $0x0  }
0x12: {  	s1 =	sld [smem:$0x3F8D];
	s0 =	simm.s32 @p0 $0x1  }
0x13: {  	[smem:$0x3FA8] =	sst s0;
	s0 =	simm.s32 @!p1 $0x0  }
0x14: {  	s2 =	sld [smem:$0x3F8C];
	s0 =	simm.s32 @p1 $0x1  }
0x15: {  	[smem:$0x3FA9] =	sst s0;
	s0 =	simm.s32 @!p2 $0x0  }
0x16: {  	s3 =	sld [smem:$0x3FDB];
	s0 =	simm.s32 @p2 $0x1  }
0x17: {  	s4 =	simm.s32 $0x1BF5;
	[smem:$0x3FAB] =	sst s0  }
0x18: {  	s0 =	sld [smem:$0x3F8E];
	_ =	swait.ge [sflag:s4], $0x0  }
0x19: {  	s7 =	sld [smem:$0x3F8F]  }
0x1a: {  	s8 =	sadd.s32 $0xFFFFE003, lr  }
0x1b: {  	s9 =	sadd.s32 $0xFFFFFEF7, lr;
	s5 =	simm.s32 $0xFFFFFFFF;
	p2 =	slt.u32 s8, $0xFFFFF086  }
0x1c: {  	p1 =	slt.u32 s9, $0xF7A;
	s5 =	simm.s32 @!p2 $0x0  }
0x1d: {  	s5 =	simm.s32 @p1 $0x1;
	p0 =	seq.s32 s7, s2  }
0x1e: {  	s7 =	smul.u32 @!p0 $0xF7A, s2;
	p2 =	seq.s32 @!p0 s5, $0x0  }
0x1f: {  	s9 =	smul.u32 $0xF7A, s1;
	s8 =	simm.s32 @!p0 $0x1BF5;
	p2 =	por !p2, p0  }
0x20: {  	[sflag:s8] =	ssyncset.s32 @!p0 $0xFFFFF086;
	s6 =	sadd.s32 @!p0 s3, s7;
	s7 =	simm.s32 @!p0 $0x108  }
0x21: {  	s3 =	sadd.s32 s3, s9;
	s6 =	sadd.s32 @!p0 $0x88, s6;
	s7 =	simm.s32 @p2 $0x1082  }
0x22: {  	[simem:s7], [sflag:s8] =	dma.local @!p0 [hbm:s6], $0xF7A  }
0x23: {  	s9 =	sor.u32 $0xD0000000, s2;
	s6 =	simm.s32 $0x108;
	_ =	swait.ge @!p0 [sflag:s8], $0x0  }
0x24: {  	s3 =	sadd.s32 $0x88, s3;
	s6 =	simm.s32 @!p1 $0x1082;
	[sflag:s4] =	ssyncset.s32 $0xFFFFF086  }
0x25: {  	[simem:s6], [sflag:s4] =	dma.local [hbm:s3], $0xF7A  }
0x26: {  	[smem:$0x3F8F] =	sst s1;
	(tag) =	ssettag s2;
	_ =	strace s9  }
0x27: {  	s1 =	sld [smem:$0x3F9F]  }
0x28: {  	s2 =	sld [smem:$0x3FA0]  }
0x29: {  	s4 =	sld [smem:$0x3FA2]  }
0x2a: {  	p0 =	seq.s32 s5, $0x0;
	s5 =	sld [smem:$0x3FA3]  }
0x2b: {  	s6 =	sld [smem:$0x3FA4]  }
0x2c: {  	s7 =	sld [smem:$0x3FA5]  }
0x2d: {  	s3 =	simm.s32 $0x108;
	s8 =	sld [smem:$0x3FA6]  }
0x2e: {  	s3 =	simm.s32 @!p0 $0x1082;
	s9 =	sld [smem:$0x3FA7]  }
0x2f: {  	lr =	sadd.s32 s0, s3;
	s0 =	sld [smem:$0x3F9E]  }
0x30: {  	s3 =	sld [smem:$0x3FA1]  }
0x31: {  	[smem:$0x3FAA] =	sst s10  }
0x32: {  	s10 =	sld [smem:$0x3FA8];
	_ =	sdelay $0x3  }
0x33: {  	p0 =	seq.s32 s10, $0x1;
	s10 =	sld [smem:$0x3FAA];
	_ =	sdelay $0x3  }
0x34: {  	[smem:$0x3FAA] =	sst s10  }
0x35: {  	s10 =	sld [smem:$0x3FA9];
	_ =	sdelay $0x3  }
0x36: {  	p1 =	seq.s32 s10, $0x1;
	s10 =	sld [smem:$0x3FAA];
	_ =	sdelay $0x3  }
0x37: {  	[smem:$0x3FAA] =	sst s10  }
0x38: {  	s10 =	sld [smem:$0x3FAB]  }
0x39: {  	_ = 	snop;
	(pc) =	sbr.ind lr, $3  }
0x3a: {  	_ = 	snop  }
0x3b: {  	_ = 	snop  }
0x3c: {  	p2 =	seq.s32 s10, $0x1;
	s10 =	sld [smem:$0x3FAA]  }
0x3d: {  	_ =	shalt  }
0x3e: {  	_ =	shalt  }
0x3f: {  	_ =	shalt  }
0x40: {  	_ =	shalt  }
0x41: {  	_ =	shalt  }
0x42: {  	_ =	shalt  }
0x43: {  	_ =	shalt  }
0x44: {  	_ =	shalt  }
0x45: {  	_ =	shalt  }
0x46: {  	_ =	shalt  }
0x47: {  	_ =	shalt  }
0x48: {  	_ =	shalt  }
0x49: {  	_ =	shalt  }
0x4a: {  	_ =	shalt  }
0x4b: {  	_ =	shalt  }
0x4c: {  	_ =	shalt  }
0x4d: {  	_ =	shalt  }
0x4e: {  	_ =	shalt  }
0x4f: {  	_ =	shalt  }
0x50: {  	_ =	shalt  }
0x51: {  	_ =	shalt  }
0x52: {  	_ =	shalt  }
0x53: {  	_ =	shalt  }
0x54: {  	_ =	shalt  }
0x55: {  	_ =	shalt  }
0x56: {  	_ =	shalt  }
0x57: {  	_ =	shalt  }
0x58: {  	_ =	shalt  }
0x59: {  	_ =	shalt  }
0x5a: {  	_ =	shalt  }
0x5b: {  	_ =	shalt  }
0x5c: {  	_ =	shalt  }
0x5d: {  	_ =	shalt  }
0x5e: {  	_ =	shalt  }
0x5f: {  	_ =	shalt  }
0x60: {  	_ =	shalt  }
0x61: {  	_ =	shalt  }
0x62: {  	_ =	shalt  }
0x63: {  	_ =	shalt  }
0x64: {  	_ =	shalt  }
0x65: {  	_ =	shalt  }
0x66: {  	_ =	shalt  }
0x67: {  	_ =	shalt  }
0x68: {  	_ =	shalt  }
0x69: {  	_ =	shalt  }
0x6a: {  	_ =	shalt  }
0x6b: {  	_ =	shalt  }
0x6c: {  	_ =	shalt  }
0x6d: {  	_ =	shalt  }
0x6e: {  	_ =	shalt  }
0x6f: {  	_ =	shalt  }
0x70: {  	_ =	shalt  }
0x71: {  	_ =	shalt  }
0x72: {  	_ =	shalt  }
0x73: {  	_ =	shalt  }
0x74: {  	_ =	shalt  }
0x75: {  	_ =	shalt  }
0x76: {  	_ =	shalt  }
0x77: {  	_ =	shalt  }
0x78: {  	_ =	shalt  }
0x79: {  	_ =	shalt  }
0x7a: {  	_ =	shalt  }
0x7b: {  	_ =	shalt  }
0x7c: {  	_ =	shalt  }
0x7d: {  	_ =	shalt  }
0x7e: {  	_ =	shalt  }
0x7f: {  	_ =	shalt  }
0x80: {  	_ =	shalt  }
0x81: {  	_ =	shalt  }
0x82: {  	_ =	shalt  }
0x83: {  	_ =	shalt  }
0x84: {  	_ =	shalt  }
0x85: {  	_ =	shalt  }
0x86: {  	_ =	shalt  }
0x87: {  	_ =	shalt  }
.Lfunc_end0:
.L_simem_size_0:
called_computation.3_lowered:
.L_overlay_start_0:
0x88: {  	s2 =	sld [smem:$0x3FD9]  }
0x89: {  	s3 =	sld [smem:$0x3FFE];
	_ =	sdelay $0x1  }
0x8a: {  	s1 =	srdreg.scid  }
0x8b: {  	s0 =	sand.u32 $0x1, s1  }
0x8c: {  	s16 =	sshll.u32 s0, $0xA;
	s2 =	sadd.s32 s3, s2  }
0x8d: {  	s2 =	sadd.s32 s2, s16  }
0x8e: {  	[smem:$0x3FB6] =	sst s2  }
0x8f: {  	_ = 	snop  }
0x90: {  	(tm) =	ssettm $0x1  }
0x91: {  	s17 =	sld [smem:$0x3FFB];
	_ =	sdelay $0x3  }
0x92: {  	_ =	strace s17  }
0x93: {  	s2 =	sld [smem:$0x3FFC];
	_ =	sdelay $0x3  }
0x94: {  	_ =	strace s2  }
0x95: {  	s2 =	sld [smem:$0x3FFD];
	_ =	sdelay $0x3  }
0x96: {  	_ =	strace s2  }
0x97: {  	_ =	strace $0x8FFFFFFF  }
0x98: {  	s18 =	sld [smem:$0x3FDB];
	_ =	sdelay $0x1  }
0x99: {  	s19 =	simm.s32 $_scs_section_size  }
0x9a: {  	s4 =	simm.s32 $_size__tile_overlayer_lowered;
	s5 =	simm.s32 $_tile_overlayer_lowered  }
0x9b: {  	s22 =	simm.s32 $0x1BFF;
	s21 =	sshll.u32 s5, $0x1;
	s2 =	sadd.s32 s19, s18  }
0x9c: {  	s6 =	simm.s32 $0x0;
	s20 =	sshll.u32 s4, $0x1;
	s4 =	sadd.s32 s21, s2  }
0x9d: {  	[timem:s6], [sflag:s22] =	dma.local [hbm:s4], s20  }
0x9e: {  	_ =	swait.ge [sflag:s22], s20  }
0x9f: {  	s3 =	ssub.s32 $0x0, s20;
	[sflag:s22] =	ssyncset.done $0x0  }
0xa0: {  	[sflag:s22] =	ssyncadd.s32 s3;
	_ =	sdelay $0x1  }
0xa1: {  	s23 =	simm.s32 $0x1B8B  }
0xa2: {  	_ =	swait.ge [sflag:s23], $0x1  }
0xa3: {  	[sflag:s23] =	ssyncset.done $0x0  }
0xa4: {  	s25 =	simm.s32 $0x1B8E;
	s24 =	sld [smem:$0x3FFE];
	[sflag:s23] =	ssyncadd.s32 $0xFFFFFFFF  }
0xa5: {  	s26 =	simm.s32 $execute0_lowered;
	[smem:$0x3FD2] =	sst s25  }
0xa6: {  	s4 =	sshll.u32 s26, $0x1;
	_ =	strace $0x8000004F;
	[dreg:$0x1] =	wrdreg $0xFFFFFFFF  }
0xa7: {  	s28 =	simm.s32 $_size_execute0_lowered;
	s2 =	sadd.s32 s2, s4;
	[dreg:$0x0] =	wrdreg $0x0  }
0xa8: {  	s4 =	sshll.u32 s28, $0x1;
	[dreg:$0x2] =	wrdreg s2  }
0xa9: {  	[dreg:$0x3] =	wrdreg s4  }
0xaa: {  	[dreg:$0x4] =	wrdreg $0xC0  }
0xab: {  	_ =	task [dreg:s6], $0x5FFFF  }
0xac: {  	[dreg:$0x1] =	wrdreg $0xFFFFFFFF  }
0xad: {  	[dreg:$0x0] =	wrdreg $0x60  }
0xae: {  	[dreg:$0x2] =	wrdreg s24  }
0xaf: {  	[dreg:$0x3] =	wrdreg $0x9  }
0xb0: {  	_ =	task.clear_ibuf [dreg:s6], $0x4FFFF;
	_ =	strace $0x9000004F  }
0xb1: {  	s29 =	simm.s32 $0x9;
	_ =	strace $0x80000051  }
0xb2: {  	_ =	swait.ge [sflag:s29], $0x1  }
0xb3: {  	[sflag:s29] =	ssyncadd.s32 $0xFFFFFFFF  }
0xb4: {  	_ =	strace $0x90000051  }
0xb5: {  	_ =	sfence  }
0xb6: {  	s30 =	sld [smem:$0x0];
	_ =	sdelay $0x2  }
0xb7: {  	s31 =	sshll.u32 s1, $0xD;
	s1 =	sshrl.u32 s1, $0x2  }
0xb8: {  	s3 =	sand.u32 $0x4000, s31;
	s1 =	sadd.s32 s1, s30  }
0xb9: {  	s0 =	sor.u32 s3, s0;
	s1 =	sshll.u32 s1, $0x11  }
0xba: {  	s0 =	sor.u32 s1, s0  }
0xbb: {  	s0 =	sadd.s32 $0x8F2B, s0  }
0xbc: {  	[sflag:s0] =	ssyncadd.remote.s32 $0x1  }
0xbd: {  	_ =	sfence.sel $0xFFFF  }
0xbe: {  	[dreg:$0x0] =	wrdreg $0xFFFFFFFF;
	(pc) =	sbr.abs _section_cstart, $3  }
0xbf: {  	[dreg:$0x1] =	wrdreg $0xFFFFFFFF  }
0xc0: {  	_ =	task.clear_ibuf [dreg:s6], $0x2FFFF;
	_ =	strace $0x9FFFFFFF  }
0xc1: {  	(tm) =	ssettm $0x7FFFFFFF  }
tec
execute0_lowered:
.L_overlay_start_1:
0x0: {  	(tag) =	ssettag $0x1  }
0x1: {  	s1 =	srdreg.scid  }
0x2: {  	s0 =	stileid.u32;
	s4 =	rddreg [dreg:$0x0]  }
0x3: {  	s2 =	simm.s32 $0x0;
	s10 =	simm.s32 $0x3;
	s11 =	simm.s32 $0x8000  }
0x4: {  	s12 =	simm.s32 $0x10000;
	s13 =	simm.s32 $0x80;
	s14 =	simm.s32 $0x400  }
0x5: {  	s15 =	simm.s32 $0x10400;
	s16 =	simm.s32 $0x1;
	s17 =	simm.s32 $0x2  }
0x6: {  	s18 =	simm.s32 $0x0;
	s3 =	sand.u32 $0x1, s1;
	s1 =	rddreg [dreg:$0x1]  }
0x7: {  	s5 =	sshll.u32 s0, $0x9;
	[smem:$0x7FF] =	sst s2;
	s6 =	sshll.u32 s3, $0x8  }
0x8: {  	s7 =	ssub.s32 $0x2, s3;
	_ =	strace $0x80000050;
	s5 =	sor.u32 s6, s5  }
0x9: {  	s3 =	sadd.s32 $0x12A200, s4;
	s8 =	sshrl.u32 s7, $0x1;
	s6 =	sshll.u32 s5, $0x4  }
0xa: {  	s8 =	ssub.s32 s7, s8;
	s9 =	sshll.u32 s5, $0x7;
	s6 =	sadd.s32 s6, s4  }
0xb: {  	s4 =	sadd.s32 $0xEA200, s6;
	s5 =	sadd.s32 $0xA200, s6;
	s6 =	sadd.s32 s3, s9  }
0xc: {  	v0 =	vimm.f32 $0.0e+00;
	s8 =	smax.u32 s8, $0x1;
	s9 =	sor.u32 $0x100, s9;
	s7 =	sadd.s32 $0x10, s6  }
.LBB2_1:
0xd: {  	[tilespmem:s2], [sflag:$0x3] =	stream.linear.gather [hbm4b:s4+s2], $0x8000, $0x38;
	[tilespmem:$0x10800] =	vst v63  }
0xe: {  	_ =	swait.ge [sflag:s10], $0x8000  }
0xf: {  	[sflag:s10] =	ssyncset.done $0x0  }
0x10: {  	[sflag:s10] =	ssyncadd.s32 $0xFFFF8000  }
0x11: {  	[tilespmem:s11], [sflag:$0x3] =	stream.linear.gather [hbm4b:s5+s2], $0x8000, $0x38;
	[tilespmem:$0x10800] =	vst v63  }
0x12: {  	_ =	swait.ge [sflag:s10], $0x8000  }
0x13: {  	[sflag:s10] =	ssyncset.done $0x0  }
0x14: {  	s19 =	simm.s32 $0x40;
	s20 =	simm.s32 $0x0;
	[sflag:s10] =	ssyncadd.s32 $0xFFFF8000  }
.LBB2_2:
0x15: {  	p0 =	sne.s32 s19, $0xFC0;
	[tilespmem:s20+$0x10000] =	vst v0;
	s21 =	smov.u32 s19;
	s19 =	sadd.s32 $0x40, s19  }
.Ltmp0:
0x16: {  	[tilespmem:s20+$0x10400] =	vst v0;
	(pc) =	sbr.rel @p0 .LBB2_2-.Ltmp0, $2  }
0x17: {  	_ =	sdelay $0x2  }
0x18: {  	s20 =	sshra.s32 s21, $0x2  }
0x19: {  	[tilespmem:s20+$0x10000] =	vst v0  }
0x1a: {  	[tilespmem:s20+$0x10400] =	vst v0  }
0x1b: {  	v1 =	vld [tilespmem:$0x8000];
	_ =	sdelay $0x2  }
0x1c: {  	v2 =	vld [tilespmem:$0x0];
	_ =	sdelay $0x4  }
0x1d: {  	[tilespmem:v1+s12+$0x0] =	vst.idx.msk $0xffff, v2  }
0x1e: {  	[hbm4b:s6+s13] =	stream.strided.scatter [tilespmem:s12], [sflag:$0x1], $0x400, s14, s13, $0x38;
	[tilespmem:$0x10800] =	vst v63  }
0x1f: {  	v1 =	vld [tilespmem:$0x8080];
	_ =	sdelay $0x2  }
0x20: {  	v2 =	vld [tilespmem:$0x80];
	_ =	sdelay $0x3  }
0x21: {  	s19 =	simm.s32 $0x30  }
0x22: {  	s20 =	simm.s32 $0x180;
	s21 =	simm.s32 $0x8100;
	s22 =	smov.u32 s9;
	[tilespmem:v1+s15+$0x0] =	vst.idx.msk $0xffff, v2  }
0x23: {  	[hbm4b:s7+s13] =	stream.strided.scatter [tilespmem:s15], [sflag:$0x2], $0x400, s14, s13, $0x38;
	[tilespmem:$0x10800] =	vst v63  }
.LBB2_4:
0x24: {  	_ =	swait.ge [sflag:s16], $0x400  }
0x25: {  	[sflag:s16] =	ssyncset.done $0x0  }
0x26: {  	[sflag:s16] =	ssyncadd.s32 $0xFFFFFC00  }
0x27: {  	v1 =	vld [tilespmem:s21+$0xFFFFFF00];
	_ =	sdelay $0x7  }
0x28: {  	[tilespmem:v1+s12+$0x0] =	vst.idx.msk $0xffff, v0  }
0x29: {  	v1 =	vld [tilespmem:s21+$0x0];
	_ =	sdelay $0x2  }
0x2a: {  	v2 =	vld [tilespmem:s20+$0xFFFFFF80];
	_ =	sdelay $0x1  }
0x2b: {  	s23 =	sadd.s32 $0xFFFFFFF0, s19  }
0x2c: {  	s23 =	sand.u32 $0x60, s23  }
0x2d: {  	s24 =	sand.u32 $0xFFC00, s22;
	s23 =	sadd.s32 s3, s23  }
0x2e: {  	s23 =	sadd.s32 s24, s23;
	[tilespmem:v1+s12+$0x0] =	vst.idx.msk $0xffff, v2  }
0x2f: {  	[hbm4b:s23+s13] =	stream.strided.scatter [tilespmem:s12], [sflag:$0x1], $0x400, s14, s13, $0x38;
	[tilespmem:$0x10800] =	vst v63  }
0x30: {  	_ =	swait.ge [sflag:s17], $0x400  }
0x31: {  	[sflag:s17] =	ssyncset.done $0x0  }
0x32: {  	[sflag:s17] =	ssyncadd.s32 $0xFFFFFC00  }
0x33: {  	v1 =	vld [tilespmem:s21+$0xFFFFFF80];
	_ =	sdelay $0x7  }
0x34: {  	[tilespmem:v1+s15+$0x0] =	vst.idx.msk $0xffff, v0  }
0x35: {  	v1 =	vld [tilespmem:s21+$0x80];
	_ =	sdelay $0x2  }
0x36: {  	v2 =	vld [tilespmem:s20+$0x0]  }
0x37: {  	p0 =	sne.s32 s19, $0xFF0  }
.Ltmp1:
0x38: {  	_ = 	snop;
	(pc) =	sbr.rel @p0 .LBB2_4-.Ltmp1, $4  }
0x39: {  	s31 =	sand.u32 $0x70, s19  }
0x3a: {  	s22 =	sadd.s32 $0x100, s22;
	s19 =	sadd.s32 $0x20, s19;
	s23 =	sadd.s32 s3, s31  }
0x3b: {  	s23 =	sadd.s32 s24, s23;
	s20 =	sadd.s32 $0x100, s20;
	s21 =	sadd.s32 $0x100, s21;
	[tilespmem:v1+s15+$0x0] =	vst.idx.msk $0xffff, v2  }
0x3c: {  	[hbm4b:s23+s13] =	stream.strided.scatter [tilespmem:s15], [sflag:$0x2], $0x400, s14, s13, $0x38;
	[tilespmem:$0x10800] =	vst v63  }
0x3d: {  	s18 =	sadd.s32 $0x1, s18  }
0x3e: {  	_ =	swait.ge [sflag:s16], $0x400;
	p0 =	sne.s32 s18, s8  }
.Ltmp2:
0x3f: {  	[sflag:s16] =	ssyncset.done $0x0;
	(pc) =	sbr.rel @p0 .LBB2_1-.Ltmp2, $4  }
0x40: {  	[sflag:s16] =	ssyncadd.s32 $0xFFFFFC00  }
0x41: {  	_ =	swait.ge [sflag:s17], $0x400  }
0x42: {  	[sflag:s17] =	ssyncset.done $0x0  }
0x43: {  	[sflag:s17] =	ssyncadd.s32 $0xFFFFFC00  }
0x44: {  	_ =	sfence.sel $0x180000  }
0x45: {  	[bflag:$0x0] =	sbarrier.arrive $0xFFFF  }
0x46: {  	p0 =	sne.s32 s0, $0x0;
	_ =	strace $0x90000050  }
0x47: {  	s0 =	sadd.s32 @!p0 $0x100000, s1;
	[bflag:$0x2] =	sbarrier.arrive $0xFFFF  }
0x48: {  	[sflag:s0] =	ssyncadd.tile.s32 @!p0 $0x1;
	_ =	shalt  }
.Lfunc_end2:
_tile_overlayer_lowered:
.L_overlay_start_2:
0x49: {  	(tag) =	ssettag $0x2  }
0x4a: {  	s0 =	rddreg [dreg:$0x0];
	s2 =	stileid.u32  }
0x4b: {  	s1 =	rddreg [dreg:$0x1];
	p0 =	sne.s32 s2, $0x0  }
0x4c: {  	s3 =	rddreg [dreg:$0x2];
	[bflag:$0x3] =	sbarrier.arrive $0xFFFF;
	s2 =	simm.s32 @!p0 $0x1C03  }
0x4d: {  	[timem:s3], [sflag:s2] =	dma.local @!p0 [hbm:s0], s1  }
0x4e: {  	s0 =	simm.s32 @!p0 $0x3  }
0x4f: {  	_ =	swait.ge @!p0 [sflag:s0], s1  }
0x50: {  	s1 =	ssub.s32 @!p0 $0x0, s1;
	[sflag:s0] =	ssyncset.done @!p0 $0x0  }
0x51: {  	[sflag:s0] =	ssyncadd.s32 @!p0 s1  }
0x52: {  	[bflag:$0x3] =	sbarrier.arrive $0xFFFF  }
0x53: {  	_ =	shalt  }

// kernel: kernel.28.cloned.1.call-start
scs
__scs_entry_jumppad:
0x0: {  	(pc) =	sbr.rel $0x88, $3  }
0x1: {  	(tag) =	ssettag $0x0;
	lr =	simm.s32 $0x1  }
0x2: {  	[smem:$0x3F8F] =	sst lr;
	_ =	strace $0xD0000000  }
0x3: {  	_ = 	snop  }
0x4: {  	_ = 	snop  }
0x5: {  	_ = 	snop  }
0x6: {  	_ = 	snop  }
0x7: {  	_ = 	snop  }
__scs_overlays_trampoline_lowered:
0x8: {  	[smem:$0x3F9E] =	sst s0  }
0x9: {  	[smem:$0x3F9F] =	sst s1  }
0xa: {  	[smem:$0x3FA0] =	sst s2  }
0xb: {  	[smem:$0x3FA1] =	sst s3  }
0xc: {  	[smem:$0x3FA2] =	sst s4  }
0xd: {  	[smem:$0x3FA3] =	sst s5  }
0xe: {  	[smem:$0x3FA4] =	sst s6  }
0xf: {  	[smem:$0x3FA5] =	sst s7  }
0x10: {  	[smem:$0x3FA6] =	sst s8  }
0x11: {  	[smem:$0x3FA7] =	sst s9;
	s0 =	simm.s32 @!p0 $0x0  }
0x12: {  	s1 =	sld [smem:$0x3F8D];
	s0 =	simm.s32 @p0 $0x1  }
0x13: {  	[smem:$0x3FA8] =	sst s0;
	s0 =	simm.s32 @!p1 $0x0  }
0x14: {  	s2 =	sld [smem:$0x3F8C];
	s0 =	simm.s32 @p1 $0x1  }
0x15: {  	[smem:$0x3FA9] =	sst s0;
	s0 =	simm.s32 @!p2 $0x0  }
0x16: {  	s3 =	sld [smem:$0x3FDB];
	s0 =	simm.s32 @p2 $0x1  }
0x17: {  	s4 =	simm.s32 $0x1BF5;
	[smem:$0x3FAB] =	sst s0  }
0x18: {  	s0 =	sld [smem:$0x3F8E];
	_ =	swait.ge [sflag:s4], $0x0  }
0x19: {  	s7 =	sld [smem:$0x3F8F]  }
0x1a: {  	s8 =	sadd.s32 $0xFFFFE003, lr  }
0x1b: {  	s9 =	sadd.s32 $0xFFFFFEF7, lr;
	s5 =	simm.s32 $0xFFFFFFFF;
	p2 =	slt.u32 s8, $0xFFFFF086  }
0x1c: {  	p1 =	slt.u32 s9, $0xF7A;
	s5 =	simm.s32 @!p2 $0x0  }
0x1d: {  	s5 =	simm.s32 @p1 $0x1;
	p0 =	seq.s32 s7, s2  }
0x1e: {  	s7 =	smul.u32 @!p0 $0xF7A, s2;
	p2 =	seq.s32 @!p0 s5, $0x0  }
0x1f: {  	s9 =	smul.u32 $0xF7A, s1;
	s8 =	simm.s32 @!p0 $0x1BF5;
	p2 =	por !p2, p0  }
0x20: {  	[sflag:s8] =	ssyncset.s32 @!p0 $0xFFFFF086;
	s6 =	sadd.s32 @!p0 s3, s7;
	s7 =	simm.s32 @!p0 $0x108  }
0x21: {  	s3 =	sadd.s32 s3, s9;
	s6 =	sadd.s32 @!p0 $0x88, s6;
	s7 =	simm.s32 @p2 $0x1082  }
0x22: {  	[simem:s7], [sflag:s8] =	dma.local @!p0 [hbm:s6], $0xF7A  }
0x23: {  	s9 =	sor.u32 $0xD0000000, s2;
	s6 =	simm.s32 $0x108;
	_ =	swait.ge @!p0 [sflag:s8], $0x0  }
0x24: {  	s3 =	sadd.s32 $0x88, s3;
	s6 =	simm.s32 @!p1 $0x1082;
	[sflag:s4] =	ssyncset.s32 $0xFFFFF086  }
0x25: {  	[simem:s6], [sflag:s4] =	dma.local [hbm:s3], $0xF7A  }
0x26: {  	[smem:$0x3F8F] =	sst s1;
	(tag) =	ssettag s2;
	_ =	strace s9  }
0x27: {  	s1 =	sld [smem:$0x3F9F]  }
0x28: {  	s2 =	sld [smem:$0x3FA0]  }
0x29: {  	s4 =	sld [smem:$0x3FA2]  }
0x2a: {  	p0 =	seq.s32 s5, $0x0;
	s5 =	sld [smem:$0x3FA3]  }
0x2b: {  	s6 =	sld [smem:$0x3FA4]  }
0x2c: {  	s7 =	sld [smem:$0x3FA5]  }
0x2d: {  	s3 =	simm.s32 $0x108;
	s8 =	sld [smem:$0x3FA6]  }
0x2e: {  	s3 =	simm.s32 @!p0 $0x1082;
	s9 =	sld [smem:$0x3FA7]  }
0x2f: {  	lr =	sadd.s32 s0, s3;
	s0 =	sld [smem:$0x3F9E]  }
0x30: {  	s3 =	sld [smem:$0x3FA1]  }
0x31: {  	[smem:$0x3FAA] =	sst s10  }
0x32: {  	s10 =	sld [smem:$0x3FA8];
	_ =	sdelay $0x3  }
0x33: {  	p0 =	seq.s32 s10, $0x1;
	s10 =	sld [smem:$0x3FAA];
	_ =	sdelay $0x3  }
0x34: {  	[smem:$0x3FAA] =	sst s10  }
0x35: {  	s10 =	sld [smem:$0x3FA9];
	_ =	sdelay $0x3  }
0x36: {  	p1 =	seq.s32 s10, $0x1;
	s10 =	sld [smem:$0x3FAA];
	_ =	sdelay $0x3  }
0x37: {  	[smem:$0x3FAA] =	sst s10  }
0x38: {  	s10 =	sld [smem:$0x3FAB]  }
0x39: {  	_ = 	snop;
	(pc) =	sbr.ind lr, $3  }
0x3a: {  	_ = 	snop  }
0x3b: {  	_ = 	snop  }
0x3c: {  	p2 =	seq.s32 s10, $0x1;
	s10 =	sld [smem:$0x3FAA]  }
0x3d: {  	_ =	shalt  }
0x3e: {  	_ =	shalt  }
0x3f: {  	_ =	shalt  }
0x40: {  	_ =	shalt  }
0x41: {  	_ =	shalt  }
0x42: {  	_ =	shalt  }
0x43: {  	_ =	shalt  }
0x44: {  	_ =	shalt  }
0x45: {  	_ =	shalt  }
0x46: {  	_ =	shalt  }
0x47: {  	_ =	shalt  }
0x48: {  	_ =	shalt  }
0x49: {  	_ =	shalt  }
0x4a: {  	_ =	shalt  }
0x4b: {  	_ =	shalt  }
0x4c: {  	_ =	shalt  }
0x4d: {  	_ =	shalt  }
0x4e: {  	_ =	shalt  }
0x4f: {  	_ =	shalt  }
0x50: {  	_ =	shalt  }
0x51: {  	_ =	shalt  }
0x52: {  	_ =	shalt  }
0x53: {  	_ =	shalt  }
0x54: {  	_ =	shalt  }
0x55: {  	_ =	shalt  }
0x56: {  	_ =	shalt  }
0x57: {  	_ =	shalt  }
0x58: {  	_ =	shalt  }
0x59: {  	_ =	shalt  }
0x5a: {  	_ =	shalt  }
0x5b: {  	_ =	shalt  }
0x5c: {  	_ =	shalt  }
0x5d: {  	_ =	shalt  }
0x5e: {  	_ =	shalt  }
0x5f: {  	_ =	shalt  }
0x60: {  	_ =	shalt  }
0x61: {  	_ =	shalt  }
0x62: {  	_ =	shalt  }
0x63: {  	_ =	shalt  }
0x64: {  	_ =	shalt  }
0x65: {  	_ =	shalt  }
0x66: {  	_ =	shalt  }
0x67: {  	_ =	shalt  }
0x68: {  	_ =	shalt  }
0x69: {  	_ =	shalt  }
0x6a: {  	_ =	shalt  }
0x6b: {  	_ =	shalt  }
0x6c: {  	_ =	shalt  }
0x6d: {  	_ =	shalt  }
0x6e: {  	_ =	shalt  }
0x6f: {  	_ =	shalt  }
0x70: {  	_ =	shalt  }
0x71: {  	_ =	shalt  }
0x72: {  	_ =	shalt  }
0x73: {  	_ =	shalt  }
0x74: {  	_ =	shalt  }
0x75: {  	_ =	shalt  }
0x76: {  	_ =	shalt  }
0x77: {  	_ =	shalt  }
0x78: {  	_ =	shalt  }
0x79: {  	_ =	shalt  }
0x7a: {  	_ =	shalt  }
0x7b: {  	_ =	shalt  }
0x7c: {  	_ =	shalt  }
0x7d: {  	_ =	shalt  }
0x7e: {  	_ =	shalt  }
0x7f: {  	_ =	shalt  }
0x80: {  	_ =	shalt  }
0x81: {  	_ =	shalt  }
0x82: {  	_ =	shalt  }
0x83: {  	_ =	shalt  }
0x84: {  	_ =	shalt  }
0x85: {  	_ =	shalt  }
0x86: {  	_ =	shalt  }
0x87: {  	_ =	shalt  }
.Lfunc_end0:
.L_simem_size_0:
called_computation.4_lowered:
.L_overlay_start_0:
0x88: {  	s2 =	sld [smem:$0x3FD9]  }
0x89: {  	s3 =	sld [smem:$0x3FFE];
	_ =	sdelay $0x1  }
0x8a: {  	s1 =	srdreg.scid  }
0x8b: {  	s0 =	sand.u32 $0x1, s1  }
0x8c: {  	s17 =	sshll.u32 s0, $0xA;
	s2 =	sadd.s32 s3, s2  }
0x8d: {  	s2 =	sadd.s32 s2, s17  }
0x8e: {  	[smem:$0x3FB6] =	sst s2  }
0x8f: {  	_ = 	snop  }
0x90: {  	s2 =	sld [smem:$0x3FD0];
	(tm) =	ssettm $0x1  }
0x91: {  	s18 =	sld [smem:$0x3FFB];
	_ =	sdelay $0x3  }
0x92: {  	_ =	strace s18  }
0x93: {  	s3 =	sld [smem:$0x3FFC];
	_ =	sdelay $0x3  }
0x94: {  	_ =	strace s3  }
0x95: {  	s3 =	sld [smem:$0x3FFD];
	_ =	sdelay $0x3  }
0x96: {  	_ =	strace s3  }
0x97: {  	_ =	strace $0x8FFFFFFF  }
0x98: {  	s19 =	sld [smem:$0x3FDB];
	_ =	sdelay $0x1  }
0x99: {  	s4 =	simm.s32 $_scs_section_size  }
0x9a: {  	s5 =	simm.s32 $_size__tile_overlayer_lowered;
	s6 =	simm.s32 $_tile_overlayer_lowered  }
0x9b: {  	s22 =	simm.s32 $0x1BFF;
	s21 =	sshll.u32 s6, $0x1;
	s3 =	sadd.s32 s4, s19  }
0x9c: {  	s7 =	simm.s32 $0x0;
	s20 =	sshll.u32 s5, $0x1;
	s5 =	sadd.s32 s21, s3  }
0x9d: {  	[timem:s7], [sflag:s22] =	dma.local [hbm:s5], s20  }
0x9e: {  	_ =	swait.ge [sflag:s22], s20  }
0x9f: {  	s4 =	ssub.s32 $0x0, s20;
	[sflag:s22] =	ssyncset.done $0x0  }
0xa0: {  	[sflag:s22] =	ssyncadd.s32 s4;
	_ =	sdelay $0x1  }
0xa1: {  	s23 =	simm.s32 $0x1B8B  }
0xa2: {  	_ =	swait.ge [sflag:s23], $0x1  }
0xa3: {  	[sflag:s23] =	ssyncset.done $0x0  }
0xa4: {  	s25 =	simm.s32 $0x1B8E;
	s24 =	sld [smem:$0x3FFE];
	[sflag:s23] =	ssyncadd.s32 $0xFFFFFFFF  }
0xa5: {  	s26 =	simm.s32 $execute0_lowered;
	[smem:$0x3FD2] =	sst s25  }
0xa6: {  	s5 =	sshll.u32 s26, $0x1;
	_ =	strace $0x80000052;
	[dreg:$0x1] =	wrdreg $0xFFFFFFFF  }
0xa7: {  	s28 =	simm.s32 $_size_execute0_lowered;
	s3 =	sadd.s32 s3, s5;
	[dreg:$0x0] =	wrdreg $0x0  }
0xa8: {  	s5 =	sshll.u32 s28, $0x1;
	[dreg:$0x2] =	wrdreg s3  }
0xa9: {  	[dreg:$0x3] =	wrdreg s5  }
0xaa: {  	[dreg:$0x4] =	wrdreg $0xC0  }
0xab: {  	_ =	task [dreg:s7], $0x5FFFF  }
0xac: {  	[dreg:$0x1] =	wrdreg $0xFFFFFFFF  }
0xad: {  	[dreg:$0x0] =	wrdreg $0x60  }
0xae: {  	[dreg:$0x2] =	wrdreg s24  }
0xaf: {  	[dreg:$0x3] =	wrdreg s2  }
0xb0: {  	[dreg:$0x4] =	wrdreg $0x9  }
0xb1: {  	_ =	task.clear_ibuf [dreg:s7], $0x5FFFF;
	_ =	strace $0x90000052  }
0xb2: {  	s29 =	simm.s32 $0x9;
	_ =	strace $0x80000054  }
0xb3: {  	_ =	swait.ge [sflag:s29], $0x1  }
0xb4: {  	[sflag:s29] =	ssyncadd.s32 $0xFFFFFFFF  }
0xb5: {  	_ =	strace $0x90000054  }
0xb6: {  	_ =	sfence  }
0xb7: {  	s30 =	sld [smem:$0x0];
	_ =	sdelay $0x2  }
0xb8: {  	s31 =	sshll.u32 s1, $0xD;
	s1 =	sshrl.u32 s1, $0x2  }
0xb9: {  	s3 =	sand.u32 $0x4000, s31;
	s1 =	sadd.s32 s1, s30  }
0xba: {  	s0 =	sor.u32 s3, s0;
	s1 =	sshll.u32 s1, $0x11  }
0xbb: {  	s0 =	sor.u32 s1, s0  }
0xbc: {  	s0 =	sadd.s32 $0x8F2B, s0  }
0xbd: {  	[sflag:s0] =	ssyncadd.remote.s32 $0x1  }
0xbe: {  	_ =	sfence.sel $0xFFFF  }
0xbf: {  	[dreg:$0x0] =	wrdreg $0xFFFFFFFF;
	(pc) =	sbr.abs _section_cstart, $3  }
0xc0: {  	[dreg:$0x1] =	wrdreg $0xFFFFFFFF  }
0xc1: {  	_ =	task.clear_ibuf [dreg:s7], $0x2FFFF;
	_ =	strace $0x9FFFFFFF  }
0xc2: {  	(tm) =	ssettm $0x7FFFFFFF  }
0xc3: {  	_ =	shalt  }
tec
execute0_lowered:
.L_overlay_start_1:
0x0: {  	(tag) =	ssettag $0x1  }
0x1: {  	s4 =	rddreg [dreg:$0x0]  }
0x2: {  	s5 =	rddreg [dreg:$0x1]  }
0x3: {  	s0 =	rddreg [dreg:$0x2];
	s2 =	simm.s32 $0x0;
	s3 =	srdreg.scid  }
0x4: {  	s1 =	stileid.u32;
	s11 =	simm.s32 $0x1000;
	s12 =	simm.s32 $0x5000  }
0x5: {  	s13 =	simm.s32 $0x1;
	s14 =	simm.s32 $0x2;
	s15 =	simm.s32 $0x0  }
0x6: {  	[smem:$0x7FF] =	sst s2;
	s7 =	sand.u32 $0x1, s3;
	s6 =	sshll.u32 s1, $0xD  }
0x7: {  	s3 =	sadd.s32 $0x2A200, s4;
	s25 =	sadd.s32 $0x12A200, s4;
	s30 =	sshll.u32 s1, $0x11  }
0x8: {  	_ =	strace $0x80000053;
	s8 =	sshll.u32 s7, $0xC;
	s9 =	ssub.s32 $0x2, s7  }
0x9: {  	s31 =	sshll.u32 s7, $0x10;
	s6 =	sor.u32 s8, s6;
	s26 =	sshrl.u32 s9, $0x1  }
0xa: {  	s8 =	sadd.s32 s30, s25;
	s10 =	sshll.u32 s6, $0x4;
	s9 =	ssub.s32 s9, s26  }
0xb: {  	s28 =	sshrl.u32 s6, $0x3;
	s8 =	sadd.s32 s31, s8;
	s29 =	sadd.s32 s10, s25  }
0xc: {  	s4 =	sadd.s32 s5, s28;
	s7 =	smax.u32 s9, $0x1;
	s9 =	simm.s32 $0x3  }
0xd: {  	s10 =	simm.s32 $0x80;
	s5 =	sadd.s32 $0xF000, s29;
	s6 =	sadd.s32 $0xF800, s29  }
.LBB2_1:
0xe: {  	[tilespmem:s2], [sflag:$0x3] =	stream.linear.gather [hbm4b:s4+s2], $0x1000, $0x38;
	[tilespmem:$0x9000] =	vst v63  }
0xf: {  	_ =	swait.ge [sflag:s9], $0x1000  }
0x10: {  	[sflag:s9] =	ssyncset.done $0x0  }
0x11: {  	[sflag:s9] =	ssyncadd.s32 $0xFFFFF000  }
0x12: {  	[tilespmem:s11], [sflag:$0x1] =	stream.indirect.gather [hbm4b:s3+s10], $0x80, s2, s10, $0xb8;
	[tilespmem:$0x9000] =	vst v63  }
0x13: {  	_ = 	snop  }
0x14: {  	[tilespmem:s12], [sflag:$0x2] =	stream.indirect.gather [hbm4b:s3+s10], $0x80, s10, s10, $0xb8;
	[tilespmem:$0x9000] =	vst v63  }
0x15: {  	_ =	swait.ge [sflag:s13], $0x4000  }
0x16: {  	[sflag:s13] =	ssyncset.done $0x0  }
0x17: {  	s16 =	sadd.s32 $0x0, s8;
	[sflag:s13] =	ssyncadd.s32 $0xFFFFC000  }
0x18: {  	[hbm4b:s16+s2] =	stream.linear.scatter [tilespmem:s11], [sflag:$0x3], $0x4000, $0x38;
	[tilespmem:$0x9000] =	vst v63  }
0x19: {  	_ =	swait.ge [sflag:s9], $0x4000  }
0x1a: {  	[sflag:s9] =	ssyncset.done $0x0  }
0x1b: {  	s17 =	simm.s32 $0x100;
	[sflag:s9] =	ssyncadd.s32 $0xFFFFC000  }
0x1c: {  	[tilespmem:s11], [sflag:$0x1] =	stream.indirect.gather [hbm4b:s3+s10], $0x80, s17, s10, $0xb8;
	[tilespmem:$0x9000] =	vst v63  }
0x1d: {  	_ =	swait.ge [sflag:s14], $0x4000  }
0x1e: {  	[sflag:s14] =	ssyncset.done $0x0  }
0x1f: {  	s16 =	sadd.s32 $0x800, s16;
	[sflag:s14] =	ssyncadd.s32 $0xFFFFC000  }
0x20: {  	[hbm4b:s16+s2] =	stream.linear.scatter [tilespmem:s12], [sflag:$0x3], $0x4000, $0x38;
	[tilespmem:$0x9000] =	vst v63  }
0x21: {  	_ =	swait.ge [sflag:s9], $0x4000  }
0x22: {  	s18 =	simm.s32 $0x280;
	[sflag:s9] =	ssyncset.done $0x0  }
0x23: {  	s17 =	simm.s32 $0x1000;
	s16 =	simm.s32 $0x180;
	[sflag:s9] =	ssyncadd.s32 $0xFFFFC000  }
.LBB2_2:
0x24: {  	[tilespmem:s12], [sflag:$0x2] =	stream.indirect.gather [hbm4b:s3+s10], $0x80, s16, s10, $0xb8;
	[tilespmem:$0x9000] =	vst v63  }
0x25: {  	s19 =	smov.u32 s17;
	s16 =	smov.u32 s18  }
0x26: {  	p0 =	sne.s32 s17, $0xE000;
	s17 =	sadd.s32 $0x1000, s17;
	_ =	swait.ge [sflag:s13], $0x4000  }
0x27: {  	[sflag:s13] =	ssyncset.done $0x0  }
0x28: {  	s19 =	sadd.s32 s19, s8;
	[sflag:s13] =	ssyncadd.s32 $0xFFFFC000  }
0x29: {  	[hbm4b:s19+s2] =	stream.linear.scatter [tilespmem:s11], [sflag:$0x3], $0x4000, $0x38;
	[tilespmem:$0x9000] =	vst v63  }
0x2a: {  	_ =	swait.ge [sflag:s9], $0x4000  }
0x2b: {  	[sflag:s9] =	ssyncset.done $0x0  }
0x2c: {  	s20 =	sadd.s32 $0xFFFFFF80, s18;
	[sflag:s9] =	ssyncadd.s32 $0xFFFFC000  }
0x2d: {  	[tilespmem:s11], [sflag:$0x1] =	stream.indirect.gather [hbm4b:s3+s10], $0x80, s20, s10, $0xb8;
	[tilespmem:$0x9000] =	vst v63  }
0x2e: {  	_ =	swait.ge [sflag:s14], $0x4000  }
0x2f: {  	[sflag:s14] =	ssyncset.done $0x0  }
.Ltmp0:
0x30: {  	s19 =	sadd.s32 $0x800, s19;
	[sflag:s14] =	ssyncadd.s32 $0xFFFFC000;
	(pc) =	sbr.rel @p0 .LBB2_2-.Ltmp0, $4  }
0x31: {  	[hbm4b:s19+s2] =	stream.linear.scatter [tilespmem:s12], [sflag:$0x3], $0x4000, $0x38;
	[tilespmem:$0x9000] =	vst v63  }
0x32: {  	_ =	swait.ge [sflag:s9], $0x4000  }
0x33: {  	[sflag:s9] =	ssyncset.done $0x0  }
0x34: {  	s18 =	sadd.s32 $0x100, s18;
	[sflag:s9] =	ssyncadd.s32 $0xFFFFC000  }
0x35: {  	[tilespmem:s12], [sflag:$0x2] =	stream.indirect.gather [hbm4b:s3+s10], $0x80, s16, s10, $0xb8;
	[tilespmem:$0x9000] =	vst v63  }
0x36: {  	_ =	swait.ge [sflag:s13], $0x4000  }
0x37: {  	[sflag:s13] =	ssyncset.done $0x0  }
0x38: {  	[sflag:s13] =	ssyncadd.s32 $0xFFFFC000  }
0x39: {  	[hbm4b:s5+s2] =	stream.linear.scatter [tilespmem:s11], [sflag:$0x3], $0x4000, $0x38;
	[tilespmem:$0x9000] =	vst v63  }
0x3a: {  	_ =	swait.ge [sflag:s9], $0x4000  }
0x3b: {  	[sflag:s9] =	ssyncset.done $0x0  }
0x3c: {  	[sflag:s9] =	ssyncadd.s32 $0xFFFFC000  }
0x3d: {  	s15 =	sadd.s32 $0x1, s15;
	_ =	swait.ge [sflag:s14], $0x4000  }
0x3e: {  	p0 =	sne.s32 s15, s7;
	[sflag:s14] =	ssyncset.done $0x0  }
.Ltmp1:
0x3f: {  	[sflag:s14] =	ssyncadd.s32 $0xFFFFC000;
	(pc) =	sbr.rel @p0 .LBB2_1-.Ltmp1, $4  }
0x40: {  	[hbm4b:s6+s2] =	stream.linear.scatter [tilespmem:s12], [sflag:$0x3], $0x4000, $0x38;
	[tilespmem:$0x9000] =	vst v63  }
0x41: {  	_ =	swait.ge [sflag:s9], $0x4000  }
0x42: {  	[sflag:s9] =	ssyncset.done $0x0  }
0x43: {  	[sflag:s9] =	ssyncadd.s32 $0xFFFFC000  }
0x44: {  	_ =	sfence.sel $0x180000  }
0x45: {  	[bflag:$0x0] =	sbarrier.arrive $0xFFFF  }
0x46: {  	p0 =	sne.s32 s1, $0x0;
	_ =	strace $0x90000053  }
0x47: {  	s0 =	sadd.s32 @!p0 $0x100000, s0;
	[bflag:$0x2] =	sbarrier.arrive $0xFFFF  }
0x48: {  	[sflag:s0] =	ssyncadd.tile.s32 @!p0 $0x1;
	_ =	shalt  }
.Lfunc_end2:
_tile_overlayer_lowered:
.L_overlay_start_2:
0x49: {  	(tag) =	ssettag $0x2  }
0x4a: {  	s0 =	rddreg [dreg:$0x0];
	s2 =	stileid.u32  }
0x4b: {  	s1 =	rddreg [dreg:$0x1];
	p0 =	sne.s32 s2, $0x0  }
0x4c: {  	s3 =	rddreg [dreg:$0x2];
	[bflag:$0x3] =	sbarrier.arrive $0xFFFF;
	s2 =	simm.s32 @!p0 $0x1C03  }
0x4d: {  	[timem:s3], [sflag:s2] =	dma.local @!p0 [hbm:s0], s1  }
0x4e: {  	s0 =	simm.s32 @!p0 $0x3  }
0x4f: {  	_ =	swait.ge @!p0 [sflag:s0], s1  }
0x50: {  	s1 =	ssub.s32 @!p0 $0x0, s1;
	[sflag:s0] =	ssyncset.done @!p0 $0x0  }
0x51: {  	[sflag:s0] =	ssyncadd.s32 @!p0 s1  }
0x52: {  	[bflag:$0x3] =	sbarrier.arrive $0xFFFF  }
0x53: {  	_ =	shalt  }

// kernel: kernel.31.cloned.1.call-start
scs
__scs_entry_jumppad:
0x0: {  	(pc) =	sbr.rel $0x88, $3  }
0x1: {  	(tag) =	ssettag $0x0;
	lr =	simm.s32 $0x1  }
0x2: {  	[smem:$0x3F8F] =	sst lr;
	_ =	strace $0xD0000000  }
0x3: {  	_ = 	snop  }
0x4: {  	_ = 	snop  }
0x5: {  	_ = 	snop  }
0x6: {  	_ = 	snop  }
0x7: {  	_ = 	snop  }
__scs_overlays_trampoline_lowered:
0x8: {  	[smem:$0x3F9E] =	sst s0  }
0x9: {  	[smem:$0x3F9F] =	sst s1  }
0xa: {  	[smem:$0x3FA0] =	sst s2  }
0xb: {  	[smem:$0x3FA1] =	sst s3  }
0xc: {  	[smem:$0x3FA2] =	sst s4  }
0xd: {  	[smem:$0x3FA3] =	sst s5  }
0xe: {  	[smem:$0x3FA4] =	sst s6  }
0xf: {  	[smem:$0x3FA5] =	sst s7  }
0x10: {  	[smem:$0x3FA6] =	sst s8  }
0x11: {  	[smem:$0x3FA7] =	sst s9;
	s0 =	simm.s32 @!p0 $0x0  }
0x12: {  	s1 =	sld [smem:$0x3F8D];
	s0 =	simm.s32 @p0 $0x1  }
0x13: {  	[smem:$0x3FA8] =	sst s0;
	s0 =	simm.s32 @!p1 $0x0  }
0x14: {  	s2 =	sld [smem:$0x3F8C];
	s0 =	simm.s32 @p1 $0x1  }
0x15: {  	[smem:$0x3FA9] =	sst s0;
	s0 =	simm.s32 @!p2 $0x0  }
0x16: {  	s3 =	sld [smem:$0x3FDB];
	s0 =	simm.s32 @p2 $0x1  }
0x17: {  	s4 =	simm.s32 $0x1BF5;
	[smem:$0x3FAB] =	sst s0  }
0x18: {  	s0 =	sld [smem:$0x3F8E];
	_ =	swait.ge [sflag:s4], $0x0  }
0x19: {  	s7 =	sld [smem:$0x3F8F]  }
0x1a: {  	s8 =	sadd.s32 $0xFFFFE003, lr  }
0x1b: {  	s9 =	sadd.s32 $0xFFFFFEF7, lr;
	s5 =	simm.s32 $0xFFFFFFFF;
	p2 =	slt.u32 s8, $0xFFFFF086  }
0x1c: {  	p1 =	slt.u32 s9, $0xF7A;
	s5 =	simm.s32 @!p2 $0x0  }
0x1d: {  	s5 =	simm.s32 @p1 $0x1;
	p0 =	seq.s32 s7, s2  }
0x1e: {  	s7 =	smul.u32 @!p0 $0xF7A, s2;
	p2 =	seq.s32 @!p0 s5, $0x0  }
0x1f: {  	s9 =	smul.u32 $0xF7A, s1;
	s8 =	simm.s32 @!p0 $0x1BF5;
	p2 =	por !p2, p0  }
0x20: {  	[sflag:s8] =	ssyncset.s32 @!p0 $0xFFFFF086;
	s6 =	sadd.s32 @!p0 s3, s7;
	s7 =	simm.s32 @!p0 $0x108  }
0x21: {  	s3 =	sadd.s32 s3, s9;
	s6 =	sadd.s32 @!p0 $0x88, s6;
	s7 =	simm.s32 @p2 $0x1082  }
0x22: {  	[simem:s7], [sflag:s8] =	dma.local @!p0 [hbm:s6], $0xF7A  }
0x23: {  	s9 =	sor.u32 $0xD0000000, s2;
	s6 =	simm.s32 $0x108;
	_ =	swait.ge @!p0 [sflag:s8], $0x0  }
0x24: {  	s3 =	sadd.s32 $0x88, s3;
	s6 =	simm.s32 @!p1 $0x1082;
	[sflag:s4] =	ssyncset.s32 $0xFFFFF086  }
0x25: {  	[simem:s6], [sflag:s4] =	dma.local [hbm:s3], $0xF7A  }
0x26: {  	[smem:$0x3F8F] =	sst s1;
	(tag) =	ssettag s2;
	_ =	strace s9  }
0x27: {  	s1 =	sld [smem:$0x3F9F]  }
0x28: {  	s2 =	sld [smem:$0x3FA0]  }
0x29: {  	s4 =	sld [smem:$0x3FA2]  }
0x2a: {  	p0 =	seq.s32 s5, $0x0;
	s5 =	sld [smem:$0x3FA3]  }
0x2b: {  	s6 =	sld [smem:$0x3FA4]  }
0x2c: {  	s7 =	sld [smem:$0x3FA5]  }
0x2d: {  	s3 =	simm.s32 $0x108;
	s8 =	sld [smem:$0x3FA6]  }
0x2e: {  	s3 =	simm.s32 @!p0 $0x1082;
	s9 =	sld [smem:$0x3FA7]  }
0x2f: {  	lr =	sadd.s32 s0, s3;
	s0 =	sld [smem:$0x3F9E]  }
0x30: {  	s3 =	sld [smem:$0x3FA1]  }
0x31: {  	[smem:$0x3FAA] =	sst s10  }
0x32: {  	s10 =	sld [smem:$0x3FA8];
	_ =	sdelay $0x3  }
0x33: {  	p0 =	seq.s32 s10, $0x1;
	s10 =	sld [smem:$0x3FAA];
	_ =	sdelay $0x3  }
0x34: {  	[smem:$0x3FAA] =	sst s10  }
0x35: {  	s10 =	sld [smem:$0x3FA9];
	_ =	sdelay $0x3  }
0x36: {  	p1 =	seq.s32 s10, $0x1;
	s10 =	sld [smem:$0x3FAA];
	_ =	sdelay $0x3  }
0x37: {  	[smem:$0x3FAA] =	sst s10  }
0x38: {  	s10 =	sld [smem:$0x3FAB]  }
0x39: {  	_ = 	snop;
	(pc) =	sbr.ind lr, $3  }
0x3a: {  	_ = 	snop  }
0x3b: {  	_ = 	snop  }
0x3c: {  	p2 =	seq.s32 s10, $0x1;
	s10 =	sld [smem:$0x3FAA]  }
0x3d: {  	_ =	shalt  }
0x3e: {  	_ =	shalt  }
0x3f: {  	_ =	shalt  }
0x40: {  	_ =	shalt  }
0x41: {  	_ =	shalt  }
0x42: {  	_ =	shalt  }
0x43: {  	_ =	shalt  }
0x44: {  	_ =	shalt  }
0x45: {  	_ =	shalt  }
0x46: {  	_ =	shalt  }
0x47: {  	_ =	shalt  }
0x48: {  	_ =	shalt  }
0x49: {  	_ =	shalt  }
0x4a: {  	_ =	shalt  }
0x4b: {  	_ =	shalt  }
0x4c: {  	_ =	shalt  }
0x4d: {  	_ =	shalt  }
0x4e: {  	_ =	shalt  }
0x4f: {  	_ =	shalt  }
0x50: {  	_ =	shalt  }
0x51: {  	_ =	shalt  }
0x52: {  	_ =	shalt  }
0x53: {  	_ =	shalt  }
0x54: {  	_ =	shalt  }
0x55: {  	_ =	shalt  }
0x56: {  	_ =	shalt  }
0x57: {  	_ =	shalt  }
0x58: {  	_ =	shalt  }
0x59: {  	_ =	shalt  }
0x5a: {  	_ =	shalt  }
0x5b: {  	_ =	shalt  }
0x5c: {  	_ =	shalt  }
0x5d: {  	_ =	shalt  }
0x5e: {  	_ =	shalt  }
0x5f: {  	_ =	shalt  }
0x60: {  	_ =	shalt  }
0x61: {  	_ =	shalt  }
0x62: {  	_ =	shalt  }
0x63: {  	_ =	shalt  }
0x64: {  	_ =	shalt  }
0x65: {  	_ =	shalt  }
0x66: {  	_ =	shalt  }
0x67: {  	_ =	shalt  }
0x68: {  	_ =	shalt  }
0x69: {  	_ =	shalt  }
0x6a: {  	_ =	shalt  }
0x6b: {  	_ =	shalt  }
0x6c: {  	_ =	shalt  }
0x6d: {  	_ =	shalt  }
0x6e: {  	_ =	shalt  }
0x6f: {  	_ =	shalt  }
0x70: {  	_ =	shalt  }
0x71: {  	_ =	shalt  }
0x72: {  	_ =	shalt  }
0x73: {  	_ =	shalt  }
0x74: {  	_ =	shalt  }
0x75: {  	_ =	shalt  }
0x76: {  	_ =	shalt  }
0x77: {  	_ =	shalt  }
0x78: {  	_ =	shalt  }
0x79: {  	_ =	shalt  }
0x7a: {  	_ =	shalt  }
0x7b: {  	_ =	shalt  }
0x7c: {  	_ =	shalt  }
0x7d: {  	_ =	shalt  }
0x7e: {  	_ =	shalt  }
0x7f: {  	_ =	shalt  }
0x80: {  	_ =	shalt  }
0x81: {  	_ =	shalt  }
0x82: {  	_ =	shalt  }
0x83: {  	_ =	shalt  }
0x84: {  	_ =	shalt  }
0x85: {  	_ =	shalt  }
0x86: {  	_ =	shalt  }
0x87: {  	_ =	shalt  }
.Lfunc_end0:
.L_simem_size_0:
called_computation.5_lowered:
.L_overlay_start_0:
0x88: {  	s2 =	sld [smem:$0x3FD9]  }
0x89: {  	s3 =	sld [smem:$0x3FFE];
	_ =	sdelay $0x1  }
0x8a: {  	s1 =	srdreg.scid  }
0x8b: {  	s0 =	sand.u32 $0x1, s1  }
0x8c: {  	s16 =	sshll.u32 s0, $0xA;
	s2 =	sadd.s32 s3, s2  }
0x8d: {  	s2 =	sadd.s32 s2, s16  }
0x8e: {  	[smem:$0x3FB6] =	sst s2  }
0x8f: {  	_ = 	snop  }
0x90: {  	(tm) =	ssettm $0x1  }
0x91: {  	s17 =	sld [smem:$0x3FFB];
	_ =	sdelay $0x3  }
0x92: {  	_ =	strace s17  }
0x93: {  	s2 =	sld [smem:$0x3FFC];
	_ =	sdelay $0x3  }
0x94: {  	_ =	strace s2  }
0x95: {  	s2 =	sld [smem:$0x3FFD];
	_ =	sdelay $0x3  }
0x96: {  	_ =	strace s2  }
0x97: {  	_ =	strace $0x8FFFFFFF  }
0x98: {  	s18 =	sld [smem:$0x3FDB];
	_ =	sdelay $0x1  }
0x99: {  	s19 =	simm.s32 $_scs_section_size  }
0x9a: {  	s4 =	simm.s32 $_size__tile_overlayer_lowered;
	s5 =	simm.s32 $_tile_overlayer_lowered  }
0x9b: {  	s22 =	simm.s32 $0x1BFF;
	s21 =	sshll.u32 s5, $0x1;
	s2 =	sadd.s32 s19, s18  }
0x9c: {  	s6 =	simm.s32 $0x0;
	s20 =	sshll.u32 s4, $0x1;
	s4 =	sadd.s32 s21, s2  }
0x9d: {  	[timem:s6], [sflag:s22] =	dma.local [hbm:s4], s20  }
0x9e: {  	_ =	swait.ge [sflag:s22], s20  }
0x9f: {  	s3 =	ssub.s32 $0x0, s20;
	[sflag:s22] =	ssyncset.done $0x0  }
0xa0: {  	[sflag:s22] =	ssyncadd.s32 s3;
	_ =	sdelay $0x1  }
0xa1: {  	s23 =	simm.s32 $0x1B8B  }
0xa2: {  	_ =	swait.ge [sflag:s23], $0x1  }
0xa3: {  	[sflag:s23] =	ssyncset.done $0x0  }
0xa4: {  	s25 =	simm.s32 $0x1B8E;
	s24 =	sld [smem:$0x3FFE];
	[sflag:s23] =	ssyncadd.s32 $0xFFFFFFFF  }
0xa5: {  	s26 =	simm.s32 $execute0_lowered;
	[smem:$0x3FD2] =	sst s25  }
0xa6: {  	s4 =	sshll.u32 s26, $0x1;
	_ =	strace $0x80000055;
	[dreg:$0x1] =	wrdreg $0xFFFFFFFF  }
0xa7: {  	s28 =	simm.s32 $_size_execute0_lowered;
	s2 =	sadd.s32 s2, s4;
	[dreg:$0x0] =	wrdreg $0x0  }
0xa8: {  	s4 =	sshll.u32 s28, $0x1;
	[dreg:$0x2] =	wrdreg s2  }
0xa9: {  	[dreg:$0x3] =	wrdreg s4  }
0xaa: {  	[dreg:$0x4] =	wrdreg $0xC0  }
0xab: {  	_ =	task [dreg:s6], $0x5FFFF  }
0xac: {  	[dreg:$0x1] =	wrdreg $0xFFFFFFFF  }
0xad: {  	[dreg:$0x0] =	wrdreg $0x60  }
0xae: {  	[dreg:$0x2] =	wrdreg s24  }
0xaf: {  	[dreg:$0x3] =	wrdreg $0x9  }
0xb0: {  	_ =	task.clear_ibuf [dreg:s6], $0x4FFFF;
	_ =	strace $0x90000055  }
0xb1: {  	s29 =	simm.s32 $0x9;
	_ =	strace $0x80000057  }
0xb2: {  	_ =	swait.ge [sflag:s29], $0x1  }
0xb3: {  	[sflag:s29] =	ssyncadd.s32 $0xFFFFFFFF  }
0xb4: {  	_ =	strace $0x90000057  }
0xb5: {  	_ =	sfence  }
0xb6: {  	s30 =	sld [smem:$0x0];
	_ =	sdelay $0x2  }
0xb7: {  	s31 =	sshll.u32 s1, $0xD;
	s1 =	sshrl.u32 s1, $0x2  }
0xb8: {  	s3 =	sand.u32 $0x4000, s31;
	s1 =	sadd.s32 s1, s30  }
0xb9: {  	s0 =	sor.u32 s3, s0;
	s1 =	sshll.u32 s1, $0x11  }
0xba: {  	s0 =	sor.u32 s1, s0  }
0xbb: {  	s0 =	sadd.s32 $0x8F2B, s0  }
0xbc: {  	[sflag:s0] =	ssyncadd.remote.s32 $0x1  }
0xbd: {  	_ =	sfence.sel $0xFFFF  }
0xbe: {  	[dreg:$0x0] =	wrdreg $0xFFFFFFFF;
	(pc) =	sbr.abs _section_cstart, $3  }
0xbf: {  	[dreg:$0x1] =	wrdreg $0xFFFFFFFF  }
0xc0: {  	_ =	task.clear_ibuf [dreg:s6], $0x2FFFF;
	_ =	strace $0x9FFFFFFF  }
0xc1: {  	(tm) =	ssettm $0x7FFFFFFF  }
tec
execute0_lowered:
.L_overlay_start_1:
0x0: {  	(tag) =	ssettag $0x1  }
0x1: {  	s1 =	srdreg.scid  }
0x2: {  	s0 =	stileid.u32;
	s4 =	rddreg [dreg:$0x0]  }
0x3: {  	s2 =	simm.s32 $0x0;
	s10 =	simm.s32 $0x3;
	s11 =	simm.s32 $0x8000  }
0x4: {  	s12 =	simm.s32 $0x10000;
	s13 =	simm.s32 $0x80;
	s14 =	simm.s32 $0x400  }
0x5: {  	s15 =	simm.s32 $0x10400;
	s16 =	simm.s32 $0x1;
	s17 =	simm.s32 $0x2  }
0x6: {  	s18 =	simm.s32 $0x0;
	s3 =	sand.u32 $0x1, s1;
	s1 =	rddreg [dreg:$0x1]  }
0x7: {  	s5 =	sshll.u32 s0, $0x9;
	[smem:$0x7FF] =	sst s2;
	s6 =	sshll.u32 s3, $0x8  }
0x8: {  	s7 =	ssub.s32 $0x2, s3;
	_ =	strace $0x80000056;
	s5 =	sor.u32 s6, s5  }
0x9: {  	s3 =	sadd.s32 $0x12A200, s4;
	s8 =	sshrl.u32 s7, $0x1;
	s6 =	sshll.u32 s5, $0x4  }
0xa: {  	s8 =	ssub.s32 s7, s8;
	s9 =	sshll.u32 s5, $0x7;
	s6 =	sadd.s32 s6, s4  }
0xb: {  	s4 =	sadd.s32 $0x2A200, s6;
	s5 =	sadd.s32 $0xA200, s6;
	s6 =	sadd.s32 s3, s9  }
0xc: {  	v0 =	vimm.f32 $0.0e+00;
	s8 =	smax.u32 s8, $0x1;
	s9 =	sor.u32 $0x100, s9;
	s7 =	sadd.s32 $0x10, s6  }
.LBB2_1:
0xd: {  	[tilespmem:s2], [sflag:$0x3] =	stream.linear.gather [hbm4b:s4+s2], $0x8000, $0x38;
	[tilespmem:$0x10800] =	vst v63  }
0xe: {  	_ =	swait.ge [sflag:s10], $0x8000  }
0xf: {  	[sflag:s10] =	ssyncset.done $0x0  }
0x10: {  	[sflag:s10] =	ssyncadd.s32 $0xFFFF8000  }
0x11: {  	[tilespmem:s11], [sflag:$0x3] =	stream.linear.gather [hbm4b:s5+s2], $0x8000, $0x38;
	[tilespmem:$0x10800] =	vst v63  }
0x12: {  	_ =	swait.ge [sflag:s10], $0x8000  }
0x13: {  	[sflag:s10] =	ssyncset.done $0x0  }
0x14: {  	s19 =	simm.s32 $0x40;
	s20 =	simm.s32 $0x0;
	[sflag:s10] =	ssyncadd.s32 $0xFFFF8000  }
.LBB2_2:
0x15: {  	p0 =	sne.s32 s19, $0xFC0;
	[tilespmem:s20+$0x10000] =	vst v0;
	s21 =	smov.u32 s19;
	s19 =	sadd.s32 $0x40, s19  }
.Ltmp0:
0x16: {  	[tilespmem:s20+$0x10400] =	vst v0;
	(pc) =	sbr.rel @p0 .LBB2_2-.Ltmp0, $2  }
0x17: {  	_ =	sdelay $0x2  }
0x18: {  	s20 =	sshra.s32 s21, $0x2  }
0x19: {  	[tilespmem:s20+$0x10000] =	vst v0  }
0x1a: {  	[tilespmem:s20+$0x10400] =	vst v0  }
0x1b: {  	v1 =	vld [tilespmem:$0x8000];
	_ =	sdelay $0x2  }
0x1c: {  	v2 =	vld [tilespmem:$0x0];
	_ =	sdelay $0x4  }
0x1d: {  	[tilespmem:v1+s12+$0x0] =	vst.idx.msk $0xffff, v2  }
0x1e: {  	[hbm4b:s6+s13] =	stream.strided.scatter [tilespmem:s12], [sflag:$0x1], $0x400, s14, s13, $0x38;
	[tilespmem:$0x10800] =	vst v63  }
0x1f: {  	v1 =	vld [tilespmem:$0x8080];
	_ =	sdelay $0x2  }
0x20: {  	v2 =	vld [tilespmem:$0x80];
	_ =	sdelay $0x3  }
0x21: {  	s19 =	simm.s32 $0x30  }
0x22: {  	s20 =	simm.s32 $0x180;
	s21 =	simm.s32 $0x8100;
	s22 =	smov.u32 s9;
	[tilespmem:v1+s15+$0x0] =	vst.idx.msk $0xffff, v2  }
0x23: {  	[hbm4b:s7+s13] =	stream.strided.scatter [tilespmem:s15], [sflag:$0x2], $0x400, s14, s13, $0x38;
	[tilespmem:$0x10800] =	vst v63  }
.LBB2_4:
0x24: {  	_ =	swait.ge [sflag:s16], $0x400  }
0x25: {  	[sflag:s16] =	ssyncset.done $0x0  }
0x26: {  	[sflag:s16] =	ssyncadd.s32 $0xFFFFFC00  }
0x27: {  	v1 =	vld [tilespmem:s21+$0xFFFFFF00];
	_ =	sdelay $0x7  }
0x28: {  	[tilespmem:v1+s12+$0x0] =	vst.idx.msk $0xffff, v0  }
0x29: {  	v1 =	vld [tilespmem:s21+$0x0];
	_ =	sdelay $0x2  }
0x2a: {  	v2 =	vld [tilespmem:s20+$0xFFFFFF80];
	_ =	sdelay $0x1  }
0x2b: {  	s23 =	sadd.s32 $0xFFFFFFF0, s19  }
0x2c: {  	s23 =	sand.u32 $0x60, s23  }
0x2d: {  	s24 =	sand.u32 $0xFFC00, s22;
	s23 =	sadd.s32 s3, s23  }
0x2e: {  	s23 =	sadd.s32 s24, s23;
	[tilespmem:v1+s12+$0x0] =	vst.idx.msk $0xffff, v2  }
0x2f: {  	[hbm4b:s23+s13] =	stream.strided.scatter [tilespmem:s12], [sflag:$0x1], $0x400, s14, s13, $0x38;
	[tilespmem:$0x10800] =	vst v63  }
0x30: {  	_ =	swait.ge [sflag:s17], $0x400  }
0x31: {  	[sflag:s17] =	ssyncset.done $0x0  }
0x32: {  	[sflag:s17] =	ssyncadd.s32 $0xFFFFFC00  }
0x33: {  	v1 =	vld [tilespmem:s21+$0xFFFFFF80];
	_ =	sdelay $0x7  }
0x34: {  	[tilespmem:v1+s15+$0x0] =	vst.idx.msk $0xffff, v0  }
0x35: {  	v1 =	vld [tilespmem:s21+$0x80];
	_ =	sdelay $0x2  }
0x36: {  	v2 =	vld [tilespmem:s20+$0x0]  }
0x37: {  	p0 =	sne.s32 s19, $0xFF0  }
.Ltmp1:
0x38: {  	_ = 	snop;
	(pc) =	sbr.rel @p0 .LBB2_4-.Ltmp1, $4  }
0x39: {  	s31 =	sand.u32 $0x70, s19  }
0x3a: {  	s22 =	sadd.s32 $0x100, s22;
	s19 =	sadd.s32 $0x20, s19;
	s23 =	sadd.s32 s3, s31  }
0x3b: {  	s23 =	sadd.s32 s24, s23;
	s20 =	sadd.s32 $0x100, s20;
	s21 =	sadd.s32 $0x100, s21;
	[tilespmem:v1+s15+$0x0] =	vst.idx.msk $0xffff, v2  }
0x3c: {  	[hbm4b:s23+s13] =	stream.strided.scatter [tilespmem:s15], [sflag:$0x2], $0x400, s14, s13, $0x38;
	[tilespmem:$0x10800] =	vst v63  }
0x3d: {  	s18 =	sadd.s32 $0x1, s18  }
0x3e: {  	_ =	swait.ge [sflag:s16], $0x400;
	p0 =	sne.s32 s18, s8  }
.Ltmp2:
0x3f: {  	[sflag:s16] =	ssyncset.done $0x0;
	(pc) =	sbr.rel @p0 .LBB2_1-.Ltmp2, $4  }
0x40: {  	[sflag:s16] =	ssyncadd.s32 $0xFFFFFC00  }
0x41: {  	_ =	swait.ge [sflag:s17], $0x400  }
0x42: {  	[sflag:s17] =	ssyncset.done $0x0  }
0x43: {  	[sflag:s17] =	ssyncadd.s32 $0xFFFFFC00  }
0x44: {  	_ =	sfence.sel $0x180000  }
0x45: {  	[bflag:$0x0] =	sbarrier.arrive $0xFFFF  }
0x46: {  	p0 =	sne.s32 s0, $0x0;
	_ =	strace $0x90000056  }
0x47: {  	s0 =	sadd.s32 @!p0 $0x100000, s1;
	[bflag:$0x2] =	sbarrier.arrive $0xFFFF  }
0x48: {  	[sflag:s0] =	ssyncadd.tile.s32 @!p0 $0x1;
	_ =	shalt  }
.Lfunc_end2:
_tile_overlayer_lowered:
.L_overlay_start_2:
0x49: {  	(tag) =	ssettag $0x2  }
0x4a: {  	s0 =	rddreg [dreg:$0x0];
	s2 =	stileid.u32  }
0x4b: {  	s1 =	rddreg [dreg:$0x1];
	p0 =	sne.s32 s2, $0x0  }
0x4c: {  	s3 =	rddreg [dreg:$0x2];
	[bflag:$0x3] =	sbarrier.arrive $0xFFFF;
	s2 =	simm.s32 @!p0 $0x1C03  }
0x4d: {  	[timem:s3], [sflag:s2] =	dma.local @!p0 [hbm:s0], s1  }
0x4e: {  	s0 =	simm.s32 @!p0 $0x3  }
0x4f: {  	_ =	swait.ge @!p0 [sflag:s0], s1  }
0x50: {  	s1 =	ssub.s32 @!p0 $0x0, s1;
	[sflag:s0] =	ssyncset.done @!p0 $0x0  }
0x51: {  	[sflag:s0] =	ssyncadd.s32 @!p0 s1  }
0x52: {  	[bflag:$0x3] =	sbarrier.arrive $0xFFFF  }
0x53: {  	_ =	shalt  }

</sc_bundles>
